<compile_context>
chip_gen: v7x
topology: tpu7x:2x2x1
jax: 0.10.2.dev20260603
libtpu: 0.0.44.dev20260713+nightly
codegen_flags: <defaults>
</compile_context>

<pallas_src>
import functools

import jax
import jax.numpy as jnp
from jax import lax
from jax.experimental import pallas as pl
from jax.experimental.pallas import tpu as pltpu
from jax.experimental.pallas import tpu_sc as plsc

B = 16
N = 50000
K = 2000
F = 64
L = 16
NV = N // L
KL = K // L
CAND = K + 48
GCH = 200
NCH = K // GCH
NBIN = 256


def _s0(v):
    return lax.squeeze(lax.slice(v, (0,), (1,)), (0,))



def _keys_tc(x):
    nb = 400
    nj = N // nb

    def body(x_ref, d_ref):
        k = x_ref[:, 0, :, F - 1]
        u = lax.bitcast_convert_type(k, jnp.uint32)
        u = jnp.where(u == jnp.uint32(0x80000000), jnp.uint32(0), u)
        neg = u >= jnp.uint32(0x80000000)
        d = jnp.where(neg, u, u ^ jnp.uint32(0x7FFFFFFF))
        d_ref[0, :, :] = lax.bitcast_convert_type(d, jnp.int32)

    dd_t = pl.pallas_call(
        body,
        grid=(nj,),
        in_specs=[pl.BlockSpec((B, 1, nb, F), lambda j: (0, j, 0, 0))],
        out_specs=pl.BlockSpec((1, B, nb), lambda j: (j, 0, 0)),
        out_shape=jax.ShapeDtypeStruct((nj, B, nb), jnp.int32),
    )(x.reshape(B, nj, nb, F))
    return dd_t.transpose(1, 0, 2).reshape(B, N)



def _zero_hist(hist_ref):
    zeros = jnp.zeros((L,), jnp.int32)

    def zbody(i, _):
        hist_ref[pl.ds(i * L, L)] = zeros
        return 0

    lax.fori_loop(0, NBIN, zbody, 0)


def _threshold_scan(hist_ref, target, iota):

    def body(q, carry):
        acc, t_bin, cb, found = carry
        base = (q * L + iota) * L
        acc16 = jnp.zeros((L,), jnp.int32)
        for l in range(L):
            acc16 = acc16 + plsc.load_gather(hist_ref, [base + l])
        inc = plsc.cumsum(acc16)
        excl = inc - acc16
        crossv = (acc + inc) >= target
        nset = _s0(plsc.all_reduce_population_count(crossv))
        lane = _s0(plsc.all_reduce_ffs(crossv))
        hit = jnp.logical_and(found == 0, nset > 0)
        t_q = q * L + lane
        cb_q = acc + jnp.sum(jnp.where(iota == lane, excl, 0))
        t_bin = jnp.where(hit, t_q, t_bin)
        cb = jnp.where(hit, cb_q, cb)
        acc = acc + jnp.sum(acc16)
        found = jnp.where(nset > 0, 1, found)
        return acc, t_bin, cb, found

    _, t_bin, cb, _ = lax.fori_loop(
        0, NBIN // L, body, (jnp.int32(0), jnp.int32(0), jnp.int32(0),
                             jnp.int32(0)))
    return t_bin, cb


def _sc_body(dd_hbm, xr_hbm, out_hbm, dd_ref, hist_ref, off_ref,
             cand_d, cand_i, aux_d, aux_i, gi_ref, pgi_ref, pairs_ref,
             rows_ref, sem):
    c = lax.axis_index("c")
    s = lax.axis_index("s")
    active = s < 8
    b = c * 8 + s
    iota = lax.iota(jnp.int32, L)
    ones = jnp.ones((L,), jnp.int32)

    @pl.when(active)
    def _():
        pltpu.sync_copy(dd_hbm.at[pl.ds(b * N, N)], dd_ref)

        def level(lvl, prefix, target):
            shift = 24 - 8 * lvl
            _zero_hist(hist_ref)
            prefix_u = lax.convert_element_type(prefix, jnp.uint32)

            def hbody(v, _):
                dv = plsc.bitcast(dd_ref[pl.ds(v * L, L)], jnp.uint32)
                g = lax.shift_right_logical(dv, jnp.uint32(shift))
                g = g & jnp.uint32(0xFF)
                gidx = plsc.bitcast(g, jnp.int32) * L + iota
                if lvl == 0:
                    plsc.addupdate_scatter(hist_ref, [gidx], ones)
                else:
                    m = lax.shift_right_logical(
                        dv, jnp.uint32(shift + 8)) == prefix_u
                    plsc.addupdate_scatter(hist_ref, [gidx], ones, mask=m)
                return 0

            lax.fori_loop(0, NV, hbody, 0)
            t_bin, cb = _threshold_scan(hist_ref, target, iota)
            return t_bin, cb

        tgt1 = jnp.int32(K)
        t1, c1 = level(0, jnp.int32(0), tgt1)
        tgt2 = tgt1 - c1
        t2, c2 = level(1, t1, tgt2)
        tgt3 = tgt2 - c2
        p3 = t1 * 256 + t2
        t3, c3 = level(2, p3, tgt3)
        tgt4 = tgt3 - c3
        p4 = p3 * 256 + t3
        t4, c4 = level(3, p4, tgt4)
        s_cnt = c1 + c2 + c3 + c4
        dstar = lax.convert_element_type(p4, jnp.uint32) * jnp.uint32(256)
        dstar = dstar | lax.convert_element_type(t4, jnp.uint32)

        def cbody(v, carry):
            ps, pt = carry
            dvi = dd_ref[pl.ds(v * L, L)]
            dv = plsc.bitcast(dvi, jnp.uint32)
            iv = iota + v * L
            sel = dv < dstar
            plsc.store_compressed(cand_d.at[pl.ds(ps, L)], dvi, mask=sel)
            plsc.store_compressed(cand_i.at[pl.ds(ps, L)], iv, mask=sel)
            ps = ps + _s0(plsc.all_reduce_population_count(sel))
            tie = dv == dstar
            rank = pt + plsc.cumsum(ones, mask=tie) - 1
            tie = jnp.logical_and(tie, rank < K)
            plsc.store_compressed(cand_d.at[pl.ds(pt, L)], dvi, mask=tie)
            plsc.store_compressed(cand_i.at[pl.ds(pt, L)], iv, mask=tie)
            pt = pt + _s0(plsc.all_reduce_population_count(tie))
            return ps, pt

        lax.fori_loop(0, NV, cbody, (jnp.int32(0), s_cnt))

        lbase = iota * KL
        bufs = [(cand_d, cand_i), (aux_d, aux_i)]
        for p in range(4):
            src_d, src_i = bufs[p % 2]
            dst_d, dst_i = bufs[(p + 1) % 2]
            shift = jnp.uint32(8 * p)
            _zero_hist(hist_ref)

            def hbody(v, _, src_d=src_d, shift=shift):
                dv = plsc.bitcast(plsc.load_gather(src_d, [lbase + v]),
                                  jnp.uint32)
                g = lax.shift_right_logical(dv, shift) & jnp.uint32(0xFF)
                gl = plsc.bitcast(g, jnp.int32) * L + iota
                plsc.addupdate_scatter(hist_ref, [gl], ones)
                return 0

            lax.fori_loop(0, KL, hbody, 0)

            def obody(q, carry):
                h16 = hist_ref[pl.ds(q * L, L)]
                inc = plsc.cumsum(h16)
                off_ref[pl.ds(q * L, L)] = carry + inc - h16
                return carry + jnp.sum(h16)

            lax.fori_loop(0, NBIN, obody, jnp.int32(0))

            def pbody(v, _, src_d=src_d, src_i=src_i, dst_d=dst_d,
                      dst_i=dst_i, shift=shift):
                idxs = lbase + v
                dvi = plsc.load_gather(src_d, [idxs])
                ivi = plsc.load_gather(src_i, [idxs])
                g = lax.shift_right_logical(
                    plsc.bitcast(dvi, jnp.uint32), shift) & jnp.uint32(0xFF)
                gl = plsc.bitcast(g, jnp.int32) * L + iota
                cur = plsc.load_gather(off_ref, [gl])
                plsc.store_scatter(dst_d, [cur], dvi)
                plsc.store_scatter(dst_i, [cur], ivi)
                plsc.store_scatter(off_ref, [gl], cur + ones)
                return 0

            lax.fori_loop(0, KL, pbody, 0)

        base_row = b * N

        def gbody(v, _):
            gv = cand_i[pl.ds(v * L, L)] + base_row
            gi_ref[pl.ds(v * L, L)] = gv
            pgi_ref[pl.ds(v * L, L)] = lax.shift_right_logical(gv, 1)
            return 0

        lax.fori_loop(0, KL, gbody, 0)

        for ch in range(NCH):
            cp = pltpu.async_copy(
                xr_hbm.at[pgi_ref.at[pl.ds(ch * GCH, GCH)]], pairs_ref, sem)
            cp.wait()

            def hbody(t, _):
                f = t * L + iota
                j = lax.shift_right_logical(f, 6)
                u = f & (F - 1)
                par = plsc.load_gather(gi_ref, [ch * GCH + j]) & 1
                vec = plsc.load_gather(pairs_ref, [j, par * F + u])
                rows_ref[pl.ds(t * L, L)] = vec
                return 0

            lax.fori_loop(0, GCH * F // L, hbody, 0)
            pltpu.sync_copy(
                rows_ref,
                out_hbm.at[pl.ds((b * K + ch * GCH) * F, GCH * F)])


@functools.partial(jax.jit, static_argnums=())
def _sc_stage(dd, xr):
    mesh = plsc.VectorSubcoreMesh(core_axis_name="c", subcore_axis_name="s")
    kern = pl.kernel(
        _sc_body,
        out_type=jax.ShapeDtypeStruct((B * K * F,), jnp.float32),
        mesh=mesh,
        scratch_types=[
            pltpu.VMEM((N,), jnp.int32),
            pltpu.VMEM((NBIN * L,), jnp.int32),
            pltpu.VMEM((NBIN * L,), jnp.int32),
            pltpu.VMEM((CAND,), jnp.int32),
            pltpu.VMEM((CAND,), jnp.int32),
            pltpu.VMEM((CAND,), jnp.int32),
            pltpu.VMEM((CAND,), jnp.int32),
            pltpu.VMEM((K,), jnp.int32),
            pltpu.VMEM((K,), jnp.int32),
            pltpu.VMEM((GCH, 2 * F), jnp.float32),
            pltpu.VMEM((GCH * F,), jnp.float32),
            pltpu.SemaphoreType.DMA,
        ],
        compiler_params=pltpu.CompilerParams(needs_layout_passes=False),
    )
    return kern(dd, xr)


def kernel(x):
    dd = _keys_tc(x).reshape(B * N)
    xr = x.reshape(B * N // 2, 2 * F)
    out = _sc_stage(dd, xr)
    return out.reshape(B, K, F)

# --- scband reference (transcript-rebuilt; emitter-appended) ---
"""Pipeline reference for scband-sort-pooling-65326452572944 (READ-ONLY COPY).

The authoritative reference and input builder live on the scoring server;
editing this copy changes nothing except your own understanding.
"""

import jax, jax.numpy as jnp
import numpy as np

K = 2000

def setup_inputs(seed: int = 0) -> dict:
    key = jax.random.key(seed)
    x = jax.random.normal(key, (16, 50000, 64), dtype=jnp.float32)
    return {"x": x}

def reference(x):
    # Sort rows of each graph by the last feature channel, descending
    order = jnp.argsort(-x[..., -1], axis=1)  # [B, N]
    out = jnp.take_along_axis(x, order[..., None], axis=1)  # [B, N, F]
    n = out.shape[1]
    if n < K:
        out = jnp.pad(out, ((0, 0), (0, K - n), (0, 0)))
    elif n > K:
        out = out[:, :K, :]
    return out

if __name__ == "__main__":
    import jax
    _d = setup_inputs()
    print(jax.jit(kernel)(*tuple(_d.values())))

</pallas_src>

<mosaic_0001>
#map = affine_map<(d0, d1) -> (0)>
#map1 = affine_map<(d0, d1) -> (0, 0)>
module attributes {stable_mosaic.version = 14 : i64} {
  func.func @_sc_body(%arg0: i32, %arg1: i32, %arg2: memref<800000xi32, #tpu.memory_space<hbm>>, %arg3: memref<400000x128xf32, #tpu.memory_space<hbm>>, %arg4: memref<2048000xf32, #tpu.memory_space<hbm>>, %arg5: memref<50000xi32, #tpu.memory_space<vmem>>, %arg6: memref<4096xi32, #tpu.memory_space<vmem>>, %arg7: memref<4096xi32, #tpu.memory_space<vmem>>, %arg8: memref<2048xi32, #tpu.memory_space<vmem>>, %arg9: memref<2048xi32, #tpu.memory_space<vmem>>, %arg10: memref<2048xi32, #tpu.memory_space<vmem>>, %arg11: memref<2048xi32, #tpu.memory_space<vmem>>, %arg12: memref<2000xi32, #tpu.memory_space<vmem>>, %arg13: memref<2000xi32, #tpu.memory_space<vmem>>, %arg14: memref<200x128xf32, #tpu.memory_space<vmem>>, %arg15: memref<12800xf32, #tpu.memory_space<vmem>>, %arg16: memref<!tpu.dma_semaphore, #tpu.memory_space<semaphore_mem>>) attributes {dimension_semantics = [#tpu.dimension_semantics<core_parallel>, #tpu.dimension_semantics<subcore_parallel>], iteration_bounds = array<i64: 2, 16>, scalar_prefetch = 0 : i64, scratch_operands = 12 : i64, tpu.core_type = #tpu.core_type<sc_vector_subcore>, window_params = [{transform_indices = #map}, {transform_indices = #map1}, {transform_indices = #map}]} {
    %lt3A = arith.constant 8 : i32
    %lt3A_0 = arith.cmpi slt, %arg1, %lt3A : i32
    %mul3A = arith.constant 8 : i32
    %mul3A_1 = arith.muli %arg0, %mul3A : i32
    %add3A = arith.addi %mul3A_1, %arg1 : i32
    %iota3A = tpu.iota {dimensions = array<i32: 0>} : vector<16xi32>
    %broadcast_in_dim3A = arith.constant 1 : i32
    %broadcast_in_dim3A_2 = vector.broadcast %broadcast_in_dim3A : i32 to vector<16xi32>
    %convert_element_type3A = arith.extui %lt3A_0 : i1 to i32
    %cond3A = arith.constant 0 : i32
    %cond3A_3 = arith.cmpi ne, %convert_element_type3A, %cond3A : i32
    scf.if %cond3A_3 {
      %mul3A_4 = arith.constant 50000 : i32
      %mul3A_5 = arith.muli %add3A, %mul3A_4 : i32
      "tpu.region"() ({
        %run_scoped3A = tpu.sem_alloc : memref<!tpu.dma_semaphore, #tpu.memory_space<semaphore_mem>>
        %dma_start3A_499 = tpu.memref_slice %arg2[%mul3A_5] : memref<800000xi32, #tpu.memory_space<hbm>> -> memref<50000xi32, #tpu.memory_space<hbm>>
        %dma_start3A_500 = tpu.memref_slice %arg2[%mul3A_5] : memref<800000xi32, #tpu.memory_space<hbm>> -> memref<50000xi32, #tpu.memory_space<hbm>>
        tpu.enqueue_dma source(%dma_start3A_500 : memref<50000xi32, #tpu.memory_space<hbm>>) target(%arg5 : memref<50000xi32, #tpu.memory_space<vmem>>) target_semaphore(%run_scoped3A : memref<!tpu.dma_semaphore, #tpu.memory_space<semaphore_mem>>)
        %dma_wait3A_501 = tpu.memref_slice %arg2[%mul3A_5] : memref<800000xi32, #tpu.memory_space<hbm>> -> memref<50000xi32, #tpu.memory_space<hbm>>
        %dma_wait3A_502 = tpu.memref_slice %arg2[%mul3A_5] : memref<800000xi32, #tpu.memory_space<hbm>> -> memref<50000xi32, #tpu.memory_space<hbm>>
        tpu.wait_dma2 semaphore(%run_scoped3A : memref<!tpu.dma_semaphore, #tpu.memory_space<semaphore_mem>>) src(%dma_wait3A_502 : memref<50000xi32, #tpu.memory_space<hbm>>) dst(%arg5 : memref<50000xi32, #tpu.memory_space<vmem>>)
        tpu.yield
      }) : () -> ()
      %broadcast_in_dim3A_6 = arith.constant 0 : i32
      %broadcast_in_dim3A_7 = vector.broadcast %broadcast_in_dim3A_6 : i32 to vector<16xi32>
      %scan3A = arith.constant 0 : i32
      %scan3A_8 = arith.constant 0 : i32
      %scan3A_9 = arith.constant 256 : i32
      %scan3A_10 = arith.addi %scan3A_8, %scan3A_9 : i32
      %scan3A_11 = arith.constant 1 : i32
      %scan3A_12 = scf.for %scan3A_499 = %scan3A_8 to %scan3A_10 step %scan3A_11 iter_args(%scan3A_500 = %scan3A) -> (i32)  : i32 {
        %mul3A_501 = arith.constant 16 : i32
        %mul3A_502 = arith.muli %scan3A_499, %mul3A_501 : i32
        %swap3A = arith.index_cast %mul3A_502 : i32 to index
        %swap3A_503 = tpu.vector_load %arg6[%swap3A] {strides = array<i32>} : memref<4096xi32, #tpu.memory_space<vmem>>, vector<16xi32>,
        tpu.vector_store %arg6[%swap3A], %broadcast_in_dim3A_7 {strides = array<i32>} : memref<4096xi32, #tpu.memory_space<vmem>>, vector<16xi32>,
        %scan3A_504 = arith.constant 0 : i32
        scf.yield %scan3A_504 : i32
      }
      %scan3A_13 = arith.constant 256 : i32
      %scan3A_14 = arith.constant 0 : i32
      %scan3A_15 = arith.constant 0 : i32
      %scan3A_16 = arith.constant 3125 : i32
      %scan3A_17 = arith.addi %scan3A_15, %scan3A_16 : i32
      %scan3A_18 = arith.constant 1 : i32
      %scan3A_19 = scf.for %scan3A_499 = %scan3A_15 to %scan3A_17 step %scan3A_18 iter_args(%scan3A_500 = %scan3A_14) -> (i32)  : i32 {
        %mul3A_501 = arith.constant 16 : i32
        %mul3A_502 = arith.muli %scan3A_499, %mul3A_501 : i32
        %get3A = arith.index_cast %mul3A_502 : i32 to index
        %get3A_503 = tpu.vector_load %arg5[%get3A] {strides = array<i32>} : memref<50000xi32, #tpu.memory_space<vmem>>, vector<16xi32>,
        %bitcast3A = vector.bitcast %get3A_503 : vector<16xi32> to vector<16xi32>
        %shift_right_logical3A = arith.constant 24 : i32
        %shift_right_logical3A_504 = vector.broadcast %shift_right_logical3A : i32 to vector<16xi32>
        %shift_right_logical3A_505 = arith.shrui %bitcast3A, %shift_right_logical3A_504 : vector<16xi32>
        %and3A = arith.constant 255 : i32
        %and3A_506 = vector.broadcast %and3A : i32 to vector<16xi32>
        %and3A_507 = arith.andi %shift_right_logical3A_505, %and3A_506 : vector<16xi32>
        %bitcast3A_508 = vector.bitcast %and3A_507 : vector<16xi32> to vector<16xi32>
        %mul3A_509 = arith.constant 16 : i32
        %mul3A_510 = vector.broadcast %mul3A_509 : i32 to vector<16xi32>
        %mul3A_511 = arith.muli %bitcast3A_508, %mul3A_510 : vector<16xi32>
        %add3A_512 = arith.addi %mul3A_511, %iota3A : vector<16xi32>
        tpu.vector_store_idx %arg6[%add3A_512], %broadcast_in_dim3A_2 {add = true} : memref<4096xi32, #tpu.memory_space<vmem>>[vector<16xi32>], vector<16xi32>,
        %scan3A_513 = arith.constant 0 : i32
        scf.yield %scan3A_513 : i32
      }
      %scan3A_20 = arith.constant 3125 : i32
      %scan3A_21 = arith.constant 2000 : i32
      %scan3A_22 = arith.constant 0 : i32
      %scan3A_23 = arith.constant 0 : i32
      %scan3A_24 = arith.constant 0 : i32
      %scan3A_25 = arith.constant 0 : i32
      %scan3A_26 = arith.constant 0 : i32
      %scan3A_27 = arith.constant 16 : i32
      %scan3A_28 = arith.addi %scan3A_26, %scan3A_27 : i32
      %scan3A_29 = arith.constant 1 : i32
      %scan3A_30:4 = scf.for %scan3A_499 = %scan3A_26 to %scan3A_28 step %scan3A_29 iter_args(%scan3A_500 = %scan3A_22, %scan3A_501 = %scan3A_23, %scan3A_502 = %scan3A_24, %scan3A_503 = %scan3A_25) -> (i32, i32, i32, i32)  : i32 {
        %mul3A_504 = arith.constant 16 : i32
        %mul3A_505 = arith.muli %scan3A_499, %mul3A_504 : i32
        %add3A_506 = vector.broadcast %mul3A_505 : i32 to vector<16xi32>
        %add3A_507 = arith.addi %add3A_506, %iota3A : vector<16xi32>
        %mul3A_508 = arith.constant 16 : i32
        %mul3A_509 = vector.broadcast %mul3A_508 : i32 to vector<16xi32>
        %mul3A_510 = arith.muli %add3A_507, %mul3A_509 : vector<16xi32>
        %broadcast_in_dim3A_511 = arith.constant 0 : i32
        %broadcast_in_dim3A_512 = vector.broadcast %broadcast_in_dim3A_511 : i32 to vector<16xi32>
        %add3A_513 = arith.constant 0 : i32
        %add3A_514 = vector.broadcast %add3A_513 : i32 to vector<16xi32>
        %add3A_515 = arith.addi %mul3A_510, %add3A_514 : vector<16xi32>
        %gather3A = tpu.vector_load_idx %arg6[%add3A_515] : memref<4096xi32, #tpu.memory_space<vmem>>[vector<16xi32>], vector<16xi32>,
        %add3A_516 = arith.addi %broadcast_in_dim3A_512, %gather3A : vector<16xi32>
        %add3A_517 = arith.constant 1 : i32
        %add3A_518 = vector.broadcast %add3A_517 : i32 to vector<16xi32>
        %add3A_519 = arith.addi %mul3A_510, %add3A_518 : vector<16xi32>
        %gather3A_520 = tpu.vector_load_idx %arg6[%add3A_519] : memref<4096xi32, #tpu.memory_space<vmem>>[vector<16xi32>], vector<16xi32>,
        %add3A_521 = arith.addi %add3A_516, %gather3A_520 : vector<16xi32>
        %add3A_522 = arith.constant 2 : i32
        %add3A_523 = vector.broadcast %add3A_522 : i32 to vector<16xi32>
        %add3A_524 = arith.addi %mul3A_510, %add3A_523 : vector<16xi32>
        %gather3A_525 = tpu.vector_load_idx %arg6[%add3A_524] : memref<4096xi32, #tpu.memory_space<vmem>>[vector<16xi32>], vector<16xi32>,
        %add3A_526 = arith.addi %add3A_521, %gather3A_525 : vector<16xi32>
        %add3A_527 = arith.constant 3 : i32
        %add3A_528 = vector.broadcast %add3A_527 : i32 to vector<16xi32>
        %add3A_529 = arith.addi %mul3A_510, %add3A_528 : vector<16xi32>
        %gather3A_530 = tpu.vector_load_idx %arg6[%add3A_529] : memref<4096xi32, #tpu.memory_space<vmem>>[vector<16xi32>], vector<16xi32>,
        %add3A_531 = arith.addi %add3A_526, %gather3A_530 : vector<16xi32>
        %add3A_532 = arith.constant 4 : i32
        %add3A_533 = vector.broadcast %add3A_532 : i32 to vector<16xi32>
        %add3A_534 = arith.addi %mul3A_510, %add3A_533 : vector<16xi32>
        %gather3A_535 = tpu.vector_load_idx %arg6[%add3A_534] : memref<4096xi32, #tpu.memory_space<vmem>>[vector<16xi32>], vector<16xi32>,
        %add3A_536 = arith.addi %add3A_531, %gather3A_535 : vector<16xi32>
        %add3A_537 = arith.constant 5 : i32
        %add3A_538 = vector.broadcast %add3A_537 : i32 to vector<16xi32>
        %add3A_539 = arith.addi %mul3A_510, %add3A_538 : vector<16xi32>
        %gather3A_540 = tpu.vector_load_idx %arg6[%add3A_539] : memref<4096xi32, #tpu.memory_space<vmem>>[vector<16xi32>], vector<16xi32>,
        %add3A_541 = arith.addi %add3A_536, %gather3A_540 : vector<16xi32>
        %add3A_542 = arith.constant 6 : i32
        %add3A_543 = vector.broadcast %add3A_542 : i32 to vector<16xi32>
        %add3A_544 = arith.addi %mul3A_510, %add3A_543 : vector<16xi32>
        %gather3A_545 = tpu.vector_load_idx %arg6[%add3A_544] : memref<4096xi32, #tpu.memory_space<vmem>>[vector<16xi32>], vector<16xi32>,
        %add3A_546 = arith.addi %add3A_541, %gather3A_545 : vector<16xi32>
        %add3A_547 = arith.constant 7 : i32
        %add3A_548 = vector.broadcast %add3A_547 : i32 to vector<16xi32>
        %add3A_549 = arith.addi %mul3A_510, %add3A_548 : vector<16xi32>
        %gather3A_550 = tpu.vector_load_idx %arg6[%add3A_549] : memref<4096xi32, #tpu.memory_space<vmem>>[vector<16xi32>], vector<16xi32>,
        %add3A_551 = arith.addi %add3A_546, %gather3A_550 : vector<16xi32>
        %add3A_552 = arith.constant 8 : i32
        %add3A_553 = vector.broadcast %add3A_552 : i32 to vector<16xi32>
        %add3A_554 = arith.addi %mul3A_510, %add3A_553 : vector<16xi32>
        %gather3A_555 = tpu.vector_load_idx %arg6[%add3A_554] : memref<4096xi32, #tpu.memory_space<vmem>>[vector<16xi32>], vector<16xi32>,
        %add3A_556 = arith.addi %add3A_551, %gather3A_555 : vector<16xi32>
        %add3A_557 = arith.constant 9 : i32
        %add3A_558 = vector.broadcast %add3A_557 : i32 to vector<16xi32>
        %add3A_559 = arith.addi %mul3A_510, %add3A_558 : vector<16xi32>
        %gather3A_560 = tpu.vector_load_idx %arg6[%add3A_559] : memref<4096xi32, #tpu.memory_space<vmem>>[vector<16xi32>], vector<16xi32>,
        %add3A_561 = arith.addi %add3A_556, %gather3A_560 : vector<16xi32>
        %add3A_562 = arith.constant 10 : i32
        %add3A_563 = vector.broadcast %add3A_562 : i32 to vector<16xi32>
        %add3A_564 = arith.addi %mul3A_510, %add3A_563 : vector<16xi32>
        %gather3A_565 = tpu.vector_load_idx %arg6[%add3A_564] : memref<4096xi32, #tpu.memory_space<vmem>>[vector<16xi32>], vector<16xi32>,
        %add3A_566 = arith.addi %add3A_561, %gather3A_565 : vector<16xi32>
        %add3A_567 = arith.constant 11 : i32
        %add3A_568 = vector.broadcast %add3A_567 : i32 to vector<16xi32>
        %add3A_569 = arith.addi %mul3A_510, %add3A_568 : vector<16xi32>
        %gather3A_570 = tpu.vector_load_idx %arg6[%add3A_569] : memref<4096xi32, #tpu.memory_space<vmem>>[vector<16xi32>], vector<16xi32>,
        %add3A_571 = arith.addi %add3A_566, %gather3A_570 : vector<16xi32>
        %add3A_572 = arith.constant 12 : i32
        %add3A_573 = vector.broadcast %add3A_572 : i32 to vector<16xi32>
        %add3A_574 = arith.addi %mul3A_510, %add3A_573 : vector<16xi32>
        %gather3A_575 = tpu.vector_load_idx %arg6[%add3A_574] : memref<4096xi32, #tpu.memory_space<vmem>>[vector<16xi32>], vector<16xi32>,
        %add3A_576 = arith.addi %add3A_571, %gather3A_575 : vector<16xi32>
        %add3A_577 = arith.constant 13 : i32
        %add3A_578 = vector.broadcast %add3A_577 : i32 to vector<16xi32>
        %add3A_579 = arith.addi %mul3A_510, %add3A_578 : vector<16xi32>
        %gather3A_580 = tpu.vector_load_idx %arg6[%add3A_579] : memref<4096xi32, #tpu.memory_space<vmem>>[vector<16xi32>], vector<16xi32>,
        %add3A_581 = arith.addi %add3A_576, %gather3A_580 : vector<16xi32>
        %add3A_582 = arith.constant 14 : i32
        %add3A_583 = vector.broadcast %add3A_582 : i32 to vector<16xi32>
        %add3A_584 = arith.addi %mul3A_510, %add3A_583 : vector<16xi32>
        %gather3A_585 = tpu.vector_load_idx %arg6[%add3A_584] : memref<4096xi32, #tpu.memory_space<vmem>>[vector<16xi32>], vector<16xi32>,
        %add3A_586 = arith.addi %add3A_581, %gather3A_585 : vector<16xi32>
        %add3A_587 = arith.constant 15 : i32
        %add3A_588 = vector.broadcast %add3A_587 : i32 to vector<16xi32>
        %add3A_589 = arith.addi %mul3A_510, %add3A_588 : vector<16xi32>
        %gather3A_590 = tpu.vector_load_idx %arg6[%add3A_589] : memref<4096xi32, #tpu.memory_space<vmem>>[vector<16xi32>], vector<16xi32>,
        %add3A_591 = arith.addi %add3A_586, %gather3A_590 : vector<16xi32>
        %broadcast_in_dim3A_592 = arith.constant true
        %broadcast_in_dim3A_593 = vector.broadcast %broadcast_in_dim3A_592 : i1 to vector<16xi1>
        %masked_cumsum3A = tpu.scan <sum>, %add3A_591 masked %broadcast_in_dim3A_593 : vector<16xi32>, vector<16xi1> -> vector<16xi32>
        %sub3A_594 = arith.subi %masked_cumsum3A, %add3A_591 : vector<16xi32>
        %add3A_595 = vector.broadcast %scan3A_500 : i32 to vector<16xi32>
        %add3A_596 = arith.addi %add3A_595, %masked_cumsum3A : vector<16xi32>
        %ge3A = vector.broadcast %scan3A_21 : i32 to vector<16xi32>
        %ge3A_597 = arith.cmpi sge, %add3A_596, %ge3A : vector<16xi32>
        %all_reduce_population_count3A = tpu.all_reduce %ge3A_597 {dim = 0 : i64, kind = #tpu.reduction_kind<sum>} : vector<16xi1> -> vector<16xi32>
        %slice3A = vector.extract_strided_slice %all_reduce_population_count3A {offsets = [0], sizes = [1], strides = [1]} : vector<16xi32> to vector<1xi32>
        %squeeze3A = vector.extract %slice3A[0] : i32 from vector<1xi32>
        %all_reduce_ffs3A = tpu.all_reduce %ge3A_597 {dim = 0 : i64, kind = #tpu.reduction_kind<find_first_set>} : vector<16xi1> -> vector<16xi32>
        %slice3A_598 = vector.extract_strided_slice %all_reduce_ffs3A {offsets = [0], sizes = [1], strides = [1]} : vector<16xi32> to vector<1xi32>
        %squeeze3A_599 = vector.extract %slice3A_598[0] : i32 from vector<1xi32>
        %eq3A = arith.constant 0 : i32
        %eq3A_600 = arith.cmpi eq, %scan3A_503, %eq3A : i32
        %gt3A = arith.constant 0 : i32
        %gt3A_601 = arith.cmpi sgt, %squeeze3A, %gt3A : i32
        %and3A = arith.andi %eq3A_600, %gt3A_601 : i1
        %mul3A_602 = arith.constant 16 : i32
        %mul3A_603 = arith.muli %scan3A_499, %mul3A_602 : i32
        %add3A_604 = arith.addi %mul3A_603, %squeeze3A_599 : i32
        %eq3A_605 = vector.broadcast %squeeze3A_599 : i32 to vector<16xi32>
        %eq3A_606 = arith.cmpi eq, %iota3A, %eq3A_605 : vector<16xi32>
        %jit3A = arith.constant 0 : i32
        %broadcast_in_dim3A_607 = vector.broadcast %jit3A : i32 to vector<16xi32>
        %select_n3A = arith.select %eq3A_606, %sub3A_594, %broadcast_in_dim3A_607 : vector<16xi1>, vector<16xi32>
        %reduce_sum3A = arith.constant true
        %reduce_sum3A_608 = vector.broadcast %reduce_sum3A : i1 to vector<16xi1>
        %reduce_sum3A_609 = tpu.scan <sum>, %select_n3A masked %reduce_sum3A_608 : vector<16xi32>, vector<16xi1> -> vector<16xi32>
        %reduce_sum3A_610 = vector.extract %reduce_sum3A_609[15] : i32 from vector<16xi32>
        %add3A_611 = arith.addi %scan3A_500, %reduce_sum3A_610 : i32
        %select_n3A_612 = arith.select %and3A, %add3A_604, %scan3A_501 : i32
        %select_n3A_613 = arith.select %and3A, %add3A_611, %scan3A_502 : i32
        %reduce_sum3A_614 = arith.constant true
        %reduce_sum3A_615 = vector.broadcast %reduce_sum3A_614 : i1 to vector<16xi1>
        %reduce_sum3A_616 = tpu.scan <sum>, %add3A_591 masked %reduce_sum3A_615 : vector<16xi32>, vector<16xi1> -> vector<16xi32>
        %reduce_sum3A_617 = vector.extract %reduce_sum3A_616[15] : i32 from vector<16xi32>
        %add3A_618 = arith.addi %scan3A_500, %reduce_sum3A_617 : i32
        %gt3A_619 = arith.constant 0 : i32
        %gt3A_620 = arith.cmpi sgt, %squeeze3A, %gt3A_619 : i32
        %jit3A_621 = arith.constant 1 : i32
        %select_n3A_622 = arith.select %gt3A_620, %jit3A_621, %scan3A_503 : i32
        scf.yield %add3A_618, %select_n3A_612, %select_n3A_613, %select_n3A_622 : i32, i32, i32, i32
      }
      %scan3A_31 = arith.constant 16 : i32
      %sub3A = arith.constant 2000 : i32
      %sub3A_32 = arith.subi %sub3A, %scan3A_30#2 : i32
      %broadcast_in_dim3A_33 = arith.constant 0 : i32
      %broadcast_in_dim3A_34 = vector.broadcast %broadcast_in_dim3A_33 : i32 to vector<16xi32>
      %scan3A_35 = arith.constant 0 : i32
      %scan3A_36 = arith.constant 0 : i32
      %scan3A_37 = arith.constant 256 : i32
      %scan3A_38 = arith.addi %scan3A_36, %scan3A_37 : i32
      %scan3A_39 = arith.constant 1 : i32
      %scan3A_40 = scf.for %scan3A_499 = %scan3A_36 to %scan3A_38 step %scan3A_39 iter_args(%scan3A_500 = %scan3A_35) -> (i32)  : i32 {
        %mul3A_501 = arith.constant 16 : i32
        %mul3A_502 = arith.muli %scan3A_499, %mul3A_501 : i32
        %swap3A = arith.index_cast %mul3A_502 : i32 to index
        %swap3A_503 = tpu.vector_load %arg6[%swap3A] {strides = array<i32>} : memref<4096xi32, #tpu.memory_space<vmem>>, vector<16xi32>,
        tpu.vector_store %arg6[%swap3A], %broadcast_in_dim3A_34 {strides = array<i32>} : memref<4096xi32, #tpu.memory_space<vmem>>, vector<16xi32>,
        %scan3A_504 = arith.constant 0 : i32
        scf.yield %scan3A_504 : i32
      }
      %scan3A_41 = arith.constant 256 : i32
      %scan3A_42 = arith.constant 0 : i32
      %scan3A_43 = arith.constant 0 : i32
      %scan3A_44 = arith.constant 3125 : i32
      %scan3A_45 = arith.addi %scan3A_43, %scan3A_44 : i32
      %scan3A_46 = arith.constant 1 : i32
      %scan3A_47 = scf.for %scan3A_499 = %scan3A_43 to %scan3A_45 step %scan3A_46 iter_args(%scan3A_500 = %scan3A_42) -> (i32)  : i32 {
        %mul3A_501 = arith.constant 16 : i32
        %mul3A_502 = arith.muli %scan3A_499, %mul3A_501 : i32
        %get3A = arith.index_cast %mul3A_502 : i32 to index
        %get3A_503 = tpu.vector_load %arg5[%get3A] {strides = array<i32>} : memref<50000xi32, #tpu.memory_space<vmem>>, vector<16xi32>,
        %bitcast3A = vector.bitcast %get3A_503 : vector<16xi32> to vector<16xi32>
        %shift_right_logical3A = arith.constant 16 : i32
        %shift_right_logical3A_504 = vector.broadcast %shift_right_logical3A : i32 to vector<16xi32>
        %shift_right_logical3A_505 = arith.shrui %bitcast3A, %shift_right_logical3A_504 : vector<16xi32>
        %and3A = arith.constant 255 : i32
        %and3A_506 = vector.broadcast %and3A : i32 to vector<16xi32>
        %and3A_507 = arith.andi %shift_right_logical3A_505, %and3A_506 : vector<16xi32>
        %bitcast3A_508 = vector.bitcast %and3A_507 : vector<16xi32> to vector<16xi32>
        %mul3A_509 = arith.constant 16 : i32
        %mul3A_510 = vector.broadcast %mul3A_509 : i32 to vector<16xi32>
        %mul3A_511 = arith.muli %bitcast3A_508, %mul3A_510 : vector<16xi32>
        %add3A_512 = arith.addi %mul3A_511, %iota3A : vector<16xi32>
        %shift_right_logical3A_513 = arith.constant 24 : i32
        %shift_right_logical3A_514 = vector.broadcast %shift_right_logical3A_513 : i32 to vector<16xi32>
        %shift_right_logical3A_515 = arith.shrui %bitcast3A, %shift_right_logical3A_514 : vector<16xi32>
        %eq3A = vector.broadcast %scan3A_30#1 : i32 to vector<16xi32>
        %eq3A_516 = arith.cmpi eq, %shift_right_logical3A_515, %eq3A : vector<16xi32>
        tpu.vector_store_idx %arg6[%add3A_512], %broadcast_in_dim3A_2 masked %eq3A_516 {add = true} : memref<4096xi32, #tpu.memory_space<vmem>>[vector<16xi32>], vector<16xi32>, vector<16xi1>
        %scan3A_517 = arith.constant 0 : i32
        scf.yield %scan3A_517 : i32
      }
      %scan3A_48 = arith.constant 3125 : i32
      %scan3A_49 = arith.constant 0 : i32
      %scan3A_50 = arith.constant 0 : i32
      %scan3A_51 = arith.constant 0 : i32
      %scan3A_52 = arith.constant 0 : i32
      %scan3A_53 = arith.constant 0 : i32
      %scan3A_54 = arith.constant 16 : i32
      %scan3A_55 = arith.addi %scan3A_53, %scan3A_54 : i32
      %scan3A_56 = arith.constant 1 : i32
      %scan3A_57:4 = scf.for %scan3A_499 = %scan3A_53 to %scan3A_55 step %scan3A_56 iter_args(%scan3A_500 = %scan3A_49, %scan3A_501 = %scan3A_50, %scan3A_502 = %scan3A_51, %scan3A_503 = %scan3A_52) -> (i32, i32, i32, i32)  : i32 {
        %mul3A_504 = arith.constant 16 : i32
        %mul3A_505 = arith.muli %scan3A_499, %mul3A_504 : i32
        %add3A_506 = vector.broadcast %mul3A_505 : i32 to vector<16xi32>
        %add3A_507 = arith.addi %add3A_506, %iota3A : vector<16xi32>
        %mul3A_508 = arith.constant 16 : i32
        %mul3A_509 = vector.broadcast %mul3A_508 : i32 to vector<16xi32>
        %mul3A_510 = arith.muli %add3A_507, %mul3A_509 : vector<16xi32>
        %broadcast_in_dim3A_511 = arith.constant 0 : i32
        %broadcast_in_dim3A_512 = vector.broadcast %broadcast_in_dim3A_511 : i32 to vector<16xi32>
        %add3A_513 = arith.constant 0 : i32
        %add3A_514 = vector.broadcast %add3A_513 : i32 to vector<16xi32>
        %add3A_515 = arith.addi %mul3A_510, %add3A_514 : vector<16xi32>
        %gather3A = tpu.vector_load_idx %arg6[%add3A_515] : memref<4096xi32, #tpu.memory_space<vmem>>[vector<16xi32>], vector<16xi32>,
        %add3A_516 = arith.addi %broadcast_in_dim3A_512, %gather3A : vector<16xi32>
        %add3A_517 = arith.constant 1 : i32
        %add3A_518 = vector.broadcast %add3A_517 : i32 to vector<16xi32>
        %add3A_519 = arith.addi %mul3A_510, %add3A_518 : vector<16xi32>
        %gather3A_520 = tpu.vector_load_idx %arg6[%add3A_519] : memref<4096xi32, #tpu.memory_space<vmem>>[vector<16xi32>], vector<16xi32>,
        %add3A_521 = arith.addi %add3A_516, %gather3A_520 : vector<16xi32>
        %add3A_522 = arith.constant 2 : i32
        %add3A_523 = vector.broadcast %add3A_522 : i32 to vector<16xi32>
        %add3A_524 = arith.addi %mul3A_510, %add3A_523 : vector<16xi32>
        %gather3A_525 = tpu.vector_load_idx %arg6[%add3A_524] : memref<4096xi32, #tpu.memory_space<vmem>>[vector<16xi32>], vector<16xi32>,
        %add3A_526 = arith.addi %add3A_521, %gather3A_525 : vector<16xi32>
        %add3A_527 = arith.constant 3 : i32
        %add3A_528 = vector.broadcast %add3A_527 : i32 to vector<16xi32>
        %add3A_529 = arith.addi %mul3A_510, %add3A_528 : vector<16xi32>
        %gather3A_530 = tpu.vector_load_idx %arg6[%add3A_529] : memref<4096xi32, #tpu.memory_space<vmem>>[vector<16xi32>], vector<16xi32>,
        %add3A_531 = arith.addi %add3A_526, %gather3A_530 : vector<16xi32>
        %add3A_532 = arith.constant 4 : i32
        %add3A_533 = vector.broadcast %add3A_532 : i32 to vector<16xi32>
        %add3A_534 = arith.addi %mul3A_510, %add3A_533 : vector<16xi32>
        %gather3A_535 = tpu.vector_load_idx %arg6[%add3A_534] : memref<4096xi32, #tpu.memory_space<vmem>>[vector<16xi32>], vector<16xi32>,
        %add3A_536 = arith.addi %add3A_531, %gather3A_535 : vector<16xi32>
        %add3A_537 = arith.constant 5 : i32
        %add3A_538 = vector.broadcast %add3A_537 : i32 to vector<16xi32>
        %add3A_539 = arith.addi %mul3A_510, %add3A_538 : vector<16xi32>
        %gather3A_540 = tpu.vector_load_idx %arg6[%add3A_539] : memref<4096xi32, #tpu.memory_space<vmem>>[vector<16xi32>], vector<16xi32>,
        %add3A_541 = arith.addi %add3A_536, %gather3A_540 : vector<16xi32>
        %add3A_542 = arith.constant 6 : i32
        %add3A_543 = vector.broadcast %add3A_542 : i32 to vector<16xi32>
        %add3A_544 = arith.addi %mul3A_510, %add3A_543 : vector<16xi32>
        %gather3A_545 = tpu.vector_load_idx %arg6[%add3A_544] : memref<4096xi32, #tpu.memory_space<vmem>>[vector<16xi32>], vector<16xi32>,
        %add3A_546 = arith.addi %add3A_541, %gather3A_545 : vector<16xi32>
        %add3A_547 = arith.constant 7 : i32
        %add3A_548 = vector.broadcast %add3A_547 : i32 to vector<16xi32>
        %add3A_549 = arith.addi %mul3A_510, %add3A_548 : vector<16xi32>
        %gather3A_550 = tpu.vector_load_idx %arg6[%add3A_549] : memref<4096xi32, #tpu.memory_space<vmem>>[vector<16xi32>], vector<16xi32>,
        %add3A_551 = arith.addi %add3A_546, %gather3A_550 : vector<16xi32>
        %add3A_552 = arith.constant 8 : i32
        %add3A_553 = vector.broadcast %add3A_552 : i32 to vector<16xi32>
        %add3A_554 = arith.addi %mul3A_510, %add3A_553 : vector<16xi32>
        %gather3A_555 = tpu.vector_load_idx %arg6[%add3A_554] : memref<4096xi32, #tpu.memory_space<vmem>>[vector<16xi32>], vector<16xi32>,
        %add3A_556 = arith.addi %add3A_551, %gather3A_555 : vector<16xi32>
        %add3A_557 = arith.constant 9 : i32
        %add3A_558 = vector.broadcast %add3A_557 : i32 to vector<16xi32>
        %add3A_559 = arith.addi %mul3A_510, %add3A_558 : vector<16xi32>
        %gather3A_560 = tpu.vector_load_idx %arg6[%add3A_559] : memref<4096xi32, #tpu.memory_space<vmem>>[vector<16xi32>], vector<16xi32>,
        %add3A_561 = arith.addi %add3A_556, %gather3A_560 : vector<16xi32>
        %add3A_562 = arith.constant 10 : i32
        %add3A_563 = vector.broadcast %add3A_562 : i32 to vector<16xi32>
        %add3A_564 = arith.addi %mul3A_510, %add3A_563 : vector<16xi32>
        %gather3A_565 = tpu.vector_load_idx %arg6[%add3A_564] : memref<4096xi32, #tpu.memory_space<vmem>>[vector<16xi32>], vector<16xi32>,
        %add3A_566 = arith.addi %add3A_561, %gather3A_565 : vector<16xi32>
        %add3A_567 = arith.constant 11 : i32
        %add3A_568 = vector.broadcast %add3A_567 : i32 to vector<16xi32>
        %add3A_569 = arith.addi %mul3A_510, %add3A_568 : vector<16xi32>
        %gather3A_570 = tpu.vector_load_idx %arg6[%add3A_569] : memref<4096xi32, #tpu.memory_space<vmem>>[vector<16xi32>], vector<16xi32>,
        %add3A_571 = arith.addi %add3A_566, %gather3A_570 : vector<16xi32>
        %add3A_572 = arith.constant 12 : i32
        %add3A_573 = vector.broadcast %add3A_572 : i32 to vector<16xi32>
        %add3A_574 = arith.addi %mul3A_510, %add3A_573 : vector<16xi32>
        %gather3A_575 = tpu.vector_load_idx %arg6[%add3A_574] : memref<4096xi32, #tpu.memory_space<vmem>>[vector<16xi32>], vector<16xi32>,
        %add3A_576 = arith.addi %add3A_571, %gather3A_575 : vector<16xi32>
        %add3A_577 = arith.constant 13 : i32
        %add3A_578 = vector.broadcast %add3A_577 : i32 to vector<16xi32>
        %add3A_579 = arith.addi %mul3A_510, %add3A_578 : vector<16xi32>
        %gather3A_580 = tpu.vector_load_idx %arg6[%add3A_579] : memref<4096xi32, #tpu.memory_space<vmem>>[vector<16xi32>], vector<16xi32>,
        %add3A_581 = arith.addi %add3A_576, %gather3A_580 : vector<16xi32>
        %add3A_582 = arith.constant 14 : i32
        %add3A_583 = vector.broadcast %add3A_582 : i32 to vector<16xi32>
        %add3A_584 = arith.addi %mul3A_510, %add3A_583 : vector<16xi32>
        %gather3A_585 = tpu.vector_load_idx %arg6[%add3A_584] : memref<4096xi32, #tpu.memory_space<vmem>>[vector<16xi32>], vector<16xi32>,
        %add3A_586 = arith.addi %add3A_581, %gather3A_585 : vector<16xi32>
        %add3A_587 = arith.constant 15 : i32
        %add3A_588 = vector.broadcast %add3A_587 : i32 to vector<16xi32>
        %add3A_589 = arith.addi %mul3A_510, %add3A_588 : vector<16xi32>
        %gather3A_590 = tpu.vector_load_idx %arg6[%add3A_589] : memref<4096xi32, #tpu.memory_space<vmem>>[vector<16xi32>], vector<16xi32>,
        %add3A_591 = arith.addi %add3A_586, %gather3A_590 : vector<16xi32>
        %broadcast_in_dim3A_592 = arith.constant true
        %broadcast_in_dim3A_593 = vector.broadcast %broadcast_in_dim3A_592 : i1 to vector<16xi1>
        %masked_cumsum3A = tpu.scan <sum>, %add3A_591 masked %broadcast_in_dim3A_593 : vector<16xi32>, vector<16xi1> -> vector<16xi32>
        %sub3A_594 = arith.subi %masked_cumsum3A, %add3A_591 : vector<16xi32>
        %add3A_595 = vector.broadcast %scan3A_500 : i32 to vector<16xi32>
        %add3A_596 = arith.addi %add3A_595, %masked_cumsum3A : vector<16xi32>
        %ge3A = vector.broadcast %sub3A_32 : i32 to vector<16xi32>
        %ge3A_597 = arith.cmpi sge, %add3A_596, %ge3A : vector<16xi32>
        %all_reduce_population_count3A = tpu.all_reduce %ge3A_597 {dim = 0 : i64, kind = #tpu.reduction_kind<sum>} : vector<16xi1> -> vector<16xi32>
        %slice3A = vector.extract_strided_slice %all_reduce_population_count3A {offsets = [0], sizes = [1], strides = [1]} : vector<16xi32> to vector<1xi32>
        %squeeze3A = vector.extract %slice3A[0] : i32 from vector<1xi32>
        %all_reduce_ffs3A = tpu.all_reduce %ge3A_597 {dim = 0 : i64, kind = #tpu.reduction_kind<find_first_set>} : vector<16xi1> -> vector<16xi32>
        %slice3A_598 = vector.extract_strided_slice %all_reduce_ffs3A {offsets = [0], sizes = [1], strides = [1]} : vector<16xi32> to vector<1xi32>
        %squeeze3A_599 = vector.extract %slice3A_598[0] : i32 from vector<1xi32>
        %eq3A = arith.constant 0 : i32
        %eq3A_600 = arith.cmpi eq, %scan3A_503, %eq3A : i32
        %gt3A = arith.constant 0 : i32
        %gt3A_601 = arith.cmpi sgt, %squeeze3A, %gt3A : i32
        %and3A = arith.andi %eq3A_600, %gt3A_601 : i1
        %mul3A_602 = arith.constant 16 : i32
        %mul3A_603 = arith.muli %scan3A_499, %mul3A_602 : i32
        %add3A_604 = arith.addi %mul3A_603, %squeeze3A_599 : i32
        %eq3A_605 = vector.broadcast %squeeze3A_599 : i32 to vector<16xi32>
        %eq3A_606 = arith.cmpi eq, %iota3A, %eq3A_605 : vector<16xi32>
        %jit3A = arith.constant 0 : i32
        %broadcast_in_dim3A_607 = vector.broadcast %jit3A : i32 to vector<16xi32>
        %select_n3A = arith.select %eq3A_606, %sub3A_594, %broadcast_in_dim3A_607 : vector<16xi1>, vector<16xi32>
        %reduce_sum3A = arith.constant true
        %reduce_sum3A_608 = vector.broadcast %reduce_sum3A : i1 to vector<16xi1>
        %reduce_sum3A_609 = tpu.scan <sum>, %select_n3A masked %reduce_sum3A_608 : vector<16xi32>, vector<16xi1> -> vector<16xi32>
        %reduce_sum3A_610 = vector.extract %reduce_sum3A_609[15] : i32 from vector<16xi32>
        %add3A_611 = arith.addi %scan3A_500, %reduce_sum3A_610 : i32
        %select_n3A_612 = arith.select %and3A, %add3A_604, %scan3A_501 : i32
        %select_n3A_613 = arith.select %and3A, %add3A_611, %scan3A_502 : i32
        %reduce_sum3A_614 = arith.constant true
        %reduce_sum3A_615 = vector.broadcast %reduce_sum3A_614 : i1 to vector<16xi1>
        %reduce_sum3A_616 = tpu.scan <sum>, %add3A_591 masked %reduce_sum3A_615 : vector<16xi32>, vector<16xi1> -> vector<16xi32>
        %reduce_sum3A_617 = vector.extract %reduce_sum3A_616[15] : i32 from vector<16xi32>
        %add3A_618 = arith.addi %scan3A_500, %reduce_sum3A_617 : i32
        %gt3A_619 = arith.constant 0 : i32
        %gt3A_620 = arith.cmpi sgt, %squeeze3A, %gt3A_619 : i32
        %jit3A_621 = arith.constant 1 : i32
        %select_n3A_622 = arith.select %gt3A_620, %jit3A_621, %scan3A_503 : i32
        scf.yield %add3A_618, %select_n3A_612, %select_n3A_613, %select_n3A_622 : i32, i32, i32, i32
      }
      %scan3A_58 = arith.constant 16 : i32
      %sub3A_59 = arith.subi %sub3A_32, %scan3A_57#2 : i32
      %mul3A_60 = arith.constant 256 : i32
      %mul3A_61 = arith.muli %scan3A_30#1, %mul3A_60 : i32
      %add3A_62 = arith.addi %mul3A_61, %scan3A_57#1 : i32
      %broadcast_in_dim3A_63 = arith.constant 0 : i32
      %broadcast_in_dim3A_64 = vector.broadcast %broadcast_in_dim3A_63 : i32 to vector<16xi32>
      %scan3A_65 = arith.constant 0 : i32
      %scan3A_66 = arith.constant 0 : i32
      %scan3A_67 = arith.constant 256 : i32
      %scan3A_68 = arith.addi %scan3A_66, %scan3A_67 : i32
      %scan3A_69 = arith.constant 1 : i32
      %scan3A_70 = scf.for %scan3A_499 = %scan3A_66 to %scan3A_68 step %scan3A_69 iter_args(%scan3A_500 = %scan3A_65) -> (i32)  : i32 {
        %mul3A_501 = arith.constant 16 : i32
        %mul3A_502 = arith.muli %scan3A_499, %mul3A_501 : i32
        %swap3A = arith.index_cast %mul3A_502 : i32 to index
        %swap3A_503 = tpu.vector_load %arg6[%swap3A] {strides = array<i32>} : memref<4096xi32, #tpu.memory_space<vmem>>, vector<16xi32>,
        tpu.vector_store %arg6[%swap3A], %broadcast_in_dim3A_64 {strides = array<i32>} : memref<4096xi32, #tpu.memory_space<vmem>>, vector<16xi32>,
        %scan3A_504 = arith.constant 0 : i32
        scf.yield %scan3A_504 : i32
      }
      %scan3A_71 = arith.constant 256 : i32
      %scan3A_72 = arith.constant 0 : i32
      %scan3A_73 = arith.constant 0 : i32
      %scan3A_74 = arith.constant 3125 : i32
      %scan3A_75 = arith.addi %scan3A_73, %scan3A_74 : i32
      %scan3A_76 = arith.constant 1 : i32
      %scan3A_77 = scf.for %scan3A_499 = %scan3A_73 to %scan3A_75 step %scan3A_76 iter_args(%scan3A_500 = %scan3A_72) -> (i32)  : i32 {
        %mul3A_501 = arith.constant 16 : i32
        %mul3A_502 = arith.muli %scan3A_499, %mul3A_501 : i32
        %get3A = arith.index_cast %mul3A_502 : i32 to index
        %get3A_503 = tpu.vector_load %arg5[%get3A] {strides = array<i32>} : memref<50000xi32, #tpu.memory_space<vmem>>, vector<16xi32>,
        %bitcast3A = vector.bitcast %get3A_503 : vector<16xi32> to vector<16xi32>
        %shift_right_logical3A = arith.constant 8 : i32
        %shift_right_logical3A_504 = vector.broadcast %shift_right_logical3A : i32 to vector<16xi32>
        %shift_right_logical3A_505 = arith.shrui %bitcast3A, %shift_right_logical3A_504 : vector<16xi32>
        %and3A = arith.constant 255 : i32
        %and3A_506 = vector.broadcast %and3A : i32 to vector<16xi32>
        %and3A_507 = arith.andi %shift_right_logical3A_505, %and3A_506 : vector<16xi32>
        %bitcast3A_508 = vector.bitcast %and3A_507 : vector<16xi32> to vector<16xi32>
        %mul3A_509 = arith.constant 16 : i32
        %mul3A_510 = vector.broadcast %mul3A_509 : i32 to vector<16xi32>
        %mul3A_511 = arith.muli %bitcast3A_508, %mul3A_510 : vector<16xi32>
        %add3A_512 = arith.addi %mul3A_511, %iota3A : vector<16xi32>
        %shift_right_logical3A_513 = arith.constant 16 : i32
        %shift_right_logical3A_514 = vector.broadcast %shift_right_logical3A_513 : i32 to vector<16xi32>
        %shift_right_logical3A_515 = arith.shrui %bitcast3A, %shift_right_logical3A_514 : vector<16xi32>
        %eq3A = vector.broadcast %add3A_62 : i32 to vector<16xi32>
        %eq3A_516 = arith.cmpi eq, %shift_right_logical3A_515, %eq3A : vector<16xi32>
        tpu.vector_store_idx %arg6[%add3A_512], %broadcast_in_dim3A_2 masked %eq3A_516 {add = true} : memref<4096xi32, #tpu.memory_space<vmem>>[vector<16xi32>], vector<16xi32>, vector<16xi1>
        %scan3A_517 = arith.constant 0 : i32
        scf.yield %scan3A_517 : i32
      }
      %scan3A_78 = arith.constant 3125 : i32
      %scan3A_79 = arith.constant 0 : i32
      %scan3A_80 = arith.constant 0 : i32
      %scan3A_81 = arith.constant 0 : i32
      %scan3A_82 = arith.constant 0 : i32
      %scan3A_83 = arith.constant 0 : i32
      %scan3A_84 = arith.constant 16 : i32
      %scan3A_85 = arith.addi %scan3A_83, %scan3A_84 : i32
      %scan3A_86 = arith.constant 1 : i32
      %scan3A_87:4 = scf.for %scan3A_499 = %scan3A_83 to %scan3A_85 step %scan3A_86 iter_args(%scan3A_500 = %scan3A_79, %scan3A_501 = %scan3A_80, %scan3A_502 = %scan3A_81, %scan3A_503 = %scan3A_82) -> (i32, i32, i32, i32)  : i32 {
        %mul3A_504 = arith.constant 16 : i32
        %mul3A_505 = arith.muli %scan3A_499, %mul3A_504 : i32
        %add3A_506 = vector.broadcast %mul3A_505 : i32 to vector<16xi32>
        %add3A_507 = arith.addi %add3A_506, %iota3A : vector<16xi32>
        %mul3A_508 = arith.constant 16 : i32
        %mul3A_509 = vector.broadcast %mul3A_508 : i32 to vector<16xi32>
        %mul3A_510 = arith.muli %add3A_507, %mul3A_509 : vector<16xi32>
        %broadcast_in_dim3A_511 = arith.constant 0 : i32
        %broadcast_in_dim3A_512 = vector.broadcast %broadcast_in_dim3A_511 : i32 to vector<16xi32>
        %add3A_513 = arith.constant 0 : i32
        %add3A_514 = vector.broadcast %add3A_513 : i32 to vector<16xi32>
        %add3A_515 = arith.addi %mul3A_510, %add3A_514 : vector<16xi32>
        %gather3A = tpu.vector_load_idx %arg6[%add3A_515] : memref<4096xi32, #tpu.memory_space<vmem>>[vector<16xi32>], vector<16xi32>,
        %add3A_516 = arith.addi %broadcast_in_dim3A_512, %gather3A : vector<16xi32>
        %add3A_517 = arith.constant 1 : i32
        %add3A_518 = vector.broadcast %add3A_517 : i32 to vector<16xi32>
        %add3A_519 = arith.addi %mul3A_510, %add3A_518 : vector<16xi32>
        %gather3A_520 = tpu.vector_load_idx %arg6[%add3A_519] : memref<4096xi32, #tpu.memory_space<vmem>>[vector<16xi32>], vector<16xi32>,
        %add3A_521 = arith.addi %add3A_516, %gather3A_520 : vector<16xi32>
        %add3A_522 = arith.constant 2 : i32
        %add3A_523 = vector.broadcast %add3A_522 : i32 to vector<16xi32>
        %add3A_524 = arith.addi %mul3A_510, %add3A_523 : vector<16xi32>
        %gather3A_525 = tpu.vector_load_idx %arg6[%add3A_524] : memref<4096xi32, #tpu.memory_space<vmem>>[vector<16xi32>], vector<16xi32>,
        %add3A_526 = arith.addi %add3A_521, %gather3A_525 : vector<16xi32>
        %add3A_527 = arith.constant 3 : i32
        %add3A_528 = vector.broadcast %add3A_527 : i32 to vector<16xi32>
        %add3A_529 = arith.addi %mul3A_510, %add3A_528 : vector<16xi32>
        %gather3A_530 = tpu.vector_load_idx %arg6[%add3A_529] : memref<4096xi32, #tpu.memory_space<vmem>>[vector<16xi32>], vector<16xi32>,
        %add3A_531 = arith.addi %add3A_526, %gather3A_530 : vector<16xi32>
        %add3A_532 = arith.constant 4 : i32
        %add3A_533 = vector.broadcast %add3A_532 : i32 to vector<16xi32>
        %add3A_534 = arith.addi %mul3A_510, %add3A_533 : vector<16xi32>
        %gather3A_535 = tpu.vector_load_idx %arg6[%add3A_534] : memref<4096xi32, #tpu.memory_space<vmem>>[vector<16xi32>], vector<16xi32>,
        %add3A_536 = arith.addi %add3A_531, %gather3A_535 : vector<16xi32>
        %add3A_537 = arith.constant 5 : i32
        %add3A_538 = vector.broadcast %add3A_537 : i32 to vector<16xi32>
        %add3A_539 = arith.addi %mul3A_510, %add3A_538 : vector<16xi32>
        %gather3A_540 = tpu.vector_load_idx %arg6[%add3A_539] : memref<4096xi32, #tpu.memory_space<vmem>>[vector<16xi32>], vector<16xi32>,
        %add3A_541 = arith.addi %add3A_536, %gather3A_540 : vector<16xi32>
        %add3A_542 = arith.constant 6 : i32
        %add3A_543 = vector.broadcast %add3A_542 : i32 to vector<16xi32>
        %add3A_544 = arith.addi %mul3A_510, %add3A_543 : vector<16xi32>
        %gather3A_545 = tpu.vector_load_idx %arg6[%add3A_544] : memref<4096xi32, #tpu.memory_space<vmem>>[vector<16xi32>], vector<16xi32>,
        %add3A_546 = arith.addi %add3A_541, %gather3A_545 : vector<16xi32>
        %add3A_547 = arith.constant 7 : i32
        %add3A_548 = vector.broadcast %add3A_547 : i32 to vector<16xi32>
        %add3A_549 = arith.addi %mul3A_510, %add3A_548 : vector<16xi32>
        %gather3A_550 = tpu.vector_load_idx %arg6[%add3A_549] : memref<4096xi32, #tpu.memory_space<vmem>>[vector<16xi32>], vector<16xi32>,
        %add3A_551 = arith.addi %add3A_546, %gather3A_550 : vector<16xi32>
        %add3A_552 = arith.constant 8 : i32
        %add3A_553 = vector.broadcast %add3A_552 : i32 to vector<16xi32>
        %add3A_554 = arith.addi %mul3A_510, %add3A_553 : vector<16xi32>
        %gather3A_555 = tpu.vector_load_idx %arg6[%add3A_554] : memref<4096xi32, #tpu.memory_space<vmem>>[vector<16xi32>], vector<16xi32>,
        %add3A_556 = arith.addi %add3A_551, %gather3A_555 : vector<16xi32>
        %add3A_557 = arith.constant 9 : i32
        %add3A_558 = vector.broadcast %add3A_557 : i32 to vector<16xi32>
        %add3A_559 = arith.addi %mul3A_510, %add3A_558 : vector<16xi32>
        %gather3A_560 = tpu.vector_load_idx %arg6[%add3A_559] : memref<4096xi32, #tpu.memory_space<vmem>>[vector<16xi32>], vector<16xi32>,
        %add3A_561 = arith.addi %add3A_556, %gather3A_560 : vector<16xi32>
        %add3A_562 = arith.constant 10 : i32
        %add3A_563 = vector.broadcast %add3A_562 : i32 to vector<16xi32>
        %add3A_564 = arith.addi %mul3A_510, %add3A_563 : vector<16xi32>
        %gather3A_565 = tpu.vector_load_idx %arg6[%add3A_564] : memref<4096xi32, #tpu.memory_space<vmem>>[vector<16xi32>], vector<16xi32>,
        %add3A_566 = arith.addi %add3A_561, %gather3A_565 : vector<16xi32>
        %add3A_567 = arith.constant 11 : i32
        %add3A_568 = vector.broadcast %add3A_567 : i32 to vector<16xi32>
        %add3A_569 = arith.addi %mul3A_510, %add3A_568 : vector<16xi32>
        %gather3A_570 = tpu.vector_load_idx %arg6[%add3A_569] : memref<4096xi32, #tpu.memory_space<vmem>>[vector<16xi32>], vector<16xi32>,
        %add3A_571 = arith.addi %add3A_566, %gather3A_570 : vector<16xi32>
        %add3A_572 = arith.constant 12 : i32
        %add3A_573 = vector.broadcast %add3A_572 : i32 to vector<16xi32>
        %add3A_574 = arith.addi %mul3A_510, %add3A_573 : vector<16xi32>
        %gather3A_575 = tpu.vector_load_idx %arg6[%add3A_574] : memref<4096xi32, #tpu.memory_space<vmem>>[vector<16xi32>], vector<16xi32>,
        %add3A_576 = arith.addi %add3A_571, %gather3A_575 : vector<16xi32>
        %add3A_577 = arith.constant 13 : i32
        %add3A_578 = vector.broadcast %add3A_577 : i32 to vector<16xi32>
        %add3A_579 = arith.addi %mul3A_510, %add3A_578 : vector<16xi32>
        %gather3A_580 = tpu.vector_load_idx %arg6[%add3A_579] : memref<4096xi32, #tpu.memory_space<vmem>>[vector<16xi32>], vector<16xi32>,
        %add3A_581 = arith.addi %add3A_576, %gather3A_580 : vector<16xi32>
        %add3A_582 = arith.constant 14 : i32
        %add3A_583 = vector.broadcast %add3A_582 : i32 to vector<16xi32>
        %add3A_584 = arith.addi %mul3A_510, %add3A_583 : vector<16xi32>
        %gather3A_585 = tpu.vector_load_idx %arg6[%add3A_584] : memref<4096xi32, #tpu.memory_space<vmem>>[vector<16xi32>], vector<16xi32>,
        %add3A_586 = arith.addi %add3A_581, %gather3A_585 : vector<16xi32>
        %add3A_587 = arith.constant 15 : i32
        %add3A_588 = vector.broadcast %add3A_587 : i32 to vector<16xi32>
        %add3A_589 = arith.addi %mul3A_510, %add3A_588 : vector<16xi32>
        %gather3A_590 = tpu.vector_load_idx %arg6[%add3A_589] : memref<4096xi32, #tpu.memory_space<vmem>>[vector<16xi32>], vector<16xi32>,
        %add3A_591 = arith.addi %add3A_586, %gather3A_590 : vector<16xi32>
        %broadcast_in_dim3A_592 = arith.constant true
        %broadcast_in_dim3A_593 = vector.broadcast %broadcast_in_dim3A_592 : i1 to vector<16xi1>
        %masked_cumsum3A = tpu.scan <sum>, %add3A_591 masked %broadcast_in_dim3A_593 : vector<16xi32>, vector<16xi1> -> vector<16xi32>
        %sub3A_594 = arith.subi %masked_cumsum3A, %add3A_591 : vector<16xi32>
        %add3A_595 = vector.broadcast %scan3A_500 : i32 to vector<16xi32>
        %add3A_596 = arith.addi %add3A_595, %masked_cumsum3A : vector<16xi32>
        %ge3A = vector.broadcast %sub3A_59 : i32 to vector<16xi32>
        %ge3A_597 = arith.cmpi sge, %add3A_596, %ge3A : vector<16xi32>
        %all_reduce_population_count3A = tpu.all_reduce %ge3A_597 {dim = 0 : i64, kind = #tpu.reduction_kind<sum>} : vector<16xi1> -> vector<16xi32>
        %slice3A = vector.extract_strided_slice %all_reduce_population_count3A {offsets = [0], sizes = [1], strides = [1]} : vector<16xi32> to vector<1xi32>
        %squeeze3A = vector.extract %slice3A[0] : i32 from vector<1xi32>
        %all_reduce_ffs3A = tpu.all_reduce %ge3A_597 {dim = 0 : i64, kind = #tpu.reduction_kind<find_first_set>} : vector<16xi1> -> vector<16xi32>
        %slice3A_598 = vector.extract_strided_slice %all_reduce_ffs3A {offsets = [0], sizes = [1], strides = [1]} : vector<16xi32> to vector<1xi32>
        %squeeze3A_599 = vector.extract %slice3A_598[0] : i32 from vector<1xi32>
        %eq3A = arith.constant 0 : i32
        %eq3A_600 = arith.cmpi eq, %scan3A_503, %eq3A : i32
        %gt3A = arith.constant 0 : i32
        %gt3A_601 = arith.cmpi sgt, %squeeze3A, %gt3A : i32
        %and3A = arith.andi %eq3A_600, %gt3A_601 : i1
        %mul3A_602 = arith.constant 16 : i32
        %mul3A_603 = arith.muli %scan3A_499, %mul3A_602 : i32
        %add3A_604 = arith.addi %mul3A_603, %squeeze3A_599 : i32
        %eq3A_605 = vector.broadcast %squeeze3A_599 : i32 to vector<16xi32>
        %eq3A_606 = arith.cmpi eq, %iota3A, %eq3A_605 : vector<16xi32>
        %jit3A = arith.constant 0 : i32
        %broadcast_in_dim3A_607 = vector.broadcast %jit3A : i32 to vector<16xi32>
        %select_n3A = arith.select %eq3A_606, %sub3A_594, %broadcast_in_dim3A_607 : vector<16xi1>, vector<16xi32>
        %reduce_sum3A = arith.constant true
        %reduce_sum3A_608 = vector.broadcast %reduce_sum3A : i1 to vector<16xi1>
        %reduce_sum3A_609 = tpu.scan <sum>, %select_n3A masked %reduce_sum3A_608 : vector<16xi32>, vector<16xi1> -> vector<16xi32>
        %reduce_sum3A_610 = vector.extract %reduce_sum3A_609[15] : i32 from vector<16xi32>
        %add3A_611 = arith.addi %scan3A_500, %reduce_sum3A_610 : i32
        %select_n3A_612 = arith.select %and3A, %add3A_604, %scan3A_501 : i32
        %select_n3A_613 = arith.select %and3A, %add3A_611, %scan3A_502 : i32
        %reduce_sum3A_614 = arith.constant true
        %reduce_sum3A_615 = vector.broadcast %reduce_sum3A_614 : i1 to vector<16xi1>
        %reduce_sum3A_616 = tpu.scan <sum>, %add3A_591 masked %reduce_sum3A_615 : vector<16xi32>, vector<16xi1> -> vector<16xi32>
        %reduce_sum3A_617 = vector.extract %reduce_sum3A_616[15] : i32 from vector<16xi32>
        %add3A_618 = arith.addi %scan3A_500, %reduce_sum3A_617 : i32
        %gt3A_619 = arith.constant 0 : i32
        %gt3A_620 = arith.cmpi sgt, %squeeze3A, %gt3A_619 : i32
        %jit3A_621 = arith.constant 1 : i32
        %select_n3A_622 = arith.select %gt3A_620, %jit3A_621, %scan3A_503 : i32
        scf.yield %add3A_618, %select_n3A_612, %select_n3A_613, %select_n3A_622 : i32, i32, i32, i32
      }
      %scan3A_88 = arith.constant 16 : i32
      %sub3A_89 = arith.subi %sub3A_59, %scan3A_87#2 : i32
      %mul3A_90 = arith.constant 256 : i32
      %mul3A_91 = arith.muli %add3A_62, %mul3A_90 : i32
      %add3A_92 = arith.addi %mul3A_91, %scan3A_87#1 : i32
      %broadcast_in_dim3A_93 = arith.constant 0 : i32
      %broadcast_in_dim3A_94 = vector.broadcast %broadcast_in_dim3A_93 : i32 to vector<16xi32>
      %scan3A_95 = arith.constant 0 : i32
      %scan3A_96 = arith.constant 0 : i32
      %scan3A_97 = arith.constant 256 : i32
      %scan3A_98 = arith.addi %scan3A_96, %scan3A_97 : i32
      %scan3A_99 = arith.constant 1 : i32
      %scan3A_100 = scf.for %scan3A_499 = %scan3A_96 to %scan3A_98 step %scan3A_99 iter_args(%scan3A_500 = %scan3A_95) -> (i32)  : i32 {
        %mul3A_501 = arith.constant 16 : i32
        %mul3A_502 = arith.muli %scan3A_499, %mul3A_501 : i32
        %swap3A = arith.index_cast %mul3A_502 : i32 to index
        %swap3A_503 = tpu.vector_load %arg6[%swap3A] {strides = array<i32>} : memref<4096xi32, #tpu.memory_space<vmem>>, vector<16xi32>,
        tpu.vector_store %arg6[%swap3A], %broadcast_in_dim3A_94 {strides = array<i32>} : memref<4096xi32, #tpu.memory_space<vmem>>, vector<16xi32>,
        %scan3A_504 = arith.constant 0 : i32
        scf.yield %scan3A_504 : i32
      }
      %scan3A_101 = arith.constant 256 : i32
      %scan3A_102 = arith.constant 0 : i32
      %scan3A_103 = arith.constant 0 : i32
      %scan3A_104 = arith.constant 3125 : i32
      %scan3A_105 = arith.addi %scan3A_103, %scan3A_104 : i32
      %scan3A_106 = arith.constant 1 : i32
      %scan3A_107 = scf.for %scan3A_499 = %scan3A_103 to %scan3A_105 step %scan3A_106 iter_args(%scan3A_500 = %scan3A_102) -> (i32)  : i32 {
        %mul3A_501 = arith.constant 16 : i32
        %mul3A_502 = arith.muli %scan3A_499, %mul3A_501 : i32
        %get3A = arith.index_cast %mul3A_502 : i32 to index
        %get3A_503 = tpu.vector_load %arg5[%get3A] {strides = array<i32>} : memref<50000xi32, #tpu.memory_space<vmem>>, vector<16xi32>,
        %bitcast3A = vector.bitcast %get3A_503 : vector<16xi32> to vector<16xi32>
        %shift_right_logical3A = arith.constant 0 : i32
        %shift_right_logical3A_504 = vector.broadcast %shift_right_logical3A : i32 to vector<16xi32>
        %shift_right_logical3A_505 = arith.shrui %bitcast3A, %shift_right_logical3A_504 : vector<16xi32>
        %and3A = arith.constant 255 : i32
        %and3A_506 = vector.broadcast %and3A : i32 to vector<16xi32>
        %and3A_507 = arith.andi %shift_right_logical3A_505, %and3A_506 : vector<16xi32>
        %bitcast3A_508 = vector.bitcast %and3A_507 : vector<16xi32> to vector<16xi32>
        %mul3A_509 = arith.constant 16 : i32
        %mul3A_510 = vector.broadcast %mul3A_509 : i32 to vector<16xi32>
        %mul3A_511 = arith.muli %bitcast3A_508, %mul3A_510 : vector<16xi32>
        %add3A_512 = arith.addi %mul3A_511, %iota3A : vector<16xi32>
        %shift_right_logical3A_513 = arith.constant 8 : i32
        %shift_right_logical3A_514 = vector.broadcast %shift_right_logical3A_513 : i32 to vector<16xi32>
        %shift_right_logical3A_515 = arith.shrui %bitcast3A, %shift_right_logical3A_514 : vector<16xi32>
        %eq3A = vector.broadcast %add3A_92 : i32 to vector<16xi32>
        %eq3A_516 = arith.cmpi eq, %shift_right_logical3A_515, %eq3A : vector<16xi32>
        tpu.vector_store_idx %arg6[%add3A_512], %broadcast_in_dim3A_2 masked %eq3A_516 {add = true} : memref<4096xi32, #tpu.memory_space<vmem>>[vector<16xi32>], vector<16xi32>, vector<16xi1>
        %scan3A_517 = arith.constant 0 : i32
        scf.yield %scan3A_517 : i32
      }
      %scan3A_108 = arith.constant 3125 : i32
      %scan3A_109 = arith.constant 0 : i32
      %scan3A_110 = arith.constant 0 : i32
      %scan3A_111 = arith.constant 0 : i32
      %scan3A_112 = arith.constant 0 : i32
      %scan3A_113 = arith.constant 0 : i32
      %scan3A_114 = arith.constant 16 : i32
      %scan3A_115 = arith.addi %scan3A_113, %scan3A_114 : i32
      %scan3A_116 = arith.constant 1 : i32
      %scan3A_117:4 = scf.for %scan3A_499 = %scan3A_113 to %scan3A_115 step %scan3A_116 iter_args(%scan3A_500 = %scan3A_109, %scan3A_501 = %scan3A_110, %scan3A_502 = %scan3A_111, %scan3A_503 = %scan3A_112) -> (i32, i32, i32, i32)  : i32 {
        %mul3A_504 = arith.constant 16 : i32
        %mul3A_505 = arith.muli %scan3A_499, %mul3A_504 : i32
        %add3A_506 = vector.broadcast %mul3A_505 : i32 to vector<16xi32>
        %add3A_507 = arith.addi %add3A_506, %iota3A : vector<16xi32>
        %mul3A_508 = arith.constant 16 : i32
        %mul3A_509 = vector.broadcast %mul3A_508 : i32 to vector<16xi32>
        %mul3A_510 = arith.muli %add3A_507, %mul3A_509 : vector<16xi32>
        %broadcast_in_dim3A_511 = arith.constant 0 : i32
        %broadcast_in_dim3A_512 = vector.broadcast %broadcast_in_dim3A_511 : i32 to vector<16xi32>
        %add3A_513 = arith.constant 0 : i32
        %add3A_514 = vector.broadcast %add3A_513 : i32 to vector<16xi32>
        %add3A_515 = arith.addi %mul3A_510, %add3A_514 : vector<16xi32>
        %gather3A = tpu.vector_load_idx %arg6[%add3A_515] : memref<4096xi32, #tpu.memory_space<vmem>>[vector<16xi32>], vector<16xi32>,
        %add3A_516 = arith.addi %broadcast_in_dim3A_512, %gather3A : vector<16xi32>
        %add3A_517 = arith.constant 1 : i32
        %add3A_518 = vector.broadcast %add3A_517 : i32 to vector<16xi32>
        %add3A_519 = arith.addi %mul3A_510, %add3A_518 : vector<16xi32>
        %gather3A_520 = tpu.vector_load_idx %arg6[%add3A_519] : memref<4096xi32, #tpu.memory_space<vmem>>[vector<16xi32>], vector<16xi32>,
        %add3A_521 = arith.addi %add3A_516, %gather3A_520 : vector<16xi32>
        %add3A_522 = arith.constant 2 : i32
        %add3A_523 = vector.broadcast %add3A_522 : i32 to vector<16xi32>
        %add3A_524 = arith.addi %mul3A_510, %add3A_523 : vector<16xi32>
        %gather3A_525 = tpu.vector_load_idx %arg6[%add3A_524] : memref<4096xi32, #tpu.memory_space<vmem>>[vector<16xi32>], vector<16xi32>,
        %add3A_526 = arith.addi %add3A_521, %gather3A_525 : vector<16xi32>
        %add3A_527 = arith.constant 3 : i32
        %add3A_528 = vector.broadcast %add3A_527 : i32 to vector<16xi32>
        %add3A_529 = arith.addi %mul3A_510, %add3A_528 : vector<16xi32>
        %gather3A_530 = tpu.vector_load_idx %arg6[%add3A_529] : memref<4096xi32, #tpu.memory_space<vmem>>[vector<16xi32>], vector<16xi32>,
        %add3A_531 = arith.addi %add3A_526, %gather3A_530 : vector<16xi32>
        %add3A_532 = arith.constant 4 : i32
        %add3A_533 = vector.broadcast %add3A_532 : i32 to vector<16xi32>
        %add3A_534 = arith.addi %mul3A_510, %add3A_533 : vector<16xi32>
        %gather3A_535 = tpu.vector_load_idx %arg6[%add3A_534] : memref<4096xi32, #tpu.memory_space<vmem>>[vector<16xi32>], vector<16xi32>,
        %add3A_536 = arith.addi %add3A_531, %gather3A_535 : vector<16xi32>
        %add3A_537 = arith.constant 5 : i32
        %add3A_538 = vector.broadcast %add3A_537 : i32 to vector<16xi32>
        %add3A_539 = arith.addi %mul3A_510, %add3A_538 : vector<16xi32>
        %gather3A_540 = tpu.vector_load_idx %arg6[%add3A_539] : memref<4096xi32, #tpu.memory_space<vmem>>[vector<16xi32>], vector<16xi32>,
        %add3A_541 = arith.addi %add3A_536, %gather3A_540 : vector<16xi32>
        %add3A_542 = arith.constant 6 : i32
        %add3A_543 = vector.broadcast %add3A_542 : i32 to vector<16xi32>
        %add3A_544 = arith.addi %mul3A_510, %add3A_543 : vector<16xi32>
        %gather3A_545 = tpu.vector_load_idx %arg6[%add3A_544] : memref<4096xi32, #tpu.memory_space<vmem>>[vector<16xi32>], vector<16xi32>,
        %add3A_546 = arith.addi %add3A_541, %gather3A_545 : vector<16xi32>
        %add3A_547 = arith.constant 7 : i32
        %add3A_548 = vector.broadcast %add3A_547 : i32 to vector<16xi32>
        %add3A_549 = arith.addi %mul3A_510, %add3A_548 : vector<16xi32>
        %gather3A_550 = tpu.vector_load_idx %arg6[%add3A_549] : memref<4096xi32, #tpu.memory_space<vmem>>[vector<16xi32>], vector<16xi32>,
        %add3A_551 = arith.addi %add3A_546, %gather3A_550 : vector<16xi32>
        %add3A_552 = arith.constant 8 : i32
        %add3A_553 = vector.broadcast %add3A_552 : i32 to vector<16xi32>
        %add3A_554 = arith.addi %mul3A_510, %add3A_553 : vector<16xi32>
        %gather3A_555 = tpu.vector_load_idx %arg6[%add3A_554] : memref<4096xi32, #tpu.memory_space<vmem>>[vector<16xi32>], vector<16xi32>,
        %add3A_556 = arith.addi %add3A_551, %gather3A_555 : vector<16xi32>
        %add3A_557 = arith.constant 9 : i32
        %add3A_558 = vector.broadcast %add3A_557 : i32 to vector<16xi32>
        %add3A_559 = arith.addi %mul3A_510, %add3A_558 : vector<16xi32>
        %gather3A_560 = tpu.vector_load_idx %arg6[%add3A_559] : memref<4096xi32, #tpu.memory_space<vmem>>[vector<16xi32>], vector<16xi32>,
        %add3A_561 = arith.addi %add3A_556, %gather3A_560 : vector<16xi32>
        %add3A_562 = arith.constant 10 : i32
        %add3A_563 = vector.broadcast %add3A_562 : i32 to vector<16xi32>
        %add3A_564 = arith.addi %mul3A_510, %add3A_563 : vector<16xi32>
        %gather3A_565 = tpu.vector_load_idx %arg6[%add3A_564] : memref<4096xi32, #tpu.memory_space<vmem>>[vector<16xi32>], vector<16xi32>,
        %add3A_566 = arith.addi %add3A_561, %gather3A_565 : vector<16xi32>
        %add3A_567 = arith.constant 11 : i32
        %add3A_568 = vector.broadcast %add3A_567 : i32 to vector<16xi32>
        %add3A_569 = arith.addi %mul3A_510, %add3A_568 : vector<16xi32>
        %gather3A_570 = tpu.vector_load_idx %arg6[%add3A_569] : memref<4096xi32, #tpu.memory_space<vmem>>[vector<16xi32>], vector<16xi32>,
        %add3A_571 = arith.addi %add3A_566, %gather3A_570 : vector<16xi32>
        %add3A_572 = arith.constant 12 : i32
        %add3A_573 = vector.broadcast %add3A_572 : i32 to vector<16xi32>
        %add3A_574 = arith.addi %mul3A_510, %add3A_573 : vector<16xi32>
        %gather3A_575 = tpu.vector_load_idx %arg6[%add3A_574] : memref<4096xi32, #tpu.memory_space<vmem>>[vector<16xi32>], vector<16xi32>,
        %add3A_576 = arith.addi %add3A_571, %gather3A_575 : vector<16xi32>
        %add3A_577 = arith.constant 13 : i32
        %add3A_578 = vector.broadcast %add3A_577 : i32 to vector<16xi32>
        %add3A_579 = arith.addi %mul3A_510, %add3A_578 : vector<16xi32>
        %gather3A_580 = tpu.vector_load_idx %arg6[%add3A_579] : memref<4096xi32, #tpu.memory_space<vmem>>[vector<16xi32>], vector<16xi32>,
        %add3A_581 = arith.addi %add3A_576, %gather3A_580 : vector<16xi32>
        %add3A_582 = arith.constant 14 : i32
        %add3A_583 = vector.broadcast %add3A_582 : i32 to vector<16xi32>
        %add3A_584 = arith.addi %mul3A_510, %add3A_583 : vector<16xi32>
        %gather3A_585 = tpu.vector_load_idx %arg6[%add3A_584] : memref<4096xi32, #tpu.memory_space<vmem>>[vector<16xi32>], vector<16xi32>,
        %add3A_586 = arith.addi %add3A_581, %gather3A_585 : vector<16xi32>
        %add3A_587 = arith.constant 15 : i32
        %add3A_588 = vector.broadcast %add3A_587 : i32 to vector<16xi32>
        %add3A_589 = arith.addi %mul3A_510, %add3A_588 : vector<16xi32>
        %gather3A_590 = tpu.vector_load_idx %arg6[%add3A_589] : memref<4096xi32, #tpu.memory_space<vmem>>[vector<16xi32>], vector<16xi32>,
        %add3A_591 = arith.addi %add3A_586, %gather3A_590 : vector<16xi32>
        %broadcast_in_dim3A_592 = arith.constant true
        %broadcast_in_dim3A_593 = vector.broadcast %broadcast_in_dim3A_592 : i1 to vector<16xi1>
        %masked_cumsum3A = tpu.scan <sum>, %add3A_591 masked %broadcast_in_dim3A_593 : vector<16xi32>, vector<16xi1> -> vector<16xi32>
        %sub3A_594 = arith.subi %masked_cumsum3A, %add3A_591 : vector<16xi32>
        %add3A_595 = vector.broadcast %scan3A_500 : i32 to vector<16xi32>
        %add3A_596 = arith.addi %add3A_595, %masked_cumsum3A : vector<16xi32>
        %ge3A = vector.broadcast %sub3A_89 : i32 to vector<16xi32>
        %ge3A_597 = arith.cmpi sge, %add3A_596, %ge3A : vector<16xi32>
        %all_reduce_population_count3A = tpu.all_reduce %ge3A_597 {dim = 0 : i64, kind = #tpu.reduction_kind<sum>} : vector<16xi1> -> vector<16xi32>
        %slice3A = vector.extract_strided_slice %all_reduce_population_count3A {offsets = [0], sizes = [1], strides = [1]} : vector<16xi32> to vector<1xi32>
        %squeeze3A = vector.extract %slice3A[0] : i32 from vector<1xi32>
        %all_reduce_ffs3A = tpu.all_reduce %ge3A_597 {dim = 0 : i64, kind = #tpu.reduction_kind<find_first_set>} : vector<16xi1> -> vector<16xi32>
        %slice3A_598 = vector.extract_strided_slice %all_reduce_ffs3A {offsets = [0], sizes = [1], strides = [1]} : vector<16xi32> to vector<1xi32>
        %squeeze3A_599 = vector.extract %slice3A_598[0] : i32 from vector<1xi32>
        %eq3A = arith.constant 0 : i32
        %eq3A_600 = arith.cmpi eq, %scan3A_503, %eq3A : i32
        %gt3A = arith.constant 0 : i32
        %gt3A_601 = arith.cmpi sgt, %squeeze3A, %gt3A : i32
        %and3A = arith.andi %eq3A_600, %gt3A_601 : i1
        %mul3A_602 = arith.constant 16 : i32
        %mul3A_603 = arith.muli %scan3A_499, %mul3A_602 : i32
        %add3A_604 = arith.addi %mul3A_603, %squeeze3A_599 : i32
        %eq3A_605 = vector.broadcast %squeeze3A_599 : i32 to vector<16xi32>
        %eq3A_606 = arith.cmpi eq, %iota3A, %eq3A_605 : vector<16xi32>
        %jit3A = arith.constant 0 : i32
        %broadcast_in_dim3A_607 = vector.broadcast %jit3A : i32 to vector<16xi32>
        %select_n3A = arith.select %eq3A_606, %sub3A_594, %broadcast_in_dim3A_607 : vector<16xi1>, vector<16xi32>
        %reduce_sum3A = arith.constant true
        %reduce_sum3A_608 = vector.broadcast %reduce_sum3A : i1 to vector<16xi1>
        %reduce_sum3A_609 = tpu.scan <sum>, %select_n3A masked %reduce_sum3A_608 : vector<16xi32>, vector<16xi1> -> vector<16xi32>
        %reduce_sum3A_610 = vector.extract %reduce_sum3A_609[15] : i32 from vector<16xi32>
        %add3A_611 = arith.addi %scan3A_500, %reduce_sum3A_610 : i32
        %select_n3A_612 = arith.select %and3A, %add3A_604, %scan3A_501 : i32
        %select_n3A_613 = arith.select %and3A, %add3A_611, %scan3A_502 : i32
        %reduce_sum3A_614 = arith.constant true
        %reduce_sum3A_615 = vector.broadcast %reduce_sum3A_614 : i1 to vector<16xi1>
        %reduce_sum3A_616 = tpu.scan <sum>, %add3A_591 masked %reduce_sum3A_615 : vector<16xi32>, vector<16xi1> -> vector<16xi32>
        %reduce_sum3A_617 = vector.extract %reduce_sum3A_616[15] : i32 from vector<16xi32>
        %add3A_618 = arith.addi %scan3A_500, %reduce_sum3A_617 : i32
        %gt3A_619 = arith.constant 0 : i32
        %gt3A_620 = arith.cmpi sgt, %squeeze3A, %gt3A_619 : i32
        %jit3A_621 = arith.constant 1 : i32
        %select_n3A_622 = arith.select %gt3A_620, %jit3A_621, %scan3A_503 : i32
        scf.yield %add3A_618, %select_n3A_612, %select_n3A_613, %select_n3A_622 : i32, i32, i32, i32
      }
      %scan3A_118 = arith.constant 16 : i32
      %add3A_119 = arith.addi %scan3A_30#2, %scan3A_57#2 : i32
      %add3A_120 = arith.addi %add3A_119, %scan3A_87#2 : i32
      %add3A_121 = arith.addi %add3A_120, %scan3A_117#2 : i32
      %mul3A_122 = arith.constant 256 : i32
      %mul3A_123 = arith.muli %add3A_92, %mul3A_122 : i32
      %or3A = arith.ori %mul3A_123, %scan3A_117#1 : i32
      %scan3A_124 = arith.constant 0 : i32
      %scan3A_125 = arith.constant 0 : i32
      %scan3A_126 = arith.constant 3125 : i32
      %scan3A_127 = arith.addi %scan3A_125, %scan3A_126 : i32
      %scan3A_128 = arith.constant 1 : i32
      %scan3A_129:2 = scf.for %scan3A_499 = %scan3A_125 to %scan3A_127 step %scan3A_128 iter_args(%scan3A_500 = %scan3A_124, %scan3A_501 = %add3A_121) -> (i32, i32)  : i32 {
        %mul3A_502 = arith.constant 16 : i32
        %mul3A_503 = arith.muli %scan3A_499, %mul3A_502 : i32
        %get3A = arith.index_cast %mul3A_503 : i32 to index
        %get3A_504 = tpu.vector_load %arg5[%get3A] {strides = array<i32>} : memref<50000xi32, #tpu.memory_space<vmem>>, vector<16xi32>,
        %bitcast3A = vector.bitcast %get3A_504 : vector<16xi32> to vector<16xi32>
        %mul3A_505 = arith.constant 16 : i32
        %mul3A_506 = arith.muli %scan3A_499, %mul3A_505 : i32
        %add3A_507 = vector.broadcast %mul3A_506 : i32 to vector<16xi32>
        %add3A_508 = arith.addi %iota3A, %add3A_507 : vector<16xi32>
        %lt3A_509 = vector.broadcast %or3A : i32 to vector<16xi32>
        %lt3A_510 = arith.cmpi ult, %bitcast3A, %lt3A_509 : vector<16xi32>
        %swap3A = arith.index_cast %scan3A_500 : i32 to index
        %swap3A_511 = tpu.vector_load %arg8[%swap3A] masked %lt3A_510 {strides = array<i32>} : memref<2048xi32, #tpu.memory_space<vmem>>, vector<16xi32>, vector<16xi1>
        tpu.vector_store %arg8[%swap3A], %get3A_504 masked %lt3A_510 {strides = array<i32>} : memref<2048xi32, #tpu.memory_space<vmem>>, vector<16xi32>, vector<16xi1>
        %swap3A_512 = arith.index_cast %scan3A_500 : i32 to index
        %swap3A_513 = tpu.vector_load %arg9[%swap3A_512] masked %lt3A_510 {strides = array<i32>} : memref<2048xi32, #tpu.memory_space<vmem>>, vector<16xi32>, vector<16xi1>
        tpu.vector_store %arg9[%swap3A_512], %add3A_508 masked %lt3A_510 {strides = array<i32>} : memref<2048xi32, #tpu.memory_space<vmem>>, vector<16xi32>, vector<16xi1>
        %all_reduce_population_count3A = tpu.all_reduce %lt3A_510 {dim = 0 : i64, kind = #tpu.reduction_kind<sum>} : vector<16xi1> -> vector<16xi32>
        %slice3A = vector.extract_strided_slice %all_reduce_population_count3A {offsets = [0], sizes = [1], strides = [1]} : vector<16xi32> to vector<1xi32>
        %squeeze3A = vector.extract %slice3A[0] : i32 from vector<1xi32>
        %add3A_514 = arith.addi %scan3A_500, %squeeze3A : i32
        %eq3A = vector.broadcast %or3A : i32 to vector<16xi32>
        %eq3A_515 = arith.cmpi eq, %bitcast3A, %eq3A : vector<16xi32>
        %masked_cumsum3A = tpu.scan <sum>, %broadcast_in_dim3A_2 masked %eq3A_515 : vector<16xi32>, vector<16xi1> -> vector<16xi32>
        %add3A_516 = vector.broadcast %scan3A_501 : i32 to vector<16xi32>
        %add3A_517 = arith.addi %add3A_516, %masked_cumsum3A : vector<16xi32>
        %sub3A_518 = arith.constant 1 : i32
        %sub3A_519 = vector.broadcast %sub3A_518 : i32 to vector<16xi32>
        %sub3A_520 = arith.subi %add3A_517, %sub3A_519 : vector<16xi32>
        %lt3A_521 = arith.constant 2000 : i32
        %lt3A_522 = vector.broadcast %lt3A_521 : i32 to vector<16xi32>
        %lt3A_523 = arith.cmpi slt, %sub3A_520, %lt3A_522 : vector<16xi32>
        %and3A = arith.andi %eq3A_515, %lt3A_523 : vector<16xi1>
        %swap3A_524 = arith.index_cast %scan3A_501 : i32 to index
        %swap3A_525 = tpu.vector_load %arg8[%swap3A_524] masked %and3A {strides = array<i32>} : memref<2048xi32, #tpu.memory_space<vmem>>, vector<16xi32>, vector<16xi1>
        tpu.vector_store %arg8[%swap3A_524], %get3A_504 masked %and3A {strides = array<i32>} : memref<2048xi32, #tpu.memory_space<vmem>>, vector<16xi32>, vector<16xi1>
        %swap3A_526 = arith.index_cast %scan3A_501 : i32 to index
        %swap3A_527 = tpu.vector_load %arg9[%swap3A_526] masked %and3A {strides = array<i32>} : memref<2048xi32, #tpu.memory_space<vmem>>, vector<16xi32>, vector<16xi1>
        tpu.vector_store %arg9[%swap3A_526], %add3A_508 masked %and3A {strides = array<i32>} : memref<2048xi32, #tpu.memory_space<vmem>>, vector<16xi32>, vector<16xi1>
        %all_reduce_population_count3A_528 = tpu.all_reduce %and3A {dim = 0 : i64, kind = #tpu.reduction_kind<sum>} : vector<16xi1> -> vector<16xi32>
        %slice3A_529 = vector.extract_strided_slice %all_reduce_population_count3A_528 {offsets = [0], sizes = [1], strides = [1]} : vector<16xi32> to vector<1xi32>
        %squeeze3A_530 = vector.extract %slice3A_529[0] : i32 from vector<1xi32>
        %add3A_531 = arith.addi %scan3A_501, %squeeze3A_530 : i32
        scf.yield %add3A_514, %add3A_531 : i32, i32
      }
      %scan3A_130 = arith.constant 3125 : i32
      %mul3A_131 = arith.constant 125 : i32
      %mul3A_132 = vector.broadcast %mul3A_131 : i32 to vector<16xi32>
      %mul3A_133 = arith.muli %iota3A, %mul3A_132 : vector<16xi32>
      %broadcast_in_dim3A_134 = arith.constant 0 : i32
      %broadcast_in_dim3A_135 = vector.broadcast %broadcast_in_dim3A_134 : i32 to vector<16xi32>
      %scan3A_136 = arith.constant 0 : i32
      %scan3A_137 = arith.constant 0 : i32
      %scan3A_138 = arith.constant 256 : i32
      %scan3A_139 = arith.addi %scan3A_137, %scan3A_138 : i32
      %scan3A_140 = arith.constant 1 : i32
      %scan3A_141 = scf.for %scan3A_499 = %scan3A_137 to %scan3A_139 step %scan3A_140 iter_args(%scan3A_500 = %scan3A_136) -> (i32)  : i32 {
        %mul3A_501 = arith.constant 16 : i32
        %mul3A_502 = arith.muli %scan3A_499, %mul3A_501 : i32
        %swap3A = arith.index_cast %mul3A_502 : i32 to index
        %swap3A_503 = tpu.vector_load %arg6[%swap3A] {strides = array<i32>} : memref<4096xi32, #tpu.memory_space<vmem>>, vector<16xi32>,
        tpu.vector_store %arg6[%swap3A], %broadcast_in_dim3A_135 {strides = array<i32>} : memref<4096xi32, #tpu.memory_space<vmem>>, vector<16xi32>,
        %scan3A_504 = arith.constant 0 : i32
        scf.yield %scan3A_504 : i32
      }
      %scan3A_142 = arith.constant 256 : i32
      %scan3A_143 = arith.constant 0 : i32
      %scan3A_144 = arith.constant 0 : i32
      %scan3A_145 = arith.constant 0 : i32
      %scan3A_146 = arith.constant 125 : i32
      %scan3A_147 = arith.addi %scan3A_145, %scan3A_146 : i32
      %scan3A_148 = arith.constant 1 : i32
      %scan3A_149 = scf.for %scan3A_499 = %scan3A_145 to %scan3A_147 step %scan3A_148 iter_args(%scan3A_500 = %scan3A_144) -> (i32)  : i32 {
        %add3A_501 = vector.broadcast %scan3A_499 : i32 to vector<16xi32>
        %add3A_502 = arith.addi %mul3A_133, %add3A_501 : vector<16xi32>
        %gather3A = tpu.vector_load_idx %arg8[%add3A_502] : memref<2048xi32, #tpu.memory_space<vmem>>[vector<16xi32>], vector<16xi32>,
        %bitcast3A = vector.bitcast %gather3A : vector<16xi32> to vector<16xi32>
        %shift_right_logical3A = vector.broadcast %scan3A_143 : i32 to vector<16xi32>
        %shift_right_logical3A_503 = arith.shrui %bitcast3A, %shift_right_logical3A : vector<16xi32>
        %and3A = arith.constant 255 : i32
        %and3A_504 = vector.broadcast %and3A : i32 to vector<16xi32>
        %and3A_505 = arith.andi %shift_right_logical3A_503, %and3A_504 : vector<16xi32>
        %bitcast3A_506 = vector.bitcast %and3A_505 : vector<16xi32> to vector<16xi32>
        %mul3A_507 = arith.constant 16 : i32
        %mul3A_508 = vector.broadcast %mul3A_507 : i32 to vector<16xi32>
        %mul3A_509 = arith.muli %bitcast3A_506, %mul3A_508 : vector<16xi32>
        %add3A_510 = arith.addi %mul3A_509, %iota3A : vector<16xi32>
        tpu.vector_store_idx %arg6[%add3A_510], %broadcast_in_dim3A_2 {add = true} : memref<4096xi32, #tpu.memory_space<vmem>>[vector<16xi32>], vector<16xi32>,
        %scan3A_511 = arith.constant 0 : i32
        scf.yield %scan3A_511 : i32
      }
      %scan3A_150 = arith.constant 125 : i32
      %scan3A_151 = arith.constant 0 : i32
      %scan3A_152 = arith.constant 0 : i32
      %scan3A_153 = arith.constant 256 : i32
      %scan3A_154 = arith.addi %scan3A_152, %scan3A_153 : i32
      %scan3A_155 = arith.constant 1 : i32
      %scan3A_156 = scf.for %scan3A_499 = %scan3A_152 to %scan3A_154 step %scan3A_155 iter_args(%scan3A_500 = %scan3A_151) -> (i32)  : i32 {
        %mul3A_501 = arith.constant 16 : i32
        %mul3A_502 = arith.muli %scan3A_499, %mul3A_501 : i32
        %get3A = arith.index_cast %mul3A_502 : i32 to index
        %get3A_503 = tpu.vector_load %arg6[%get3A] {strides = array<i32>} : memref<4096xi32, #tpu.memory_space<vmem>>, vector<16xi32>,
        %broadcast_in_dim3A_504 = arith.constant true
        %broadcast_in_dim3A_505 = vector.broadcast %broadcast_in_dim3A_504 : i1 to vector<16xi1>
        %masked_cumsum3A = tpu.scan <sum>, %get3A_503 masked %broadcast_in_dim3A_505 : vector<16xi32>, vector<16xi1> -> vector<16xi32>
        %add3A_506 = vector.broadcast %scan3A_500 : i32 to vector<16xi32>
        %add3A_507 = arith.addi %add3A_506, %masked_cumsum3A : vector<16xi32>
        %sub3A_508 = arith.subi %add3A_507, %get3A_503 : vector<16xi32>
        %mul3A_509 = arith.constant 16 : i32
        %mul3A_510 = arith.muli %scan3A_499, %mul3A_509 : i32
        %swap3A = arith.index_cast %mul3A_510 : i32 to index
        %swap3A_511 = tpu.vector_load %arg7[%swap3A] {strides = array<i32>} : memref<4096xi32, #tpu.memory_space<vmem>>, vector<16xi32>,
        tpu.vector_store %arg7[%swap3A], %sub3A_508 {strides = array<i32>} : memref<4096xi32, #tpu.memory_space<vmem>>, vector<16xi32>,
        %reduce_sum3A = arith.constant true
        %reduce_sum3A_512 = vector.broadcast %reduce_sum3A : i1 to vector<16xi1>
        %reduce_sum3A_513 = tpu.scan <sum>, %get3A_503 masked %reduce_sum3A_512 : vector<16xi32>, vector<16xi1> -> vector<16xi32>
        %reduce_sum3A_514 = vector.extract %reduce_sum3A_513[15] : i32 from vector<16xi32>
        %add3A_515 = arith.addi %scan3A_500, %reduce_sum3A_514 : i32
        scf.yield %add3A_515 : i32
      }
      %scan3A_157 = arith.constant 256 : i32
      %scan3A_158 = arith.constant 0 : i32
      %scan3A_159 = arith.constant 0 : i32
      %scan3A_160 = arith.constant 0 : i32
      %scan3A_161 = arith.constant 125 : i32
      %scan3A_162 = arith.addi %scan3A_160, %scan3A_161 : i32
      %scan3A_163 = arith.constant 1 : i32
      %scan3A_164 = scf.for %scan3A_499 = %scan3A_160 to %scan3A_162 step %scan3A_163 iter_args(%scan3A_500 = %scan3A_159) -> (i32)  : i32 {
        %add3A_501 = vector.broadcast %scan3A_499 : i32 to vector<16xi32>
        %add3A_502 = arith.addi %mul3A_133, %add3A_501 : vector<16xi32>
        %gather3A = tpu.vector_load_idx %arg8[%add3A_502] : memref<2048xi32, #tpu.memory_space<vmem>>[vector<16xi32>], vector<16xi32>,
        %gather3A_503 = tpu.vector_load_idx %arg9[%add3A_502] : memref<2048xi32, #tpu.memory_space<vmem>>[vector<16xi32>], vector<16xi32>,
        %bitcast3A = vector.bitcast %gather3A : vector<16xi32> to vector<16xi32>
        %shift_right_logical3A = vector.broadcast %scan3A_158 : i32 to vector<16xi32>
        %shift_right_logical3A_504 = arith.shrui %bitcast3A, %shift_right_logical3A : vector<16xi32>
        %and3A = arith.constant 255 : i32
        %and3A_505 = vector.broadcast %and3A : i32 to vector<16xi32>
        %and3A_506 = arith.andi %shift_right_logical3A_504, %and3A_505 : vector<16xi32>
        %bitcast3A_507 = vector.bitcast %and3A_506 : vector<16xi32> to vector<16xi32>
        %mul3A_508 = arith.constant 16 : i32
        %mul3A_509 = vector.broadcast %mul3A_508 : i32 to vector<16xi32>
        %mul3A_510 = arith.muli %bitcast3A_507, %mul3A_509 : vector<16xi32>
        %add3A_511 = arith.addi %mul3A_510, %iota3A : vector<16xi32>
        %gather3A_512 = tpu.vector_load_idx %arg7[%add3A_511] : memref<4096xi32, #tpu.memory_space<vmem>>[vector<16xi32>], vector<16xi32>,
        tpu.vector_store_idx %arg10[%gather3A_512], %gather3A : memref<2048xi32, #tpu.memory_space<vmem>>[vector<16xi32>], vector<16xi32>,
        tpu.vector_store_idx %arg11[%gather3A_512], %gather3A_503 : memref<2048xi32, #tpu.memory_space<vmem>>[vector<16xi32>], vector<16xi32>,
        %add3A_513 = arith.addi %gather3A_512, %broadcast_in_dim3A_2 : vector<16xi32>
        tpu.vector_store_idx %arg7[%add3A_511], %add3A_513 : memref<4096xi32, #tpu.memory_space<vmem>>[vector<16xi32>], vector<16xi32>,
        %scan3A_514 = arith.constant 0 : i32
        scf.yield %scan3A_514 : i32
      }
      %scan3A_165 = arith.constant 125 : i32
      %broadcast_in_dim3A_166 = arith.constant 0 : i32
      %broadcast_in_dim3A_167 = vector.broadcast %broadcast_in_dim3A_166 : i32 to vector<16xi32>
      %scan3A_168 = arith.constant 0 : i32
      %scan3A_169 = arith.constant 0 : i32
      %scan3A_170 = arith.constant 256 : i32
      %scan3A_171 = arith.addi %scan3A_169, %scan3A_170 : i32
      %scan3A_172 = arith.constant 1 : i32
      %scan3A_173 = scf.for %scan3A_499 = %scan3A_169 to %scan3A_171 step %scan3A_172 iter_args(%scan3A_500 = %scan3A_168) -> (i32)  : i32 {
        %mul3A_501 = arith.constant 16 : i32
        %mul3A_502 = arith.muli %scan3A_499, %mul3A_501 : i32
        %swap3A = arith.index_cast %mul3A_502 : i32 to index
        %swap3A_503 = tpu.vector_load %arg6[%swap3A] {strides = array<i32>} : memref<4096xi32, #tpu.memory_space<vmem>>, vector<16xi32>,
        tpu.vector_store %arg6[%swap3A], %broadcast_in_dim3A_167 {strides = array<i32>} : memref<4096xi32, #tpu.memory_space<vmem>>, vector<16xi32>,
        %scan3A_504 = arith.constant 0 : i32
        scf.yield %scan3A_504 : i32
      }
      %scan3A_174 = arith.constant 256 : i32
      %scan3A_175 = arith.constant 8 : i32
      %scan3A_176 = arith.constant 0 : i32
      %scan3A_177 = arith.constant 0 : i32
      %scan3A_178 = arith.constant 125 : i32
      %scan3A_179 = arith.addi %scan3A_177, %scan3A_178 : i32
      %scan3A_180 = arith.constant 1 : i32
      %scan3A_181 = scf.for %scan3A_499 = %scan3A_177 to %scan3A_179 step %scan3A_180 iter_args(%scan3A_500 = %scan3A_176) -> (i32)  : i32 {
        %add3A_501 = vector.broadcast %scan3A_499 : i32 to vector<16xi32>
        %add3A_502 = arith.addi %mul3A_133, %add3A_501 : vector<16xi32>
        %gather3A = tpu.vector_load_idx %arg10[%add3A_502] : memref<2048xi32, #tpu.memory_space<vmem>>[vector<16xi32>], vector<16xi32>,
        %bitcast3A = vector.bitcast %gather3A : vector<16xi32> to vector<16xi32>
        %shift_right_logical3A = vector.broadcast %scan3A_175 : i32 to vector<16xi32>
        %shift_right_logical3A_503 = arith.shrui %bitcast3A, %shift_right_logical3A : vector<16xi32>
        %and3A = arith.constant 255 : i32
        %and3A_504 = vector.broadcast %and3A : i32 to vector<16xi32>
        %and3A_505 = arith.andi %shift_right_logical3A_503, %and3A_504 : vector<16xi32>
        %bitcast3A_506 = vector.bitcast %and3A_505 : vector<16xi32> to vector<16xi32>
        %mul3A_507 = arith.constant 16 : i32
        %mul3A_508 = vector.broadcast %mul3A_507 : i32 to vector<16xi32>
        %mul3A_509 = arith.muli %bitcast3A_506, %mul3A_508 : vector<16xi32>
        %add3A_510 = arith.addi %mul3A_509, %iota3A : vector<16xi32>
        tpu.vector_store_idx %arg6[%add3A_510], %broadcast_in_dim3A_2 {add = true} : memref<4096xi32, #tpu.memory_space<vmem>>[vector<16xi32>], vector<16xi32>,
        %scan3A_511 = arith.constant 0 : i32
        scf.yield %scan3A_511 : i32
      }
      %scan3A_182 = arith.constant 125 : i32
      %scan3A_183 = arith.constant 0 : i32
      %scan3A_184 = arith.constant 0 : i32
      %scan3A_185 = arith.constant 256 : i32
      %scan3A_186 = arith.addi %scan3A_184, %scan3A_185 : i32
      %scan3A_187 = arith.constant 1 : i32
      %scan3A_188 = scf.for %scan3A_499 = %scan3A_184 to %scan3A_186 step %scan3A_187 iter_args(%scan3A_500 = %scan3A_183) -> (i32)  : i32 {
        %mul3A_501 = arith.constant 16 : i32
        %mul3A_502 = arith.muli %scan3A_499, %mul3A_501 : i32
        %get3A = arith.index_cast %mul3A_502 : i32 to index
        %get3A_503 = tpu.vector_load %arg6[%get3A] {strides = array<i32>} : memref<4096xi32, #tpu.memory_space<vmem>>, vector<16xi32>,
        %broadcast_in_dim3A_504 = arith.constant true
        %broadcast_in_dim3A_505 = vector.broadcast %broadcast_in_dim3A_504 : i1 to vector<16xi1>
        %masked_cumsum3A = tpu.scan <sum>, %get3A_503 masked %broadcast_in_dim3A_505 : vector<16xi32>, vector<16xi1> -> vector<16xi32>
        %add3A_506 = vector.broadcast %scan3A_500 : i32 to vector<16xi32>
        %add3A_507 = arith.addi %add3A_506, %masked_cumsum3A : vector<16xi32>
        %sub3A_508 = arith.subi %add3A_507, %get3A_503 : vector<16xi32>
        %mul3A_509 = arith.constant 16 : i32
        %mul3A_510 = arith.muli %scan3A_499, %mul3A_509 : i32
        %swap3A = arith.index_cast %mul3A_510 : i32 to index
        %swap3A_511 = tpu.vector_load %arg7[%swap3A] {strides = array<i32>} : memref<4096xi32, #tpu.memory_space<vmem>>, vector<16xi32>,
        tpu.vector_store %arg7[%swap3A], %sub3A_508 {strides = array<i32>} : memref<4096xi32, #tpu.memory_space<vmem>>, vector<16xi32>,
        %reduce_sum3A = arith.constant true
        %reduce_sum3A_512 = vector.broadcast %reduce_sum3A : i1 to vector<16xi1>
        %reduce_sum3A_513 = tpu.scan <sum>, %get3A_503 masked %reduce_sum3A_512 : vector<16xi32>, vector<16xi1> -> vector<16xi32>
        %reduce_sum3A_514 = vector.extract %reduce_sum3A_513[15] : i32 from vector<16xi32>
        %add3A_515 = arith.addi %scan3A_500, %reduce_sum3A_514 : i32
        scf.yield %add3A_515 : i32
      }
      %scan3A_189 = arith.constant 256 : i32
      %scan3A_190 = arith.constant 8 : i32
      %scan3A_191 = arith.constant 0 : i32
      %scan3A_192 = arith.constant 0 : i32
      %scan3A_193 = arith.constant 125 : i32
      %scan3A_194 = arith.addi %scan3A_192, %scan3A_193 : i32
      %scan3A_195 = arith.constant 1 : i32
      %scan3A_196 = scf.for %scan3A_499 = %scan3A_192 to %scan3A_194 step %scan3A_195 iter_args(%scan3A_500 = %scan3A_191) -> (i32)  : i32 {
        %add3A_501 = vector.broadcast %scan3A_499 : i32 to vector<16xi32>
        %add3A_502 = arith.addi %mul3A_133, %add3A_501 : vector<16xi32>
        %gather3A = tpu.vector_load_idx %arg10[%add3A_502] : memref<2048xi32, #tpu.memory_space<vmem>>[vector<16xi32>], vector<16xi32>,
        %gather3A_503 = tpu.vector_load_idx %arg11[%add3A_502] : memref<2048xi32, #tpu.memory_space<vmem>>[vector<16xi32>], vector<16xi32>,
        %bitcast3A = vector.bitcast %gather3A : vector<16xi32> to vector<16xi32>
        %shift_right_logical3A = vector.broadcast %scan3A_190 : i32 to vector<16xi32>
        %shift_right_logical3A_504 = arith.shrui %bitcast3A, %shift_right_logical3A : vector<16xi32>
        %and3A = arith.constant 255 : i32
        %and3A_505 = vector.broadcast %and3A : i32 to vector<16xi32>
        %and3A_506 = arith.andi %shift_right_logical3A_504, %and3A_505 : vector<16xi32>
        %bitcast3A_507 = vector.bitcast %and3A_506 : vector<16xi32> to vector<16xi32>
        %mul3A_508 = arith.constant 16 : i32
        %mul3A_509 = vector.broadcast %mul3A_508 : i32 to vector<16xi32>
        %mul3A_510 = arith.muli %bitcast3A_507, %mul3A_509 : vector<16xi32>
        %add3A_511 = arith.addi %mul3A_510, %iota3A : vector<16xi32>
        %gather3A_512 = tpu.vector_load_idx %arg7[%add3A_511] : memref<4096xi32, #tpu.memory_space<vmem>>[vector<16xi32>], vector<16xi32>,
        tpu.vector_store_idx %arg8[%gather3A_512], %gather3A : memref<2048xi32, #tpu.memory_space<vmem>>[vector<16xi32>], vector<16xi32>,
        tpu.vector_store_idx %arg9[%gather3A_512], %gather3A_503 : memref<2048xi32, #tpu.memory_space<vmem>>[vector<16xi32>], vector<16xi32>,
        %add3A_513 = arith.addi %gather3A_512, %broadcast_in_dim3A_2 : vector<16xi32>
        tpu.vector_store_idx %arg7[%add3A_511], %add3A_513 : memref<4096xi32, #tpu.memory_space<vmem>>[vector<16xi32>], vector<16xi32>,
        %scan3A_514 = arith.constant 0 : i32
        scf.yield %scan3A_514 : i32
      }
      %scan3A_197 = arith.constant 125 : i32
      %broadcast_in_dim3A_198 = arith.constant 0 : i32
      %broadcast_in_dim3A_199 = vector.broadcast %broadcast_in_dim3A_198 : i32 to vector<16xi32>
      %scan3A_200 = arith.constant 0 : i32
      %scan3A_201 = arith.constant 0 : i32
      %scan3A_202 = arith.constant 256 : i32
      %scan3A_203 = arith.addi %scan3A_201, %scan3A_202 : i32
      %scan3A_204 = arith.constant 1 : i32
      %scan3A_205 = scf.for %scan3A_499 = %scan3A_201 to %scan3A_203 step %scan3A_204 iter_args(%scan3A_500 = %scan3A_200) -> (i32)  : i32 {
        %mul3A_501 = arith.constant 16 : i32
        %mul3A_502 = arith.muli %scan3A_499, %mul3A_501 : i32
        %swap3A = arith.index_cast %mul3A_502 : i32 to index
        %swap3A_503 = tpu.vector_load %arg6[%swap3A] {strides = array<i32>} : memref<4096xi32, #tpu.memory_space<vmem>>, vector<16xi32>,
        tpu.vector_store %arg6[%swap3A], %broadcast_in_dim3A_199 {strides = array<i32>} : memref<4096xi32, #tpu.memory_space<vmem>>, vector<16xi32>,
        %scan3A_504 = arith.constant 0 : i32
        scf.yield %scan3A_504 : i32
      }
      %scan3A_206 = arith.constant 256 : i32
      %scan3A_207 = arith.constant 16 : i32
      %scan3A_208 = arith.constant 0 : i32
      %scan3A_209 = arith.constant 0 : i32
      %scan3A_210 = arith.constant 125 : i32
      %scan3A_211 = arith.addi %scan3A_209, %scan3A_210 : i32
      %scan3A_212 = arith.constant 1 : i32
      %scan3A_213 = scf.for %scan3A_499 = %scan3A_209 to %scan3A_211 step %scan3A_212 iter_args(%scan3A_500 = %scan3A_208) -> (i32)  : i32 {
        %add3A_501 = vector.broadcast %scan3A_499 : i32 to vector<16xi32>
        %add3A_502 = arith.addi %mul3A_133, %add3A_501 : vector<16xi32>
        %gather3A = tpu.vector_load_idx %arg8[%add3A_502] : memref<2048xi32, #tpu.memory_space<vmem>>[vector<16xi32>], vector<16xi32>,
        %bitcast3A = vector.bitcast %gather3A : vector<16xi32> to vector<16xi32>
        %shift_right_logical3A = vector.broadcast %scan3A_207 : i32 to vector<16xi32>
        %shift_right_logical3A_503 = arith.shrui %bitcast3A, %shift_right_logical3A : vector<16xi32>
        %and3A = arith.constant 255 : i32
        %and3A_504 = vector.broadcast %and3A : i32 to vector<16xi32>
        %and3A_505 = arith.andi %shift_right_logical3A_503, %and3A_504 : vector<16xi32>
        %bitcast3A_506 = vector.bitcast %and3A_505 : vector<16xi32> to vector<16xi32>
        %mul3A_507 = arith.constant 16 : i32
        %mul3A_508 = vector.broadcast %mul3A_507 : i32 to vector<16xi32>
        %mul3A_509 = arith.muli %bitcast3A_506, %mul3A_508 : vector<16xi32>
        %add3A_510 = arith.addi %mul3A_509, %iota3A : vector<16xi32>
        tpu.vector_store_idx %arg6[%add3A_510], %broadcast_in_dim3A_2 {add = true} : memref<4096xi32, #tpu.memory_space<vmem>>[vector<16xi32>], vector<16xi32>,
        %scan3A_511 = arith.constant 0 : i32
        scf.yield %scan3A_511 : i32
      }
      %scan3A_214 = arith.constant 125 : i32
      %scan3A_215 = arith.constant 0 : i32
      %scan3A_216 = arith.constant 0 : i32
      %scan3A_217 = arith.constant 256 : i32
      %scan3A_218 = arith.addi %scan3A_216, %scan3A_217 : i32
      %scan3A_219 = arith.constant 1 : i32
      %scan3A_220 = scf.for %scan3A_499 = %scan3A_216 to %scan3A_218 step %scan3A_219 iter_args(%scan3A_500 = %scan3A_215) -> (i32)  : i32 {
        %mul3A_501 = arith.constant 16 : i32
        %mul3A_502 = arith.muli %scan3A_499, %mul3A_501 : i32
        %get3A = arith.index_cast %mul3A_502 : i32 to index
        %get3A_503 = tpu.vector_load %arg6[%get3A] {strides = array<i32>} : memref<4096xi32, #tpu.memory_space<vmem>>, vector<16xi32>,
        %broadcast_in_dim3A_504 = arith.constant true
        %broadcast_in_dim3A_505 = vector.broadcast %broadcast_in_dim3A_504 : i1 to vector<16xi1>
        %masked_cumsum3A = tpu.scan <sum>, %get3A_503 masked %broadcast_in_dim3A_505 : vector<16xi32>, vector<16xi1> -> vector<16xi32>
        %add3A_506 = vector.broadcast %scan3A_500 : i32 to vector<16xi32>
        %add3A_507 = arith.addi %add3A_506, %masked_cumsum3A : vector<16xi32>
        %sub3A_508 = arith.subi %add3A_507, %get3A_503 : vector<16xi32>
        %mul3A_509 = arith.constant 16 : i32
        %mul3A_510 = arith.muli %scan3A_499, %mul3A_509 : i32
        %swap3A = arith.index_cast %mul3A_510 : i32 to index
        %swap3A_511 = tpu.vector_load %arg7[%swap3A] {strides = array<i32>} : memref<4096xi32, #tpu.memory_space<vmem>>, vector<16xi32>,
        tpu.vector_store %arg7[%swap3A], %sub3A_508 {strides = array<i32>} : memref<4096xi32, #tpu.memory_space<vmem>>, vector<16xi32>,
        %reduce_sum3A = arith.constant true
        %reduce_sum3A_512 = vector.broadcast %reduce_sum3A : i1 to vector<16xi1>
        %reduce_sum3A_513 = tpu.scan <sum>, %get3A_503 masked %reduce_sum3A_512 : vector<16xi32>, vector<16xi1> -> vector<16xi32>
        %reduce_sum3A_514 = vector.extract %reduce_sum3A_513[15] : i32 from vector<16xi32>
        %add3A_515 = arith.addi %scan3A_500, %reduce_sum3A_514 : i32
        scf.yield %add3A_515 : i32
      }
      %scan3A_221 = arith.constant 256 : i32
      %scan3A_222 = arith.constant 16 : i32
      %scan3A_223 = arith.constant 0 : i32
      %scan3A_224 = arith.constant 0 : i32
      %scan3A_225 = arith.constant 125 : i32
      %scan3A_226 = arith.addi %scan3A_224, %scan3A_225 : i32
      %scan3A_227 = arith.constant 1 : i32
      %scan3A_228 = scf.for %scan3A_499 = %scan3A_224 to %scan3A_226 step %scan3A_227 iter_args(%scan3A_500 = %scan3A_223) -> (i32)  : i32 {
        %add3A_501 = vector.broadcast %scan3A_499 : i32 to vector<16xi32>
        %add3A_502 = arith.addi %mul3A_133, %add3A_501 : vector<16xi32>
        %gather3A = tpu.vector_load_idx %arg8[%add3A_502] : memref<2048xi32, #tpu.memory_space<vmem>>[vector<16xi32>], vector<16xi32>,
        %gather3A_503 = tpu.vector_load_idx %arg9[%add3A_502] : memref<2048xi32, #tpu.memory_space<vmem>>[vector<16xi32>], vector<16xi32>,
        %bitcast3A = vector.bitcast %gather3A : vector<16xi32> to vector<16xi32>
        %shift_right_logical3A = vector.broadcast %scan3A_222 : i32 to vector<16xi32>
        %shift_right_logical3A_504 = arith.shrui %bitcast3A, %shift_right_logical3A : vector<16xi32>
        %and3A = arith.constant 255 : i32
        %and3A_505 = vector.broadcast %and3A : i32 to vector<16xi32>
        %and3A_506 = arith.andi %shift_right_logical3A_504, %and3A_505 : vector<16xi32>
        %bitcast3A_507 = vector.bitcast %and3A_506 : vector<16xi32> to vector<16xi32>
        %mul3A_508 = arith.constant 16 : i32
        %mul3A_509 = vector.broadcast %mul3A_508 : i32 to vector<16xi32>
        %mul3A_510 = arith.muli %bitcast3A_507, %mul3A_509 : vector<16xi32>
        %add3A_511 = arith.addi %mul3A_510, %iota3A : vector<16xi32>
        %gather3A_512 = tpu.vector_load_idx %arg7[%add3A_511] : memref<4096xi32, #tpu.memory_space<vmem>>[vector<16xi32>], vector<16xi32>,
        tpu.vector_store_idx %arg10[%gather3A_512], %gather3A : memref<2048xi32, #tpu.memory_space<vmem>>[vector<16xi32>], vector<16xi32>,
        tpu.vector_store_idx %arg11[%gather3A_512], %gather3A_503 : memref<2048xi32, #tpu.memory_space<vmem>>[vector<16xi32>], vector<16xi32>,
        %add3A_513 = arith.addi %gather3A_512, %broadcast_in_dim3A_2 : vector<16xi32>
        tpu.vector_store_idx %arg7[%add3A_511], %add3A_513 : memref<4096xi32, #tpu.memory_space<vmem>>[vector<16xi32>], vector<16xi32>,
        %scan3A_514 = arith.constant 0 : i32
        scf.yield %scan3A_514 : i32
      }
      %scan3A_229 = arith.constant 125 : i32
      %broadcast_in_dim3A_230 = arith.constant 0 : i32
      %broadcast_in_dim3A_231 = vector.broadcast %broadcast_in_dim3A_230 : i32 to vector<16xi32>
      %scan3A_232 = arith.constant 0 : i32
      %scan3A_233 = arith.constant 0 : i32
      %scan3A_234 = arith.constant 256 : i32
      %scan3A_235 = arith.addi %scan3A_233, %scan3A_234 : i32
      %scan3A_236 = arith.constant 1 : i32
      %scan3A_237 = scf.for %scan3A_499 = %scan3A_233 to %scan3A_235 step %scan3A_236 iter_args(%scan3A_500 = %scan3A_232) -> (i32)  : i32 {
        %mul3A_501 = arith.constant 16 : i32
        %mul3A_502 = arith.muli %scan3A_499, %mul3A_501 : i32
        %swap3A = arith.index_cast %mul3A_502 : i32 to index
        %swap3A_503 = tpu.vector_load %arg6[%swap3A] {strides = array<i32>} : memref<4096xi32, #tpu.memory_space<vmem>>, vector<16xi32>,
        tpu.vector_store %arg6[%swap3A], %broadcast_in_dim3A_231 {strides = array<i32>} : memref<4096xi32, #tpu.memory_space<vmem>>, vector<16xi32>,
        %scan3A_504 = arith.constant 0 : i32
        scf.yield %scan3A_504 : i32
      }
      %scan3A_238 = arith.constant 256 : i32
      %scan3A_239 = arith.constant 24 : i32
      %scan3A_240 = arith.constant 0 : i32
      %scan3A_241 = arith.constant 0 : i32
      %scan3A_242 = arith.constant 125 : i32
      %scan3A_243 = arith.addi %scan3A_241, %scan3A_242 : i32
      %scan3A_244 = arith.constant 1 : i32
      %scan3A_245 = scf.for %scan3A_499 = %scan3A_241 to %scan3A_243 step %scan3A_244 iter_args(%scan3A_500 = %scan3A_240) -> (i32)  : i32 {
        %add3A_501 = vector.broadcast %scan3A_499 : i32 to vector<16xi32>
        %add3A_502 = arith.addi %mul3A_133, %add3A_501 : vector<16xi32>
        %gather3A = tpu.vector_load_idx %arg10[%add3A_502] : memref<2048xi32, #tpu.memory_space<vmem>>[vector<16xi32>], vector<16xi32>,
        %bitcast3A = vector.bitcast %gather3A : vector<16xi32> to vector<16xi32>
        %shift_right_logical3A = vector.broadcast %scan3A_239 : i32 to vector<16xi32>
        %shift_right_logical3A_503 = arith.shrui %bitcast3A, %shift_right_logical3A : vector<16xi32>
        %and3A = arith.constant 255 : i32
        %and3A_504 = vector.broadcast %and3A : i32 to vector<16xi32>
        %and3A_505 = arith.andi %shift_right_logical3A_503, %and3A_504 : vector<16xi32>
        %bitcast3A_506 = vector.bitcast %and3A_505 : vector<16xi32> to vector<16xi32>
        %mul3A_507 = arith.constant 16 : i32
        %mul3A_508 = vector.broadcast %mul3A_507 : i32 to vector<16xi32>
        %mul3A_509 = arith.muli %bitcast3A_506, %mul3A_508 : vector<16xi32>
        %add3A_510 = arith.addi %mul3A_509, %iota3A : vector<16xi32>
        tpu.vector_store_idx %arg6[%add3A_510], %broadcast_in_dim3A_2 {add = true} : memref<4096xi32, #tpu.memory_space<vmem>>[vector<16xi32>], vector<16xi32>,
        %scan3A_511 = arith.constant 0 : i32
        scf.yield %scan3A_511 : i32
      }
      %scan3A_246 = arith.constant 125 : i32
      %scan3A_247 = arith.constant 0 : i32
      %scan3A_248 = arith.constant 0 : i32
      %scan3A_249 = arith.constant 256 : i32
      %scan3A_250 = arith.addi %scan3A_248, %scan3A_249 : i32
      %scan3A_251 = arith.constant 1 : i32
      %scan3A_252 = scf.for %scan3A_499 = %scan3A_248 to %scan3A_250 step %scan3A_251 iter_args(%scan3A_500 = %scan3A_247) -> (i32)  : i32 {
        %mul3A_501 = arith.constant 16 : i32
        %mul3A_502 = arith.muli %scan3A_499, %mul3A_501 : i32
        %get3A = arith.index_cast %mul3A_502 : i32 to index
        %get3A_503 = tpu.vector_load %arg6[%get3A] {strides = array<i32>} : memref<4096xi32, #tpu.memory_space<vmem>>, vector<16xi32>,
        %broadcast_in_dim3A_504 = arith.constant true
        %broadcast_in_dim3A_505 = vector.broadcast %broadcast_in_dim3A_504 : i1 to vector<16xi1>
        %masked_cumsum3A = tpu.scan <sum>, %get3A_503 masked %broadcast_in_dim3A_505 : vector<16xi32>, vector<16xi1> -> vector<16xi32>
        %add3A_506 = vector.broadcast %scan3A_500 : i32 to vector<16xi32>
        %add3A_507 = arith.addi %add3A_506, %masked_cumsum3A : vector<16xi32>
        %sub3A_508 = arith.subi %add3A_507, %get3A_503 : vector<16xi32>
        %mul3A_509 = arith.constant 16 : i32
        %mul3A_510 = arith.muli %scan3A_499, %mul3A_509 : i32
        %swap3A = arith.index_cast %mul3A_510 : i32 to index
        %swap3A_511 = tpu.vector_load %arg7[%swap3A] {strides = array<i32>} : memref<4096xi32, #tpu.memory_space<vmem>>, vector<16xi32>,
        tpu.vector_store %arg7[%swap3A], %sub3A_508 {strides = array<i32>} : memref<4096xi32, #tpu.memory_space<vmem>>, vector<16xi32>,
        %reduce_sum3A = arith.constant true
        %reduce_sum3A_512 = vector.broadcast %reduce_sum3A : i1 to vector<16xi1>
        %reduce_sum3A_513 = tpu.scan <sum>, %get3A_503 masked %reduce_sum3A_512 : vector<16xi32>, vector<16xi1> -> vector<16xi32>
        %reduce_sum3A_514 = vector.extract %reduce_sum3A_513[15] : i32 from vector<16xi32>
        %add3A_515 = arith.addi %scan3A_500, %reduce_sum3A_514 : i32
        scf.yield %add3A_515 : i32
      }
      %scan3A_253 = arith.constant 256 : i32
      %scan3A_254 = arith.constant 24 : i32
      %scan3A_255 = arith.constant 0 : i32
      %scan3A_256 = arith.constant 0 : i32
      %scan3A_257 = arith.constant 125 : i32
      %scan3A_258 = arith.addi %scan3A_256, %scan3A_257 : i32
      %scan3A_259 = arith.constant 1 : i32
      %scan3A_260 = scf.for %scan3A_499 = %scan3A_256 to %scan3A_258 step %scan3A_259 iter_args(%scan3A_500 = %scan3A_255) -> (i32)  : i32 {
        %add3A_501 = vector.broadcast %scan3A_499 : i32 to vector<16xi32>
        %add3A_502 = arith.addi %mul3A_133, %add3A_501 : vector<16xi32>
        %gather3A = tpu.vector_load_idx %arg10[%add3A_502] : memref<2048xi32, #tpu.memory_space<vmem>>[vector<16xi32>], vector<16xi32>,
        %gather3A_503 = tpu.vector_load_idx %arg11[%add3A_502] : memref<2048xi32, #tpu.memory_space<vmem>>[vector<16xi32>], vector<16xi32>,
        %bitcast3A = vector.bitcast %gather3A : vector<16xi32> to vector<16xi32>
        %shift_right_logical3A = vector.broadcast %scan3A_254 : i32 to vector<16xi32>
        %shift_right_logical3A_504 = arith.shrui %bitcast3A, %shift_right_logical3A : vector<16xi32>
        %and3A = arith.constant 255 : i32
        %and3A_505 = vector.broadcast %and3A : i32 to vector<16xi32>
        %and3A_506 = arith.andi %shift_right_logical3A_504, %and3A_505 : vector<16xi32>
        %bitcast3A_507 = vector.bitcast %and3A_506 : vector<16xi32> to vector<16xi32>
        %mul3A_508 = arith.constant 16 : i32
        %mul3A_509 = vector.broadcast %mul3A_508 : i32 to vector<16xi32>
        %mul3A_510 = arith.muli %bitcast3A_507, %mul3A_509 : vector<16xi32>
        %add3A_511 = arith.addi %mul3A_510, %iota3A : vector<16xi32>
        %gather3A_512 = tpu.vector_load_idx %arg7[%add3A_511] : memref<4096xi32, #tpu.memory_space<vmem>>[vector<16xi32>], vector<16xi32>,
        tpu.vector_store_idx %arg8[%gather3A_512], %gather3A : memref<2048xi32, #tpu.memory_space<vmem>>[vector<16xi32>], vector<16xi32>,
        tpu.vector_store_idx %arg9[%gather3A_512], %gather3A_503 : memref<2048xi32, #tpu.memory_space<vmem>>[vector<16xi32>], vector<16xi32>,
        %add3A_513 = arith.addi %gather3A_512, %broadcast_in_dim3A_2 : vector<16xi32>
        tpu.vector_store_idx %arg7[%add3A_511], %add3A_513 : memref<4096xi32, #tpu.memory_space<vmem>>[vector<16xi32>], vector<16xi32>,
        %scan3A_514 = arith.constant 0 : i32
        scf.yield %scan3A_514 : i32
      }
      %scan3A_261 = arith.constant 125 : i32
      %mul3A_262 = arith.constant 50000 : i32
      %mul3A_263 = arith.muli %add3A, %mul3A_262 : i32
      %scan3A_264 = arith.constant 0 : i32
      %scan3A_265 = arith.constant 0 : i32
      %scan3A_266 = arith.constant 125 : i32
      %scan3A_267 = arith.addi %scan3A_265, %scan3A_266 : i32
      %scan3A_268 = arith.constant 1 : i32
      %scan3A_269 = scf.for %scan3A_499 = %scan3A_265 to %scan3A_267 step %scan3A_268 iter_args(%scan3A_500 = %scan3A_264) -> (i32)  : i32 {
        %mul3A_501 = arith.constant 16 : i32
        %mul3A_502 = arith.muli %scan3A_499, %mul3A_501 : i32
        %get3A = arith.index_cast %mul3A_502 : i32 to index
        %get3A_503 = tpu.vector_load %arg9[%get3A] {strides = array<i32>} : memref<2048xi32, #tpu.memory_space<vmem>>, vector<16xi32>,
        %add3A_504 = vector.broadcast %mul3A_263 : i32 to vector<16xi32>
        %add3A_505 = arith.addi %get3A_503, %add3A_504 : vector<16xi32>
        %mul3A_506 = arith.constant 16 : i32
        %mul3A_507 = arith.muli %scan3A_499, %mul3A_506 : i32
        %swap3A = arith.index_cast %mul3A_507 : i32 to index
        %swap3A_508 = tpu.vector_load %arg12[%swap3A] {strides = array<i32>} : memref<2000xi32, #tpu.memory_space<vmem>>, vector<16xi32>,
        tpu.vector_store %arg12[%swap3A], %add3A_505 {strides = array<i32>} : memref<2000xi32, #tpu.memory_space<vmem>>, vector<16xi32>,
        %shift_right_logical3A = arith.constant 1 : i32
        %shift_right_logical3A_509 = vector.broadcast %shift_right_logical3A : i32 to vector<16xi32>
        %shift_right_logical3A_510 = arith.shrui %add3A_505, %shift_right_logical3A_509 : vector<16xi32>
        %mul3A_511 = arith.constant 16 : i32
        %mul3A_512 = arith.muli %scan3A_499, %mul3A_511 : i32
        %swap3A_513 = arith.index_cast %mul3A_512 : i32 to index
        %swap3A_514 = tpu.vector_load %arg13[%swap3A_513] {strides = array<i32>} : memref<2000xi32, #tpu.memory_space<vmem>>, vector<16xi32>,
        tpu.vector_store %arg13[%swap3A_513], %shift_right_logical3A_510 {strides = array<i32>} : memref<2000xi32, #tpu.memory_space<vmem>>, vector<16xi32>,
        %scan3A_515 = arith.constant 0 : i32
        scf.yield %scan3A_515 : i32
      }
      %scan3A_270 = arith.constant 125 : i32
      %dma_start3A = arith.constant 0 : i32
      %dma_start3A_271 = tpu.memref_slice %arg13[%dma_start3A] : memref<2000xi32, #tpu.memory_space<vmem>> -> memref<200xi32, #tpu.memory_space<vmem>>
      %dma_start3A_272 = arith.constant 0 : i32
      %dma_start3A_273 = arith.constant 0 : i32
      %dma_start3A_274 = tpu.memref_slice %arg3[%dma_start3A_272, %dma_start3A_273] : memref<400000x128xf32, #tpu.memory_space<hbm>> -> memref<400000x128xf32, #tpu.memory_space<hbm>>
      tpu.enqueue_indirect_dma source(%dma_start3A_274 : memref<400000x128xf32, #tpu.memory_space<hbm>>) target(%arg14 : memref<200x128xf32, #tpu.memory_space<vmem>>) offsets(%dma_start3A_271 : memref<200xi32, #tpu.memory_space<vmem>>) semaphore(%arg16 : memref<!tpu.dma_semaphore, #tpu.memory_space<semaphore_mem>>)
      %dma_wait3A = arith.constant 0 : i32
      %dma_wait3A_275 = tpu.memref_slice %arg13[%dma_wait3A] : memref<2000xi32, #tpu.memory_space<vmem>> -> memref<200xi32, #tpu.memory_space<vmem>>
      %dma_wait3A_276 = arith.constant 0 : i32
      %dma_wait3A_277 = arith.constant 0 : i32
      %dma_wait3A_278 = tpu.memref_slice %arg3[%dma_wait3A_276, %dma_wait3A_277] : memref<400000x128xf32, #tpu.memory_space<hbm>> -> memref<400000x128xf32, #tpu.memory_space<hbm>>
      tpu.wait_indirect_dma semaphore(%arg16 : memref<!tpu.dma_semaphore, #tpu.memory_space<semaphore_mem>>) src(%dma_wait3A_278 : memref<400000x128xf32, #tpu.memory_space<hbm>>) dst(%arg14 : memref<200x128xf32, #tpu.memory_space<vmem>>)
      %scan3A_279 = arith.constant 0 : i32
      %scan3A_280 = arith.constant 0 : i32
      %scan3A_281 = arith.constant 800 : i32
      %scan3A_282 = arith.addi %scan3A_280, %scan3A_281 : i32
      %scan3A_283 = arith.constant 1 : i32
      %scan3A_284 = scf.for %scan3A_499 = %scan3A_280 to %scan3A_282 step %scan3A_283 iter_args(%scan3A_500 = %scan3A_279) -> (i32)  : i32 {
        %mul3A_501 = arith.constant 16 : i32
        %mul3A_502 = arith.muli %scan3A_499, %mul3A_501 : i32
        %add3A_503 = vector.broadcast %mul3A_502 : i32 to vector<16xi32>
        %add3A_504 = arith.addi %add3A_503, %iota3A : vector<16xi32>
        %shift_right_logical3A = arith.constant 6 : i32
        %shift_right_logical3A_505 = vector.broadcast %shift_right_logical3A : i32 to vector<16xi32>
        %shift_right_logical3A_506 = arith.shrui %add3A_504, %shift_right_logical3A_505 : vector<16xi32>
        %and3A = arith.constant 63 : i32
        %and3A_507 = vector.broadcast %and3A : i32 to vector<16xi32>
        %and3A_508 = arith.andi %add3A_504, %and3A_507 : vector<16xi32>
        %add3A_509 = arith.constant 0 : i32
        %add3A_510 = vector.broadcast %add3A_509 : i32 to vector<16xi32>
        %add3A_511 = arith.addi %add3A_510, %shift_right_logical3A_506 : vector<16xi32>
        %gather3A = tpu.vector_load_idx %arg12[%add3A_511] : memref<2000xi32, #tpu.memory_space<vmem>>[vector<16xi32>], vector<16xi32>,
        %and3A_512 = arith.constant 1 : i32
        %and3A_513 = vector.broadcast %and3A_512 : i32 to vector<16xi32>
        %and3A_514 = arith.andi %gather3A, %and3A_513 : vector<16xi32>
        %mul3A_515 = arith.constant 64 : i32
        %mul3A_516 = vector.broadcast %mul3A_515 : i32 to vector<16xi32>
        %mul3A_517 = arith.muli %and3A_514, %mul3A_516 : vector<16xi32>
        %add3A_518 = arith.addi %mul3A_517, %and3A_508 : vector<16xi32>
        %gather3A_519 = tpu.vector_load_idx %arg14[%shift_right_logical3A_506, %add3A_518] : memref<200x128xf32, #tpu.memory_space<vmem>>[vector<16xi32>, vector<16xi32>], vector<16xf32>,
        %mul3A_520 = arith.constant 16 : i32
        %mul3A_521 = arith.muli %scan3A_499, %mul3A_520 : i32
        %swap3A = arith.index_cast %mul3A_521 : i32 to index
        %swap3A_522 = tpu.vector_load %arg15[%swap3A] {strides = array<i32>} : memref<12800xf32, #tpu.memory_space<vmem>>, vector<16xf32>,
        tpu.vector_store %arg15[%swap3A], %gather3A_519 {strides = array<i32>} : memref<12800xf32, #tpu.memory_space<vmem>>, vector<16xf32>,
        %scan3A_523 = arith.constant 0 : i32
        scf.yield %scan3A_523 : i32
      }
      %scan3A_285 = arith.constant 800 : i32
      %mul3A_286 = arith.constant 2000 : i32
      %mul3A_287 = arith.muli %add3A, %mul3A_286 : i32
      %add3A_288 = arith.constant 0 : i32
      %add3A_289 = arith.addi %mul3A_287, %add3A_288 : i32
      %mul3A_290 = arith.constant 64 : i32
      %mul3A_291 = arith.muli %add3A_289, %mul3A_290 : i32
      "tpu.region"() ({
        %run_scoped3A = tpu.sem_alloc : memref<!tpu.dma_semaphore, #tpu.memory_space<semaphore_mem>>
        %dma_start3A_499 = tpu.memref_slice %arg4[%mul3A_291] : memref<2048000xf32, #tpu.memory_space<hbm>> -> memref<12800xf32, #tpu.memory_space<hbm>>
        %dma_start3A_500 = tpu.memref_slice %arg4[%mul3A_291] : memref<2048000xf32, #tpu.memory_space<hbm>> -> memref<12800xf32, #tpu.memory_space<hbm>>
        tpu.enqueue_dma source(%arg15 : memref<12800xf32, #tpu.memory_space<vmem>>) target(%dma_start3A_500 : memref<12800xf32, #tpu.memory_space<hbm>>) target_semaphore(%run_scoped3A : memref<!tpu.dma_semaphore, #tpu.memory_space<semaphore_mem>>)
        %dma_wait3A_501 = tpu.memref_slice %arg4[%mul3A_291] : memref<2048000xf32, #tpu.memory_space<hbm>> -> memref<12800xf32, #tpu.memory_space<hbm>>
        %dma_wait3A_502 = tpu.memref_slice %arg4[%mul3A_291] : memref<2048000xf32, #tpu.memory_space<hbm>> -> memref<12800xf32, #tpu.memory_space<hbm>>
        tpu.wait_dma2 semaphore(%run_scoped3A : memref<!tpu.dma_semaphore, #tpu.memory_space<semaphore_mem>>) src(%arg15 : memref<12800xf32, #tpu.memory_space<vmem>>) dst(%dma_wait3A_502 : memref<12800xf32, #tpu.memory_space<hbm>>)
        tpu.yield
      }) : () -> ()
      %dma_start3A_292 = arith.constant 200 : i32
      %dma_start3A_293 = tpu.memref_slice %arg13[%dma_start3A_292] : memref<2000xi32, #tpu.memory_space<vmem>> -> memref<200xi32, #tpu.memory_space<vmem>>
      %dma_start3A_294 = arith.constant 0 : i32
      %dma_start3A_295 = arith.constant 0 : i32
      %dma_start3A_296 = tpu.memref_slice %arg3[%dma_start3A_294, %dma_start3A_295] : memref<400000x128xf32, #tpu.memory_space<hbm>> -> memref<400000x128xf32, #tpu.memory_space<hbm>>
      tpu.enqueue_indirect_dma source(%dma_start3A_296 : memref<400000x128xf32, #tpu.memory_space<hbm>>) target(%arg14 : memref<200x128xf32, #tpu.memory_space<vmem>>) offsets(%dma_start3A_293 : memref<200xi32, #tpu.memory_space<vmem>>) semaphore(%arg16 : memref<!tpu.dma_semaphore, #tpu.memory_space<semaphore_mem>>)
      %dma_wait3A_297 = arith.constant 200 : i32
      %dma_wait3A_298 = tpu.memref_slice %arg13[%dma_wait3A_297] : memref<2000xi32, #tpu.memory_space<vmem>> -> memref<200xi32, #tpu.memory_space<vmem>>
      %dma_wait3A_299 = arith.constant 0 : i32
      %dma_wait3A_300 = arith.constant 0 : i32
      %dma_wait3A_301 = tpu.memref_slice %arg3[%dma_wait3A_299, %dma_wait3A_300] : memref<400000x128xf32, #tpu.memory_space<hbm>> -> memref<400000x128xf32, #tpu.memory_space<hbm>>
      tpu.wait_indirect_dma semaphore(%arg16 : memref<!tpu.dma_semaphore, #tpu.memory_space<semaphore_mem>>) src(%dma_wait3A_301 : memref<400000x128xf32, #tpu.memory_space<hbm>>) dst(%arg14 : memref<200x128xf32, #tpu.memory_space<vmem>>)
      %scan3A_302 = arith.constant 0 : i32
      %scan3A_303 = arith.constant 0 : i32
      %scan3A_304 = arith.constant 800 : i32
      %scan3A_305 = arith.addi %scan3A_303, %scan3A_304 : i32
      %scan3A_306 = arith.constant 1 : i32
      %scan3A_307 = scf.for %scan3A_499 = %scan3A_303 to %scan3A_305 step %scan3A_306 iter_args(%scan3A_500 = %scan3A_302) -> (i32)  : i32 {
        %mul3A_501 = arith.constant 16 : i32
        %mul3A_502 = arith.muli %scan3A_499, %mul3A_501 : i32
        %add3A_503 = vector.broadcast %mul3A_502 : i32 to vector<16xi32>
        %add3A_504 = arith.addi %add3A_503, %iota3A : vector<16xi32>
        %shift_right_logical3A = arith.constant 6 : i32
        %shift_right_logical3A_505 = vector.broadcast %shift_right_logical3A : i32 to vector<16xi32>
        %shift_right_logical3A_506 = arith.shrui %add3A_504, %shift_right_logical3A_505 : vector<16xi32>
        %and3A = arith.constant 63 : i32
        %and3A_507 = vector.broadcast %and3A : i32 to vector<16xi32>
        %and3A_508 = arith.andi %add3A_504, %and3A_507 : vector<16xi32>
        %add3A_509 = arith.constant 200 : i32
        %add3A_510 = vector.broadcast %add3A_509 : i32 to vector<16xi32>
        %add3A_511 = arith.addi %add3A_510, %shift_right_logical3A_506 : vector<16xi32>
        %gather3A = tpu.vector_load_idx %arg12[%add3A_511] : memref<2000xi32, #tpu.memory_space<vmem>>[vector<16xi32>], vector<16xi32>,
        %and3A_512 = arith.constant 1 : i32
        %and3A_513 = vector.broadcast %and3A_512 : i32 to vector<16xi32>
        %and3A_514 = arith.andi %gather3A, %and3A_513 : vector<16xi32>
        %mul3A_515 = arith.constant 64 : i32
        %mul3A_516 = vector.broadcast %mul3A_515 : i32 to vector<16xi32>
        %mul3A_517 = arith.muli %and3A_514, %mul3A_516 : vector<16xi32>
        %add3A_518 = arith.addi %mul3A_517, %and3A_508 : vector<16xi32>
        %gather3A_519 = tpu.vector_load_idx %arg14[%shift_right_logical3A_506, %add3A_518] : memref<200x128xf32, #tpu.memory_space<vmem>>[vector<16xi32>, vector<16xi32>], vector<16xf32>,
        %mul3A_520 = arith.constant 16 : i32
        %mul3A_521 = arith.muli %scan3A_499, %mul3A_520 : i32
        %swap3A = arith.index_cast %mul3A_521 : i32 to index
        %swap3A_522 = tpu.vector_load %arg15[%swap3A] {strides = array<i32>} : memref<12800xf32, #tpu.memory_space<vmem>>, vector<16xf32>,
        tpu.vector_store %arg15[%swap3A], %gather3A_519 {strides = array<i32>} : memref<12800xf32, #tpu.memory_space<vmem>>, vector<16xf32>,
        %scan3A_523 = arith.constant 0 : i32
        scf.yield %scan3A_523 : i32
      }
      %scan3A_308 = arith.constant 800 : i32
      %mul3A_309 = arith.constant 2000 : i32
      %mul3A_310 = arith.muli %add3A, %mul3A_309 : i32
      %add3A_311 = arith.constant 200 : i32
      %add3A_312 = arith.addi %mul3A_310, %add3A_311 : i32
      %mul3A_313 = arith.constant 64 : i32
      %mul3A_314 = arith.muli %add3A_312, %mul3A_313 : i32
      "tpu.region"() ({
        %run_scoped3A = tpu.sem_alloc : memref<!tpu.dma_semaphore, #tpu.memory_space<semaphore_mem>>
        %dma_start3A_499 = tpu.memref_slice %arg4[%mul3A_314] : memref<2048000xf32, #tpu.memory_space<hbm>> -> memref<12800xf32, #tpu.memory_space<hbm>>
        %dma_start3A_500 = tpu.memref_slice %arg4[%mul3A_314] : memref<2048000xf32, #tpu.memory_space<hbm>> -> memref<12800xf32, #tpu.memory_space<hbm>>
        tpu.enqueue_dma source(%arg15 : memref<12800xf32, #tpu.memory_space<vmem>>) target(%dma_start3A_500 : memref<12800xf32, #tpu.memory_space<hbm>>) target_semaphore(%run_scoped3A : memref<!tpu.dma_semaphore, #tpu.memory_space<semaphore_mem>>)
        %dma_wait3A_501 = tpu.memref_slice %arg4[%mul3A_314] : memref<2048000xf32, #tpu.memory_space<hbm>> -> memref<12800xf32, #tpu.memory_space<hbm>>
        %dma_wait3A_502 = tpu.memref_slice %arg4[%mul3A_314] : memref<2048000xf32, #tpu.memory_space<hbm>> -> memref<12800xf32, #tpu.memory_space<hbm>>
        tpu.wait_dma2 semaphore(%run_scoped3A : memref<!tpu.dma_semaphore, #tpu.memory_space<semaphore_mem>>) src(%arg15 : memref<12800xf32, #tpu.memory_space<vmem>>) dst(%dma_wait3A_502 : memref<12800xf32, #tpu.memory_space<hbm>>)
        tpu.yield
      }) : () -> ()
      %dma_start3A_315 = arith.constant 400 : i32
      %dma_start3A_316 = tpu.memref_slice %arg13[%dma_start3A_315] : memref<2000xi32, #tpu.memory_space<vmem>> -> memref<200xi32, #tpu.memory_space<vmem>>
      %dma_start3A_317 = arith.constant 0 : i32
      %dma_start3A_318 = arith.constant 0 : i32
      %dma_start3A_319 = tpu.memref_slice %arg3[%dma_start3A_317, %dma_start3A_318] : memref<400000x128xf32, #tpu.memory_space<hbm>> -> memref<400000x128xf32, #tpu.memory_space<hbm>>
      tpu.enqueue_indirect_dma source(%dma_start3A_319 : memref<400000x128xf32, #tpu.memory_space<hbm>>) target(%arg14 : memref<200x128xf32, #tpu.memory_space<vmem>>) offsets(%dma_start3A_316 : memref<200xi32, #tpu.memory_space<vmem>>) semaphore(%arg16 : memref<!tpu.dma_semaphore, #tpu.memory_space<semaphore_mem>>)
      %dma_wait3A_320 = arith.constant 400 : i32
      %dma_wait3A_321 = tpu.memref_slice %arg13[%dma_wait3A_320] : memref<2000xi32, #tpu.memory_space<vmem>> -> memref<200xi32, #tpu.memory_space<vmem>>
      %dma_wait3A_322 = arith.constant 0 : i32
      %dma_wait3A_323 = arith.constant 0 : i32
      %dma_wait3A_324 = tpu.memref_slice %arg3[%dma_wait3A_322, %dma_wait3A_323] : memref<400000x128xf32, #tpu.memory_space<hbm>> -> memref<400000x128xf32, #tpu.memory_space<hbm>>
      tpu.wait_indirect_dma semaphore(%arg16 : memref<!tpu.dma_semaphore, #tpu.memory_space<semaphore_mem>>) src(%dma_wait3A_324 : memref<400000x128xf32, #tpu.memory_space<hbm>>) dst(%arg14 : memref<200x128xf32, #tpu.memory_space<vmem>>)
      %scan3A_325 = arith.constant 0 : i32
      %scan3A_326 = arith.constant 0 : i32
      %scan3A_327 = arith.constant 800 : i32
      %scan3A_328 = arith.addi %scan3A_326, %scan3A_327 : i32
      %scan3A_329 = arith.constant 1 : i32
      %scan3A_330 = scf.for %scan3A_499 = %scan3A_326 to %scan3A_328 step %scan3A_329 iter_args(%scan3A_500 = %scan3A_325) -> (i32)  : i32 {
        %mul3A_501 = arith.constant 16 : i32
        %mul3A_502 = arith.muli %scan3A_499, %mul3A_501 : i32
        %add3A_503 = vector.broadcast %mul3A_502 : i32 to vector<16xi32>
        %add3A_504 = arith.addi %add3A_503, %iota3A : vector<16xi32>
        %shift_right_logical3A = arith.constant 6 : i32
        %shift_right_logical3A_505 = vector.broadcast %shift_right_logical3A : i32 to vector<16xi32>
        %shift_right_logical3A_506 = arith.shrui %add3A_504, %shift_right_logical3A_505 : vector<16xi32>
        %and3A = arith.constant 63 : i32
        %and3A_507 = vector.broadcast %and3A : i32 to vector<16xi32>
        %and3A_508 = arith.andi %add3A_504, %and3A_507 : vector<16xi32>
        %add3A_509 = arith.constant 400 : i32
        %add3A_510 = vector.broadcast %add3A_509 : i32 to vector<16xi32>
        %add3A_511 = arith.addi %add3A_510, %shift_right_logical3A_506 : vector<16xi32>
        %gather3A = tpu.vector_load_idx %arg12[%add3A_511] : memref<2000xi32, #tpu.memory_space<vmem>>[vector<16xi32>], vector<16xi32>,
        %and3A_512 = arith.constant 1 : i32
        %and3A_513 = vector.broadcast %and3A_512 : i32 to vector<16xi32>
        %and3A_514 = arith.andi %gather3A, %and3A_513 : vector<16xi32>
        %mul3A_515 = arith.constant 64 : i32
        %mul3A_516 = vector.broadcast %mul3A_515 : i32 to vector<16xi32>
        %mul3A_517 = arith.muli %and3A_514, %mul3A_516 : vector<16xi32>
        %add3A_518 = arith.addi %mul3A_517, %and3A_508 : vector<16xi32>
        %gather3A_519 = tpu.vector_load_idx %arg14[%shift_right_logical3A_506, %add3A_518] : memref<200x128xf32, #tpu.memory_space<vmem>>[vector<16xi32>, vector<16xi32>], vector<16xf32>,
        %mul3A_520 = arith.constant 16 : i32
        %mul3A_521 = arith.muli %scan3A_499, %mul3A_520 : i32
        %swap3A = arith.index_cast %mul3A_521 : i32 to index
        %swap3A_522 = tpu.vector_load %arg15[%swap3A] {strides = array<i32>} : memref<12800xf32, #tpu.memory_space<vmem>>, vector<16xf32>,
        tpu.vector_store %arg15[%swap3A], %gather3A_519 {strides = array<i32>} : memref<12800xf32, #tpu.memory_space<vmem>>, vector<16xf32>,
        %scan3A_523 = arith.constant 0 : i32
        scf.yield %scan3A_523 : i32
      }
      %scan3A_331 = arith.constant 800 : i32
      %mul3A_332 = arith.constant 2000 : i32
      %mul3A_333 = arith.muli %add3A, %mul3A_332 : i32
      %add3A_334 = arith.constant 400 : i32
      %add3A_335 = arith.addi %mul3A_333, %add3A_334 : i32
      %mul3A_336 = arith.constant 64 : i32
      %mul3A_337 = arith.muli %add3A_335, %mul3A_336 : i32
      "tpu.region"() ({
        %run_scoped3A = tpu.sem_alloc : memref<!tpu.dma_semaphore, #tpu.memory_space<semaphore_mem>>
        %dma_start3A_499 = tpu.memref_slice %arg4[%mul3A_337] : memref<2048000xf32, #tpu.memory_space<hbm>> -> memref<12800xf32, #tpu.memory_space<hbm>>
        %dma_start3A_500 = tpu.memref_slice %arg4[%mul3A_337] : memref<2048000xf32, #tpu.memory_space<hbm>> -> memref<12800xf32, #tpu.memory_space<hbm>>
        tpu.enqueue_dma source(%arg15 : memref<12800xf32, #tpu.memory_space<vmem>>) target(%dma_start3A_500 : memref<12800xf32, #tpu.memory_space<hbm>>) target_semaphore(%run_scoped3A : memref<!tpu.dma_semaphore, #tpu.memory_space<semaphore_mem>>)
        %dma_wait3A_501 = tpu.memref_slice %arg4[%mul3A_337] : memref<2048000xf32, #tpu.memory_space<hbm>> -> memref<12800xf32, #tpu.memory_space<hbm>>
        %dma_wait3A_502 = tpu.memref_slice %arg4[%mul3A_337] : memref<2048000xf32, #tpu.memory_space<hbm>> -> memref<12800xf32, #tpu.memory_space<hbm>>
        tpu.wait_dma2 semaphore(%run_scoped3A : memref<!tpu.dma_semaphore, #tpu.memory_space<semaphore_mem>>) src(%arg15 : memref<12800xf32, #tpu.memory_space<vmem>>) dst(%dma_wait3A_502 : memref<12800xf32, #tpu.memory_space<hbm>>)
        tpu.yield
      }) : () -> ()
      %dma_start3A_338 = arith.constant 600 : i32
      %dma_start3A_339 = tpu.memref_slice %arg13[%dma_start3A_338] : memref<2000xi32, #tpu.memory_space<vmem>> -> memref<200xi32, #tpu.memory_space<vmem>>
      %dma_start3A_340 = arith.constant 0 : i32
      %dma_start3A_341 = arith.constant 0 : i32
      %dma_start3A_342 = tpu.memref_slice %arg3[%dma_start3A_340, %dma_start3A_341] : memref<400000x128xf32, #tpu.memory_space<hbm>> -> memref<400000x128xf32, #tpu.memory_space<hbm>>
      tpu.enqueue_indirect_dma source(%dma_start3A_342 : memref<400000x128xf32, #tpu.memory_space<hbm>>) target(%arg14 : memref<200x128xf32, #tpu.memory_space<vmem>>) offsets(%dma_start3A_339 : memref<200xi32, #tpu.memory_space<vmem>>) semaphore(%arg16 : memref<!tpu.dma_semaphore, #tpu.memory_space<semaphore_mem>>)
      %dma_wait3A_343 = arith.constant 600 : i32
      %dma_wait3A_344 = tpu.memref_slice %arg13[%dma_wait3A_343] : memref<2000xi32, #tpu.memory_space<vmem>> -> memref<200xi32, #tpu.memory_space<vmem>>
      %dma_wait3A_345 = arith.constant 0 : i32
      %dma_wait3A_346 = arith.constant 0 : i32
      %dma_wait3A_347 = tpu.memref_slice %arg3[%dma_wait3A_345, %dma_wait3A_346] : memref<400000x128xf32, #tpu.memory_space<hbm>> -> memref<400000x128xf32, #tpu.memory_space<hbm>>
      tpu.wait_indirect_dma semaphore(%arg16 : memref<!tpu.dma_semaphore, #tpu.memory_space<semaphore_mem>>) src(%dma_wait3A_347 : memref<400000x128xf32, #tpu.memory_space<hbm>>) dst(%arg14 : memref<200x128xf32, #tpu.memory_space<vmem>>)
      %scan3A_348 = arith.constant 0 : i32
      %scan3A_349 = arith.constant 0 : i32
      %scan3A_350 = arith.constant 800 : i32
      %scan3A_351 = arith.addi %scan3A_349, %scan3A_350 : i32
      %scan3A_352 = arith.constant 1 : i32
      %scan3A_353 = scf.for %scan3A_499 = %scan3A_349 to %scan3A_351 step %scan3A_352 iter_args(%scan3A_500 = %scan3A_348) -> (i32)  : i32 {
        %mul3A_501 = arith.constant 16 : i32
        %mul3A_502 = arith.muli %scan3A_499, %mul3A_501 : i32
        %add3A_503 = vector.broadcast %mul3A_502 : i32 to vector<16xi32>
        %add3A_504 = arith.addi %add3A_503, %iota3A : vector<16xi32>
        %shift_right_logical3A = arith.constant 6 : i32
        %shift_right_logical3A_505 = vector.broadcast %shift_right_logical3A : i32 to vector<16xi32>
        %shift_right_logical3A_506 = arith.shrui %add3A_504, %shift_right_logical3A_505 : vector<16xi32>
        %and3A = arith.constant 63 : i32
        %and3A_507 = vector.broadcast %and3A : i32 to vector<16xi32>
        %and3A_508 = arith.andi %add3A_504, %and3A_507 : vector<16xi32>
        %add3A_509 = arith.constant 600 : i32
        %add3A_510 = vector.broadcast %add3A_509 : i32 to vector<16xi32>
        %add3A_511 = arith.addi %add3A_510, %shift_right_logical3A_506 : vector<16xi32>
        %gather3A = tpu.vector_load_idx %arg12[%add3A_511] : memref<2000xi32, #tpu.memory_space<vmem>>[vector<16xi32>], vector<16xi32>,
        %and3A_512 = arith.constant 1 : i32
        %and3A_513 = vector.broadcast %and3A_512 : i32 to vector<16xi32>
        %and3A_514 = arith.andi %gather3A, %and3A_513 : vector<16xi32>
        %mul3A_515 = arith.constant 64 : i32
        %mul3A_516 = vector.broadcast %mul3A_515 : i32 to vector<16xi32>
        %mul3A_517 = arith.muli %and3A_514, %mul3A_516 : vector<16xi32>
        %add3A_518 = arith.addi %mul3A_517, %and3A_508 : vector<16xi32>
        %gather3A_519 = tpu.vector_load_idx %arg14[%shift_right_logical3A_506, %add3A_518] : memref<200x128xf32, #tpu.memory_space<vmem>>[vector<16xi32>, vector<16xi32>], vector<16xf32>,
        %mul3A_520 = arith.constant 16 : i32
        %mul3A_521 = arith.muli %scan3A_499, %mul3A_520 : i32
        %swap3A = arith.index_cast %mul3A_521 : i32 to index
        %swap3A_522 = tpu.vector_load %arg15[%swap3A] {strides = array<i32>} : memref<12800xf32, #tpu.memory_space<vmem>>, vector<16xf32>,
        tpu.vector_store %arg15[%swap3A], %gather3A_519 {strides = array<i32>} : memref<12800xf32, #tpu.memory_space<vmem>>, vector<16xf32>,
        %scan3A_523 = arith.constant 0 : i32
        scf.yield %scan3A_523 : i32
      }
      %scan3A_354 = arith.constant 800 : i32
      %mul3A_355 = arith.constant 2000 : i32
      %mul3A_356 = arith.muli %add3A, %mul3A_355 : i32
      %add3A_357 = arith.constant 600 : i32
      %add3A_358 = arith.addi %mul3A_356, %add3A_357 : i32
      %mul3A_359 = arith.constant 64 : i32
      %mul3A_360 = arith.muli %add3A_358, %mul3A_359 : i32
      "tpu.region"() ({
        %run_scoped3A = tpu.sem_alloc : memref<!tpu.dma_semaphore, #tpu.memory_space<semaphore_mem>>
        %dma_start3A_499 = tpu.memref_slice %arg4[%mul3A_360] : memref<2048000xf32, #tpu.memory_space<hbm>> -> memref<12800xf32, #tpu.memory_space<hbm>>
        %dma_start3A_500 = tpu.memref_slice %arg4[%mul3A_360] : memref<2048000xf32, #tpu.memory_space<hbm>> -> memref<12800xf32, #tpu.memory_space<hbm>>
        tpu.enqueue_dma source(%arg15 : memref<12800xf32, #tpu.memory_space<vmem>>) target(%dma_start3A_500 : memref<12800xf32, #tpu.memory_space<hbm>>) target_semaphore(%run_scoped3A : memref<!tpu.dma_semaphore, #tpu.memory_space<semaphore_mem>>)
        %dma_wait3A_501 = tpu.memref_slice %arg4[%mul3A_360] : memref<2048000xf32, #tpu.memory_space<hbm>> -> memref<12800xf32, #tpu.memory_space<hbm>>
        %dma_wait3A_502 = tpu.memref_slice %arg4[%mul3A_360] : memref<2048000xf32, #tpu.memory_space<hbm>> -> memref<12800xf32, #tpu.memory_space<hbm>>
        tpu.wait_dma2 semaphore(%run_scoped3A : memref<!tpu.dma_semaphore, #tpu.memory_space<semaphore_mem>>) src(%arg15 : memref<12800xf32, #tpu.memory_space<vmem>>) dst(%dma_wait3A_502 : memref<12800xf32, #tpu.memory_space<hbm>>)
        tpu.yield
      }) : () -> ()
      %dma_start3A_361 = arith.constant 800 : i32
      %dma_start3A_362 = tpu.memref_slice %arg13[%dma_start3A_361] : memref<2000xi32, #tpu.memory_space<vmem>> -> memref<200xi32, #tpu.memory_space<vmem>>
      %dma_start3A_363 = arith.constant 0 : i32
      %dma_start3A_364 = arith.constant 0 : i32
      %dma_start3A_365 = tpu.memref_slice %arg3[%dma_start3A_363, %dma_start3A_364] : memref<400000x128xf32, #tpu.memory_space<hbm>> -> memref<400000x128xf32, #tpu.memory_space<hbm>>
      tpu.enqueue_indirect_dma source(%dma_start3A_365 : memref<400000x128xf32, #tpu.memory_space<hbm>>) target(%arg14 : memref<200x128xf32, #tpu.memory_space<vmem>>) offsets(%dma_start3A_362 : memref<200xi32, #tpu.memory_space<vmem>>) semaphore(%arg16 : memref<!tpu.dma_semaphore, #tpu.memory_space<semaphore_mem>>)
      %dma_wait3A_366 = arith.constant 800 : i32
      %dma_wait3A_367 = tpu.memref_slice %arg13[%dma_wait3A_366] : memref<2000xi32, #tpu.memory_space<vmem>> -> memref<200xi32, #tpu.memory_space<vmem>>
      %dma_wait3A_368 = arith.constant 0 : i32
      %dma_wait3A_369 = arith.constant 0 : i32
      %dma_wait3A_370 = tpu.memref_slice %arg3[%dma_wait3A_368, %dma_wait3A_369] : memref<400000x128xf32, #tpu.memory_space<hbm>> -> memref<400000x128xf32, #tpu.memory_space<hbm>>
      tpu.wait_indirect_dma semaphore(%arg16 : memref<!tpu.dma_semaphore, #tpu.memory_space<semaphore_mem>>) src(%dma_wait3A_370 : memref<400000x128xf32, #tpu.memory_space<hbm>>) dst(%arg14 : memref<200x128xf32, #tpu.memory_space<vmem>>)
      %scan3A_371 = arith.constant 0 : i32
      %scan3A_372 = arith.constant 0 : i32
      %scan3A_373 = arith.constant 800 : i32
      %scan3A_374 = arith.addi %scan3A_372, %scan3A_373 : i32
      %scan3A_375 = arith.constant 1 : i32
      %scan3A_376 = scf.for %scan3A_499 = %scan3A_372 to %scan3A_374 step %scan3A_375 iter_args(%scan3A_500 = %scan3A_371) -> (i32)  : i32 {
        %mul3A_501 = arith.constant 16 : i32
        %mul3A_502 = arith.muli %scan3A_499, %mul3A_501 : i32
        %add3A_503 = vector.broadcast %mul3A_502 : i32 to vector<16xi32>
        %add3A_504 = arith.addi %add3A_503, %iota3A : vector<16xi32>
        %shift_right_logical3A = arith.constant 6 : i32
        %shift_right_logical3A_505 = vector.broadcast %shift_right_logical3A : i32 to vector<16xi32>
        %shift_right_logical3A_506 = arith.shrui %add3A_504, %shift_right_logical3A_505 : vector<16xi32>
        %and3A = arith.constant 63 : i32
        %and3A_507 = vector.broadcast %and3A : i32 to vector<16xi32>
        %and3A_508 = arith.andi %add3A_504, %and3A_507 : vector<16xi32>
        %add3A_509 = arith.constant 800 : i32
        %add3A_510 = vector.broadcast %add3A_509 : i32 to vector<16xi32>
        %add3A_511 = arith.addi %add3A_510, %shift_right_logical3A_506 : vector<16xi32>
        %gather3A = tpu.vector_load_idx %arg12[%add3A_511] : memref<2000xi32, #tpu.memory_space<vmem>>[vector<16xi32>], vector<16xi32>,
        %and3A_512 = arith.constant 1 : i32
        %and3A_513 = vector.broadcast %and3A_512 : i32 to vector<16xi32>
        %and3A_514 = arith.andi %gather3A, %and3A_513 : vector<16xi32>
        %mul3A_515 = arith.constant 64 : i32
        %mul3A_516 = vector.broadcast %mul3A_515 : i32 to vector<16xi32>
        %mul3A_517 = arith.muli %and3A_514, %mul3A_516 : vector<16xi32>
        %add3A_518 = arith.addi %mul3A_517, %and3A_508 : vector<16xi32>
        %gather3A_519 = tpu.vector_load_idx %arg14[%shift_right_logical3A_506, %add3A_518] : memref<200x128xf32, #tpu.memory_space<vmem>>[vector<16xi32>, vector<16xi32>], vector<16xf32>,
        %mul3A_520 = arith.constant 16 : i32
        %mul3A_521 = arith.muli %scan3A_499, %mul3A_520 : i32
        %swap3A = arith.index_cast %mul3A_521 : i32 to index
        %swap3A_522 = tpu.vector_load %arg15[%swap3A] {strides = array<i32>} : memref<12800xf32, #tpu.memory_space<vmem>>, vector<16xf32>,
        tpu.vector_store %arg15[%swap3A], %gather3A_519 {strides = array<i32>} : memref<12800xf32, #tpu.memory_space<vmem>>, vector<16xf32>,
        %scan3A_523 = arith.constant 0 : i32
        scf.yield %scan3A_523 : i32
      }
      %scan3A_377 = arith.constant 800 : i32
      %mul3A_378 = arith.constant 2000 : i32
      %mul3A_379 = arith.muli %add3A, %mul3A_378 : i32
      %add3A_380 = arith.constant 800 : i32
      %add3A_381 = arith.addi %mul3A_379, %add3A_380 : i32
      %mul3A_382 = arith.constant 64 : i32
      %mul3A_383 = arith.muli %add3A_381, %mul3A_382 : i32
      "tpu.region"() ({
        %run_scoped3A = tpu.sem_alloc : memref<!tpu.dma_semaphore, #tpu.memory_space<semaphore_mem>>
        %dma_start3A_499 = tpu.memref_slice %arg4[%mul3A_383] : memref<2048000xf32, #tpu.memory_space<hbm>> -> memref<12800xf32, #tpu.memory_space<hbm>>
        %dma_start3A_500 = tpu.memref_slice %arg4[%mul3A_383] : memref<2048000xf32, #tpu.memory_space<hbm>> -> memref<12800xf32, #tpu.memory_space<hbm>>
        tpu.enqueue_dma source(%arg15 : memref<12800xf32, #tpu.memory_space<vmem>>) target(%dma_start3A_500 : memref<12800xf32, #tpu.memory_space<hbm>>) target_semaphore(%run_scoped3A : memref<!tpu.dma_semaphore, #tpu.memory_space<semaphore_mem>>)
        %dma_wait3A_501 = tpu.memref_slice %arg4[%mul3A_383] : memref<2048000xf32, #tpu.memory_space<hbm>> -> memref<12800xf32, #tpu.memory_space<hbm>>
        %dma_wait3A_502 = tpu.memref_slice %arg4[%mul3A_383] : memref<2048000xf32, #tpu.memory_space<hbm>> -> memref<12800xf32, #tpu.memory_space<hbm>>
        tpu.wait_dma2 semaphore(%run_scoped3A : memref<!tpu.dma_semaphore, #tpu.memory_space<semaphore_mem>>) src(%arg15 : memref<12800xf32, #tpu.memory_space<vmem>>) dst(%dma_wait3A_502 : memref<12800xf32, #tpu.memory_space<hbm>>)
        tpu.yield
      }) : () -> ()
      %dma_start3A_384 = arith.constant 1000 : i32
      %dma_start3A_385 = tpu.memref_slice %arg13[%dma_start3A_384] : memref<2000xi32, #tpu.memory_space<vmem>> -> memref<200xi32, #tpu.memory_space<vmem>>
      %dma_start3A_386 = arith.constant 0 : i32
      %dma_start3A_387 = arith.constant 0 : i32
      %dma_start3A_388 = tpu.memref_slice %arg3[%dma_start3A_386, %dma_start3A_387] : memref<400000x128xf32, #tpu.memory_space<hbm>> -> memref<400000x128xf32, #tpu.memory_space<hbm>>
      tpu.enqueue_indirect_dma source(%dma_start3A_388 : memref<400000x128xf32, #tpu.memory_space<hbm>>) target(%arg14 : memref<200x128xf32, #tpu.memory_space<vmem>>) offsets(%dma_start3A_385 : memref<200xi32, #tpu.memory_space<vmem>>) semaphore(%arg16 : memref<!tpu.dma_semaphore, #tpu.memory_space<semaphore_mem>>)
      %dma_wait3A_389 = arith.constant 1000 : i32
      %dma_wait3A_390 = tpu.memref_slice %arg13[%dma_wait3A_389] : memref<2000xi32, #tpu.memory_space<vmem>> -> memref<200xi32, #tpu.memory_space<vmem>>
      %dma_wait3A_391 = arith.constant 0 : i32
      %dma_wait3A_392 = arith.constant 0 : i32
      %dma_wait3A_393 = tpu.memref_slice %arg3[%dma_wait3A_391, %dma_wait3A_392] : memref<400000x128xf32, #tpu.memory_space<hbm>> -> memref<400000x128xf32, #tpu.memory_space<hbm>>
      tpu.wait_indirect_dma semaphore(%arg16 : memref<!tpu.dma_semaphore, #tpu.memory_space<semaphore_mem>>) src(%dma_wait3A_393 : memref<400000x128xf32, #tpu.memory_space<hbm>>) dst(%arg14 : memref<200x128xf32, #tpu.memory_space<vmem>>)
      %scan3A_394 = arith.constant 0 : i32
      %scan3A_395 = arith.constant 0 : i32
      %scan3A_396 = arith.constant 800 : i32
      %scan3A_397 = arith.addi %scan3A_395, %scan3A_396 : i32
      %scan3A_398 = arith.constant 1 : i32
      %scan3A_399 = scf.for %scan3A_499 = %scan3A_395 to %scan3A_397 step %scan3A_398 iter_args(%scan3A_500 = %scan3A_394) -> (i32)  : i32 {
        %mul3A_501 = arith.constant 16 : i32
        %mul3A_502 = arith.muli %scan3A_499, %mul3A_501 : i32
        %add3A_503 = vector.broadcast %mul3A_502 : i32 to vector<16xi32>
        %add3A_504 = arith.addi %add3A_503, %iota3A : vector<16xi32>
        %shift_right_logical3A = arith.constant 6 : i32
        %shift_right_logical3A_505 = vector.broadcast %shift_right_logical3A : i32 to vector<16xi32>
        %shift_right_logical3A_506 = arith.shrui %add3A_504, %shift_right_logical3A_505 : vector<16xi32>
        %and3A = arith.constant 63 : i32
        %and3A_507 = vector.broadcast %and3A : i32 to vector<16xi32>
        %and3A_508 = arith.andi %add3A_504, %and3A_507 : vector<16xi32>
        %add3A_509 = arith.constant 1000 : i32
        %add3A_510 = vector.broadcast %add3A_509 : i32 to vector<16xi32>
        %add3A_511 = arith.addi %add3A_510, %shift_right_logical3A_506 : vector<16xi32>
        %gather3A = tpu.vector_load_idx %arg12[%add3A_511] : memref<2000xi32, #tpu.memory_space<vmem>>[vector<16xi32>], vector<16xi32>,
        %and3A_512 = arith.constant 1 : i32
        %and3A_513 = vector.broadcast %and3A_512 : i32 to vector<16xi32>
        %and3A_514 = arith.andi %gather3A, %and3A_513 : vector<16xi32>
        %mul3A_515 = arith.constant 64 : i32
        %mul3A_516 = vector.broadcast %mul3A_515 : i32 to vector<16xi32>
        %mul3A_517 = arith.muli %and3A_514, %mul3A_516 : vector<16xi32>
        %add3A_518 = arith.addi %mul3A_517, %and3A_508 : vector<16xi32>
        %gather3A_519 = tpu.vector_load_idx %arg14[%shift_right_logical3A_506, %add3A_518] : memref<200x128xf32, #tpu.memory_space<vmem>>[vector<16xi32>, vector<16xi32>], vector<16xf32>,
        %mul3A_520 = arith.constant 16 : i32
        %mul3A_521 = arith.muli %scan3A_499, %mul3A_520 : i32
        %swap3A = arith.index_cast %mul3A_521 : i32 to index
        %swap3A_522 = tpu.vector_load %arg15[%swap3A] {strides = array<i32>} : memref<12800xf32, #tpu.memory_space<vmem>>, vector<16xf32>,
        tpu.vector_store %arg15[%swap3A], %gather3A_519 {strides = array<i32>} : memref<12800xf32, #tpu.memory_space<vmem>>, vector<16xf32>,
        %scan3A_523 = arith.constant 0 : i32
        scf.yield %scan3A_523 : i32
      }
      %scan3A_400 = arith.constant 800 : i32
      %mul3A_401 = arith.constant 2000 : i32
      %mul3A_402 = arith.muli %add3A, %mul3A_401 : i32
      %add3A_403 = arith.constant 1000 : i32
      %add3A_404 = arith.addi %mul3A_402, %add3A_403 : i32
      %mul3A_405 = arith.constant 64 : i32
      %mul3A_406 = arith.muli %add3A_404, %mul3A_405 : i32
      "tpu.region"() ({
        %run_scoped3A = tpu.sem_alloc : memref<!tpu.dma_semaphore, #tpu.memory_space<semaphore_mem>>
        %dma_start3A_499 = tpu.memref_slice %arg4[%mul3A_406] : memref<2048000xf32, #tpu.memory_space<hbm>> -> memref<12800xf32, #tpu.memory_space<hbm>>
        %dma_start3A_500 = tpu.memref_slice %arg4[%mul3A_406] : memref<2048000xf32, #tpu.memory_space<hbm>> -> memref<12800xf32, #tpu.memory_space<hbm>>
        tpu.enqueue_dma source(%arg15 : memref<12800xf32, #tpu.memory_space<vmem>>) target(%dma_start3A_500 : memref<12800xf32, #tpu.memory_space<hbm>>) target_semaphore(%run_scoped3A : memref<!tpu.dma_semaphore, #tpu.memory_space<semaphore_mem>>)
        %dma_wait3A_501 = tpu.memref_slice %arg4[%mul3A_406] : memref<2048000xf32, #tpu.memory_space<hbm>> -> memref<12800xf32, #tpu.memory_space<hbm>>
        %dma_wait3A_502 = tpu.memref_slice %arg4[%mul3A_406] : memref<2048000xf32, #tpu.memory_space<hbm>> -> memref<12800xf32, #tpu.memory_space<hbm>>
        tpu.wait_dma2 semaphore(%run_scoped3A : memref<!tpu.dma_semaphore, #tpu.memory_space<semaphore_mem>>) src(%arg15 : memref<12800xf32, #tpu.memory_space<vmem>>) dst(%dma_wait3A_502 : memref<12800xf32, #tpu.memory_space<hbm>>)
        tpu.yield
      }) : () -> ()
      %dma_start3A_407 = arith.constant 1200 : i32
      %dma_start3A_408 = tpu.memref_slice %arg13[%dma_start3A_407] : memref<2000xi32, #tpu.memory_space<vmem>> -> memref<200xi32, #tpu.memory_space<vmem>>
      %dma_start3A_409 = arith.constant 0 : i32
      %dma_start3A_410 = arith.constant 0 : i32
      %dma_start3A_411 = tpu.memref_slice %arg3[%dma_start3A_409, %dma_start3A_410] : memref<400000x128xf32, #tpu.memory_space<hbm>> -> memref<400000x128xf32, #tpu.memory_space<hbm>>
      tpu.enqueue_indirect_dma source(%dma_start3A_411 : memref<400000x128xf32, #tpu.memory_space<hbm>>) target(%arg14 : memref<200x128xf32, #tpu.memory_space<vmem>>) offsets(%dma_start3A_408 : memref<200xi32, #tpu.memory_space<vmem>>) semaphore(%arg16 : memref<!tpu.dma_semaphore, #tpu.memory_space<semaphore_mem>>)
      %dma_wait3A_412 = arith.constant 1200 : i32
      %dma_wait3A_413 = tpu.memref_slice %arg13[%dma_wait3A_412] : memref<2000xi32, #tpu.memory_space<vmem>> -> memref<200xi32, #tpu.memory_space<vmem>>
      %dma_wait3A_414 = arith.constant 0 : i32
      %dma_wait3A_415 = arith.constant 0 : i32
      %dma_wait3A_416 = tpu.memref_slice %arg3[%dma_wait3A_414, %dma_wait3A_415] : memref<400000x128xf32, #tpu.memory_space<hbm>> -> memref<400000x128xf32, #tpu.memory_space<hbm>>
      tpu.wait_indirect_dma semaphore(%arg16 : memref<!tpu.dma_semaphore, #tpu.memory_space<semaphore_mem>>) src(%dma_wait3A_416 : memref<400000x128xf32, #tpu.memory_space<hbm>>) dst(%arg14 : memref<200x128xf32, #tpu.memory_space<vmem>>)
      %scan3A_417 = arith.constant 0 : i32
      %scan3A_418 = arith.constant 0 : i32
      %scan3A_419 = arith.constant 800 : i32
      %scan3A_420 = arith.addi %scan3A_418, %scan3A_419 : i32
      %scan3A_421 = arith.constant 1 : i32
      %scan3A_422 = scf.for %scan3A_499 = %scan3A_418 to %scan3A_420 step %scan3A_421 iter_args(%scan3A_500 = %scan3A_417) -> (i32)  : i32 {
        %mul3A_501 = arith.constant 16 : i32
        %mul3A_502 = arith.muli %scan3A_499, %mul3A_501 : i32
        %add3A_503 = vector.broadcast %mul3A_502 : i32 to vector<16xi32>
        %add3A_504 = arith.addi %add3A_503, %iota3A : vector<16xi32>
        %shift_right_logical3A = arith.constant 6 : i32
        %shift_right_logical3A_505 = vector.broadcast %shift_right_logical3A : i32 to vector<16xi32>
        %shift_right_logical3A_506 = arith.shrui %add3A_504, %shift_right_logical3A_505 : vector<16xi32>
        %and3A = arith.constant 63 : i32
        %and3A_507 = vector.broadcast %and3A : i32 to vector<16xi32>
        %and3A_508 = arith.andi %add3A_504, %and3A_507 : vector<16xi32>
        %add3A_509 = arith.constant 1200 : i32
        %add3A_510 = vector.broadcast %add3A_509 : i32 to vector<16xi32>
        %add3A_511 = arith.addi %add3A_510, %shift_right_logical3A_506 : vector<16xi32>
        %gather3A = tpu.vector_load_idx %arg12[%add3A_511] : memref<2000xi32, #tpu.memory_space<vmem>>[vector<16xi32>], vector<16xi32>,
        %and3A_512 = arith.constant 1 : i32
        %and3A_513 = vector.broadcast %and3A_512 : i32 to vector<16xi32>
        %and3A_514 = arith.andi %gather3A, %and3A_513 : vector<16xi32>
        %mul3A_515 = arith.constant 64 : i32
        %mul3A_516 = vector.broadcast %mul3A_515 : i32 to vector<16xi32>
        %mul3A_517 = arith.muli %and3A_514, %mul3A_516 : vector<16xi32>
        %add3A_518 = arith.addi %mul3A_517, %and3A_508 : vector<16xi32>
        %gather3A_519 = tpu.vector_load_idx %arg14[%shift_right_logical3A_506, %add3A_518] : memref<200x128xf32, #tpu.memory_space<vmem>>[vector<16xi32>, vector<16xi32>], vector<16xf32>,
        %mul3A_520 = arith.constant 16 : i32
        %mul3A_521 = arith.muli %scan3A_499, %mul3A_520 : i32
        %swap3A = arith.index_cast %mul3A_521 : i32 to index
        %swap3A_522 = tpu.vector_load %arg15[%swap3A] {strides = array<i32>} : memref<12800xf32, #tpu.memory_space<vmem>>, vector<16xf32>,
        tpu.vector_store %arg15[%swap3A], %gather3A_519 {strides = array<i32>} : memref<12800xf32, #tpu.memory_space<vmem>>, vector<16xf32>,
        %scan3A_523 = arith.constant 0 : i32
        scf.yield %scan3A_523 : i32
      }
      %scan3A_423 = arith.constant 800 : i32
      %mul3A_424 = arith.constant 2000 : i32
      %mul3A_425 = arith.muli %add3A, %mul3A_424 : i32
      %add3A_426 = arith.constant 1200 : i32
      %add3A_427 = arith.addi %mul3A_425, %add3A_426 : i32
      %mul3A_428 = arith.constant 64 : i32
      %mul3A_429 = arith.muli %add3A_427, %mul3A_428 : i32
      "tpu.region"() ({
        %run_scoped3A = tpu.sem_alloc : memref<!tpu.dma_semaphore, #tpu.memory_space<semaphore_mem>>
        %dma_start3A_499 = tpu.memref_slice %arg4[%mul3A_429] : memref<2048000xf32, #tpu.memory_space<hbm>> -> memref<12800xf32, #tpu.memory_space<hbm>>
        %dma_start3A_500 = tpu.memref_slice %arg4[%mul3A_429] : memref<2048000xf32, #tpu.memory_space<hbm>> -> memref<12800xf32, #tpu.memory_space<hbm>>
        tpu.enqueue_dma source(%arg15 : memref<12800xf32, #tpu.memory_space<vmem>>) target(%dma_start3A_500 : memref<12800xf32, #tpu.memory_space<hbm>>) target_semaphore(%run_scoped3A : memref<!tpu.dma_semaphore, #tpu.memory_space<semaphore_mem>>)
        %dma_wait3A_501 = tpu.memref_slice %arg4[%mul3A_429] : memref<2048000xf32, #tpu.memory_space<hbm>> -> memref<12800xf32, #tpu.memory_space<hbm>>
        %dma_wait3A_502 = tpu.memref_slice %arg4[%mul3A_429] : memref<2048000xf32, #tpu.memory_space<hbm>> -> memref<12800xf32, #tpu.memory_space<hbm>>
        tpu.wait_dma2 semaphore(%run_scoped3A : memref<!tpu.dma_semaphore, #tpu.memory_space<semaphore_mem>>) src(%arg15 : memref<12800xf32, #tpu.memory_space<vmem>>) dst(%dma_wait3A_502 : memref<12800xf32, #tpu.memory_space<hbm>>)
        tpu.yield
      }) : () -> ()
      %dma_start3A_430 = arith.constant 1400 : i32
      %dma_start3A_431 = tpu.memref_slice %arg13[%dma_start3A_430] : memref<2000xi32, #tpu.memory_space<vmem>> -> memref<200xi32, #tpu.memory_space<vmem>>
      %dma_start3A_432 = arith.constant 0 : i32
      %dma_start3A_433 = arith.constant 0 : i32
      %dma_start3A_434 = tpu.memref_slice %arg3[%dma_start3A_432, %dma_start3A_433] : memref<400000x128xf32, #tpu.memory_space<hbm>> -> memref<400000x128xf32, #tpu.memory_space<hbm>>
      tpu.enqueue_indirect_dma source(%dma_start3A_434 : memref<400000x128xf32, #tpu.memory_space<hbm>>) target(%arg14 : memref<200x128xf32, #tpu.memory_space<vmem>>) offsets(%dma_start3A_431 : memref<200xi32, #tpu.memory_space<vmem>>) semaphore(%arg16 : memref<!tpu.dma_semaphore, #tpu.memory_space<semaphore_mem>>)
      %dma_wait3A_435 = arith.constant 1400 : i32
      %dma_wait3A_436 = tpu.memref_slice %arg13[%dma_wait3A_435] : memref<2000xi32, #tpu.memory_space<vmem>> -> memref<200xi32, #tpu.memory_space<vmem>>
      %dma_wait3A_437 = arith.constant 0 : i32
      %dma_wait3A_438 = arith.constant 0 : i32
      %dma_wait3A_439 = tpu.memref_slice %arg3[%dma_wait3A_437, %dma_wait3A_438] : memref<400000x128xf32, #tpu.memory_space<hbm>> -> memref<400000x128xf32, #tpu.memory_space<hbm>>
      tpu.wait_indirect_dma semaphore(%arg16 : memref<!tpu.dma_semaphore, #tpu.memory_space<semaphore_mem>>) src(%dma_wait3A_439 : memref<400000x128xf32, #tpu.memory_space<hbm>>) dst(%arg14 : memref<200x128xf32, #tpu.memory_space<vmem>>)
      %scan3A_440 = arith.constant 0 : i32
      %scan3A_441 = arith.constant 0 : i32
      %scan3A_442 = arith.constant 800 : i32
      %scan3A_443 = arith.addi %scan3A_441, %scan3A_442 : i32
      %scan3A_444 = arith.constant 1 : i32
      %scan3A_445 = scf.for %scan3A_499 = %scan3A_441 to %scan3A_443 step %scan3A_444 iter_args(%scan3A_500 = %scan3A_440) -> (i32)  : i32 {
        %mul3A_501 = arith.constant 16 : i32
        %mul3A_502 = arith.muli %scan3A_499, %mul3A_501 : i32
        %add3A_503 = vector.broadcast %mul3A_502 : i32 to vector<16xi32>
        %add3A_504 = arith.addi %add3A_503, %iota3A : vector<16xi32>
        %shift_right_logical3A = arith.constant 6 : i32
        %shift_right_logical3A_505 = vector.broadcast %shift_right_logical3A : i32 to vector<16xi32>
        %shift_right_logical3A_506 = arith.shrui %add3A_504, %shift_right_logical3A_505 : vector<16xi32>
        %and3A = arith.constant 63 : i32
        %and3A_507 = vector.broadcast %and3A : i32 to vector<16xi32>
        %and3A_508 = arith.andi %add3A_504, %and3A_507 : vector<16xi32>
        %add3A_509 = arith.constant 1400 : i32
        %add3A_510 = vector.broadcast %add3A_509 : i32 to vector<16xi32>
        %add3A_511 = arith.addi %add3A_510, %shift_right_logical3A_506 : vector<16xi32>
        %gather3A = tpu.vector_load_idx %arg12[%add3A_511] : memref<2000xi32, #tpu.memory_space<vmem>>[vector<16xi32>], vector<16xi32>,
        %and3A_512 = arith.constant 1 : i32
        %and3A_513 = vector.broadcast %and3A_512 : i32 to vector<16xi32>
        %and3A_514 = arith.andi %gather3A, %and3A_513 : vector<16xi32>
        %mul3A_515 = arith.constant 64 : i32
        %mul3A_516 = vector.broadcast %mul3A_515 : i32 to vector<16xi32>
        %mul3A_517 = arith.muli %and3A_514, %mul3A_516 : vector<16xi32>
        %add3A_518 = arith.addi %mul3A_517, %and3A_508 : vector<16xi32>
        %gather3A_519 = tpu.vector_load_idx %arg14[%shift_right_logical3A_506, %add3A_518] : memref<200x128xf32, #tpu.memory_space<vmem>>[vector<16xi32>, vector<16xi32>], vector<16xf32>,
        %mul3A_520 = arith.constant 16 : i32
        %mul3A_521 = arith.muli %scan3A_499, %mul3A_520 : i32
        %swap3A = arith.index_cast %mul3A_521 : i32 to index
        %swap3A_522 = tpu.vector_load %arg15[%swap3A] {strides = array<i32>} : memref<12800xf32, #tpu.memory_space<vmem>>, vector<16xf32>,
        tpu.vector_store %arg15[%swap3A], %gather3A_519 {strides = array<i32>} : memref<12800xf32, #tpu.memory_space<vmem>>, vector<16xf32>,
        %scan3A_523 = arith.constant 0 : i32
        scf.yield %scan3A_523 : i32
      }
      %scan3A_446 = arith.constant 800 : i32
      %mul3A_447 = arith.constant 2000 : i32
      %mul3A_448 = arith.muli %add3A, %mul3A_447 : i32
      %add3A_449 = arith.constant 1400 : i32
      %add3A_450 = arith.addi %mul3A_448, %add3A_449 : i32
      %mul3A_451 = arith.constant 64 : i32
      %mul3A_452 = arith.muli %add3A_450, %mul3A_451 : i32
      "tpu.region"() ({
        %run_scoped3A = tpu.sem_alloc : memref<!tpu.dma_semaphore, #tpu.memory_space<semaphore_mem>>
        %dma_start3A_499 = tpu.memref_slice %arg4[%mul3A_452] : memref<2048000xf32, #tpu.memory_space<hbm>> -> memref<12800xf32, #tpu.memory_space<hbm>>
        %dma_start3A_500 = tpu.memref_slice %arg4[%mul3A_452] : memref<2048000xf32, #tpu.memory_space<hbm>> -> memref<12800xf32, #tpu.memory_space<hbm>>
        tpu.enqueue_dma source(%arg15 : memref<12800xf32, #tpu.memory_space<vmem>>) target(%dma_start3A_500 : memref<12800xf32, #tpu.memory_space<hbm>>) target_semaphore(%run_scoped3A : memref<!tpu.dma_semaphore, #tpu.memory_space<semaphore_mem>>)
        %dma_wait3A_501 = tpu.memref_slice %arg4[%mul3A_452] : memref<2048000xf32, #tpu.memory_space<hbm>> -> memref<12800xf32, #tpu.memory_space<hbm>>
        %dma_wait3A_502 = tpu.memref_slice %arg4[%mul3A_452] : memref<2048000xf32, #tpu.memory_space<hbm>> -> memref<12800xf32, #tpu.memory_space<hbm>>
        tpu.wait_dma2 semaphore(%run_scoped3A : memref<!tpu.dma_semaphore, #tpu.memory_space<semaphore_mem>>) src(%arg15 : memref<12800xf32, #tpu.memory_space<vmem>>) dst(%dma_wait3A_502 : memref<12800xf32, #tpu.memory_space<hbm>>)
        tpu.yield
      }) : () -> ()
      %dma_start3A_453 = arith.constant 1600 : i32
      %dma_start3A_454 = tpu.memref_slice %arg13[%dma_start3A_453] : memref<2000xi32, #tpu.memory_space<vmem>> -> memref<200xi32, #tpu.memory_space<vmem>>
      %dma_start3A_455 = arith.constant 0 : i32
      %dma_start3A_456 = arith.constant 0 : i32
      %dma_start3A_457 = tpu.memref_slice %arg3[%dma_start3A_455, %dma_start3A_456] : memref<400000x128xf32, #tpu.memory_space<hbm>> -> memref<400000x128xf32, #tpu.memory_space<hbm>>
      tpu.enqueue_indirect_dma source(%dma_start3A_457 : memref<400000x128xf32, #tpu.memory_space<hbm>>) target(%arg14 : memref<200x128xf32, #tpu.memory_space<vmem>>) offsets(%dma_start3A_454 : memref<200xi32, #tpu.memory_space<vmem>>) semaphore(%arg16 : memref<!tpu.dma_semaphore, #tpu.memory_space<semaphore_mem>>)
      %dma_wait3A_458 = arith.constant 1600 : i32
      %dma_wait3A_459 = tpu.memref_slice %arg13[%dma_wait3A_458] : memref<2000xi32, #tpu.memory_space<vmem>> -> memref<200xi32, #tpu.memory_space<vmem>>
      %dma_wait3A_460 = arith.constant 0 : i32
      %dma_wait3A_461 = arith.constant 0 : i32
      %dma_wait3A_462 = tpu.memref_slice %arg3[%dma_wait3A_460, %dma_wait3A_461] : memref<400000x128xf32, #tpu.memory_space<hbm>> -> memref<400000x128xf32, #tpu.memory_space<hbm>>
      tpu.wait_indirect_dma semaphore(%arg16 : memref<!tpu.dma_semaphore, #tpu.memory_space<semaphore_mem>>) src(%dma_wait3A_462 : memref<400000x128xf32, #tpu.memory_space<hbm>>) dst(%arg14 : memref<200x128xf32, #tpu.memory_space<vmem>>)
      %scan3A_463 = arith.constant 0 : i32
      %scan3A_464 = arith.constant 0 : i32
      %scan3A_465 = arith.constant 800 : i32
      %scan3A_466 = arith.addi %scan3A_464, %scan3A_465 : i32
      %scan3A_467 = arith.constant 1 : i32
      %scan3A_468 = scf.for %scan3A_499 = %scan3A_464 to %scan3A_466 step %scan3A_467 iter_args(%scan3A_500 = %scan3A_463) -> (i32)  : i32 {
        %mul3A_501 = arith.constant 16 : i32
        %mul3A_502 = arith.muli %scan3A_499, %mul3A_501 : i32
        %add3A_503 = vector.broadcast %mul3A_502 : i32 to vector<16xi32>
        %add3A_504 = arith.addi %add3A_503, %iota3A : vector<16xi32>
        %shift_right_logical3A = arith.constant 6 : i32
        %shift_right_logical3A_505 = vector.broadcast %shift_right_logical3A : i32 to vector<16xi32>
        %shift_right_logical3A_506 = arith.shrui %add3A_504, %shift_right_logical3A_505 : vector<16xi32>
        %and3A = arith.constant 63 : i32
        %and3A_507 = vector.broadcast %and3A : i32 to vector<16xi32>
        %and3A_508 = arith.andi %add3A_504, %and3A_507 : vector<16xi32>
        %add3A_509 = arith.constant 1600 : i32
        %add3A_510 = vector.broadcast %add3A_509 : i32 to vector<16xi32>
        %add3A_511 = arith.addi %add3A_510, %shift_right_logical3A_506 : vector<16xi32>
        %gather3A = tpu.vector_load_idx %arg12[%add3A_511] : memref<2000xi32, #tpu.memory_space<vmem>>[vector<16xi32>], vector<16xi32>,
        %and3A_512 = arith.constant 1 : i32
        %and3A_513 = vector.broadcast %and3A_512 : i32 to vector<16xi32>
        %and3A_514 = arith.andi %gather3A, %and3A_513 : vector<16xi32>
        %mul3A_515 = arith.constant 64 : i32
        %mul3A_516 = vector.broadcast %mul3A_515 : i32 to vector<16xi32>
        %mul3A_517 = arith.muli %and3A_514, %mul3A_516 : vector<16xi32>
        %add3A_518 = arith.addi %mul3A_517, %and3A_508 : vector<16xi32>
        %gather3A_519 = tpu.vector_load_idx %arg14[%shift_right_logical3A_506, %add3A_518] : memref<200x128xf32, #tpu.memory_space<vmem>>[vector<16xi32>, vector<16xi32>], vector<16xf32>,
        %mul3A_520 = arith.constant 16 : i32
        %mul3A_521 = arith.muli %scan3A_499, %mul3A_520 : i32
        %swap3A = arith.index_cast %mul3A_521 : i32 to index
        %swap3A_522 = tpu.vector_load %arg15[%swap3A] {strides = array<i32>} : memref<12800xf32, #tpu.memory_space<vmem>>, vector<16xf32>,
        tpu.vector_store %arg15[%swap3A], %gather3A_519 {strides = array<i32>} : memref<12800xf32, #tpu.memory_space<vmem>>, vector<16xf32>,
        %scan3A_523 = arith.constant 0 : i32
        scf.yield %scan3A_523 : i32
      }
      %scan3A_469 = arith.constant 800 : i32
      %mul3A_470 = arith.constant 2000 : i32
      %mul3A_471 = arith.muli %add3A, %mul3A_470 : i32
      %add3A_472 = arith.constant 1600 : i32
      %add3A_473 = arith.addi %mul3A_471, %add3A_472 : i32
      %mul3A_474 = arith.constant 64 : i32
      %mul3A_475 = arith.muli %add3A_473, %mul3A_474 : i32
      "tpu.region"() ({
        %run_scoped3A = tpu.sem_alloc : memref<!tpu.dma_semaphore, #tpu.memory_space<semaphore_mem>>
        %dma_start3A_499 = tpu.memref_slice %arg4[%mul3A_475] : memref<2048000xf32, #tpu.memory_space<hbm>> -> memref<12800xf32, #tpu.memory_space<hbm>>
        %dma_start3A_500 = tpu.memref_slice %arg4[%mul3A_475] : memref<2048000xf32, #tpu.memory_space<hbm>> -> memref<12800xf32, #tpu.memory_space<hbm>>
        tpu.enqueue_dma source(%arg15 : memref<12800xf32, #tpu.memory_space<vmem>>) target(%dma_start3A_500 : memref<12800xf32, #tpu.memory_space<hbm>>) target_semaphore(%run_scoped3A : memref<!tpu.dma_semaphore, #tpu.memory_space<semaphore_mem>>)
        %dma_wait3A_501 = tpu.memref_slice %arg4[%mul3A_475] : memref<2048000xf32, #tpu.memory_space<hbm>> -> memref<12800xf32, #tpu.memory_space<hbm>>
        %dma_wait3A_502 = tpu.memref_slice %arg4[%mul3A_475] : memref<2048000xf32, #tpu.memory_space<hbm>> -> memref<12800xf32, #tpu.memory_space<hbm>>
        tpu.wait_dma2 semaphore(%run_scoped3A : memref<!tpu.dma_semaphore, #tpu.memory_space<semaphore_mem>>) src(%arg15 : memref<12800xf32, #tpu.memory_space<vmem>>) dst(%dma_wait3A_502 : memref<12800xf32, #tpu.memory_space<hbm>>)
        tpu.yield
      }) : () -> ()
      %dma_start3A_476 = arith.constant 1800 : i32
      %dma_start3A_477 = tpu.memref_slice %arg13[%dma_start3A_476] : memref<2000xi32, #tpu.memory_space<vmem>> -> memref<200xi32, #tpu.memory_space<vmem>>
      %dma_start3A_478 = arith.constant 0 : i32
      %dma_start3A_479 = arith.constant 0 : i32
      %dma_start3A_480 = tpu.memref_slice %arg3[%dma_start3A_478, %dma_start3A_479] : memref<400000x128xf32, #tpu.memory_space<hbm>> -> memref<400000x128xf32, #tpu.memory_space<hbm>>
      tpu.enqueue_indirect_dma source(%dma_start3A_480 : memref<400000x128xf32, #tpu.memory_space<hbm>>) target(%arg14 : memref<200x128xf32, #tpu.memory_space<vmem>>) offsets(%dma_start3A_477 : memref<200xi32, #tpu.memory_space<vmem>>) semaphore(%arg16 : memref<!tpu.dma_semaphore, #tpu.memory_space<semaphore_mem>>)
      %dma_wait3A_481 = arith.constant 1800 : i32
      %dma_wait3A_482 = tpu.memref_slice %arg13[%dma_wait3A_481] : memref<2000xi32, #tpu.memory_space<vmem>> -> memref<200xi32, #tpu.memory_space<vmem>>
      %dma_wait3A_483 = arith.constant 0 : i32
      %dma_wait3A_484 = arith.constant 0 : i32
      %dma_wait3A_485 = tpu.memref_slice %arg3[%dma_wait3A_483, %dma_wait3A_484] : memref<400000x128xf32, #tpu.memory_space<hbm>> -> memref<400000x128xf32, #tpu.memory_space<hbm>>
      tpu.wait_indirect_dma semaphore(%arg16 : memref<!tpu.dma_semaphore, #tpu.memory_space<semaphore_mem>>) src(%dma_wait3A_485 : memref<400000x128xf32, #tpu.memory_space<hbm>>) dst(%arg14 : memref<200x128xf32, #tpu.memory_space<vmem>>)
      %scan3A_486 = arith.constant 0 : i32
      %scan3A_487 = arith.constant 0 : i32
      %scan3A_488 = arith.constant 800 : i32
      %scan3A_489 = arith.addi %scan3A_487, %scan3A_488 : i32
      %scan3A_490 = arith.constant 1 : i32
      %scan3A_491 = scf.for %scan3A_499 = %scan3A_487 to %scan3A_489 step %scan3A_490 iter_args(%scan3A_500 = %scan3A_486) -> (i32)  : i32 {
        %mul3A_501 = arith.constant 16 : i32
        %mul3A_502 = arith.muli %scan3A_499, %mul3A_501 : i32
        %add3A_503 = vector.broadcast %mul3A_502 : i32 to vector<16xi32>
        %add3A_504 = arith.addi %add3A_503, %iota3A : vector<16xi32>
        %shift_right_logical3A = arith.constant 6 : i32
        %shift_right_logical3A_505 = vector.broadcast %shift_right_logical3A : i32 to vector<16xi32>
        %shift_right_logical3A_506 = arith.shrui %add3A_504, %shift_right_logical3A_505 : vector<16xi32>
        %and3A = arith.constant 63 : i32
        %and3A_507 = vector.broadcast %and3A : i32 to vector<16xi32>
        %and3A_508 = arith.andi %add3A_504, %and3A_507 : vector<16xi32>
        %add3A_509 = arith.constant 1800 : i32
        %add3A_510 = vector.broadcast %add3A_509 : i32 to vector<16xi32>
        %add3A_511 = arith.addi %add3A_510, %shift_right_logical3A_506 : vector<16xi32>
        %gather3A = tpu.vector_load_idx %arg12[%add3A_511] : memref<2000xi32, #tpu.memory_space<vmem>>[vector<16xi32>], vector<16xi32>,
        %and3A_512 = arith.constant 1 : i32
        %and3A_513 = vector.broadcast %and3A_512 : i32 to vector<16xi32>
        %and3A_514 = arith.andi %gather3A, %and3A_513 : vector<16xi32>
        %mul3A_515 = arith.constant 64 : i32
        %mul3A_516 = vector.broadcast %mul3A_515 : i32 to vector<16xi32>
        %mul3A_517 = arith.muli %and3A_514, %mul3A_516 : vector<16xi32>
        %add3A_518 = arith.addi %mul3A_517, %and3A_508 : vector<16xi32>
        %gather3A_519 = tpu.vector_load_idx %arg14[%shift_right_logical3A_506, %add3A_518] : memref<200x128xf32, #tpu.memory_space<vmem>>[vector<16xi32>, vector<16xi32>], vector<16xf32>,
        %mul3A_520 = arith.constant 16 : i32
        %mul3A_521 = arith.muli %scan3A_499, %mul3A_520 : i32
        %swap3A = arith.index_cast %mul3A_521 : i32 to index
        %swap3A_522 = tpu.vector_load %arg15[%swap3A] {strides = array<i32>} : memref<12800xf32, #tpu.memory_space<vmem>>, vector<16xf32>,
        tpu.vector_store %arg15[%swap3A], %gather3A_519 {strides = array<i32>} : memref<12800xf32, #tpu.memory_space<vmem>>, vector<16xf32>,
        %scan3A_523 = arith.constant 0 : i32
        scf.yield %scan3A_523 : i32
      }
      %scan3A_492 = arith.constant 800 : i32
      %mul3A_493 = arith.constant 2000 : i32
      %mul3A_494 = arith.muli %add3A, %mul3A_493 : i32
      %add3A_495 = arith.constant 1800 : i32
      %add3A_496 = arith.addi %mul3A_494, %add3A_495 : i32
      %mul3A_497 = arith.constant 64 : i32
      %mul3A_498 = arith.muli %add3A_496, %mul3A_497 : i32
      "tpu.region"() ({
        %run_scoped3A = tpu.sem_alloc : memref<!tpu.dma_semaphore, #tpu.memory_space<semaphore_mem>>
        %dma_start3A_499 = tpu.memref_slice %arg4[%mul3A_498] : memref<2048000xf32, #tpu.memory_space<hbm>> -> memref<12800xf32, #tpu.memory_space<hbm>>
        %dma_start3A_500 = tpu.memref_slice %arg4[%mul3A_498] : memref<2048000xf32, #tpu.memory_space<hbm>> -> memref<12800xf32, #tpu.memory_space<hbm>>
        tpu.enqueue_dma source(%arg15 : memref<12800xf32, #tpu.memory_space<vmem>>) target(%dma_start3A_500 : memref<12800xf32, #tpu.memory_space<hbm>>) target_semaphore(%run_scoped3A : memref<!tpu.dma_semaphore, #tpu.memory_space<semaphore_mem>>)
        %dma_wait3A_501 = tpu.memref_slice %arg4[%mul3A_498] : memref<2048000xf32, #tpu.memory_space<hbm>> -> memref<12800xf32, #tpu.memory_space<hbm>>
        %dma_wait3A_502 = tpu.memref_slice %arg4[%mul3A_498] : memref<2048000xf32, #tpu.memory_space<hbm>> -> memref<12800xf32, #tpu.memory_space<hbm>>
        tpu.wait_dma2 semaphore(%run_scoped3A : memref<!tpu.dma_semaphore, #tpu.memory_space<semaphore_mem>>) src(%arg15 : memref<12800xf32, #tpu.memory_space<vmem>>) dst(%dma_wait3A_502 : memref<12800xf32, #tpu.memory_space<hbm>>)
        tpu.yield
      }) : () -> ()
    } else {
    }
    return
  }
}

</mosaic_0001>

<sc_bundles>
// kernel: _sc_stage.3.cloned.1.call-start
scs
__scs_entry_jumppad:
0x0: {  	(pc) =	sbr.rel $0x88, $3  }
0x1: {  	(tag) =	ssettag $0x0;
	lr =	simm.s32 $0x1  }
0x2: {  	[smem:$0x3F9F] =	sst lr;
	_ =	strace $0xD0000000  }
0x3: {  	_ = 	snop  }
0x4: {  	_ = 	snop  }
0x5: {  	_ = 	snop  }
0x6: {  	_ = 	snop  }
0x7: {  	_ = 	snop  }
__scs_overlays_trampoline_lowered:
0x8: {  	[smem:$0x3FAE] =	sst s0  }
0x9: {  	[smem:$0x3FAF] =	sst s1  }
0xa: {  	[smem:$0x3FB0] =	sst s2  }
0xb: {  	[smem:$0x3FB1] =	sst s3  }
0xc: {  	[smem:$0x3FB2] =	sst s4  }
0xd: {  	[smem:$0x3FB3] =	sst s5  }
0xe: {  	[smem:$0x3FB4] =	sst s6  }
0xf: {  	[smem:$0x3FB5] =	sst s7  }
0x10: {  	[smem:$0x3FB6] =	sst s8  }
0x11: {  	[smem:$0x3FB7] =	sst s9;
	s0 =	simm.s32 @!p0 $0x0  }
0x12: {  	s1 =	sld [smem:$0x3F9D];
	s0 =	simm.s32 @p0 $0x1  }
0x13: {  	[smem:$0x3FB8] =	sst s0;
	s0 =	simm.s32 @!p1 $0x0  }
0x14: {  	s2 =	sld [smem:$0x3F9C];
	s0 =	simm.s32 @p1 $0x1  }
0x15: {  	[smem:$0x3FB9] =	sst s0;
	s0 =	simm.s32 @!p2 $0x0  }
0x16: {  	s3 =	sld [smem:$0x3FDB];
	s0 =	simm.s32 @p2 $0x1  }
0x17: {  	s4 =	simm.s32 $0x1BF5;
	[smem:$0x3FBB] =	sst s0  }
0x18: {  	s0 =	sld [smem:$0x3F9E];
	_ =	swait.ge [sflag:s4], $0x0  }
0x19: {  	s7 =	sld [smem:$0x3F9F]  }
0x1a: {  	s8 =	sadd.s32 $0xFFFFE003, lr  }
0x1b: {  	s9 =	sadd.s32 $0xFFFFFEF7, lr;
	s5 =	simm.s32 $0xFFFFFFFF;
	p2 =	slt.u32 s8, $0xFFFFF086  }
0x1c: {  	p1 =	slt.u32 s9, $0xF7A;
	s5 =	simm.s32 @!p2 $0x0  }
0x1d: {  	s5 =	simm.s32 @p1 $0x1;
	p0 =	seq.s32 s7, s2  }
0x1e: {  	s7 =	smul.u32 @!p0 $0xF7A, s2;
	p2 =	seq.s32 @!p0 s5, $0x0  }
0x1f: {  	s9 =	smul.u32 $0xF7A, s1;
	s8 =	simm.s32 @!p0 $0x1BF5;
	p2 =	por !p2, p0  }
0x20: {  	[sflag:s8] =	ssyncset.s32 @!p0 $0xFFFFF086;
	s6 =	sadd.s32 @!p0 s3, s7;
	s7 =	simm.s32 @!p0 $0x108  }
0x21: {  	s3 =	sadd.s32 s3, s9;
	s6 =	sadd.s32 @!p0 $0x88, s6;
	s7 =	simm.s32 @p2 $0x1082  }
0x22: {  	[simem:s7], [sflag:s8] =	dma.local @!p0 [hbm:s6], $0xF7A  }
0x23: {  	s9 =	sor.u32 $0xD0000000, s2;
	s6 =	simm.s32 $0x108;
	_ =	swait.ge @!p0 [sflag:s8], $0x0  }
0x24: {  	s3 =	sadd.s32 $0x88, s3;
	s6 =	simm.s32 @!p1 $0x1082;
	[sflag:s4] =	ssyncset.s32 $0xFFFFF086  }
0x25: {  	[simem:s6], [sflag:s4] =	dma.local [hbm:s3], $0xF7A  }
0x26: {  	[smem:$0x3F9F] =	sst s1;
	(tag) =	ssettag s2;
	_ =	strace s9  }
0x27: {  	s1 =	sld [smem:$0x3FAF]  }
0x28: {  	s2 =	sld [smem:$0x3FB0]  }
0x29: {  	s4 =	sld [smem:$0x3FB2]  }
0x2a: {  	p0 =	seq.s32 s5, $0x0;
	s5 =	sld [smem:$0x3FB3]  }
0x2b: {  	s6 =	sld [smem:$0x3FB4]  }
0x2c: {  	s7 =	sld [smem:$0x3FB5]  }
0x2d: {  	s3 =	simm.s32 $0x108;
	s8 =	sld [smem:$0x3FB6]  }
0x2e: {  	s3 =	simm.s32 @!p0 $0x1082;
	s9 =	sld [smem:$0x3FB7]  }
0x2f: {  	lr =	sadd.s32 s0, s3;
	s0 =	sld [smem:$0x3FAE]  }
0x30: {  	s3 =	sld [smem:$0x3FB1]  }
0x31: {  	[smem:$0x3FBA] =	sst s10  }
0x32: {  	s10 =	sld [smem:$0x3FB8];
	_ =	sdelay $0x3  }
0x33: {  	p0 =	seq.s32 s10, $0x1;
	s10 =	sld [smem:$0x3FBA];
	_ =	sdelay $0x3  }
0x34: {  	[smem:$0x3FBA] =	sst s10  }
0x35: {  	s10 =	sld [smem:$0x3FB9];
	_ =	sdelay $0x3  }
0x36: {  	p1 =	seq.s32 s10, $0x1;
	s10 =	sld [smem:$0x3FBA];
	_ =	sdelay $0x3  }
0x37: {  	[smem:$0x3FBA] =	sst s10  }
0x38: {  	s10 =	sld [smem:$0x3FBB]  }
0x39: {  	_ = 	snop;
	(pc) =	sbr.ind lr, $3  }
0x3a: {  	_ = 	snop  }
0x3b: {  	_ = 	snop  }
0x3c: {  	p2 =	seq.s32 s10, $0x1;
	s10 =	sld [smem:$0x3FBA]  }
0x3d: {  	_ =	shalt  }
0x3e: {  	_ =	shalt  }
0x3f: {  	_ =	shalt  }
0x40: {  	_ =	shalt  }
0x41: {  	_ =	shalt  }
0x42: {  	_ =	shalt  }
0x43: {  	_ =	shalt  }
0x44: {  	_ =	shalt  }
0x45: {  	_ =	shalt  }
0x46: {  	_ =	shalt  }
0x47: {  	_ =	shalt  }
0x48: {  	_ =	shalt  }
0x49: {  	_ =	shalt  }
0x4a: {  	_ =	shalt  }
0x4b: {  	_ =	shalt  }
0x4c: {  	_ =	shalt  }
0x4d: {  	_ =	shalt  }
0x4e: {  	_ =	shalt  }
0x4f: {  	_ =	shalt  }
0x50: {  	_ =	shalt  }
0x51: {  	_ =	shalt  }
0x52: {  	_ =	shalt  }
0x53: {  	_ =	shalt  }
0x54: {  	_ =	shalt  }
0x55: {  	_ =	shalt  }
0x56: {  	_ =	shalt  }
0x57: {  	_ =	shalt  }
0x58: {  	_ =	shalt  }
0x59: {  	_ =	shalt  }
0x5a: {  	_ =	shalt  }
0x5b: {  	_ =	shalt  }
0x5c: {  	_ =	shalt  }
0x5d: {  	_ =	shalt  }
0x5e: {  	_ =	shalt  }
0x5f: {  	_ =	shalt  }
0x60: {  	_ =	shalt  }
0x61: {  	_ =	shalt  }
0x62: {  	_ =	shalt  }
0x63: {  	_ =	shalt  }
0x64: {  	_ =	shalt  }
0x65: {  	_ =	shalt  }
0x66: {  	_ =	shalt  }
0x67: {  	_ =	shalt  }
0x68: {  	_ =	shalt  }
0x69: {  	_ =	shalt  }
0x6a: {  	_ =	shalt  }
0x6b: {  	_ =	shalt  }
0x6c: {  	_ =	shalt  }
0x6d: {  	_ =	shalt  }
0x6e: {  	_ =	shalt  }
0x6f: {  	_ =	shalt  }
0x70: {  	_ =	shalt  }
0x71: {  	_ =	shalt  }
0x72: {  	_ =	shalt  }
0x73: {  	_ =	shalt  }
0x74: {  	_ =	shalt  }
0x75: {  	_ =	shalt  }
0x76: {  	_ =	shalt  }
0x77: {  	_ =	shalt  }
0x78: {  	_ =	shalt  }
0x79: {  	_ =	shalt  }
0x7a: {  	_ =	shalt  }
0x7b: {  	_ =	shalt  }
0x7c: {  	_ =	shalt  }
0x7d: {  	_ =	shalt  }
0x7e: {  	_ =	shalt  }
0x7f: {  	_ =	shalt  }
0x80: {  	_ =	shalt  }
0x81: {  	_ =	shalt  }
0x82: {  	_ =	shalt  }
0x83: {  	_ =	shalt  }
0x84: {  	_ =	shalt  }
0x85: {  	_ =	shalt  }
0x86: {  	_ =	shalt  }
0x87: {  	_ =	shalt  }
.Lfunc_end0:
.L_simem_size_0:
called_computation_lowered:
.L_overlay_start_0:
0x88: {  	s2 =	sld [smem:$0x3FD9]  }
0x89: {  	s3 =	sld [smem:$0x3FFE];
	_ =	sdelay $0x1  }
0x8a: {  	s1 =	srdreg.scid  }
0x8b: {  	s0 =	sand.u32 $0x1, s1  }
0x8c: {  	s18 =	sshll.u32 s0, $0xA;
	s2 =	sadd.s32 s3, s2  }
0x8d: {  	s2 =	sadd.s32 s2, s18  }
0x8e: {  	[smem:$0x3FC6] =	sst s2  }
0x8f: {  	_ = 	snop  }
0x90: {  	s2 =	sld [smem:$0x3FC9]  }
0x91: {  	s19 =	sld [smem:$0x3FC8]  }
0x92: {  	s4 =	sld [smem:$0x3FD0];
	(tm) =	ssettm $0x1  }
0x93: {  	s5 =	sld [smem:$0x3FFB];
	_ =	sdelay $0x3  }
0x94: {  	_ =	strace s5  }
0x95: {  	s5 =	sld [smem:$0x3FFC];
	_ =	sdelay $0x3  }
0x96: {  	_ =	strace s5  }
0x97: {  	s5 =	sld [smem:$0x3FFD];
	_ =	sdelay $0x3  }
0x98: {  	_ =	strace s5  }
0x99: {  	_ =	strace $0x8FFFFFFF  }
0x9a: {  	s20 =	sld [smem:$0x3FDB];
	_ =	sdelay $0x1  }
0x9b: {  	s6 =	simm.s32 $_scs_section_size  }
0x9c: {  	s7 =	simm.s32 $_size__tile_overlayer_lowered;
	s8 =	simm.s32 $_tile_overlayer_lowered  }
0x9d: {  	s23 =	simm.s32 $0x1BFF;
	s22 =	sshll.u32 s8, $0x1;
	s5 =	sadd.s32 s6, s20  }
0x9e: {  	s9 =	simm.s32 $0x0;
	s21 =	sshll.u32 s7, $0x1;
	s7 =	sadd.s32 s22, s5  }
0x9f: {  	[timem:s9], [sflag:s23] =	dma.local [hbm:s7], s21  }
0xa0: {  	_ =	swait.ge [sflag:s23], s21  }
0xa1: {  	s6 =	ssub.s32 $0x0, s21;
	[sflag:s23] =	ssyncset.done $0x0  }
0xa2: {  	[sflag:s23] =	ssyncadd.s32 s6;
	_ =	sdelay $0x1  }
0xa3: {  	s24 =	simm.s32 $0x1B8B  }
0xa4: {  	_ =	swait.ge [sflag:s24], $0x1  }
0xa5: {  	[sflag:s24] =	ssyncset.done $0x0  }
0xa6: {  	s25 =	simm.s32 $0x1B8E;
	[sflag:s24] =	ssyncadd.s32 $0xFFFFFFFF  }
0xa7: {  	s26 =	simm.s32 $execute0_lowered;
	[smem:$0x3FD2] =	sst s25  }
0xa8: {  	s6 =	sshll.u32 s26, $0x1;
	_ =	strace $0x80000046;
	[dreg:$0x1] =	wrdreg $0xFFFFFFFF  }
0xa9: {  	s28 =	simm.s32 $_size_execute0_lowered;
	s5 =	sadd.s32 s5, s6;
	[dreg:$0x0] =	wrdreg $0x0  }
0xaa: {  	s6 =	sshll.u32 s28, $0x1;
	[dreg:$0x2] =	wrdreg s5  }
0xab: {  	[dreg:$0x3] =	wrdreg s6  }
0xac: {  	[dreg:$0x4] =	wrdreg $0xC0  }
0xad: {  	_ =	task [dreg:s9], $0x5FFFF  }
0xae: {  	[dreg:$0x1] =	wrdreg $0xFFFFFFFF  }
0xaf: {  	[dreg:$0x0] =	wrdreg $0x60  }
0xb0: {  	[dreg:$0x2] =	wrdreg s2  }
0xb1: {  	[dreg:$0x3] =	wrdreg s19  }
0xb2: {  	[dreg:$0x4] =	wrdreg s4  }
0xb3: {  	[dreg:$0x5] =	wrdreg $0x9  }
0xb4: {  	_ =	task.clear_ibuf [dreg:s9], $0x6FFFF;
	_ =	strace $0x90000046  }
0xb5: {  	s29 =	simm.s32 $0x9;
	_ =	strace $0x80000048  }
0xb6: {  	_ =	swait.ge [sflag:s29], $0x1  }
0xb7: {  	[sflag:s29] =	ssyncadd.s32 $0xFFFFFFFF  }
0xb8: {  	_ =	strace $0x90000048  }
0xb9: {  	_ =	sfence  }
0xba: {  	s30 =	sld [smem:$0x0];
	_ =	sdelay $0x2  }
0xbb: {  	s31 =	sshll.u32 s1, $0xD;
	s1 =	sshrl.u32 s1, $0x2  }
0xbc: {  	s3 =	sand.u32 $0x4000, s31;
	s1 =	sadd.s32 s1, s30  }
0xbd: {  	s0 =	sor.u32 s3, s0;
	s1 =	sshll.u32 s1, $0x11  }
0xbe: {  	s0 =	sor.u32 s1, s0  }
0xbf: {  	s0 =	sadd.s32 $0x8F2B, s0  }
0xc0: {  	[sflag:s0] =	ssyncadd.remote.s32 $0x1  }
0xc1: {  	_ =	sfence.sel $0xFFFF  }
0xc2: {  	[dreg:$0x0] =	wrdreg $0xFFFFFFFF;
	(pc) =	sbr.abs _section_cstart, $3  }
0xc3: {  	[dreg:$0x1] =	wrdreg $0xFFFFFFFF  }
0xc4: {  	_ =	task.clear_ibuf [dreg:s9], $0x2FFFF;
	_ =	strace $0x9FFFFFFF  }
0xc5: {  	(tm) =	ssettm $0x7FFFFFFF  }
tec
execute0_lowered:
.L_overlay_start_1:
0x0: {  	(tag) =	ssettag $0x1  }
0x1: {  	s2 =	stileid.u32  }
0x2: {  	p0 =	sgt.u32 s2, $0x7  }
.Ltmp0:
0x3: {  	_ = 	snop;
	(pc) =	sbr.rel @p0 .LBB2_83-.Ltmp0, $4  }
0x4: {  	_ = 	snop  }
0x5: {  	s0 =	rddreg [dreg:$0x0];
	s3 =	simm.s32 $0x0  }
0x6: {  	[smem:$0x7FF] =	sst s3  }
0x7: {  	s1 =	rddreg [dreg:$0x2];
	_ =	strace $0x80000047  }
0x8: {  	s2 =	srdreg.scid  }
0x9: {  	s2 =	sand.u32 $0x1, s2  }
0xa: {  	s4 =	stileid.u32;
	s3 =	sshll.u32 s2, $0x3  }
0xb: {  	s3 =	sadd.s32 s4, s3  }
0xc: {  	s4 =	smul.u32 $0x1F400, s3  }
0xd: {  	s5 =	smul.u32 $0x3E80, s3  }
0xe: {  	s3 =	smul.u32 $0xC350, s3;
	_ =	sdelay $0x1  }
0xf: {  	s4 =	sshrl.u32 s4, $0x3;
	s17 =	sadd.s32 s1, s5;
	s30 =	sshrl.u32 s3, $0x3  }
0x10: {  	s4 =	sadd.s32 s1, s4;
	[dreg:$0x4] =	wrdreg s17;
	s0 =	sadd.s32 s0, s30  }
0x11: {  	s18 =	sadd.s32 $0x640, s4;
	[dreg:$0xe] =	wrdreg s0  }
0x12: {  	s19 =	sadd.s32 $0xC80, s4;
	[dreg:$0x5] =	wrdreg s18  }
0x13: {  	s20 =	sadd.s32 $0x12C0, s4;
	[dreg:$0x6] =	wrdreg s19  }
0x14: {  	s21 =	sadd.s32 $0x1900, s4;
	[dreg:$0x7] =	wrdreg s20  }
0x15: {  	s22 =	sadd.s32 $0x1F40, s4;
	[dreg:$0x8] =	wrdreg s21  }
0x16: {  	s28 =	simm.s32 $0x10380;
	s23 =	sadd.s32 $0x2580, s4;
	[dreg:$0x9] =	wrdreg s22  }
0x17: {  	s25 =	ssub.s32 $0x2, s2;
	s24 =	sadd.s32 $0x2BC0, s4;
	[dreg:$0xa] =	wrdreg s23  }
0x18: {  	s29 =	sshrl.u32 s25, $0x1;
	s26 =	sadd.s32 $0x3200, s4;
	[dreg:$0xb] =	wrdreg s24  }
0x19: {  	s1 =	ssub.s32 s25, s29;
	s4 =	sadd.s32 $0x3840, s4;
	[dreg:$0xc] =	wrdreg s26  }
0x1a: {  	s17 =	simm.s32 $0xC380;
	s31 =	smax.u32 s1, $0x1;
	[dreg:$0xd] =	wrdreg s4  }
0x1b: {  	s25 =	simm.s32 $0x11380;
	s1 =	simm.s32 $0x0;
	[dreg:$0xf] =	wrdreg s31  }
0x1c: {  	v1 =	vimm.s32 $0x0;
	v2 =	vlaneseq.u32;
	v3 =	vimm.s32 $0x1;
	s4 =	simm.s32 $0x2;
	s18 =	simm.s32 $0xE380;
	s19 =	simm.s32 $0xEB80  }
0x1d: {  	v4 =	vmul.u32 $0x10, v2;
	v5 =	vmul.u32 $0x7D, v2;
	v0 =	vmov s3;
	s20 =	simm.s32 $0xD380;
	s21 =	simm.s32 $0xF380;
	s22 =	simm.s32 $0xFB80  }
.LBB2_2:
0x1e: {  	[dreg:$0x10] =	wrdreg s1  }
0x1f: {  	s0 =	simm.s32 $0x0;
	s31 =	rddreg [dreg:$0xe]  }
0x20: {  	[tilespmem:s0], [sflag:$0x2] =	stream.linear.gather [hbm4b:s31+s0], $0xC350, $0x38;
	[tilespmem:$0x1A980] =	vst v63  }
0x21: {  	_ =	swait.ge [sflag:s4], $0xC350  }
0x22: {  	[sflag:s4] =	ssyncset.done $0x0  }
0x23: {  	s1 =	simm.s32 $0x0;
	s0 =	simm.s32 $0x40;
	[sflag:s4] =	ssyncadd.s32 $0xFFFF3CB0  }
.LBB2_3:
0x24: {  	p0 =	sne.s32 s0, $0x3FC0;
	[tilespmem:s1+$0xC380] =	vst v1;
	s1 =	smov.u32 s0;
	s0 =	sadd.s32 $0x40, s0  }
.Ltmp1:
0x25: {  	(pc) =	sbr.rel @p0 .LBB2_3-.Ltmp1, $2  }
0x26: {  	_ =	sdelay $0x2  }
0x27: {  	s1 =	sshra.s32 s1, $0x2  }
0x28: {  	[tilespmem:s1+$0xC380] =	vst v1;
	s1 =	simm.s32 $0x0;
	s0 =	simm.s32 $0x40  }
.LBB2_5:
0x29: {  	p0 =	sne.s32 s0, $0x30D00;
	v6 =	vld [tilespmem:s1+$0x0];
	_ =	sdelay $0x4  }
0x2a: {  	v6 =	vshrl.u32 v6, $0x14  }
0x2b: {  	v6 =	vand.u32 $0xFF0, v6  }
0x2c: {  	v6 =	vor.u32 v2, v6  }
.Ltmp2:
0x2d: {  	(pc) =	sbr.rel @p0 .LBB2_5-.Ltmp2, $2  }
0x2e: {  	_ =	sdelay $0x2  }
0x2f: {  	s1 =	sshra.s32 s0, $0x2;
	s0 =	sadd.s32 $0x40, s0;
	[tilespmem:v6+s17+$0x0] =	vst.idx.add.s32.msk $0xffff, v3  }
0x30: {  	v6 =	vld [tilespmem:s1+$0x0];
	_ =	sdelay $0x4  }
0x31: {  	s0 =	simm.s32 $0x0;
	v6 =	vshrl.u32 v6, $0x14  }
0x32: {  	v7 =	vmov s0;
	v6 =	vand.u32 $0xFF0, v6  }
0x33: {  	v7 =	vshll.u32 v7, $0x4;
	v6 =	vor.u32 v2, v6  }
0x34: {  	v7 =	vor.u32 v4, v7  }
0x35: {  	v8 =	vor.u32 $0x1, v7  }
0x36: {  	v9 =	vor.u32 $0x2, v7  }
0x37: {  	v10 =	vor.u32 $0x3, v7  }
0x38: {  	v12 =	vor.u32 $0x5, v7;
	[tilespmem:v6+s17+$0x0] =	vst.idx.add.s32.msk $0xffff, v3  }
0x39: {  	v13 =	vor.u32 $0x6, v7;
	v11 =	vld.idx.msk [tilespmem:v7+s17+$0x0], $0xffff  }
0x3a: {  	v14 =	vor.u32 $0x7, v7;
	v8 =	vld.idx.msk [tilespmem:v8+s17+$0x0], $0xffff  }
0x3b: {  	v15 =	vor.u32 $0x8, v7;
	v9 =	vld.idx.msk [tilespmem:v9+s17+$0x0], $0xffff  }
0x3c: {  	v6 =	vor.u32 $0x4, v7;
	v10 =	vld.idx.msk [tilespmem:v10+s17+$0x0], $0xffff  }
0x3d: {  	v16 =	vor.u32 $0x9, v7;
	v12 =	vld.idx.msk [tilespmem:v12+s17+$0x0], $0xffff  }
0x3e: {  	v17 =	vor.u32 $0xA, v7;
	v18 =	vor.u32 $0xB, v7;
	v19 =	vor.u32 $0xC, v7;
	v13 =	vld.idx.msk [tilespmem:v13+s17+$0x0], $0xffff  }
0x3f: {  	v20 =	vor.u32 $0xD, v7;
	v22 =	vor.u32 $0xE, v7;
	v14 =	vld.idx.msk [tilespmem:v14+s17+$0x0], $0xffff;
	v7 =	vor.u32 $0xF, v7  }
0x40: {  	v15 =	vld.idx.msk [tilespmem:v15+s17+$0x0], $0xffff  }
0x41: {  	s3 =	simm.s32 $0x10;
	v6 =	vld.idx.msk [tilespmem:v6+s17+$0x0], $0xffff  }
0x42: {  	v21 =	vmov s3;
	v16 =	vld.idx.msk [tilespmem:v16+s17+$0x0], $0xffff  }
0x43: {  	v17 =	vld.idx.msk [tilespmem:v17+s17+$0x0], $0xffff;
	v8 =	vadd.s32 v11, v8;
	v11 =	vshll.u32 v21, $0x4  }
0x44: {  	v7 =	vld.idx.msk [tilespmem:v7+s17+$0x0], $0xffff;
	v8 =	vadd.s32 v9, v8;
	v9 =	vor.u32 v4, v11  }
0x45: {  	v11 =	vld.idx.msk [tilespmem:v18+s17+$0x0], $0xffff;
	v8 =	vadd.s32 v10, v8;
	v10 =	vor.u32 $0x1, v9  }
0x46: {  	v18 =	vld.idx.msk [tilespmem:v19+s17+$0x0], $0xffff;
	v6 =	vadd.s32 v6, v8;
	v8 =	vor.u32 $0x2, v9  }
0x47: {  	v19 =	vld.idx.msk [tilespmem:v20+s17+$0x0], $0xffff;
	v6 =	vadd.s32 v12, v6;
	v12 =	vor.u32 $0x3, v9  }
0x48: {  	v20 =	vld.idx.msk [tilespmem:v22+s17+$0x0], $0xffff;
	v6 =	vadd.s32 v13, v6;
	v13 =	vor.u32 $0x4, v9  }
0x49: {  	v21 =	vor.u32 $0x5, v9;
	v6 =	vadd.s32 v14, v6;
	v14 =	vld.idx.msk [tilespmem:v9+s17+$0x0], $0xffff  }
0x4a: {  	v10 =	vld.idx.msk [tilespmem:v10+s17+$0x0], $0xffff;
	v6 =	vadd.s32 v15, v6;
	v15 =	vor.u32 $0x6, v9  }
0x4b: {  	v6 =	vadd.s32 v16, v6;
	v8 =	vld.idx.msk [tilespmem:v8+s17+$0x0], $0xffff;
	v16 =	vor.u32 $0x7, v9  }
0x4c: {  	v6 =	vadd.s32 v17, v6;
	v12 =	vld.idx.msk [tilespmem:v12+s17+$0x0], $0xffff;
	v17 =	vor.u32 $0x8, v9  }
0x4d: {  	v6 =	vadd.s32 v11, v6;
	v11 =	vld.idx.msk [tilespmem:v13+s17+$0x0], $0xffff;
	v13 =	vor.u32 $0x9, v9  }
0x4e: {  	v6 =	vadd.s32 v18, v6;
	v18 =	vld.idx.msk [tilespmem:v21+s17+$0x0], $0xffff;
	v21 =	vor.u32 $0xA, v9  }
0x4f: {  	v10 =	vadd.s32 v14, v10;
	v14 =	vor.u32 $0xC, v9;
	v6 =	vadd.s32 v19, v6;
	v15 =	vld.idx.msk [tilespmem:v15+s17+$0x0], $0xffff  }
0x50: {  	v19 =	vor.u32 $0xB, v9;
	v6 =	vadd.s32 v20, v6;
	v16 =	vld.idx.msk [tilespmem:v16+s17+$0x0], $0xffff  }
0x51: {  	s4 =	simm.s32 $0x20;
	v8 =	vadd.s32 v8, v10;
	v10 =	vor.u32 $0xD, v9;
	v6 =	vadd.s32 v7, v6;
	v7 =	vld.idx.msk [tilespmem:v17+s17+$0x0], $0xffff  }
0x52: {  	v8 =	vadd.s32 v12, v8;
	v12 =	vmov s4;
	v17 =	vor.u32 $0xE, v9;
	v13 =	vld.idx.msk [tilespmem:v13+s17+$0x0], $0xffff  }
0x53: {  	v9 =	vor.u32 $0xF, v9;
	(xrf0) =	vadd.scan.msk.s32 $0xffff, v6;
	v8 =	vadd.s32 v11, v8;
	v11 =	vshll.u32 v12, $0x4;
	v12 =	vld.idx.msk [tilespmem:v21+s17+$0x0], $0xffff  }
0x54: {  	v8 =	vadd.s32 v18, v8;
	v11 =	vor.u32 v4, v11;
	v14 =	vld.idx.msk [tilespmem:v14+s17+$0x0], $0xffff  }
0x55: {  	v18 =	vld.idx.msk [tilespmem:v19+s17+$0x0], $0xffff;
	v8 =	vadd.s32 v15, v8;
	v15 =	vor.u32 $0x1, v11  }
0x56: {  	v8 =	vadd.s32 v16, v8;
	v16 =	vor.u32 $0x2, v11;
	v10 =	vld.idx.msk [tilespmem:v10+s17+$0x0], $0xffff  }
0x57: {  	v7 =	vadd.s32 v7, v8;
	v8 =	vor.u32 $0x3, v11;
	v17 =	vld.idx.msk [tilespmem:v17+s17+$0x0], $0xffff  }
0x58: {  	v19 =	vor.u32 $0x4, v11;
	v9 =	vld.idx.msk [tilespmem:v9+s17+$0x0], $0xffff;
	v7 =	vadd.s32 v13, v7  }
0x59: {  	v20 =	vor.u32 $0x5, v11;
	v13, _, _ =	vpop (xrf0);
	v7 =	vadd.s32 v12, v7;
	v12 =	vld.idx.msk [tilespmem:v11+s17+$0x0], $0xffff  }
0x5a: {  	(v2sf) =	vpush v13, $0xF;
	v7 =	vadd.s32 v18, v7;
	v15 =	vld.idx.msk [tilespmem:v15+s17+$0x0], $0xffff;
	v18 =	vor.u32 $0x6, v11  }
0x5b: {  	v7 =	vadd.s32 v14, v7;
	v14 =	vld.idx.msk [tilespmem:v16+s17+$0x0], $0xffff;
	v16 =	vor.u32 $0x7, v11  }
0x5c: {  	v7 =	vadd.s32 v10, v7;
	v8 =	vld.idx.msk [tilespmem:v8+s17+$0x0], $0xffff;
	v10 =	vor.u32 $0x8, v11  }
0x5d: {  	v7 =	vadd.s32 v17, v7;
	v17 =	vld.idx.msk [tilespmem:v19+s17+$0x0], $0xffff;
	v19 =	vor.u32 $0x9, v11  }
0x5e: {  	v21 =	vadd.s32 s0, v13;
	v7 =	vadd.s32 v9, v7;
	v9 =	vld.idx.msk [tilespmem:v20+s17+$0x0], $0xffff;
	v20 =	vor.u32 $0xA, v11  }
0x5f: {  	v23 =	vor.u32 $0xB, v11;
	vm0 =	vgt.s32 v21, $0x7CF;
	v18 =	vld.idx.msk [tilespmem:v18+s17+$0x0], $0xffff;
	v12 =	vadd.s32 v12, v15  }
0x60: {  	v24 =	vor.u32 $0xC, v11;
	v21 =	vmctz.xlane vm0;
	v15 =	vld.idx.msk [tilespmem:v16+s17+$0x0], $0xffff;
	v12 =	vadd.s32 v14, v12  }
0x61: {  	s5 =	simm.s32 $0x30;
	v6 =	vsub.s32 v13, v6;
	v13 =	vor.u32 $0xD, v11;
	(xrf0) =	vadd.scan.msk.s32 $0xffff, v7;
	v10 =	vld.idx.msk [tilespmem:v10+s17+$0x0], $0xffff;
	v8 =	vadd.s32 v8, v12  }
0x62: {  	v22 =	vbroadcast v21, $0x0;
	v14 =	vmov s5;
	v12 =	vld.idx.msk [tilespmem:v19+s17+$0x0], $0xffff;
	v8 =	vadd.s32 v17, v8  }
0x63: {  	v16 =	vor.u32 $0xE, v11;
	v11 =	vor.u32 $0xF, v11;
	v17 =	vld.idx.msk [tilespmem:v20+s17+$0x0], $0xffff;
	v8 =	vadd.s32 v9, v8  }
0x64: {  	(v2sf) =	vpush v21, $0x0;
	v14 =	vshll.u32 v14, $0x4;
	v9 =	vld.idx.msk [tilespmem:v23+s17+$0x0], $0xffff;
	v8 =	vadd.s32 v18, v8  }
0x65: {  	vm1 =	veq.s32 v22, v2;
	v14 =	vor.u32 v4, v14;
	v18 =	vld.idx.msk [tilespmem:v24+s17+$0x0], $0xffff;
	v8 =	vadd.s32 v15, v8  }
0x66: {  	v6 =	vnsel vm1, $0x0, v6;
	v21 =	vor.u32 $0x1, v14;
	v8 =	vadd.s32 v10, v8  }
0x67: {  	v13 =	vld.idx.msk [tilespmem:v13+s17+$0x0], $0xffff;
	v22 =	vor.u32 $0x2, v14;
	v19, _, _ =	vpop (xrf0);
	(xrf0) =	vadd.scan.msk.s32 $0xffff, v6;
	v8 =	vadd.s32 v12, v8  }
0x68: {  	v6 =	vor.u32 $0x3, v14;
	v11 =	vld.idx.msk [tilespmem:v11+s17+$0x0], $0xffff;
	v8 =	vadd.s32 v17, v8  }
0x69: {  	v15 =	vor.u32 $0x4, v14;
	v10 =	vld.idx.msk [tilespmem:v16+s17+$0x0], $0xffff;
	s29 =	spop (v2sf);
	v8 =	vadd.s32 v9, v8  }
0x6a: {  	v20 =	vmpcnt.ones.xlane vm0;
	v16 =	vor.u32 $0x5, v14;
	v12 =	vld.idx.msk [tilespmem:v14+s17+$0x0], $0xffff;
	s10 =	sadd.s32 $0x0, s29;
	v8 =	vadd.s32 v18, v8  }
0x6b: {  	(v2sf) =	vpush v19, $0xF;
	v17 =	vld.idx.msk [tilespmem:v21+s17+$0x0], $0xffff;
	v9 =	vadd.s32 s10, v19  }
0x6c: {  	(v2sf) =	vpush v20, $0x0;
	v21 =	vld.idx.msk [tilespmem:v22+s17+$0x0], $0xffff;
	vm14 =	vgt.s32 v9, $0x7CF  }
0x6d: {  	v20 =	vor.u32 $0x6, v14;
	v18 =	vld.idx.msk [tilespmem:v6+s17+$0x0], $0xffff;
	v6 =	vadd.s32 v13, v8;
	v8, _, _ =	vpop (xrf0);
	v13 =	vmctz.xlane vm14  }
0x6e: {  	v15 =	vld.idx.msk [tilespmem:v15+s17+$0x0], $0xffff;
	v6 =	vadd.s32 v10, v6;
	(v2sf) =	vpush v8, $0xF  }
0x6f: {  	v6 =	vadd.s32 v11, v6;
	v8 =	vld.idx.msk [tilespmem:v16+s17+$0x0], $0xffff;
	v11 =	vbroadcast v13, $0x0  }
0x70: {  	v22 =	vor.u32 $0x7, v14;
	v12 =	vadd.s32 v12, v17  }
0x71: {  	v9 =	vor.u32 $0x8, v14;
	(xrf0) =	vadd.scan.msk.s32 $0xffff, v6;
	vm15 =	veq.s32 v11, v2;
	v11 =	vadd.s32 v21, v12  }
0x72: {  	v23 =	vor.u32 $0x9, v14;
	v16 =	vld.idx.msk [tilespmem:v20+s17+$0x0], $0xffff;
	v11 =	vadd.s32 v18, v11  }
0x73: {  	v10 =	vor.u32 $0xA, v14;
	v11 =	vadd.s32 v15, v11  }
0x74: {  	v63 =	vor.u32 $0xC, v14;
	(v2sf) =	vpush v13, $0x0;
	v8 =	vadd.s32 v8, v11  }
0x75: {  	v7 =	vsub.s32 v19, v7;
	v22 =	vld.idx.msk [tilespmem:v22+s17+$0x0], $0xffff;
	v20 =	vor.u32 $0xB, v14  }
0x76: {  	s6 =	simm.s32 $0x40;
	v9 =	vld.idx.msk [tilespmem:v9+s17+$0x0], $0xffff;
	v21 =	vor.u32 $0xD, v14;
	v25 =	vnsel vm15, $0x0, v7  }
0x77: {  	v17 =	vor.u32 $0xE, v14;
	v12 =	vld.idx.msk [tilespmem:v23+s17+$0x0], $0xffff;
	v7 =	vmov s6;
	v15 =	vadd.s32 v16, v8;
	v8, _, _ =	vpop (xrf0);
	(xrf0) =	vadd.scan.msk.s32 $0xffff, v25  }
0x78: {  	v13 =	vld.idx.msk [tilespmem:v10+s17+$0x0], $0xffff;
	v18 =	vor.u32 $0xF, v14;
	v7 =	vshll.u32 v7, $0x4  }
0x79: {  	s12 =	simm.s32 $0x50;
	s8 =	simm.s32 $0x0;
	s31 =	spop (v2sf);
	v10 =	vld.idx.msk [tilespmem:v63+s17+$0x0], $0xffff;
	v7 =	vor.u32 v4, v7  }
0x7a: {  	s30 =	simm.s32 $0x0;
	s24 =	simm.s32 $0x0;
	v19 =	vmpcnt.ones.xlane vm14;
	v11 =	vld.idx.msk [tilespmem:v20+s17+$0x0], $0xffff;
	s2 =	spop (v2sf);
	v14 =	vor.u32 $0x1, v7  }
0x7b: {  	s7 =	smov.u32 s10;
	s9 =	sadd.s32 $0x0, s31;
	v16 =	vor.u32 $0x2, v7;
	s11 =	spop (v2sf);
	v20 =	vadd.s32 v22, v15;
	v15 =	vld.idx.msk [tilespmem:v21+s17+$0x0], $0xffff;
	(v2sf) =	vpush v8, $0xF  }
.LBB2_7:
0x7c: {  	p0 =	seq.s32 s12, $0xF0;
	v21 =	vor.u32 $0x3, v7;
	v9 =	vadd.s32 v9, v20;
	v17 =	vld.idx.msk [tilespmem:v17+s17+$0x0], $0xffff;
	(v2sf) =	vpush v19, $0x0;
	p2 =	seq.s32 s0, $0x0;
	p1 =	sgt.s32 s11, $0x0  }
0x7d: {  	v19 =	vor.u32 $0x4, v7;
	v9 =	vadd.s32 v12, v9;
	v12 =	vld.idx.msk [tilespmem:v18+s17+$0x0], $0xffff;
	v18, _, _ =	vpop (xrf0);
	p2 =	por !p2, !p1;
	s1 =	spop (v2sf)  }
0x7e: {  	v22 =	vor.u32 $0x5, v7;
	s10 =	sadd.s32 s10, s2;
	v20 =	vld.idx.msk [tilespmem:v7+s17+$0x0], $0xffff;
	v9 =	vadd.s32 v13, v9;
	(v2sf) =	vpush v18, $0xF;
	p2 =	por !p2, !p2;
	s1 =	sadd.s32 s8, s1  }
0x7f: {  	s8 =	smov.u32 s7;
	v13 =	vld.idx.msk [tilespmem:v14+s17+$0x0], $0xffff;
	v14 =	vor.u32 $0x6, v7;
	v9 =	vadd.s32 v11, v9;
	v11 =	vadd.s32 s10, v8;
	s30 =	smov.u32 @p2 s9;
	s24 =	smov.u32 @p2 s1  }
0x80: {  	v18 =	vor.u32 $0x7, v7;
	s7 =	smov.u32 s10;
	v16 =	vld.idx.msk [tilespmem:v16+s17+$0x0], $0xffff;
	v9 =	vadd.s32 v10, v9;
	vm0 =	vgt.s32 v11, $0x7CF  }
0x81: {  	v11 =	vor.u32 $0x8, v7;
	v10 =	vld.idx.msk [tilespmem:v21+s17+$0x0], $0xffff;
	v9 =	vadd.s32 v15, v9;
	v15 =	vmctz.xlane vm0  }
0x82: {  	v21 =	vor.u32 $0x9, v7;
	v19 =	vld.idx.msk [tilespmem:v19+s17+$0x0], $0xffff;
	v9 =	vadd.s32 v17, v9  }
0x83: {  	v23 =	vor.u32 $0xA, v7;
	v22 =	vld.idx.msk [tilespmem:v22+s17+$0x0], $0xffff;
	v12 =	vadd.s32 v12, v9;
	v9 =	vbroadcast v15, $0x0;
	s1 =	spop (v2sf)  }
0x84: {  	v25 =	vor.u32 $0xC, v7;
	v24 =	vld.idx.msk [tilespmem:v14+s17+$0x0], $0xffff;
	v14 =	vor.u32 $0xB, v7;
	(xrf0) =	vadd.scan.msk.s32 $0xffff, v12;
	(v2sf) =	vpush v15, $0x0;
	s9 =	sadd.s32 s3, s1;
	s3 =	smov.u32 s4;
	s4 =	smov.u32 s5  }
0x85: {  	v17 =	vsub.s32 v8, v6;
	v13 =	vadd.s32 v20, v13;
	s5 =	smov.u32 s6;
	s6 =	smov.u32 s12;
	v15 =	vld.idx.msk [tilespmem:v18+s17+$0x0], $0xffff;
	vm1 =	veq.s32 v9, v2  }
0x86: {  	v26 =	vor.u32 $0xD, v7;
	v6 =	vmovc v12;
	v8 =	vadd.s32 v16, v13;
	v9 =	vld.idx.msk [tilespmem:v11+s17+$0x0], $0xffff;
	v11 =	vnsel vm1, $0x0, v17  }
.Ltmp3:
0x87: {  	v13 =	vmov s12;
	v8 =	vadd.s32 v10, v8;
	v17 =	vor.u32 $0xE, v7;
	v12 =	vld.idx.msk [tilespmem:v21+s17+$0x0], $0xffff;
	(xrf0) =	vadd.scan.msk.s32 $0xffff, v11;
	(pc) =	sbr.rel @!p0 .LBB2_7-.Ltmp3, $4  }
0x88: {  	v18 =	vor.u32 $0xF, v7;
	v10 =	vshll.u32 v13, $0x4;
	v19 =	vadd.s32 v19, v8;
	v13 =	vld.idx.msk [tilespmem:v23+s17+$0x0], $0xffff  }
0x89: {  	v7 =	vor.u32 v4, v10;
	v16 =	vadd.s32 v22, v19;
	v11 =	vld.idx.msk [tilespmem:v14+s17+$0x0], $0xffff  }
0x8a: {  	v19 =	vmpcnt.ones.xlane vm0;
	v14 =	vor.u32 $0x1, v7;
	v20 =	vadd.s32 v24, v16;
	v10 =	vld.idx.msk [tilespmem:v25+s17+$0x0], $0xffff;
	v8, _, _ =	vpop (xrf0);
	s2 =	spop (v2sf)  }
0x8b: {  	s0 =	simm.s32 @p1 $0x1;
	s12 =	sadd.s32 $0x10, s12;
	v16 =	vor.u32 $0x2, v7;
	v20 =	vadd.s32 v15, v20;
	v15 =	vld.idx.msk [tilespmem:v26+s17+$0x0], $0xffff;
	(v2sf) =	vpush v8, $0xF;
	s11 =	spop (v2sf)  }
0x8c: {  	_ =	sdelay $0x2  }
0x8d: {  	v9 =	vadd.s32 v9, v20  }
0x8e: {  	v17 =	vld.idx.msk [tilespmem:v17+s17+$0x0], $0xffff;
	v9 =	vadd.s32 v12, v9  }
0x8f: {  	v35 =	vor.u32 $0x3, v7;
	v18 =	vld.idx.msk [tilespmem:v18+s17+$0x0], $0xffff;
	v9 =	vadd.s32 v13, v9  }
0x90: {  	v36 =	vor.u32 $0x4, v7;
	v9 =	vadd.s32 v11, v9  }
0x91: {  	v37 =	vld.idx.msk [tilespmem:v7+s17+$0x0], $0xffff;
	v38 =	vor.u32 $0x5, v7;
	v9 =	vadd.s32 v10, v9  }
0x92: {  	v39 =	vld.idx.msk [tilespmem:v14+s17+$0x0], $0xffff;
	v40 =	vor.u32 $0x6, v7;
	v9 =	vadd.s32 v15, v9  }
0x93: {  	v41 =	vld.idx.msk [tilespmem:v16+s17+$0x0], $0xffff;
	v42 =	vor.u32 $0x7, v7;
	v9 =	vadd.s32 v17, v9  }
0x94: {  	v43 =	vor.u32 $0x8, v7;
	v12 =	vld.idx.msk [tilespmem:v35+s17+$0x0], $0xffff;
	v9 =	vadd.s32 v18, v9  }
0x95: {  	v44 =	vor.u32 $0x9, v7;
	v13 =	vld.idx.msk [tilespmem:v36+s17+$0x0], $0xffff;
	(xrf0) =	vadd.scan.msk.s32 $0xffff, v9  }
0x96: {  	(v2sf) =	vpush v19, $0x0;
	s10 =	sadd.s32 s10, s2;
	v46 =	vor.u32 $0xA, v7;
	v45 =	vld.idx.msk [tilespmem:v38+s17+$0x0], $0xffff  }
0x97: {  	v22 =	vor.u32 $0xB, v7;
	v21 =	vadd.s32 s10, v8;
	v14 =	vld.idx.msk [tilespmem:v40+s17+$0x0], $0xffff;
	v10 =	vadd.s32 v37, v39  }
0x98: {  	v47 =	vor.u32 $0xC, v7;
	vm0 =	vgt.s32 v21, $0x7CF;
	v16 =	vld.idx.msk [tilespmem:v42+s17+$0x0], $0xffff;
	v10 =	vadd.s32 v41, v10  }
0x99: {  	v23 =	vor.u32 $0xD, v7;
	v48, _, _ =	vpop (xrf0);
	v21 =	vmctz.xlane vm0;
	v17 =	vld.idx.msk [tilespmem:v43+s17+$0x0], $0xffff;
	v10 =	vadd.s32 v12, v10  }
0x9a: {  	v50 =	vor.u32 $0xE, v7;
	(v2sf) =	vpush v48, $0xF;
	v49 =	vld.idx.msk [tilespmem:v44+s17+$0x0], $0xffff;
	v10 =	vadd.s32 v13, v10  }
0x9b: {  	v7 =	vor.u32 $0xF, v7;
	(v2sf) =	vpush v21, $0x0;
	v51 =	vld.idx.msk [tilespmem:v46+s17+$0x0], $0xffff;
	v10 =	vadd.s32 v45, v10;
	v52, _, _ =	vpop (xrf0)  }
0x9c: {  	v53 =	vld.idx.msk [tilespmem:v22+s17+$0x0], $0xffff;
	v10 =	vadd.s32 v14, v10;
	(v2sf) =	vpush v52, $0xF  }
0x9d: {  	v11 =	vld.idx.msk [tilespmem:v47+s17+$0x0], $0xffff;
	v10 =	vadd.s32 v16, v10  }
0x9e: {  	v54 =	vld.idx.msk [tilespmem:v23+s17+$0x0], $0xffff;
	v10 =	vadd.s32 v17, v10  }
0x9f: {  	v15 =	vld.idx.msk [tilespmem:v50+s17+$0x0], $0xffff;
	v10 =	vadd.s32 v49, v10  }
0xa0: {  	v7 =	vld.idx.msk [tilespmem:v7+s17+$0x0], $0xffff;
	v10 =	vadd.s32 v51, v10  }
0xa1: {  	v55 =	vbroadcast v21, $0x0;
	v10 =	vadd.s32 v53, v10  }
0xa2: {  	v10 =	vadd.s32 v11, v10  }
0xa3: {  	v6 =	vsub.s32 v8, v6;
	vm1 =	veq.s32 v55, v2;
	v56 =	vadd.s32 v54, v10  }
0xa4: {  	s1 =	spop (v2sf);
	v6 =	vnsel vm1, $0x0, v6;
	v8 =	vadd.s32 v15, v56  }
0xa5: {  	s13 =	spop (v2sf);
	(xrf0) =	vadd.scan.msk.s32 $0xffff, v6;
	v6 =	vadd.s32 v7, v8  }
0xa6: {  	s29 =	spop (v2sf);
	(xrf0) =	vadd.scan.msk.s32 $0xffff, v6  }
0xa7: {  	s12 =	sadd.s32 s10, s29  }
0xa8: {  	s14 =	spop (v2sf);
	v7 =	vadd.s32 s12, v52  }
0xa9: {  	s15 =	spop (v2sf)  }
0xaa: {  	s23 =	spop (v2sf);
	vm13 =	vgt.s32 v7, $0x7CF  }
0xab: {  	v57 =	vmctz.xlane vm13;
	v7, _, _ =	vpop (xrf0);
	s31 =	spop (v2sf)  }
0xac: {  	v58, _, _ =	vpop (xrf0);
	s2 =	sadd.s32 s12, s31  }
0xad: {  	v59 =	vbroadcast v57, $0x0;
	v60 =	vadd.s32 s2, v58  }
0xae: {  	v61 =	vmpcnt.ones.xlane vm0;
	vm14 =	vgt.s32 v60, $0x7CF  }
0xaf: {  	v9 =	vsub.s32 v52, v9;
	vm2 =	veq.s32 v59, v2;
	v62 =	vmctz.xlane vm14  }
0xb0: {  	(v2sf) =	vpush v61, $0x0;
	v9 =	vnsel vm2, $0x0, v9  }
0xb1: {  	(v2sf) =	vpush v7, $0xF;
	(xrf0) =	vadd.scan.msk.s32 $0xffff, v9;
	v7 =	vbroadcast v62, $0x0;
	_ =	sdelay $0x1  }
0xb2: {  	v6 =	vsub.s32 v58, v6;
	vm15 =	veq.s32 v7, v2  }
0xb3: {  	v6 =	vnsel vm15, $0x0, v6  }
0xb4: {  	v63 =	vmpcnt.ones.xlane vm13;
	(v2sf) =	vpush v57, $0x0  }
0xb5: {  	(v2sf) =	vpush v58, $0xF;
	(xrf0) =	vadd.scan.msk.s32 $0xffff, v6  }
0xb6: {  	(v2sf) =	vpush v63, $0x0;
	v6, _, _ =	vpop (xrf0)  }
0xb7: {  	(v2sf) =	vpush v6, $0xF;
	v6 =	vmpcnt.ones.xlane vm14  }
0xb8: {  	(v2sf) =	vpush v62, $0x0  }
0xb9: {  	(v2sf) =	vpush v6, $0x0;
	_ =	sdelay $0x1  }
0xba: {  	p0 =	sgt.s32 s11, $0x0;
	p1 =	seq.s32 s0, $0x0;
	v6, _, _ =	vpop (xrf0)  }
0xbb: {  	p1 =	por !p1, !p0;
	s0 =	simm.s32 @p0 $0x1;
	(v2sf) =	vpush v6, $0xF  }
0xbc: {  	s1 =	sadd.s32 s8, s1;
	p1 =	por !p1, !p1;
	p2 =	seq.s32 s0, $0x0  }
0xbd: {  	s30 =	smov.u32 @p1 s9;
	s24 =	smov.u32 @p1 s1;
	p0 =	sgt.s32 s14, $0x0  }
0xbe: {  	s3 =	sadd.s32 s3, s13;
	p2 =	por !p2, !p0;
	s0 =	simm.s32 @p0 $0x1  }
0xbf: {  	p1 =	por !p2, !p2;
	s7 =	sadd.s32 s7, s15;
	p0 =	seq.s32 s0, $0x0  }
0xc0: {  	s30 =	smov.u32 @p1 s3;
	s24 =	smov.u32 @p1 s7;
	s11 =	spop (v2sf)  }
0xc1: {  	s4 =	sadd.s32 s4, s23;
	p1 =	sgt.s32 s11, $0x0;
	s13 =	spop (v2sf)  }
0xc2: {  	p0 =	por !p0, !p1;
	s0 =	simm.s32 @p1 $0x1;
	s14 =	spop (v2sf)  }
0xc3: {  	p0 =	por !p0, !p0;
	p1 =	seq.s32 s0, $0x0;
	s15 =	spop (v2sf)  }
0xc4: {  	s30 =	smov.u32 @p0 s4;
	s7 =	sadd.s32 s10, s13;
	s16 =	spop (v2sf)  }
0xc5: {  	s24 =	smov.u32 @p0 s7;
	p2 =	sgt.s32 s16, $0x0;
	s23 =	spop (v2sf)  }
0xc6: {  	s3 =	sadd.s32 s5, s14;
	p3 =	por !p1, !p2;
	s26 =	spop (v2sf)  }
0xc7: {  	s0 =	simm.s32 @p2 $0x1;
	p0 =	por !p3, !p3;
	s29 =	spop (v2sf)  }
0xc8: {  	p4 =	seq.s32 s0, $0x0;
	s1 =	sadd.s32 s12, s23;
	p5 =	sgt.s32 s29, $0x0  }
0xc9: {  	s30 =	smov.u32 @p0 s3;
	s24 =	smov.u32 @p0 s1;
	p6 =	por !p4, !p5  }
0xca: {  	s1 =	sadd.s32 s6, s26;
	s31 =	spop (v2sf);
	p0 =	por !p6, !p6  }
0xcb: {  	s0 =	sadd.s32 s2, s31;
	s30 =	smov.u32 @p0 s1  }
0xcc: {  	s1 =	simm.s32 $0x0;
	s24 =	smov.u32 @p0 s0;
	s0 =	simm.s32 $0x40  }
.LBB2_9:
0xcd: {  	p0 =	seq.s32 s0, $0x3FC0;
	[tilespmem:s1+$0xC380] =	vst v1;
	s1 =	smov.u32 s0;
	s0 =	sadd.s32 $0x40, s0  }
.Ltmp4:
0xce: {  	(pc) =	sbr.rel @!p0 .LBB2_9-.Ltmp4, $2  }
0xcf: {  	_ =	sdelay $0x2  }
0xd0: {  	s1 =	sshra.s32 s1, $0x2  }
0xd1: {  	[tilespmem:s1+$0xC380] =	vst v1;
	v6 =	vmov s30;
	s1 =	simm.s32 $0x0;
	s0 =	simm.s32 $0x40  }
.LBB2_11:
0xd2: {  	p0 =	seq.s32 s0, $0x30D00;
	v7 =	vld [tilespmem:s1+$0x0];
	_ =	sdelay $0x4  }
0xd3: {  	v8 =	vshrl.u32 v7, $0xC;
	v7 =	vshrl.u32 v7, $0x18  }
0xd4: {  	vm0 =	veq.s32 v7, v6;
	v7 =	vand.u32 $0xFF0, v8  }
0xd5: {  	v7 =	vor.u32 v2, v7  }
.Ltmp5:
0xd6: {  	(pc) =	sbr.rel @!p0 .LBB2_11-.Ltmp5, $2  }
0xd7: {  	_ =	sdelay $0x2  }
0xd8: {  	s1 =	sshra.s32 s0, $0x2;
	s0 =	sadd.s32 $0x40, s0;
	[tilespmem:v7+s17+$0x0] =	vst.idx.add.s32.msk vm0, v3  }
0xd9: {  	v7 =	vld [tilespmem:s1+$0x0];
	_ =	sdelay $0x4  }
0xda: {  	s0 =	simm.s32 $0x0;
	v8 =	vshrl.u32 v7, $0xC;
	v7 =	vshrl.u32 v7, $0x18  }
0xdb: {  	vm0 =	veq.s32 v7, v6;
	v6 =	vand.u32 $0xFF0, v8;
	v7 =	vmov s0  }
0xdc: {  	v6 =	vor.u32 v2, v6;
	v7 =	vshll.u32 v7, $0x4  }
0xdd: {  	v7 =	vor.u32 v4, v7  }
0xde: {  	v8 =	vor.u32 $0x1, v7  }
0xdf: {  	v9 =	vor.u32 $0x2, v7  }
0xe0: {  	v10 =	vor.u32 $0x3, v7  }
0xe1: {  	v11 =	vor.u32 $0x4, v7;
	[tilespmem:v6+s17+$0x0] =	vst.idx.add.s32.msk vm0, v3  }
0xe2: {  	v13 =	vor.u32 $0x5, v7;
	v12 =	vld.idx.msk [tilespmem:v7+s17+$0x0], $0xffff  }
0xe3: {  	v14 =	vor.u32 $0x6, v7;
	v8 =	vld.idx.msk [tilespmem:v8+s17+$0x0], $0xffff  }
0xe4: {  	v15 =	vor.u32 $0x7, v7;
	v9 =	vld.idx.msk [tilespmem:v9+s17+$0x0], $0xffff  }
0xe5: {  	v16 =	vor.u32 $0x8, v7;
	v10 =	vld.idx.msk [tilespmem:v10+s17+$0x0], $0xffff  }
0xe6: {  	v17 =	vor.u32 $0x9, v7;
	v11 =	vld.idx.msk [tilespmem:v11+s17+$0x0], $0xffff  }
0xe7: {  	v18 =	vor.u32 $0xA, v7;
	v19 =	vor.u32 $0xB, v7;
	v20 =	vor.u32 $0xC, v7;
	v13 =	vld.idx.msk [tilespmem:v13+s17+$0x0], $0xffff  }
0xe8: {  	v21 =	vor.u32 $0xD, v7;
	v23 =	vor.u32 $0xE, v7;
	v7 =	vor.u32 $0xF, v7;
	v14 =	vld.idx.msk [tilespmem:v14+s17+$0x0], $0xffff  }
0xe9: {  	v15 =	vld.idx.msk [tilespmem:v15+s17+$0x0], $0xffff  }
0xea: {  	s3 =	simm.s32 $0x10;
	v16 =	vld.idx.msk [tilespmem:v16+s17+$0x0], $0xffff  }
0xeb: {  	v22 =	vmov s3;
	v17 =	vld.idx.msk [tilespmem:v17+s17+$0x0], $0xffff  }
0xec: {  	v18 =	vld.idx.msk [tilespmem:v18+s17+$0x0], $0xffff;
	v8 =	vadd.s32 v12, v8;
	v12 =	vshll.u32 v22, $0x4  }
0xed: {  	v7 =	vld.idx.msk [tilespmem:v7+s17+$0x0], $0xffff;
	v8 =	vadd.s32 v9, v8;
	v9 =	vor.u32 v4, v12  }
0xee: {  	v12 =	vld.idx.msk [tilespmem:v19+s17+$0x0], $0xffff;
	v8 =	vadd.s32 v10, v8;
	v10 =	vor.u32 $0x1, v9  }
0xef: {  	v19 =	vld.idx.msk [tilespmem:v20+s17+$0x0], $0xffff;
	v8 =	vadd.s32 v11, v8;
	v11 =	vor.u32 $0x2, v9  }
0xf0: {  	v20 =	vld.idx.msk [tilespmem:v21+s17+$0x0], $0xffff;
	v8 =	vadd.s32 v13, v8;
	v13 =	vor.u32 $0x3, v9  }
0xf1: {  	v21 =	vld.idx.msk [tilespmem:v23+s17+$0x0], $0xffff;
	v8 =	vadd.s32 v14, v8;
	v14 =	vor.u32 $0x4, v9  }
0xf2: {  	v22 =	vor.u32 $0x5, v9;
	v8 =	vadd.s32 v15, v8;
	v15 =	vld.idx.msk [tilespmem:v9+s17+$0x0], $0xffff  }
0xf3: {  	v8 =	vadd.s32 v16, v8;
	v10 =	vld.idx.msk [tilespmem:v10+s17+$0x0], $0xffff;
	v16 =	vor.u32 $0x6, v9  }
0xf4: {  	v8 =	vadd.s32 v17, v8;
	v11 =	vld.idx.msk [tilespmem:v11+s17+$0x0], $0xffff;
	v17 =	vor.u32 $0x7, v9  }
0xf5: {  	v8 =	vadd.s32 v18, v8;
	v13 =	vld.idx.msk [tilespmem:v13+s17+$0x0], $0xffff;
	v18 =	vor.u32 $0x8, v9  }
0xf6: {  	v8 =	vadd.s32 v12, v8;
	v12 =	vld.idx.msk [tilespmem:v14+s17+$0x0], $0xffff;
	v14 =	vor.u32 $0x9, v9  }
0xf7: {  	v8 =	vadd.s32 v19, v8;
	v19 =	vld.idx.msk [tilespmem:v22+s17+$0x0], $0xffff;
	v22 =	vor.u32 $0xA, v9  }
0xf8: {  	v8 =	vadd.s32 v20, v8;
	v16 =	vld.idx.msk [tilespmem:v16+s17+$0x0], $0xffff;
	v20 =	vor.u32 $0xB, v9  }
0xf9: {  	v10 =	vadd.s32 v15, v10;
	v15 =	vor.u32 $0xC, v9;
	v8 =	vadd.s32 v21, v8;
	v17 =	vld.idx.msk [tilespmem:v17+s17+$0x0], $0xffff  }
0xfa: {  	s4 =	simm.s32 $0x20;
	v10 =	vadd.s32 v11, v10;
	v11 =	vor.u32 $0xD, v9;
	v7 =	vadd.s32 v7, v8;
	v8 =	vld.idx.msk [tilespmem:v18+s17+$0x0], $0xffff  }
0xfb: {  	v10 =	vadd.s32 v13, v10;
	v13 =	vmov s4;
	v18 =	vor.u32 $0xE, v9;
	v14 =	vld.idx.msk [tilespmem:v14+s17+$0x0], $0xffff  }
0xfc: {  	v9 =	vor.u32 $0xF, v9;
	(xrf0) =	vadd.scan.msk.s32 $0xffff, v7;
	v10 =	vadd.s32 v12, v10;
	v12 =	vshll.u32 v13, $0x4;
	v13 =	vld.idx.msk [tilespmem:v22+s17+$0x0], $0xffff  }
0xfd: {  	v10 =	vadd.s32 v19, v10;
	v12 =	vor.u32 v4, v12;
	v19 =	vld.idx.msk [tilespmem:v20+s17+$0x0], $0xffff  }
0xfe: {  	v10 =	vadd.s32 v16, v10;
	v16 =	vor.u32 $0x1, v12;
	v15 =	vld.idx.msk [tilespmem:v15+s17+$0x0], $0xffff  }
0xff: {  	v10 =	vadd.s32 v17, v10;
	v17 =	vor.u32 $0x2, v12;
	v11 =	vld.idx.msk [tilespmem:v11+s17+$0x0], $0xffff  }
0x100: {  	v8 =	vadd.s32 v8, v10;
	v10 =	vor.u32 $0x3, v12;
	v18 =	vld.idx.msk [tilespmem:v18+s17+$0x0], $0xffff  }
0x101: {  	v20 =	vor.u32 $0x4, v12;
	v9 =	vld.idx.msk [tilespmem:v9+s17+$0x0], $0xffff;
	v8 =	vadd.s32 v14, v8  }
0x102: {  	v21 =	vor.u32 $0x5, v12;
	v14, _, _ =	vpop (xrf0);
	v8 =	vadd.s32 v13, v8;
	v13 =	vld.idx.msk [tilespmem:v12+s17+$0x0], $0xffff  }
0x103: {  	(v2sf) =	vpush v14, $0xF;
	v8 =	vadd.s32 v19, v8;
	v16 =	vld.idx.msk [tilespmem:v16+s17+$0x0], $0xffff;
	v19 =	vor.u32 $0x6, v12  }
0x104: {  	v8 =	vadd.s32 v15, v8;
	v15 =	vld.idx.msk [tilespmem:v17+s17+$0x0], $0xffff;
	v17 =	vor.u32 $0x7, v12  }
0x105: {  	s31 =	ssub.s32 $0x7D0, s24;
	v8 =	vadd.s32 v11, v8;
	v10 =	vld.idx.msk [tilespmem:v10+s17+$0x0], $0xffff;
	v11 =	vor.u32 $0x8, v12  }
0x106: {  	v6 =	vmov s31;
	v8 =	vadd.s32 v18, v8;
	v18 =	vld.idx.msk [tilespmem:v20+s17+$0x0], $0xffff;
	v20 =	vor.u32 $0x9, v12  }
0x107: {  	v22 =	vadd.s32 s0, v14;
	v8 =	vadd.s32 v9, v8;
	v9 =	vld.idx.msk [tilespmem:v21+s17+$0x0], $0xffff;
	v21 =	vor.u32 $0xA, v12  }
0x108: {  	v24 =	vor.u32 $0xB, v12;
	vm13 =	vge.s32 v22, v6;
	v19 =	vld.idx.msk [tilespmem:v19+s17+$0x0], $0xffff;
	v13 =	vadd.s32 v13, v16  }
0x109: {  	v25 =	vor.u32 $0xC, v12;
	v22 =	vmctz.xlane vm13;
	v16 =	vld.idx.msk [tilespmem:v17+s17+$0x0], $0xffff;
	v13 =	vadd.s32 v15, v13  }
0x10a: {  	s5 =	simm.s32 $0x30;
	v7 =	vsub.s32 v14, v7;
	v14 =	vor.u32 $0xD, v12;
	(xrf0) =	vadd.scan.msk.s32 $0xffff, v8;
	v11 =	vld.idx.msk [tilespmem:v11+s17+$0x0], $0xffff;
	v10 =	vadd.s32 v10, v13  }
0x10b: {  	v23 =	vbroadcast v22, $0x0;
	v15 =	vmov s5;
	v13 =	vld.idx.msk [tilespmem:v20+s17+$0x0], $0xffff;
	v10 =	vadd.s32 v18, v10  }
0x10c: {  	v17 =	vor.u32 $0xE, v12;
	v12 =	vor.u32 $0xF, v12;
	v18 =	vld.idx.msk [tilespmem:v21+s17+$0x0], $0xffff;
	v9 =	vadd.s32 v9, v10  }
0x10d: {  	(v2sf) =	vpush v22, $0x0;
	v15 =	vshll.u32 v15, $0x4;
	v10 =	vld.idx.msk [tilespmem:v24+s17+$0x0], $0xffff;
	v9 =	vadd.s32 v19, v9  }
0x10e: {  	vm1 =	veq.s32 v23, v2;
	v15 =	vor.u32 v4, v15;
	v19 =	vld.idx.msk [tilespmem:v25+s17+$0x0], $0xffff;
	v9 =	vadd.s32 v16, v9  }
0x10f: {  	v7 =	vnsel vm1, $0x0, v7;
	v22 =	vor.u32 $0x1, v15;
	v9 =	vadd.s32 v11, v9  }
0x110: {  	v14 =	vld.idx.msk [tilespmem:v14+s17+$0x0], $0xffff;
	v23 =	vor.u32 $0x2, v15;
	v20, _, _ =	vpop (xrf0);
	(xrf0) =	vadd.scan.msk.s32 $0xffff, v7;
	v9 =	vadd.s32 v13, v9  }
0x111: {  	v7 =	vor.u32 $0x3, v15;
	v12 =	vld.idx.msk [tilespmem:v12+s17+$0x0], $0xffff;
	v9 =	vadd.s32 v18, v9  }
0x112: {  	v16 =	vor.u32 $0x4, v15;
	v11 =	vld.idx.msk [tilespmem:v17+s17+$0x0], $0xffff;
	s23 =	spop (v2sf);
	v9 =	vadd.s32 v10, v9  }
0x113: {  	v21 =	vmpcnt.ones.xlane vm13;
	v17 =	vor.u32 $0x5, v15;
	v13 =	vld.idx.msk [tilespmem:v15+s17+$0x0], $0xffff;
	s11 =	sadd.s32 $0x0, s23;
	v9 =	vadd.s32 v19, v9  }
0x114: {  	(v2sf) =	vpush v20, $0xF;
	v18 =	vld.idx.msk [tilespmem:v22+s17+$0x0], $0xffff;
	v10 =	vadd.s32 s11, v20  }
0x115: {  	(v2sf) =	vpush v21, $0x0;
	v22 =	vld.idx.msk [tilespmem:v23+s17+$0x0], $0xffff;
	vm14 =	vge.s32 v10, v6  }
0x116: {  	v21 =	vor.u32 $0x6, v15;
	v19 =	vld.idx.msk [tilespmem:v7+s17+$0x0], $0xffff;
	v7 =	vadd.s32 v14, v9;
	v9, _, _ =	vpop (xrf0);
	v14 =	vmctz.xlane vm14  }
0x117: {  	v16 =	vld.idx.msk [tilespmem:v16+s17+$0x0], $0xffff;
	v7 =	vadd.s32 v11, v7;
	(v2sf) =	vpush v9, $0xF  }
0x118: {  	v7 =	vadd.s32 v12, v7;
	v9 =	vld.idx.msk [tilespmem:v17+s17+$0x0], $0xffff;
	v12 =	vbroadcast v14, $0x0  }
0x119: {  	v23 =	vor.u32 $0x7, v15;
	v13 =	vadd.s32 v13, v18  }
0x11a: {  	v10 =	vor.u32 $0x8, v15;
	(xrf0) =	vadd.scan.msk.s32 $0xffff, v7;
	vm15 =	veq.s32 v12, v2;
	v12 =	vadd.s32 v22, v13  }
0x11b: {  	v62 =	vor.u32 $0x9, v15;
	v17 =	vld.idx.msk [tilespmem:v21+s17+$0x0], $0xffff;
	v12 =	vadd.s32 v19, v12  }
0x11c: {  	v11 =	vor.u32 $0xA, v15;
	v12 =	vadd.s32 v16, v12  }
0x11d: {  	v63 =	vor.u32 $0xC, v15;
	(v2sf) =	vpush v14, $0x0;
	v9 =	vadd.s32 v9, v12  }
0x11e: {  	v8 =	vsub.s32 v20, v8;
	v23 =	vld.idx.msk [tilespmem:v23+s17+$0x0], $0xffff;
	v21 =	vor.u32 $0xB, v15  }
0x11f: {  	s6 =	simm.s32 $0x40;
	v10 =	vld.idx.msk [tilespmem:v10+s17+$0x0], $0xffff;
	v22 =	vor.u32 $0xD, v15;
	v26 =	vnsel vm15, $0x0, v8  }
0x120: {  	v18 =	vor.u32 $0xE, v15;
	v13 =	vld.idx.msk [tilespmem:v62+s17+$0x0], $0xffff;
	v8 =	vmov s6;
	v16 =	vadd.s32 v17, v9;
	v9, _, _ =	vpop (xrf0);
	(xrf0) =	vadd.scan.msk.s32 $0xffff, v26  }
0x121: {  	v14 =	vld.idx.msk [tilespmem:v11+s17+$0x0], $0xffff;
	v19 =	vor.u32 $0xF, v15;
	v8 =	vshll.u32 v8, $0x4  }
0x122: {  	s13 =	simm.s32 $0x50;
	s9 =	simm.s32 $0x0;
	s26 =	spop (v2sf);
	v11 =	vld.idx.msk [tilespmem:v63+s17+$0x0], $0xffff;
	v8 =	vor.u32 v4, v8  }
0x123: {  	s7 =	simm.s32 $0x0;
	s29 =	simm.s32 $0x0;
	v20 =	vmpcnt.ones.xlane vm14;
	v12 =	vld.idx.msk [tilespmem:v21+s17+$0x0], $0xffff;
	s2 =	spop (v2sf);
	v15 =	vor.u32 $0x1, v8  }
0x124: {  	s8 =	smov.u32 s11;
	s10 =	sadd.s32 $0x0, s26;
	v17 =	vor.u32 $0x2, v8;
	s12 =	spop (v2sf);
	v21 =	vadd.s32 v23, v16;
	v16 =	vld.idx.msk [tilespmem:v22+s17+$0x0], $0xffff;
	(v2sf) =	vpush v9, $0xF  }
.LBB2_13:
0x125: {  	p0 =	seq.s32 s13, $0xF0;
	v22 =	vor.u32 $0x3, v8;
	v10 =	vadd.s32 v10, v21;
	v18 =	vld.idx.msk [tilespmem:v18+s17+$0x0], $0xffff;
	(v2sf) =	vpush v20, $0x0;
	p2 =	seq.s32 s0, $0x0;
	p1 =	sgt.s32 s12, $0x0  }
0x126: {  	v20 =	vor.u32 $0x4, v8;
	v10 =	vadd.s32 v13, v10;
	v13 =	vld.idx.msk [tilespmem:v19+s17+$0x0], $0xffff;
	v19, _, _ =	vpop (xrf0);
	p2 =	por !p2, !p1;
	s1 =	spop (v2sf)  }
0x127: {  	v23 =	vor.u32 $0x5, v8;
	s11 =	sadd.s32 s11, s2;
	v21 =	vld.idx.msk [tilespmem:v8+s17+$0x0], $0xffff;
	v10 =	vadd.s32 v14, v10;
	(v2sf) =	vpush v19, $0xF;
	p2 =	por !p2, !p2;
	s1 =	sadd.s32 s9, s1  }
0x128: {  	s9 =	smov.u32 s8;
	v14 =	vld.idx.msk [tilespmem:v15+s17+$0x0], $0xffff;
	v15 =	vor.u32 $0x6, v8;
	v10 =	vadd.s32 v12, v10;
	v12 =	vadd.s32 s11, v9;
	s7 =	smov.u32 @p2 s10;
	s29 =	smov.u32 @p2 s1  }
0x129: {  	v19 =	vor.u32 $0x7, v8;
	s8 =	smov.u32 s11;
	v17 =	vld.idx.msk [tilespmem:v17+s17+$0x0], $0xffff;
	v10 =	vadd.s32 v11, v10;
	vm0 =	vge.s32 v12, v6  }
0x12a: {  	v12 =	vor.u32 $0x8, v8;
	v11 =	vld.idx.msk [tilespmem:v22+s17+$0x0], $0xffff;
	v10 =	vadd.s32 v16, v10;
	v16 =	vmctz.xlane vm0  }
0x12b: {  	v22 =	vor.u32 $0x9, v8;
	v20 =	vld.idx.msk [tilespmem:v20+s17+$0x0], $0xffff;
	v10 =	vadd.s32 v18, v10  }
0x12c: {  	v24 =	vor.u32 $0xA, v8;
	v23 =	vld.idx.msk [tilespmem:v23+s17+$0x0], $0xffff;
	v13 =	vadd.s32 v13, v10;
	v10 =	vbroadcast v16, $0x0;
	s1 =	spop (v2sf)  }
0x12d: {  	v26 =	vor.u32 $0xC, v8;
	v25 =	vld.idx.msk [tilespmem:v15+s17+$0x0], $0xffff;
	v15 =	vor.u32 $0xB, v8;
	(xrf0) =	vadd.scan.msk.s32 $0xffff, v13;
	(v2sf) =	vpush v16, $0x0;
	s10 =	sadd.s32 s3, s1;
	s3 =	smov.u32 s4;
	s4 =	smov.u32 s5  }
0x12e: {  	v18 =	vsub.s32 v9, v7;
	v14 =	vadd.s32 v21, v14;
	s5 =	smov.u32 s6;
	s6 =	smov.u32 s13;
	v16 =	vld.idx.msk [tilespmem:v19+s17+$0x0], $0xffff;
	vm1 =	veq.s32 v10, v2  }
0x12f: {  	v27 =	vor.u32 $0xD, v8;
	v7 =	vmovc v13;
	v9 =	vadd.s32 v17, v14;
	v10 =	vld.idx.msk [tilespmem:v12+s17+$0x0], $0xffff;
	v12 =	vnsel vm1, $0x0, v18  }
.Ltmp6:
0x130: {  	v14 =	vmov s13;
	v9 =	vadd.s32 v11, v9;
	v18 =	vor.u32 $0xE, v8;
	v13 =	vld.idx.msk [tilespmem:v22+s17+$0x0], $0xffff;
	(xrf0) =	vadd.scan.msk.s32 $0xffff, v12;
	(pc) =	sbr.rel @!p0 .LBB2_13-.Ltmp6, $4  }
0x131: {  	v19 =	vor.u32 $0xF, v8;
	v11 =	vshll.u32 v14, $0x4;
	v20 =	vadd.s32 v20, v9;
	v14 =	vld.idx.msk [tilespmem:v24+s17+$0x0], $0xffff  }
0x132: {  	v8 =	vor.u32 v4, v11;
	v17 =	vadd.s32 v23, v20;
	v12 =	vld.idx.msk [tilespmem:v15+s17+$0x0], $0xffff  }
0x133: {  	v20 =	vmpcnt.ones.xlane vm0;
	v15 =	vor.u32 $0x1, v8;
	v21 =	vadd.s32 v25, v17;
	v11 =	vld.idx.msk [tilespmem:v26+s17+$0x0], $0xffff;
	v9, _, _ =	vpop (xrf0);
	s2 =	spop (v2sf)  }
0x134: {  	s0 =	simm.s32 @p1 $0x1;
	s13 =	sadd.s32 $0x10, s13;
	v17 =	vor.u32 $0x2, v8;
	v21 =	vadd.s32 v16, v21;
	v16 =	vld.idx.msk [tilespmem:v27+s17+$0x0], $0xffff;
	(v2sf) =	vpush v9, $0xF;
	s12 =	spop (v2sf)  }
0x135: {  	_ =	sdelay $0x2  }
0x136: {  	v10 =	vadd.s32 v10, v21  }
0x137: {  	v18 =	vld.idx.msk [tilespmem:v18+s17+$0x0], $0xffff;
	v10 =	vadd.s32 v13, v10  }
0x138: {  	v32 =	vor.u32 $0x3, v8;
	v19 =	vld.idx.msk [tilespmem:v19+s17+$0x0], $0xffff;
	v10 =	vadd.s32 v14, v10  }
0x139: {  	v33 =	vor.u32 $0x4, v8;
	v10 =	vadd.s32 v12, v10  }
0x13a: {  	v34 =	vld.idx.msk [tilespmem:v8+s17+$0x0], $0xffff;
	v35 =	vor.u32 $0x5, v8;
	v10 =	vadd.s32 v11, v10  }
0x13b: {  	v36 =	vld.idx.msk [tilespmem:v15+s17+$0x0], $0xffff;
	v37 =	vor.u32 $0x6, v8;
	v10 =	vadd.s32 v16, v10  }
0x13c: {  	v38 =	vld.idx.msk [tilespmem:v17+s17+$0x0], $0xffff;
	v39 =	vor.u32 $0x7, v8;
	v10 =	vadd.s32 v18, v10  }
0x13d: {  	v40 =	vor.u32 $0x8, v8;
	v13 =	vld.idx.msk [tilespmem:v32+s17+$0x0], $0xffff;
	v10 =	vadd.s32 v19, v10  }
0x13e: {  	v41 =	vor.u32 $0x9, v8;
	v14 =	vld.idx.msk [tilespmem:v33+s17+$0x0], $0xffff;
	(xrf0) =	vadd.scan.msk.s32 $0xffff, v10  }
0x13f: {  	(v2sf) =	vpush v20, $0x0;
	s11 =	sadd.s32 s11, s2;
	v43 =	vor.u32 $0xA, v8;
	v42 =	vld.idx.msk [tilespmem:v35+s17+$0x0], $0xffff  }
0x140: {  	v23 =	vor.u32 $0xB, v8;
	v22 =	vadd.s32 s11, v9;
	v15 =	vld.idx.msk [tilespmem:v37+s17+$0x0], $0xffff;
	v11 =	vadd.s32 v34, v36  }
0x141: {  	v44 =	vor.u32 $0xC, v8;
	vm0 =	vge.s32 v22, v6;
	v17 =	vld.idx.msk [tilespmem:v39+s17+$0x0], $0xffff;
	v11 =	vadd.s32 v38, v11  }
0x142: {  	v24 =	vor.u32 $0xD, v8;
	v45, _, _ =	vpop (xrf0);
	v22 =	vmctz.xlane vm0;
	v18 =	vld.idx.msk [tilespmem:v40+s17+$0x0], $0xffff;
	v11 =	vadd.s32 v13, v11  }
0x143: {  	v47 =	vor.u32 $0xE, v8;
	(v2sf) =	vpush v45, $0xF;
	v46 =	vld.idx.msk [tilespmem:v41+s17+$0x0], $0xffff;
	v11 =	vadd.s32 v14, v11  }
0x144: {  	v49 =	vor.u32 $0xF, v8;
	(v2sf) =	vpush v22, $0x0;
	v48 =	vld.idx.msk [tilespmem:v43+s17+$0x0], $0xffff;
	v11 =	vadd.s32 v42, v11;
	v50, _, _ =	vpop (xrf0)  }
0x145: {  	v51 =	vld.idx.msk [tilespmem:v23+s17+$0x0], $0xffff;
	v11 =	vadd.s32 v15, v11;
	(v2sf) =	vpush v50, $0xF  }
0x146: {  	v12 =	vld.idx.msk [tilespmem:v44+s17+$0x0], $0xffff;
	v11 =	vadd.s32 v17, v11  }
0x147: {  	v52 =	vld.idx.msk [tilespmem:v24+s17+$0x0], $0xffff;
	v11 =	vadd.s32 v18, v11  }
0x148: {  	v16 =	vld.idx.msk [tilespmem:v47+s17+$0x0], $0xffff;
	v11 =	vadd.s32 v46, v11  }
0x149: {  	v8 =	vld.idx.msk [tilespmem:v49+s17+$0x0], $0xffff;
	v11 =	vadd.s32 v48, v11  }
0x14a: {  	v53 =	vbroadcast v22, $0x0;
	v11 =	vadd.s32 v51, v11  }
0x14b: {  	v11 =	vadd.s32 v12, v11  }
0x14c: {  	v7 =	vsub.s32 v9, v7;
	vm1 =	veq.s32 v53, v2;
	v54 =	vadd.s32 v52, v11  }
0x14d: {  	v7 =	vnsel vm1, $0x0, v7;
	v9 =	vadd.s32 v16, v54  }
0x14e: {  	s1 =	spop (v2sf);
	(xrf0) =	vadd.scan.msk.s32 $0xffff, v7;
	v7 =	vadd.s32 v8, v9  }
0x14f: {  	s14 =	spop (v2sf);
	(xrf0) =	vadd.scan.msk.s32 $0xffff, v7  }
0x150: {  	s13 =	spop (v2sf)  }
0x151: {  	s15 =	spop (v2sf);
	s13 =	sadd.s32 s11, s13  }
0x152: {  	v55 =	vadd.s32 s13, v50;
	s23 =	spop (v2sf)  }
0x153: {  	vm13 =	vge.s32 v55, v6;
	s26 =	spop (v2sf)  }
0x154: {  	v56, _, _ =	vpop (xrf0);
	v57 =	vmctz.xlane vm13;
	s16 =	spop (v2sf)  }
0x155: {  	v58, _, _ =	vpop (xrf0);
	s2 =	sadd.s32 s13, s16  }
0x156: {  	v59 =	vbroadcast v57, $0x0;
	v60 =	vadd.s32 s2, v58  }
0x157: {  	vm14 =	vge.s32 v60, v6  }
0x158: {  	vm2 =	veq.s32 v59, v2;
	v6 =	vsub.s32 v50, v10;
	v62 =	vmctz.xlane vm14  }
0x159: {  	v6 =	vnsel vm2, $0x0, v6  }
0x15a: {  	v61 =	vmpcnt.ones.xlane vm0;
	(xrf0) =	vadd.scan.msk.s32 $0xffff, v6;
	v6 =	vbroadcast v62, $0x0;
	_ =	sdelay $0x1  }
0x15b: {  	(v2sf) =	vpush v61, $0x0;
	v7 =	vsub.s32 v58, v7;
	vm15 =	veq.s32 v6, v2  }
0x15c: {  	(v2sf) =	vpush v56, $0xF;
	v6 =	vnsel vm15, $0x0, v7  }
0x15d: {  	v63 =	vmpcnt.ones.xlane vm13;
	(v2sf) =	vpush v57, $0x0  }
0x15e: {  	(v2sf) =	vpush v58, $0xF;
	(xrf0) =	vadd.scan.msk.s32 $0xffff, v6  }
0x15f: {  	(v2sf) =	vpush v63, $0x0;
	v6, _, _ =	vpop (xrf0)  }
0x160: {  	(v2sf) =	vpush v6, $0xF;
	v6 =	vmpcnt.ones.xlane vm14  }
0x161: {  	(v2sf) =	vpush v62, $0x0  }
0x162: {  	(v2sf) =	vpush v6, $0x0;
	_ =	sdelay $0x1  }
0x163: {  	p0 =	sgt.s32 s12, $0x0;
	p1 =	seq.s32 s0, $0x0;
	v6, _, _ =	vpop (xrf0)  }
0x164: {  	p1 =	por !p1, !p0;
	s0 =	simm.s32 @p0 $0x1;
	(v2sf) =	vpush v6, $0xF  }
0x165: {  	s1 =	sadd.s32 s9, s1;
	p1 =	por !p1, !p1;
	p2 =	seq.s32 s0, $0x0  }
0x166: {  	s7 =	smov.u32 @p1 s10;
	s29 =	smov.u32 @p1 s1;
	p0 =	sgt.s32 s15, $0x0  }
0x167: {  	s3 =	sadd.s32 s3, s14;
	p2 =	por !p2, !p0;
	s0 =	simm.s32 @p0 $0x1  }
0x168: {  	p1 =	por !p2, !p2;
	s8 =	sadd.s32 s8, s23;
	p0 =	seq.s32 s0, $0x0  }
0x169: {  	s7 =	smov.u32 @p1 s3;
	s29 =	smov.u32 @p1 s8;
	s15 =	spop (v2sf)  }
0x16a: {  	s4 =	sadd.s32 s4, s26;
	s16 =	spop (v2sf);
	p1 =	sgt.s32 s15, $0x0  }
0x16b: {  	p0 =	por !p0, !p1;
	s8 =	sadd.s32 s11, s16;
	s10 =	spop (v2sf)  }
0x16c: {  	s0 =	simm.s32 @p1 $0x1;
	p0 =	por !p0, !p0;
	s12 =	spop (v2sf)  }
0x16d: {  	p1 =	seq.s32 s0, $0x0;
	s7 =	smov.u32 @p0 s4;
	s14 =	spop (v2sf)  }
0x16e: {  	s29 =	smov.u32 @p0 s8;
	p2 =	sgt.s32 s14, $0x0;
	s15 =	spop (v2sf)  }
0x16f: {  	s3 =	sadd.s32 s5, s10;
	p3 =	por !p1, !p2;
	s16 =	spop (v2sf)  }
0x170: {  	s0 =	simm.s32 @p2 $0x1;
	p0 =	por !p3, !p3;
	s23 =	spop (v2sf)  }
0x171: {  	p4 =	seq.s32 s0, $0x0;
	s1 =	sadd.s32 s13, s15;
	p5 =	sgt.s32 s23, $0x0  }
0x172: {  	s7 =	smov.u32 @p0 s3;
	s29 =	smov.u32 @p0 s1;
	p6 =	por !p4, !p5  }
0x173: {  	s1 =	sadd.s32 s6, s16;
	s26 =	spop (v2sf);
	p0 =	por !p6, !p6  }
0x174: {  	s0 =	sadd.s32 s2, s26;
	s7 =	smov.u32 @p0 s1  }
0x175: {  	s1 =	simm.s32 $0x0;
	s29 =	smov.u32 @p0 s0;
	s0 =	simm.s32 $0x40  }
.LBB2_15:
0x176: {  	p0 =	seq.s32 s0, $0x3FC0;
	[tilespmem:s1+$0xC380] =	vst v1;
	s1 =	smov.u32 s0;
	s0 =	sadd.s32 $0x40, s0  }
.Ltmp7:
0x177: {  	(pc) =	sbr.rel @!p0 .LBB2_15-.Ltmp7, $2  }
0x178: {  	_ =	sdelay $0x2  }
0x179: {  	s1 =	sshra.s32 s1, $0x2  }
0x17a: {  	s0 =	sshll.u32 s30, $0x8  }
0x17b: {  	s0 =	sadd.s32 s0, s7  }
0x17c: {  	[tilespmem:s1+$0xC380] =	vst v1;
	s2 =	simm.s32 $0x0;
	s1 =	simm.s32 $0x40;
	v6 =	vmov s0  }
.LBB2_17:
0x17d: {  	p0 =	seq.s32 s1, $0x30D00;
	v7 =	vld [tilespmem:s2+$0x0];
	_ =	sdelay $0x4  }
0x17e: {  	v8 =	vshrl.u32 v7, $0x4;
	v7 =	vshrl.u32 v7, $0x10  }
0x17f: {  	vm0 =	veq.s32 v7, v6;
	v7 =	vand.u32 $0xFF0, v8  }
0x180: {  	v7 =	vor.u32 v2, v7  }
.Ltmp8:
0x181: {  	(pc) =	sbr.rel @!p0 .LBB2_17-.Ltmp8, $2  }
0x182: {  	_ =	sdelay $0x2  }
0x183: {  	s2 =	sshra.s32 s1, $0x2;
	s1 =	sadd.s32 $0x40, s1;
	[tilespmem:v7+s17+$0x0] =	vst.idx.add.s32.msk vm0, v3  }
0x184: {  	v7 =	vld [tilespmem:s2+$0x0];
	_ =	sdelay $0x4  }
0x185: {  	s3 =	simm.s32 $0x0;
	v8 =	vshrl.u32 v7, $0x4;
	v7 =	vshrl.u32 v7, $0x10  }
0x186: {  	vm0 =	veq.s32 v7, v6;
	v6 =	vand.u32 $0xFF0, v8;
	v7 =	vmov s3  }
0x187: {  	v6 =	vor.u32 v2, v6;
	v7 =	vshll.u32 v7, $0x4  }
0x188: {  	v7 =	vor.u32 v4, v7  }
0x189: {  	v8 =	vor.u32 $0x1, v7  }
0x18a: {  	v9 =	vor.u32 $0x2, v7  }
0x18b: {  	v10 =	vor.u32 $0x3, v7  }
0x18c: {  	v11 =	vor.u32 $0x4, v7;
	[tilespmem:v6+s17+$0x0] =	vst.idx.add.s32.msk vm0, v3  }
0x18d: {  	v13 =	vor.u32 $0x5, v7;
	v12 =	vld.idx.msk [tilespmem:v7+s17+$0x0], $0xffff  }
0x18e: {  	v14 =	vor.u32 $0x6, v7;
	v8 =	vld.idx.msk [tilespmem:v8+s17+$0x0], $0xffff  }
0x18f: {  	v15 =	vor.u32 $0x7, v7;
	v9 =	vld.idx.msk [tilespmem:v9+s17+$0x0], $0xffff  }
0x190: {  	v16 =	vor.u32 $0x8, v7;
	v10 =	vld.idx.msk [tilespmem:v10+s17+$0x0], $0xffff  }
0x191: {  	v17 =	vor.u32 $0x9, v7;
	v11 =	vld.idx.msk [tilespmem:v11+s17+$0x0], $0xffff  }
0x192: {  	v18 =	vor.u32 $0xA, v7;
	v19 =	vor.u32 $0xB, v7;
	v20 =	vor.u32 $0xC, v7;
	v13 =	vld.idx.msk [tilespmem:v13+s17+$0x0], $0xffff  }
0x193: {  	v21 =	vor.u32 $0xD, v7;
	v23 =	vor.u32 $0xE, v7;
	v7 =	vor.u32 $0xF, v7;
	v14 =	vld.idx.msk [tilespmem:v14+s17+$0x0], $0xffff  }
0x194: {  	v15 =	vld.idx.msk [tilespmem:v15+s17+$0x0], $0xffff  }
0x195: {  	s4 =	simm.s32 $0x10;
	v16 =	vld.idx.msk [tilespmem:v16+s17+$0x0], $0xffff  }
0x196: {  	v22 =	vmov s4;
	v17 =	vld.idx.msk [tilespmem:v17+s17+$0x0], $0xffff  }
0x197: {  	v18 =	vld.idx.msk [tilespmem:v18+s17+$0x0], $0xffff;
	v8 =	vadd.s32 v12, v8;
	v12 =	vshll.u32 v22, $0x4  }
0x198: {  	v7 =	vld.idx.msk [tilespmem:v7+s17+$0x0], $0xffff;
	v8 =	vadd.s32 v9, v8;
	v9 =	vor.u32 v4, v12  }
0x199: {  	v12 =	vld.idx.msk [tilespmem:v19+s17+$0x0], $0xffff;
	v8 =	vadd.s32 v10, v8;
	v10 =	vor.u32 $0x1, v9  }
0x19a: {  	v19 =	vld.idx.msk [tilespmem:v20+s17+$0x0], $0xffff;
	v8 =	vadd.s32 v11, v8;
	v11 =	vor.u32 $0x2, v9  }
0x19b: {  	v20 =	vld.idx.msk [tilespmem:v21+s17+$0x0], $0xffff;
	v8 =	vadd.s32 v13, v8;
	v13 =	vor.u32 $0x3, v9  }
0x19c: {  	v21 =	vld.idx.msk [tilespmem:v23+s17+$0x0], $0xffff;
	v8 =	vadd.s32 v14, v8;
	v14 =	vor.u32 $0x4, v9  }
0x19d: {  	v22 =	vor.u32 $0x5, v9;
	v8 =	vadd.s32 v15, v8;
	v15 =	vld.idx.msk [tilespmem:v9+s17+$0x0], $0xffff  }
0x19e: {  	v8 =	vadd.s32 v16, v8;
	v10 =	vld.idx.msk [tilespmem:v10+s17+$0x0], $0xffff;
	v16 =	vor.u32 $0x6, v9  }
0x19f: {  	v8 =	vadd.s32 v17, v8;
	v11 =	vld.idx.msk [tilespmem:v11+s17+$0x0], $0xffff;
	v17 =	vor.u32 $0x7, v9  }
0x1a0: {  	v8 =	vadd.s32 v18, v8;
	v13 =	vld.idx.msk [tilespmem:v13+s17+$0x0], $0xffff;
	v18 =	vor.u32 $0x8, v9  }
0x1a1: {  	v8 =	vadd.s32 v12, v8;
	v12 =	vld.idx.msk [tilespmem:v14+s17+$0x0], $0xffff;
	v14 =	vor.u32 $0x9, v9  }
0x1a2: {  	v8 =	vadd.s32 v19, v8;
	v19 =	vld.idx.msk [tilespmem:v22+s17+$0x0], $0xffff;
	v22 =	vor.u32 $0xA, v9  }
0x1a3: {  	v8 =	vadd.s32 v20, v8;
	v16 =	vld.idx.msk [tilespmem:v16+s17+$0x0], $0xffff;
	v20 =	vor.u32 $0xB, v9  }
0x1a4: {  	v10 =	vadd.s32 v15, v10;
	v15 =	vor.u32 $0xC, v9;
	v8 =	vadd.s32 v21, v8;
	v17 =	vld.idx.msk [tilespmem:v17+s17+$0x0], $0xffff  }
0x1a5: {  	s5 =	simm.s32 $0x20;
	v10 =	vadd.s32 v11, v10;
	v11 =	vor.u32 $0xD, v9;
	v7 =	vadd.s32 v7, v8;
	v8 =	vld.idx.msk [tilespmem:v18+s17+$0x0], $0xffff  }
0x1a6: {  	v10 =	vadd.s32 v13, v10;
	v13 =	vmov s5;
	v18 =	vor.u32 $0xE, v9;
	v14 =	vld.idx.msk [tilespmem:v14+s17+$0x0], $0xffff  }
0x1a7: {  	v9 =	vor.u32 $0xF, v9;
	(xrf0) =	vadd.scan.msk.s32 $0xffff, v7;
	v10 =	vadd.s32 v12, v10;
	v12 =	vshll.u32 v13, $0x4;
	v13 =	vld.idx.msk [tilespmem:v22+s17+$0x0], $0xffff  }
0x1a8: {  	v10 =	vadd.s32 v19, v10;
	v12 =	vor.u32 v4, v12;
	v19 =	vld.idx.msk [tilespmem:v20+s17+$0x0], $0xffff  }
0x1a9: {  	v10 =	vadd.s32 v16, v10;
	v16 =	vor.u32 $0x1, v12;
	v15 =	vld.idx.msk [tilespmem:v15+s17+$0x0], $0xffff  }
0x1aa: {  	v10 =	vadd.s32 v17, v10;
	v17 =	vor.u32 $0x2, v12;
	v11 =	vld.idx.msk [tilespmem:v11+s17+$0x0], $0xffff  }
0x1ab: {  	v8 =	vadd.s32 v8, v10;
	v10 =	vor.u32 $0x3, v12;
	v18 =	vld.idx.msk [tilespmem:v18+s17+$0x0], $0xffff  }
0x1ac: {  	v20 =	vor.u32 $0x4, v12;
	v9 =	vld.idx.msk [tilespmem:v9+s17+$0x0], $0xffff;
	v8 =	vadd.s32 v14, v8  }
0x1ad: {  	v21 =	vor.u32 $0x5, v12;
	v14, _, _ =	vpop (xrf0);
	v8 =	vadd.s32 v13, v8;
	v13 =	vld.idx.msk [tilespmem:v12+s17+$0x0], $0xffff  }
0x1ae: {  	(v2sf) =	vpush v14, $0xF;
	v8 =	vadd.s32 v19, v8;
	v16 =	vld.idx.msk [tilespmem:v16+s17+$0x0], $0xffff;
	v19 =	vor.u32 $0x6, v12  }
0x1af: {  	v8 =	vadd.s32 v15, v8;
	v15 =	vld.idx.msk [tilespmem:v17+s17+$0x0], $0xffff;
	v17 =	vor.u32 $0x7, v12  }
0x1b0: {  	s31 =	ssub.s32 s31, s29;
	v8 =	vadd.s32 v11, v8;
	v10 =	vld.idx.msk [tilespmem:v10+s17+$0x0], $0xffff;
	v11 =	vor.u32 $0x8, v12  }
0x1b1: {  	v6 =	vmov s31;
	v8 =	vadd.s32 v18, v8;
	v18 =	vld.idx.msk [tilespmem:v20+s17+$0x0], $0xffff;
	v20 =	vor.u32 $0x9, v12  }
0x1b2: {  	v22 =	vadd.s32 s3, v14;
	v8 =	vadd.s32 v9, v8;
	v9 =	vld.idx.msk [tilespmem:v21+s17+$0x0], $0xffff;
	v21 =	vor.u32 $0xA, v12  }
0x1b3: {  	v24 =	vor.u32 $0xB, v12;
	vm13 =	vge.s32 v22, v6;
	v19 =	vld.idx.msk [tilespmem:v19+s17+$0x0], $0xffff;
	v13 =	vadd.s32 v13, v16  }
0x1b4: {  	v25 =	vor.u32 $0xC, v12;
	v22 =	vmctz.xlane vm13;
	v16 =	vld.idx.msk [tilespmem:v17+s17+$0x0], $0xffff;
	v13 =	vadd.s32 v15, v13  }
0x1b5: {  	s6 =	simm.s32 $0x30;
	v7 =	vsub.s32 v14, v7;
	v14 =	vor.u32 $0xD, v12;
	(xrf0) =	vadd.scan.msk.s32 $0xffff, v8;
	v11 =	vld.idx.msk [tilespmem:v11+s17+$0x0], $0xffff;
	v10 =	vadd.s32 v10, v13  }
0x1b6: {  	v23 =	vbroadcast v22, $0x0;
	v15 =	vmov s6;
	v13 =	vld.idx.msk [tilespmem:v20+s17+$0x0], $0xffff;
	v10 =	vadd.s32 v18, v10  }
0x1b7: {  	v17 =	vor.u32 $0xE, v12;
	v12 =	vor.u32 $0xF, v12;
	v18 =	vld.idx.msk [tilespmem:v21+s17+$0x0], $0xffff;
	v9 =	vadd.s32 v9, v10  }
0x1b8: {  	(v2sf) =	vpush v22, $0x0;
	v15 =	vshll.u32 v15, $0x4;
	v10 =	vld.idx.msk [tilespmem:v24+s17+$0x0], $0xffff;
	v9 =	vadd.s32 v19, v9  }
0x1b9: {  	vm1 =	veq.s32 v23, v2;
	v15 =	vor.u32 v4, v15;
	v19 =	vld.idx.msk [tilespmem:v25+s17+$0x0], $0xffff;
	v9 =	vadd.s32 v16, v9  }
0x1ba: {  	v7 =	vnsel vm1, $0x0, v7;
	v22 =	vor.u32 $0x1, v15;
	v9 =	vadd.s32 v11, v9  }
0x1bb: {  	v14 =	vld.idx.msk [tilespmem:v14+s17+$0x0], $0xffff;
	v23 =	vor.u32 $0x2, v15;
	v20, _, _ =	vpop (xrf0);
	(xrf0) =	vadd.scan.msk.s32 $0xffff, v7;
	v9 =	vadd.s32 v13, v9  }
0x1bc: {  	v7 =	vor.u32 $0x3, v15;
	v12 =	vld.idx.msk [tilespmem:v12+s17+$0x0], $0xffff;
	v9 =	vadd.s32 v18, v9  }
0x1bd: {  	v16 =	vor.u32 $0x4, v15;
	v11 =	vld.idx.msk [tilespmem:v17+s17+$0x0], $0xffff;
	s1 =	spop (v2sf);
	v9 =	vadd.s32 v10, v9  }
0x1be: {  	v21 =	vmpcnt.ones.xlane vm13;
	v17 =	vor.u32 $0x5, v15;
	v13 =	vld.idx.msk [tilespmem:v15+s17+$0x0], $0xffff;
	s9 =	sadd.s32 $0x0, s1;
	v9 =	vadd.s32 v19, v9  }
0x1bf: {  	(v2sf) =	vpush v20, $0xF;
	v18 =	vld.idx.msk [tilespmem:v22+s17+$0x0], $0xffff;
	v10 =	vadd.s32 s9, v20  }
0x1c0: {  	(v2sf) =	vpush v21, $0x0;
	v22 =	vld.idx.msk [tilespmem:v23+s17+$0x0], $0xffff;
	vm14 =	vge.s32 v10, v6  }
0x1c1: {  	v21 =	vor.u32 $0x6, v15;
	v19 =	vld.idx.msk [tilespmem:v7+s17+$0x0], $0xffff;
	v7 =	vadd.s32 v14, v9;
	v9, _, _ =	vpop (xrf0);
	v14 =	vmctz.xlane vm14  }
0x1c2: {  	v16 =	vld.idx.msk [tilespmem:v16+s17+$0x0], $0xffff;
	v7 =	vadd.s32 v11, v7;
	(v2sf) =	vpush v9, $0xF  }
0x1c3: {  	v7 =	vadd.s32 v12, v7;
	v9 =	vld.idx.msk [tilespmem:v17+s17+$0x0], $0xffff;
	v12 =	vbroadcast v14, $0x0  }
0x1c4: {  	v23 =	vor.u32 $0x7, v15;
	v13 =	vadd.s32 v13, v18  }
0x1c5: {  	v10 =	vor.u32 $0x8, v15;
	(xrf0) =	vadd.scan.msk.s32 $0xffff, v7;
	vm15 =	veq.s32 v12, v2;
	v12 =	vadd.s32 v22, v13  }
0x1c6: {  	v62 =	vor.u32 $0x9, v15;
	v17 =	vld.idx.msk [tilespmem:v21+s17+$0x0], $0xffff;
	v12 =	vadd.s32 v19, v12  }
0x1c7: {  	v11 =	vor.u32 $0xA, v15;
	v12 =	vadd.s32 v16, v12  }
0x1c8: {  	v63 =	vor.u32 $0xC, v15;
	(v2sf) =	vpush v14, $0x0;
	v9 =	vadd.s32 v9, v12  }
0x1c9: {  	v8 =	vsub.s32 v20, v8;
	v23 =	vld.idx.msk [tilespmem:v23+s17+$0x0], $0xffff;
	v21 =	vor.u32 $0xB, v15  }
0x1ca: {  	s7 =	simm.s32 $0x40;
	v10 =	vld.idx.msk [tilespmem:v10+s17+$0x0], $0xffff;
	v22 =	vor.u32 $0xD, v15;
	v26 =	vnsel vm15, $0x0, v8  }
0x1cb: {  	v18 =	vor.u32 $0xE, v15;
	v13 =	vld.idx.msk [tilespmem:v62+s17+$0x0], $0xffff;
	v8 =	vmov s7;
	v16 =	vadd.s32 v17, v9;
	v9, _, _ =	vpop (xrf0);
	(xrf0) =	vadd.scan.msk.s32 $0xffff, v26  }
0x1cc: {  	v14 =	vld.idx.msk [tilespmem:v11+s17+$0x0], $0xffff;
	v19 =	vor.u32 $0xF, v15;
	v8 =	vshll.u32 v8, $0x4  }
0x1cd: {  	s14 =	simm.s32 $0x50;
	s10 =	simm.s32 $0x0;
	s26 =	spop (v2sf);
	v11 =	vld.idx.msk [tilespmem:v63+s17+$0x0], $0xffff;
	v8 =	vor.u32 v4, v8  }
0x1ce: {  	s8 =	simm.s32 $0x0;
	s30 =	simm.s32 $0x0;
	v20 =	vmpcnt.ones.xlane vm14;
	v12 =	vld.idx.msk [tilespmem:v21+s17+$0x0], $0xffff;
	s2 =	spop (v2sf);
	v15 =	vor.u32 $0x1, v8  }
0x1cf: {  	s12 =	smov.u32 s9;
	s11 =	sadd.s32 $0x0, s26;
	v17 =	vor.u32 $0x2, v8;
	s13 =	spop (v2sf);
	v21 =	vadd.s32 v23, v16;
	v16 =	vld.idx.msk [tilespmem:v22+s17+$0x0], $0xffff;
	(v2sf) =	vpush v9, $0xF  }
.LBB2_19:
0x1d0: {  	p0 =	seq.s32 s14, $0xF0;
	v22 =	vor.u32 $0x3, v8;
	v10 =	vadd.s32 v10, v21;
	v18 =	vld.idx.msk [tilespmem:v18+s17+$0x0], $0xffff;
	(v2sf) =	vpush v20, $0x0;
	p2 =	seq.s32 s3, $0x0;
	p1 =	sgt.s32 s13, $0x0  }
0x1d1: {  	v20 =	vor.u32 $0x4, v8;
	v10 =	vadd.s32 v13, v10;
	v13 =	vld.idx.msk [tilespmem:v19+s17+$0x0], $0xffff;
	v19, _, _ =	vpop (xrf0);
	p2 =	por !p2, !p1;
	s1 =	spop (v2sf)  }
0x1d2: {  	v23 =	vor.u32 $0x5, v8;
	s9 =	sadd.s32 s9, s2;
	v21 =	vld.idx.msk [tilespmem:v8+s17+$0x0], $0xffff;
	v10 =	vadd.s32 v14, v10;
	(v2sf) =	vpush v19, $0xF;
	p2 =	por !p2, !p2;
	s1 =	sadd.s32 s10, s1  }
0x1d3: {  	s10 =	smov.u32 s12;
	v14 =	vld.idx.msk [tilespmem:v15+s17+$0x0], $0xffff;
	v15 =	vor.u32 $0x6, v8;
	v10 =	vadd.s32 v12, v10;
	v12 =	vadd.s32 s9, v9;
	s8 =	smov.u32 @p2 s11;
	s30 =	smov.u32 @p2 s1  }
0x1d4: {  	v19 =	vor.u32 $0x7, v8;
	s12 =	smov.u32 s9;
	v17 =	vld.idx.msk [tilespmem:v17+s17+$0x0], $0xffff;
	v10 =	vadd.s32 v11, v10;
	vm0 =	vge.s32 v12, v6  }
0x1d5: {  	v12 =	vor.u32 $0x8, v8;
	v11 =	vld.idx.msk [tilespmem:v22+s17+$0x0], $0xffff;
	v10 =	vadd.s32 v16, v10;
	v16 =	vmctz.xlane vm0  }
0x1d6: {  	v22 =	vor.u32 $0x9, v8;
	v20 =	vld.idx.msk [tilespmem:v20+s17+$0x0], $0xffff;
	v10 =	vadd.s32 v18, v10  }
0x1d7: {  	v24 =	vor.u32 $0xA, v8;
	v23 =	vld.idx.msk [tilespmem:v23+s17+$0x0], $0xffff;
	v13 =	vadd.s32 v13, v10;
	v10 =	vbroadcast v16, $0x0;
	s1 =	spop (v2sf)  }
0x1d8: {  	v26 =	vor.u32 $0xC, v8;
	v25 =	vld.idx.msk [tilespmem:v15+s17+$0x0], $0xffff;
	v15 =	vor.u32 $0xB, v8;
	(xrf0) =	vadd.scan.msk.s32 $0xffff, v13;
	(v2sf) =	vpush v16, $0x0;
	s11 =	sadd.s32 s4, s1;
	s4 =	smov.u32 s5;
	s5 =	smov.u32 s6  }
0x1d9: {  	v18 =	vsub.s32 v9, v7;
	v14 =	vadd.s32 v21, v14;
	s6 =	smov.u32 s7;
	s7 =	smov.u32 s14;
	v16 =	vld.idx.msk [tilespmem:v19+s17+$0x0], $0xffff;
	vm1 =	veq.s32 v10, v2  }
0x1da: {  	v27 =	vor.u32 $0xD, v8;
	v7 =	vmovc v13;
	v9 =	vadd.s32 v17, v14;
	v10 =	vld.idx.msk [tilespmem:v12+s17+$0x0], $0xffff;
	v12 =	vnsel vm1, $0x0, v18  }
.Ltmp9:
0x1db: {  	v14 =	vmov s14;
	v9 =	vadd.s32 v11, v9;
	v18 =	vor.u32 $0xE, v8;
	v13 =	vld.idx.msk [tilespmem:v22+s17+$0x0], $0xffff;
	(xrf0) =	vadd.scan.msk.s32 $0xffff, v12;
	(pc) =	sbr.rel @!p0 .LBB2_19-.Ltmp9, $4  }
0x1dc: {  	v19 =	vor.u32 $0xF, v8;
	v11 =	vshll.u32 v14, $0x4;
	v20 =	vadd.s32 v20, v9;
	v14 =	vld.idx.msk [tilespmem:v24+s17+$0x0], $0xffff  }
0x1dd: {  	v8 =	vor.u32 v4, v11;
	v17 =	vadd.s32 v23, v20;
	v12 =	vld.idx.msk [tilespmem:v15+s17+$0x0], $0xffff  }
0x1de: {  	v20 =	vmpcnt.ones.xlane vm0;
	v15 =	vor.u32 $0x1, v8;
	v21 =	vadd.s32 v25, v17;
	v11 =	vld.idx.msk [tilespmem:v26+s17+$0x0], $0xffff;
	v9, _, _ =	vpop (xrf0);
	s2 =	spop (v2sf)  }
0x1df: {  	s3 =	simm.s32 @p1 $0x1;
	s14 =	sadd.s32 $0x10, s14;
	v17 =	vor.u32 $0x2, v8;
	v21 =	vadd.s32 v16, v21;
	v16 =	vld.idx.msk [tilespmem:v27+s17+$0x0], $0xffff;
	(v2sf) =	vpush v9, $0xF;
	s13 =	spop (v2sf)  }
0x1e0: {  	_ =	sdelay $0x2  }
0x1e1: {  	v10 =	vadd.s32 v10, v21  }
0x1e2: {  	v18 =	vld.idx.msk [tilespmem:v18+s17+$0x0], $0xffff;
	v10 =	vadd.s32 v13, v10  }
0x1e3: {  	v32 =	vor.u32 $0x3, v8;
	v19 =	vld.idx.msk [tilespmem:v19+s17+$0x0], $0xffff;
	v10 =	vadd.s32 v14, v10  }
0x1e4: {  	v33 =	vor.u32 $0x4, v8;
	v10 =	vadd.s32 v12, v10  }
0x1e5: {  	v34 =	vld.idx.msk [tilespmem:v8+s17+$0x0], $0xffff;
	v35 =	vor.u32 $0x5, v8;
	v10 =	vadd.s32 v11, v10  }
0x1e6: {  	v36 =	vld.idx.msk [tilespmem:v15+s17+$0x0], $0xffff;
	v37 =	vor.u32 $0x6, v8;
	v10 =	vadd.s32 v16, v10  }
0x1e7: {  	v38 =	vld.idx.msk [tilespmem:v17+s17+$0x0], $0xffff;
	v39 =	vor.u32 $0x7, v8;
	v10 =	vadd.s32 v18, v10  }
0x1e8: {  	v40 =	vor.u32 $0x8, v8;
	v13 =	vld.idx.msk [tilespmem:v32+s17+$0x0], $0xffff;
	v10 =	vadd.s32 v19, v10  }
0x1e9: {  	v41 =	vor.u32 $0x9, v8;
	v14 =	vld.idx.msk [tilespmem:v33+s17+$0x0], $0xffff;
	(xrf0) =	vadd.scan.msk.s32 $0xffff, v10  }
0x1ea: {  	(v2sf) =	vpush v20, $0x0;
	s9 =	sadd.s32 s9, s2;
	v43 =	vor.u32 $0xA, v8;
	v42 =	vld.idx.msk [tilespmem:v35+s17+$0x0], $0xffff  }
0x1eb: {  	v23 =	vor.u32 $0xB, v8;
	v22 =	vadd.s32 s9, v9;
	v15 =	vld.idx.msk [tilespmem:v37+s17+$0x0], $0xffff;
	v11 =	vadd.s32 v34, v36  }
0x1ec: {  	v44 =	vor.u32 $0xC, v8;
	vm0 =	vge.s32 v22, v6;
	v17 =	vld.idx.msk [tilespmem:v39+s17+$0x0], $0xffff;
	v11 =	vadd.s32 v38, v11  }
0x1ed: {  	v24 =	vor.u32 $0xD, v8;
	v45, _, _ =	vpop (xrf0);
	v22 =	vmctz.xlane vm0;
	v18 =	vld.idx.msk [tilespmem:v40+s17+$0x0], $0xffff;
	v11 =	vadd.s32 v13, v11  }
0x1ee: {  	v47 =	vor.u32 $0xE, v8;
	(v2sf) =	vpush v45, $0xF;
	v46 =	vld.idx.msk [tilespmem:v41+s17+$0x0], $0xffff;
	v11 =	vadd.s32 v14, v11  }
0x1ef: {  	v49 =	vor.u32 $0xF, v8;
	(v2sf) =	vpush v22, $0x0;
	v48 =	vld.idx.msk [tilespmem:v43+s17+$0x0], $0xffff;
	v11 =	vadd.s32 v42, v11;
	v50, _, _ =	vpop (xrf0)  }
0x1f0: {  	v51 =	vld.idx.msk [tilespmem:v23+s17+$0x0], $0xffff;
	v11 =	vadd.s32 v15, v11;
	(v2sf) =	vpush v50, $0xF  }
0x1f1: {  	v12 =	vld.idx.msk [tilespmem:v44+s17+$0x0], $0xffff;
	v11 =	vadd.s32 v17, v11  }
0x1f2: {  	v52 =	vld.idx.msk [tilespmem:v24+s17+$0x0], $0xffff;
	v11 =	vadd.s32 v18, v11  }
0x1f3: {  	v16 =	vld.idx.msk [tilespmem:v47+s17+$0x0], $0xffff;
	v11 =	vadd.s32 v46, v11  }
0x1f4: {  	v8 =	vld.idx.msk [tilespmem:v49+s17+$0x0], $0xffff;
	v11 =	vadd.s32 v48, v11  }
0x1f5: {  	v53 =	vbroadcast v22, $0x0;
	v11 =	vadd.s32 v51, v11  }
0x1f6: {  	v11 =	vadd.s32 v12, v11  }
0x1f7: {  	v7 =	vsub.s32 v9, v7;
	vm1 =	veq.s32 v53, v2;
	v54 =	vadd.s32 v52, v11  }
0x1f8: {  	v7 =	vnsel vm1, $0x0, v7;
	v9 =	vadd.s32 v16, v54  }
0x1f9: {  	s1 =	spop (v2sf);
	(xrf0) =	vadd.scan.msk.s32 $0xffff, v7;
	v7 =	vadd.s32 v8, v9  }
0x1fa: {  	s15 =	spop (v2sf);
	(xrf0) =	vadd.scan.msk.s32 $0xffff, v7  }
0x1fb: {  	s26 =	spop (v2sf)  }
0x1fc: {  	s23 =	spop (v2sf);
	s14 =	sadd.s32 s9, s26  }
0x1fd: {  	v55 =	vadd.s32 s14, v50;
	s26 =	spop (v2sf)  }
0x1fe: {  	vm13 =	vge.s32 v55, v6;
	s16 =	spop (v2sf)  }
0x1ff: {  	v56, _, _ =	vpop (xrf0);
	v57 =	vmctz.xlane vm13;
	s2 =	spop (v2sf)  }
0x200: {  	v58, _, _ =	vpop (xrf0);
	s2 =	sadd.s32 s14, s2  }
0x201: {  	v59 =	vbroadcast v57, $0x0;
	v60 =	vadd.s32 s2, v58  }
0x202: {  	vm14 =	vge.s32 v60, v6  }
0x203: {  	vm2 =	veq.s32 v59, v2;
	v6 =	vsub.s32 v50, v10;
	v62 =	vmctz.xlane vm14  }
0x204: {  	v6 =	vnsel vm2, $0x0, v6  }
0x205: {  	v61 =	vmpcnt.ones.xlane vm0;
	(xrf0) =	vadd.scan.msk.s32 $0xffff, v6;
	v6 =	vbroadcast v62, $0x0;
	_ =	sdelay $0x1  }
0x206: {  	(v2sf) =	vpush v61, $0x0;
	v7 =	vsub.s32 v58, v7;
	vm15 =	veq.s32 v6, v2  }
0x207: {  	(v2sf) =	vpush v56, $0xF;
	v6 =	vnsel vm15, $0x0, v7  }
0x208: {  	v63 =	vmpcnt.ones.xlane vm13;
	(v2sf) =	vpush v57, $0x0  }
0x209: {  	(v2sf) =	vpush v58, $0xF;
	(xrf0) =	vadd.scan.msk.s32 $0xffff, v6  }
0x20a: {  	(v2sf) =	vpush v63, $0x0;
	v6, _, _ =	vpop (xrf0)  }
0x20b: {  	(v2sf) =	vpush v6, $0xF;
	v6 =	vmpcnt.ones.xlane vm14  }
0x20c: {  	(v2sf) =	vpush v62, $0x0  }
0x20d: {  	(v2sf) =	vpush v6, $0x0;
	_ =	sdelay $0x1  }
0x20e: {  	p0 =	sgt.s32 s13, $0x0;
	p1 =	seq.s32 s3, $0x0;
	v6, _, _ =	vpop (xrf0)  }
0x20f: {  	p1 =	por !p1, !p0;
	s3 =	simm.s32 @p0 $0x1;
	(v2sf) =	vpush v6, $0xF  }
0x210: {  	s1 =	sadd.s32 s10, s1;
	p1 =	por !p1, !p1;
	p2 =	seq.s32 s3, $0x0  }
0x211: {  	s8 =	smov.u32 @p1 s11;
	s30 =	smov.u32 @p1 s1;
	p0 =	sgt.s32 s23, $0x0  }
0x212: {  	s4 =	sadd.s32 s4, s15;
	p2 =	por !p2, !p0;
	s3 =	simm.s32 @p0 $0x1  }
0x213: {  	p1 =	por !p2, !p2;
	s11 =	sadd.s32 s12, s26;
	p0 =	seq.s32 s3, $0x0  }
0x214: {  	s8 =	smov.u32 @p1 s4;
	s30 =	smov.u32 @p1 s11;
	s13 =	spop (v2sf)  }
0x215: {  	s5 =	sadd.s32 s5, s16;
	s23 =	spop (v2sf);
	p1 =	sgt.s32 s13, $0x0  }
0x216: {  	p0 =	por !p0, !p1;
	s9 =	sadd.s32 s9, s23;
	s26 =	spop (v2sf)  }
0x217: {  	s3 =	simm.s32 @p1 $0x1;
	p0 =	por !p0, !p0;
	s12 =	spop (v2sf)  }
0x218: {  	p1 =	seq.s32 s3, $0x0;
	s8 =	smov.u32 @p0 s5;
	s13 =	spop (v2sf)  }
0x219: {  	s30 =	smov.u32 @p0 s9;
	p2 =	sgt.s32 s13, $0x0;
	s15 =	spop (v2sf)  }
0x21a: {  	s4 =	sadd.s32 s6, s26;
	p3 =	por !p1, !p2;
	s16 =	spop (v2sf)  }
0x21b: {  	s3 =	simm.s32 @p2 $0x1;
	p0 =	por !p3, !p3;
	s23 =	spop (v2sf)  }
0x21c: {  	p4 =	seq.s32 s3, $0x0;
	s1 =	sadd.s32 s14, s15;
	p5 =	sgt.s32 s23, $0x0  }
0x21d: {  	s8 =	smov.u32 @p0 s4;
	s30 =	smov.u32 @p0 s1;
	p6 =	por !p4, !p5  }
0x21e: {  	s3 =	sadd.s32 s7, s16;
	s26 =	spop (v2sf);
	p0 =	por !p6, !p6  }
0x21f: {  	s1 =	sadd.s32 s2, s26;
	s8 =	smov.u32 @p0 s3  }
0x220: {  	s2 =	simm.s32 $0x0;
	s30 =	smov.u32 @p0 s1;
	s1 =	simm.s32 $0x40  }
.LBB2_21:
0x221: {  	p0 =	seq.s32 s1, $0x3FC0;
	[tilespmem:s2+$0xC380] =	vst v1;
	s2 =	smov.u32 s1;
	s1 =	sadd.s32 $0x40, s1  }
.Ltmp10:
0x222: {  	(pc) =	sbr.rel @!p0 .LBB2_21-.Ltmp10, $2  }
0x223: {  	_ =	sdelay $0x2  }
0x224: {  	s2 =	sshra.s32 s2, $0x2  }
0x225: {  	s0 =	sshll.u32 s0, $0x8  }
0x226: {  	s0 =	sadd.s32 s0, s8  }
0x227: {  	[tilespmem:s2+$0xC380] =	vst v1;
	s2 =	simm.s32 $0x0;
	s1 =	simm.s32 $0x40;
	v6 =	vmov s0  }
.LBB2_23:
0x228: {  	p0 =	seq.s32 s1, $0x30D00;
	v7 =	vld [tilespmem:s2+$0x0];
	_ =	sdelay $0x4  }
0x229: {  	v8 =	vshll.u32 v7, $0x4;
	v7 =	vshrl.u32 v7, $0x8  }
0x22a: {  	v8 =	vor.u32 v2, v8;
	vm0 =	veq.s32 v7, v6  }
0x22b: {  	v7 =	vand.u32 $0xFFF, v8  }
.Ltmp11:
0x22c: {  	(pc) =	sbr.rel @!p0 .LBB2_23-.Ltmp11, $2  }
0x22d: {  	_ =	sdelay $0x2  }
0x22e: {  	s2 =	sshra.s32 s1, $0x2;
	s1 =	sadd.s32 $0x40, s1;
	[tilespmem:v7+s17+$0x0] =	vst.idx.add.s32.msk vm0, v3  }
0x22f: {  	v7 =	vld [tilespmem:s2+$0x0];
	_ =	sdelay $0x4  }
0x230: {  	s3 =	simm.s32 $0x0;
	v8 =	vshll.u32 v7, $0x4;
	v7 =	vshrl.u32 v7, $0x8  }
0x231: {  	v8 =	vor.u32 v2, v8;
	vm0 =	veq.s32 v7, v6;
	v7 =	vmov s3  }
0x232: {  	v6 =	vand.u32 $0xFFF, v8;
	v7 =	vshll.u32 v7, $0x4  }
0x233: {  	v7 =	vor.u32 v4, v7  }
0x234: {  	v8 =	vor.u32 $0x1, v7  }
0x235: {  	v9 =	vor.u32 $0x2, v7  }
0x236: {  	v10 =	vor.u32 $0x3, v7  }
0x237: {  	v11 =	vor.u32 $0x4, v7;
	[tilespmem:v6+s17+$0x0] =	vst.idx.add.s32.msk vm0, v3  }
0x238: {  	v13 =	vor.u32 $0x5, v7;
	v12 =	vld.idx.msk [tilespmem:v7+s17+$0x0], $0xffff  }
0x239: {  	v14 =	vor.u32 $0x6, v7;
	v8 =	vld.idx.msk [tilespmem:v8+s17+$0x0], $0xffff  }
0x23a: {  	v15 =	vor.u32 $0x7, v7;
	v9 =	vld.idx.msk [tilespmem:v9+s17+$0x0], $0xffff  }
0x23b: {  	v16 =	vor.u32 $0x8, v7;
	v10 =	vld.idx.msk [tilespmem:v10+s17+$0x0], $0xffff  }
0x23c: {  	v17 =	vor.u32 $0x9, v7;
	v11 =	vld.idx.msk [tilespmem:v11+s17+$0x0], $0xffff  }
0x23d: {  	v18 =	vor.u32 $0xA, v7;
	v19 =	vor.u32 $0xB, v7;
	v20 =	vor.u32 $0xC, v7;
	v13 =	vld.idx.msk [tilespmem:v13+s17+$0x0], $0xffff  }
0x23e: {  	v21 =	vor.u32 $0xD, v7;
	v23 =	vor.u32 $0xE, v7;
	v7 =	vor.u32 $0xF, v7;
	v14 =	vld.idx.msk [tilespmem:v14+s17+$0x0], $0xffff  }
0x23f: {  	v15 =	vld.idx.msk [tilespmem:v15+s17+$0x0], $0xffff  }
0x240: {  	s4 =	simm.s32 $0x10;
	v16 =	vld.idx.msk [tilespmem:v16+s17+$0x0], $0xffff  }
0x241: {  	v22 =	vmov s4;
	v17 =	vld.idx.msk [tilespmem:v17+s17+$0x0], $0xffff  }
0x242: {  	v18 =	vld.idx.msk [tilespmem:v18+s17+$0x0], $0xffff;
	v8 =	vadd.s32 v12, v8;
	v12 =	vshll.u32 v22, $0x4  }
0x243: {  	v7 =	vld.idx.msk [tilespmem:v7+s17+$0x0], $0xffff;
	v8 =	vadd.s32 v9, v8;
	v9 =	vor.u32 v4, v12  }
0x244: {  	v12 =	vld.idx.msk [tilespmem:v19+s17+$0x0], $0xffff;
	v8 =	vadd.s32 v10, v8;
	v10 =	vor.u32 $0x1, v9  }
0x245: {  	v19 =	vld.idx.msk [tilespmem:v20+s17+$0x0], $0xffff;
	v8 =	vadd.s32 v11, v8;
	v11 =	vor.u32 $0x2, v9  }
0x246: {  	v20 =	vld.idx.msk [tilespmem:v21+s17+$0x0], $0xffff;
	v8 =	vadd.s32 v13, v8;
	v13 =	vor.u32 $0x3, v9  }
0x247: {  	v21 =	vld.idx.msk [tilespmem:v23+s17+$0x0], $0xffff;
	v8 =	vadd.s32 v14, v8;
	v14 =	vor.u32 $0x4, v9  }
0x248: {  	v22 =	vor.u32 $0x5, v9;
	v8 =	vadd.s32 v15, v8;
	v15 =	vld.idx.msk [tilespmem:v9+s17+$0x0], $0xffff  }
0x249: {  	v8 =	vadd.s32 v16, v8;
	v10 =	vld.idx.msk [tilespmem:v10+s17+$0x0], $0xffff;
	v16 =	vor.u32 $0x6, v9  }
0x24a: {  	v8 =	vadd.s32 v17, v8;
	v11 =	vld.idx.msk [tilespmem:v11+s17+$0x0], $0xffff;
	v17 =	vor.u32 $0x7, v9  }
0x24b: {  	v8 =	vadd.s32 v18, v8;
	v13 =	vld.idx.msk [tilespmem:v13+s17+$0x0], $0xffff;
	v18 =	vor.u32 $0x8, v9  }
0x24c: {  	v8 =	vadd.s32 v12, v8;
	v12 =	vld.idx.msk [tilespmem:v14+s17+$0x0], $0xffff;
	v14 =	vor.u32 $0x9, v9  }
0x24d: {  	v8 =	vadd.s32 v19, v8;
	v19 =	vld.idx.msk [tilespmem:v22+s17+$0x0], $0xffff;
	v22 =	vor.u32 $0xA, v9  }
0x24e: {  	v8 =	vadd.s32 v20, v8;
	v16 =	vld.idx.msk [tilespmem:v16+s17+$0x0], $0xffff;
	v20 =	vor.u32 $0xB, v9  }
0x24f: {  	v10 =	vadd.s32 v15, v10;
	v15 =	vor.u32 $0xC, v9;
	v8 =	vadd.s32 v21, v8;
	v17 =	vld.idx.msk [tilespmem:v17+s17+$0x0], $0xffff  }
0x250: {  	s5 =	simm.s32 $0x20;
	v10 =	vadd.s32 v11, v10;
	v11 =	vor.u32 $0xD, v9;
	v7 =	vadd.s32 v7, v8;
	v8 =	vld.idx.msk [tilespmem:v18+s17+$0x0], $0xffff  }
0x251: {  	v10 =	vadd.s32 v13, v10;
	v13 =	vmov s5;
	v18 =	vor.u32 $0xE, v9;
	v14 =	vld.idx.msk [tilespmem:v14+s17+$0x0], $0xffff  }
0x252: {  	v9 =	vor.u32 $0xF, v9;
	(xrf0) =	vadd.scan.msk.s32 $0xffff, v7;
	v10 =	vadd.s32 v12, v10;
	v12 =	vshll.u32 v13, $0x4;
	v13 =	vld.idx.msk [tilespmem:v22+s17+$0x0], $0xffff  }
0x253: {  	v10 =	vadd.s32 v19, v10;
	v12 =	vor.u32 v4, v12;
	v19 =	vld.idx.msk [tilespmem:v20+s17+$0x0], $0xffff  }
0x254: {  	v10 =	vadd.s32 v16, v10;
	v16 =	vor.u32 $0x1, v12;
	v15 =	vld.idx.msk [tilespmem:v15+s17+$0x0], $0xffff  }
0x255: {  	v10 =	vadd.s32 v17, v10;
	v17 =	vor.u32 $0x2, v12;
	v11 =	vld.idx.msk [tilespmem:v11+s17+$0x0], $0xffff  }
0x256: {  	v8 =	vadd.s32 v8, v10;
	v10 =	vor.u32 $0x3, v12;
	v18 =	vld.idx.msk [tilespmem:v18+s17+$0x0], $0xffff  }
0x257: {  	v20 =	vor.u32 $0x4, v12;
	v9 =	vld.idx.msk [tilespmem:v9+s17+$0x0], $0xffff;
	v8 =	vadd.s32 v14, v8  }
0x258: {  	v21 =	vor.u32 $0x5, v12;
	v14, _, _ =	vpop (xrf0);
	v8 =	vadd.s32 v13, v8;
	v13 =	vld.idx.msk [tilespmem:v12+s17+$0x0], $0xffff  }
0x259: {  	(v2sf) =	vpush v14, $0xF;
	v8 =	vadd.s32 v19, v8;
	v16 =	vld.idx.msk [tilespmem:v16+s17+$0x0], $0xffff;
	v19 =	vor.u32 $0x6, v12  }
0x25a: {  	v8 =	vadd.s32 v15, v8;
	v15 =	vld.idx.msk [tilespmem:v17+s17+$0x0], $0xffff;
	v17 =	vor.u32 $0x7, v12  }
0x25b: {  	s1 =	ssub.s32 s31, s30;
	v8 =	vadd.s32 v11, v8;
	v10 =	vld.idx.msk [tilespmem:v10+s17+$0x0], $0xffff;
	v11 =	vor.u32 $0x8, v12  }
0x25c: {  	v6 =	vmov s1;
	v8 =	vadd.s32 v18, v8;
	v18 =	vld.idx.msk [tilespmem:v20+s17+$0x0], $0xffff;
	v20 =	vor.u32 $0x9, v12  }
0x25d: {  	v22 =	vadd.s32 s3, v14;
	v8 =	vadd.s32 v9, v8;
	v9 =	vld.idx.msk [tilespmem:v21+s17+$0x0], $0xffff;
	v21 =	vor.u32 $0xA, v12  }
0x25e: {  	v24 =	vor.u32 $0xB, v12;
	vm13 =	vge.s32 v22, v6;
	v19 =	vld.idx.msk [tilespmem:v19+s17+$0x0], $0xffff;
	v13 =	vadd.s32 v13, v16  }
0x25f: {  	v25 =	vor.u32 $0xC, v12;
	v22 =	vmctz.xlane vm13;
	v16 =	vld.idx.msk [tilespmem:v17+s17+$0x0], $0xffff;
	v13 =	vadd.s32 v15, v13  }
0x260: {  	s6 =	simm.s32 $0x30;
	v7 =	vsub.s32 v14, v7;
	v14 =	vor.u32 $0xD, v12;
	(xrf0) =	vadd.scan.msk.s32 $0xffff, v8;
	v11 =	vld.idx.msk [tilespmem:v11+s17+$0x0], $0xffff;
	v10 =	vadd.s32 v10, v13  }
0x261: {  	v23 =	vbroadcast v22, $0x0;
	v15 =	vmov s6;
	v13 =	vld.idx.msk [tilespmem:v20+s17+$0x0], $0xffff;
	v10 =	vadd.s32 v18, v10  }
0x262: {  	v17 =	vor.u32 $0xE, v12;
	v12 =	vor.u32 $0xF, v12;
	v18 =	vld.idx.msk [tilespmem:v21+s17+$0x0], $0xffff;
	v9 =	vadd.s32 v9, v10  }
0x263: {  	(v2sf) =	vpush v22, $0x0;
	v15 =	vshll.u32 v15, $0x4;
	v10 =	vld.idx.msk [tilespmem:v24+s17+$0x0], $0xffff;
	v9 =	vadd.s32 v19, v9  }
0x264: {  	vm1 =	veq.s32 v23, v2;
	v15 =	vor.u32 v4, v15;
	v19 =	vld.idx.msk [tilespmem:v25+s17+$0x0], $0xffff;
	v9 =	vadd.s32 v16, v9  }
0x265: {  	v7 =	vnsel vm1, $0x0, v7;
	v22 =	vor.u32 $0x1, v15;
	v9 =	vadd.s32 v11, v9  }
0x266: {  	v14 =	vld.idx.msk [tilespmem:v14+s17+$0x0], $0xffff;
	v23 =	vor.u32 $0x2, v15;
	v20, _, _ =	vpop (xrf0);
	(xrf0) =	vadd.scan.msk.s32 $0xffff, v7;
	v9 =	vadd.s32 v13, v9  }
0x267: {  	v7 =	vor.u32 $0x3, v15;
	v12 =	vld.idx.msk [tilespmem:v12+s17+$0x0], $0xffff;
	v9 =	vadd.s32 v18, v9  }
0x268: {  	v16 =	vor.u32 $0x4, v15;
	v11 =	vld.idx.msk [tilespmem:v17+s17+$0x0], $0xffff;
	s23 =	spop (v2sf);
	v9 =	vadd.s32 v10, v9  }
0x269: {  	v21 =	vmpcnt.ones.xlane vm13;
	v17 =	vor.u32 $0x5, v15;
	v13 =	vld.idx.msk [tilespmem:v15+s17+$0x0], $0xffff;
	s12 =	sadd.s32 $0x0, s23;
	v9 =	vadd.s32 v19, v9  }
0x26a: {  	(v2sf) =	vpush v20, $0xF;
	v18 =	vld.idx.msk [tilespmem:v22+s17+$0x0], $0xffff;
	v10 =	vadd.s32 s12, v20  }
0x26b: {  	(v2sf) =	vpush v21, $0x0;
	v22 =	vld.idx.msk [tilespmem:v23+s17+$0x0], $0xffff;
	vm14 =	vge.s32 v10, v6  }
0x26c: {  	v21 =	vor.u32 $0x6, v15;
	v19 =	vld.idx.msk [tilespmem:v7+s17+$0x0], $0xffff;
	v7 =	vadd.s32 v14, v9;
	v9, _, _ =	vpop (xrf0);
	v14 =	vmctz.xlane vm14  }
0x26d: {  	v16 =	vld.idx.msk [tilespmem:v16+s17+$0x0], $0xffff;
	v7 =	vadd.s32 v11, v7;
	(v2sf) =	vpush v9, $0xF  }
0x26e: {  	v7 =	vadd.s32 v12, v7;
	v9 =	vld.idx.msk [tilespmem:v17+s17+$0x0], $0xffff;
	v12 =	vbroadcast v14, $0x0  }
0x26f: {  	v23 =	vor.u32 $0x7, v15;
	v13 =	vadd.s32 v13, v18  }
0x270: {  	v10 =	vor.u32 $0x8, v15;
	(xrf0) =	vadd.scan.msk.s32 $0xffff, v7;
	vm15 =	veq.s32 v12, v2;
	v12 =	vadd.s32 v22, v13  }
0x271: {  	v62 =	vor.u32 $0x9, v15;
	v17 =	vld.idx.msk [tilespmem:v21+s17+$0x0], $0xffff;
	v12 =	vadd.s32 v19, v12  }
0x272: {  	v11 =	vor.u32 $0xA, v15;
	v12 =	vadd.s32 v16, v12  }
0x273: {  	v63 =	vor.u32 $0xC, v15;
	(v2sf) =	vpush v14, $0x0;
	v9 =	vadd.s32 v9, v12  }
0x274: {  	v8 =	vsub.s32 v20, v8;
	v23 =	vld.idx.msk [tilespmem:v23+s17+$0x0], $0xffff;
	v21 =	vor.u32 $0xB, v15  }
0x275: {  	s7 =	simm.s32 $0x40;
	v10 =	vld.idx.msk [tilespmem:v10+s17+$0x0], $0xffff;
	v22 =	vor.u32 $0xD, v15;
	v26 =	vnsel vm15, $0x0, v8  }
0x276: {  	v18 =	vor.u32 $0xE, v15;
	v13 =	vld.idx.msk [tilespmem:v62+s17+$0x0], $0xffff;
	v8 =	vmov s7;
	v16 =	vadd.s32 v17, v9;
	v9, _, _ =	vpop (xrf0);
	(xrf0) =	vadd.scan.msk.s32 $0xffff, v26  }
0x277: {  	v14 =	vld.idx.msk [tilespmem:v11+s17+$0x0], $0xffff;
	v19 =	vor.u32 $0xF, v15;
	v8 =	vshll.u32 v8, $0x4  }
0x278: {  	s14 =	simm.s32 $0x50;
	s10 =	simm.s32 $0x0;
	s26 =	spop (v2sf);
	v11 =	vld.idx.msk [tilespmem:v63+s17+$0x0], $0xffff;
	v8 =	vor.u32 v4, v8  }
0x279: {  	s31 =	simm.s32 $0x0;
	s8 =	simm.s32 $0x0;
	v20 =	vmpcnt.ones.xlane vm14;
	v12 =	vld.idx.msk [tilespmem:v21+s17+$0x0], $0xffff;
	s2 =	spop (v2sf);
	v15 =	vor.u32 $0x1, v8  }
0x27a: {  	s9 =	smov.u32 s12;
	s11 =	sadd.s32 $0x0, s26;
	v17 =	vor.u32 $0x2, v8;
	s13 =	spop (v2sf);
	v21 =	vadd.s32 v23, v16;
	v16 =	vld.idx.msk [tilespmem:v22+s17+$0x0], $0xffff;
	(v2sf) =	vpush v9, $0xF  }
.LBB2_25:
0x27b: {  	p0 =	sne.s32 s14, $0xF0;
	v22 =	vor.u32 $0x3, v8;
	v10 =	vadd.s32 v10, v21;
	v18 =	vld.idx.msk [tilespmem:v18+s17+$0x0], $0xffff;
	(v2sf) =	vpush v20, $0x0;
	p2 =	seq.s32 s3, $0x0;
	p1 =	sgt.s32 s13, $0x0  }
0x27c: {  	v20 =	vor.u32 $0x4, v8;
	v10 =	vadd.s32 v13, v10;
	v13 =	vld.idx.msk [tilespmem:v19+s17+$0x0], $0xffff;
	v19, _, _ =	vpop (xrf0);
	p2 =	por !p2, !p1;
	s1 =	spop (v2sf)  }
0x27d: {  	v23 =	vor.u32 $0x5, v8;
	s12 =	sadd.s32 s12, s2;
	v21 =	vld.idx.msk [tilespmem:v8+s17+$0x0], $0xffff;
	v10 =	vadd.s32 v14, v10;
	(v2sf) =	vpush v19, $0xF;
	p2 =	por !p2, !p2;
	s1 =	sadd.s32 s10, s1  }
0x27e: {  	s10 =	smov.u32 s9;
	v14 =	vld.idx.msk [tilespmem:v15+s17+$0x0], $0xffff;
	v15 =	vor.u32 $0x6, v8;
	v10 =	vadd.s32 v12, v10;
	v12 =	vadd.s32 s12, v9;
	s31 =	smov.u32 @p2 s11;
	s8 =	smov.u32 @p2 s1  }
0x27f: {  	v19 =	vor.u32 $0x7, v8;
	s9 =	smov.u32 s12;
	v17 =	vld.idx.msk [tilespmem:v17+s17+$0x0], $0xffff;
	v10 =	vadd.s32 v11, v10;
	vm0 =	vge.s32 v12, v6  }
0x280: {  	v12 =	vor.u32 $0x8, v8;
	v11 =	vld.idx.msk [tilespmem:v22+s17+$0x0], $0xffff;
	v10 =	vadd.s32 v16, v10;
	v16 =	vmctz.xlane vm0  }
0x281: {  	v22 =	vor.u32 $0x9, v8;
	v20 =	vld.idx.msk [tilespmem:v20+s17+$0x0], $0xffff;
	v10 =	vadd.s32 v18, v10  }
0x282: {  	v24 =	vor.u32 $0xA, v8;
	v23 =	vld.idx.msk [tilespmem:v23+s17+$0x0], $0xffff;
	v13 =	vadd.s32 v13, v10;
	v10 =	vbroadcast v16, $0x0;
	s1 =	spop (v2sf)  }
0x283: {  	v26 =	vor.u32 $0xC, v8;
	v25 =	vld.idx.msk [tilespmem:v15+s17+$0x0], $0xffff;
	v15 =	vor.u32 $0xB, v8;
	(xrf0) =	vadd.scan.msk.s32 $0xffff, v13;
	(v2sf) =	vpush v16, $0x0;
	s11 =	sadd.s32 s4, s1;
	s4 =	smov.u32 s5;
	s5 =	smov.u32 s6  }
0x284: {  	v18 =	vsub.s32 v9, v7;
	v14 =	vadd.s32 v21, v14;
	s6 =	smov.u32 s7;
	s7 =	smov.u32 s14;
	v16 =	vld.idx.msk [tilespmem:v19+s17+$0x0], $0xffff;
	vm1 =	veq.s32 v10, v2  }
0x285: {  	v27 =	vor.u32 $0xD, v8;
	v7 =	vmovc v13;
	v9 =	vadd.s32 v17, v14;
	v10 =	vld.idx.msk [tilespmem:v12+s17+$0x0], $0xffff;
	v12 =	vnsel vm1, $0x0, v18  }
.Ltmp12:
0x286: {  	v14 =	vmov s14;
	v9 =	vadd.s32 v11, v9;
	v18 =	vor.u32 $0xE, v8;
	v13 =	vld.idx.msk [tilespmem:v22+s17+$0x0], $0xffff;
	(xrf0) =	vadd.scan.msk.s32 $0xffff, v12;
	(pc) =	sbr.rel @p0 .LBB2_25-.Ltmp12, $4  }
0x287: {  	v19 =	vor.u32 $0xF, v8;
	v11 =	vshll.u32 v14, $0x4;
	v20 =	vadd.s32 v20, v9;
	v14 =	vld.idx.msk [tilespmem:v24+s17+$0x0], $0xffff  }
0x288: {  	v8 =	vor.u32 v4, v11;
	v17 =	vadd.s32 v23, v20;
	v12 =	vld.idx.msk [tilespmem:v15+s17+$0x0], $0xffff  }
0x289: {  	v20 =	vmpcnt.ones.xlane vm0;
	v15 =	vor.u32 $0x1, v8;
	v21 =	vadd.s32 v25, v17;
	v11 =	vld.idx.msk [tilespmem:v26+s17+$0x0], $0xffff;
	v9, _, _ =	vpop (xrf0);
	s2 =	spop (v2sf)  }
0x28a: {  	s3 =	simm.s32 @p1 $0x1;
	s14 =	sadd.s32 $0x10, s14;
	v17 =	vor.u32 $0x2, v8;
	v21 =	vadd.s32 v16, v21;
	v16 =	vld.idx.msk [tilespmem:v27+s17+$0x0], $0xffff;
	(v2sf) =	vpush v9, $0xF;
	s13 =	spop (v2sf)  }
0x28b: {  	_ =	sdelay $0x2  }
0x28c: {  	v10 =	vadd.s32 v10, v21  }
0x28d: {  	v18 =	vld.idx.msk [tilespmem:v18+s17+$0x0], $0xffff;
	v10 =	vadd.s32 v13, v10  }
0x28e: {  	v44 =	vor.u32 $0x3, v8;
	v19 =	vld.idx.msk [tilespmem:v19+s17+$0x0], $0xffff;
	v10 =	vadd.s32 v14, v10  }
0x28f: {  	v45 =	vor.u32 $0x4, v8;
	v10 =	vadd.s32 v12, v10  }
0x290: {  	v46 =	vld.idx.msk [tilespmem:v8+s17+$0x0], $0xffff;
	v47 =	vor.u32 $0x5, v8;
	v10 =	vadd.s32 v11, v10  }
0x291: {  	v48 =	vor.u32 $0x6, v8;
	v11 =	vld.idx.msk [tilespmem:v15+s17+$0x0], $0xffff;
	v10 =	vadd.s32 v16, v10  }
0x292: {  	v49 =	vld.idx.msk [tilespmem:v17+s17+$0x0], $0xffff;
	v50 =	vor.u32 $0x7, v8;
	v10 =	vadd.s32 v18, v10  }
0x293: {  	v51 =	vor.u32 $0x8, v8;
	v13 =	vld.idx.msk [tilespmem:v44+s17+$0x0], $0xffff;
	v10 =	vadd.s32 v19, v10  }
0x294: {  	v52 =	vor.u32 $0x9, v8;
	v14 =	vld.idx.msk [tilespmem:v45+s17+$0x0], $0xffff;
	(xrf0) =	vadd.scan.msk.s32 $0xffff, v10  }
0x295: {  	(v2sf) =	vpush v20, $0x0;
	s12 =	sadd.s32 s12, s2;
	v54 =	vor.u32 $0xA, v8;
	v53 =	vld.idx.msk [tilespmem:v47+s17+$0x0], $0xffff  }
0x296: {  	v23 =	vor.u32 $0xB, v8;
	v22 =	vadd.s32 s12, v9;
	v15 =	vld.idx.msk [tilespmem:v48+s17+$0x0], $0xffff;
	v11 =	vadd.s32 v46, v11  }
0x297: {  	v55 =	vor.u32 $0xC, v8;
	vm0 =	vge.s32 v22, v6;
	v17 =	vld.idx.msk [tilespmem:v50+s17+$0x0], $0xffff;
	v11 =	vadd.s32 v49, v11  }
0x298: {  	v24 =	vor.u32 $0xD, v8;
	v56, _, _ =	vpop (xrf0);
	v22 =	vmctz.xlane vm0;
	v18 =	vld.idx.msk [tilespmem:v51+s17+$0x0], $0xffff;
	v11 =	vadd.s32 v13, v11  }
0x299: {  	v58 =	vor.u32 $0xE, v8;
	(v2sf) =	vpush v56, $0xF;
	v57 =	vld.idx.msk [tilespmem:v52+s17+$0x0], $0xffff;
	v11 =	vadd.s32 v14, v11  }
0x29a: {  	v8 =	vor.u32 $0xF, v8;
	(v2sf) =	vpush v22, $0x0;
	v59 =	vld.idx.msk [tilespmem:v54+s17+$0x0], $0xffff;
	v11 =	vadd.s32 v53, v11;
	v60, _, _ =	vpop (xrf0)  }
0x29b: {  	v61 =	vld.idx.msk [tilespmem:v23+s17+$0x0], $0xffff;
	v11 =	vadd.s32 v15, v11;
	(v2sf) =	vpush v60, $0xF  }
0x29c: {  	v12 =	vld.idx.msk [tilespmem:v55+s17+$0x0], $0xffff;
	v11 =	vadd.s32 v17, v11  }
0x29d: {  	s15 =	spop (v2sf);
	v62 =	vld.idx.msk [tilespmem:v24+s17+$0x0], $0xffff;
	v11 =	vadd.s32 v18, v11  }
0x29e: {  	v16 =	vld.idx.msk [tilespmem:v58+s17+$0x0], $0xffff;
	s1 =	spop (v2sf);
	v11 =	vadd.s32 v57, v11  }
0x29f: {  	v8 =	vld.idx.msk [tilespmem:v8+s17+$0x0], $0xffff;
	v63 =	vbroadcast v22, $0x0;
	s14 =	spop (v2sf);
	v11 =	vadd.s32 v59, v11  }
0x2a0: {  	v7 =	vsub.s32 v9, v7;
	s14 =	sadd.s32 s12, s14;
	v11 =	vadd.s32 v61, v11  }
0x2a1: {  	vm1 =	veq.s32 v63, v2;
	v9 =	vadd.s32 v12, v11;
	v11 =	vadd.s32 s14, v60  }
0x2a2: {  	v7 =	vnsel vm1, $0x0, v7;
	v9 =	vadd.s32 v62, v9;
	vm1 =	vge.s32 v11, v6  }
0x2a3: {  	(xrf0) =	vadd.scan.msk.s32 $0xffff, v7;
	v9 =	vadd.s32 v16, v9;
	v7 =	vmctz.xlane vm1  }
0x2a4: {  	v8 =	vadd.s32 v8, v9  }
0x2a5: {  	(xrf0) =	vadd.scan.msk.s32 $0xffff, v8;
	v9 =	vbroadcast v7, $0x0;
	_ =	sdelay $0x1  }
0x2a6: {  	s16 =	spop (v2sf);
	v10 =	vsub.s32 v60, v10;
	vm2 =	veq.s32 v9, v2  }
0x2a7: {  	s23 =	spop (v2sf);
	v9 =	vnsel vm2, $0x0, v10  }
0x2a8: {  	s26 =	spop (v2sf)  }
0x2a9: {  	v11, _, _ =	vpop (xrf0);
	v10 =	vmpcnt.ones.xlane vm0;
	s2 =	spop (v2sf)  }
0x2aa: {  	(xrf0) =	vadd.scan.msk.s32 $0xffff, v9;
	v9, _, _ =	vpop (xrf0);
	s2 =	sadd.s32 s14, s2  }
0x2ab: {  	(v2sf) =	vpush v10, $0x0;
	v10 =	vadd.s32 s2, v9  }
0x2ac: {  	vm0 =	vge.s32 v10, v6;
	v6 =	vmpcnt.ones.xlane vm1  }
0x2ad: {  	(v2sf) =	vpush v11, $0xF  }
0x2ae: {  	(v2sf) =	vpush v7, $0x0;
	v7 =	vmctz.xlane vm0  }
0x2af: {  	(v2sf) =	vpush v9, $0xF  }
0x2b0: {  	(v2sf) =	vpush v6, $0x0;
	v10 =	vbroadcast v7, $0x0;
	v6, _, _ =	vpop (xrf0)  }
0x2b1: {  	(v2sf) =	vpush v6, $0xF  }
0x2b2: {  	v6 =	vsub.s32 v9, v8;
	vm1 =	veq.s32 v10, v2;
	v8 =	vmpcnt.ones.xlane vm0  }
0x2b3: {  	(v2sf) =	vpush v7, $0x0;
	v6 =	vnsel vm1, $0x0, v6  }
0x2b4: {  	(xrf0) =	vadd.scan.msk.s32 $0xffff, v6;
	(v2sf) =	vpush v8, $0x0;
	_ =	sdelay $0x3  }
0x2b5: {  	p0 =	sgt.s32 s13, $0x0;
	p1 =	seq.s32 s3, $0x0  }
0x2b6: {  	p1 =	por !p1, !p0;
	s3 =	simm.s32 @p0 $0x1  }
0x2b7: {  	p0 =	por !p1, !p1;
	p5 =	seq.s32 s3, $0x0;
	v6, _, _ =	vpop (xrf0)  }
0x2b8: {  	s31 =	smov.u32 @p0 s11;
	p2 =	sgt.s32 s16, $0x0;
	s11 =	spop (v2sf);
	(v2sf) =	vpush v6, $0xF  }
0x2b9: {  	s1 =	sadd.s32 s4, s1;
	p1 =	por !p5, !p2  }
0x2ba: {  	s3 =	simm.s32 @p2 $0x1;
	p1 =	por !p1, !p1;
	s13 =	spop (v2sf)  }
0x2bb: {  	p3 =	seq.s32 s3, $0x0;
	s31 =	smov.u32 @p1 s1;
	s4 =	spop (v2sf)  }
0x2bc: {  	s5 =	sadd.s32 s5, s26;
	p2 =	sgt.s32 s11, $0x0;
	s16 =	spop (v2sf)  }
0x2bd: {  	p3 =	por !p3, !p2;
	s3 =	simm.s32 @p2 $0x1;
	s1 =	spop (v2sf)  }
0x2be: {  	p2 =	por !p3, !p3;
	p5 =	sgt.s32 s1, $0x0;
	s1 =	spop (v2sf)  }
0x2bf: {  	p4 =	seq.s32 s3, $0x0;
	s31 =	smov.u32 @p2 s5;
	s26 =	spop (v2sf)  }
0x2c0: {  	s16 =	simm.s32 $0x0;
	s3 =	simm.s32 @p5 $0x1;
	s5 =	spop (v2sf)  }
0x2c1: {  	p4 =	por !p4, !p5;
	p3 =	seq.s32 s3, $0x0;
	p6 =	sgt.s32 s5, $0x0  }
0x2c2: {  	s4 =	sadd.s32 s6, s4;
	v7 =	vld [tilespmem:s16+$0x0];
	p4 =	por !p4, !p4;
	p3 =	por !p3, !p6  }
0x2c3: {  	s31 =	smov.u32 @p4 s4;
	s4 =	sadd.s32 s7, s26;
	p3 =	por !p3, !p3  }
0x2c4: {  	s0 =	sshll.u32 s0, $0x8;
	s5 =	sadd.s32 s10, s15;
	s31 =	smov.u32 @p3 s4  }
0x2c5: {  	s8 =	smov.u32 @p0 s5;
	s4 =	sadd.s32 s9, s23;
	s0 =	sor.u32 s0, s31  }
0x2c6: {  	s8 =	smov.u32 @p1 s4;
	s4 =	sadd.s32 s12, s13;
	v6 =	vmov s0  }
0x2c7: {  	s8 =	smov.u32 @p2 s4;
	s0 =	sadd.s32 s14, s1;
	s26 =	spop (v2sf);
	vm0 =	veq.s32 v7, v6  }
0x2c8: {  	s29 =	sadd.s32 s24, s29;
	s8 =	smov.u32 @p4 s0;
	s0 =	sadd.s32 s2, s26;
	(xrf0) =	vadd.scan.msk.s32 vm0, v3  }
0x2c9: {  	s30 =	sadd.s32 s30, s29;
	s8 =	smov.u32 @p3 s0  }
0x2ca: {  	s0 =	sadd.s32 s8, s30  }
0x2cb: {  	v8 =	vmov s0  }
0x2cc: {  	v8 =	vadd.s32 $0xFFFFFFFF, v8  }
0x2cd: {  	v8 =	vbroadcast v8, $0x0  }
0x2ce: {  	v9, _, _ =	vpop (xrf0)  }
0x2cf: {  	v8 =	vadd.s32 v9, v8  }
0x2d0: {  	vm1 =	vlt.u32 v7, v6;
	vm2 =	vlt.s32 v8, $0x7D0  }
0x2d1: {  	v8 =	vmpcnt.ones.xlane vm1;
	vm0 =	vmand vm0, vm2  }
0x2d2: {  	v9 =	vmpcnt.ones.xlane vm0  }
0x2d3: {  	(v2sf) =	vpush v8, $0x0  }
0x2d4: {  	(v2sf) =	vpush v9, $0x0;
	_ =	sdelay $0x4  }
0x2d5: {  	[tilespmem:s16+$0xE380] =	vst.msk vm1, v7;
	v8 =	vor.u32 s16, v2  }
0x2d6: {  	[tilespmem:s16+$0xEB80] =	vst.msk vm1, v8  }
0x2d7: {  	[tilespmem:s0+$0xE380] =	vst.msk vm0, v7  }
0x2d8: {  	s3 =	simm.s32 $0x10;
	[tilespmem:s0+$0xEB80] =	vst.msk vm0, v8  }
0x2d9: {  	v7 =	vld [tilespmem:s3+$0x0];
	_ =	sdelay $0x4  }
0x2da: {  	s4 =	simm.s32 $0x20;
	vm0 =	vlt.u32 v7, v6;
	vm1 =	veq.s32 v7, v6;
	s31 =	spop (v2sf)  }
0x2db: {  	s1 =	simm.s32 $0x10;
	v8 =	vmpcnt.ones.xlane vm0;
	(xrf0) =	vadd.scan.msk.s32 vm1, v3;
	s2 =	sadd.s32 $0x0, s31;
	s5 =	spop (v2sf)  }
.LBB2_27:
0x2dc: {  	p0 =	sne.s32 s4, $0xC340  }
0x2dd: {  	s0 =	sadd.s32 s0, s5;
	s5 =	smov.u32 s4;
	s4 =	sadd.s32 $0x10, s4  }
0x2de: {  	v9 =	vmov s0  }
0x2df: {  	v9 =	vadd.s32 $0xFFFFFFFF, v9  }
0x2e0: {  	v9 =	vbroadcast v9, $0x0  }
0x2e1: {  	v10, _, _ =	vpop (xrf0)  }
0x2e2: {  	v9 =	vadd.s32 v10, v9  }
0x2e3: {  	v10 =	vor.u32 s3, v2;
	s3 =	smov.u32 s5;
	[tilespmem:s2+$0xE380] =	vst.msk vm0, v7;
	vm2 =	vlt.s32 v9, $0x7D0  }
0x2e4: {  	[tilespmem:s2+$0xEB80] =	vst.msk vm0, v10;
	vm0 =	vmand vm1, vm2  }
0x2e5: {  	[tilespmem:s0+$0xE380] =	vst.msk vm0, v7;
	v7 =	vmpcnt.ones.xlane vm0  }
0x2e6: {  	[tilespmem:s0+$0xEB80] =	vst.msk vm0, v10;
	(v2sf) =	vpush v8, $0x0  }
0x2e7: {  	(v2sf) =	vpush v7, $0x0;
	_ =	sdelay $0x6  }
0x2e8: {  	s1 =	sadd.s32 $0x10, s1  }
0x2e9: {  	v7 =	vld [tilespmem:s1+$0x0];
	_ =	sdelay $0x2  }
.Ltmp13:
0x2ea: {  	(pc) =	sbr.rel @p0 .LBB2_27-.Ltmp13, $4  }
0x2eb: {  	_ = 	snop  }
0x2ec: {  	vm0 =	vlt.u32 v7, v6;
	vm1 =	veq.s32 v7, v6  }
0x2ed: {  	v8 =	vmpcnt.ones.xlane vm0;
	(xrf0) =	vadd.scan.msk.s32 vm1, v3;
	s5 =	spop (v2sf)  }
0x2ee: {  	s2 =	sadd.s32 s2, s5;
	s5 =	spop (v2sf)  }
0x2ef: {  	s0 =	sadd.s32 s0, s5  }
0x2f0: {  	v6 =	vmov s0  }
0x2f1: {  	v6 =	vadd.s32 $0xFFFFFFFF, v6  }
0x2f2: {  	v6 =	vbroadcast v6, $0x0  }
0x2f3: {  	v9, _, _ =	vpop (xrf0)  }
0x2f4: {  	v6 =	vadd.s32 v9, v6  }
0x2f5: {  	vm2 =	vlt.s32 v6, $0x7D0  }
0x2f6: {  	vm1 =	vmand vm1, vm2  }
0x2f7: {  	v6 =	vmpcnt.ones.xlane vm1  }
0x2f8: {  	(v2sf) =	vpush v8, $0x0  }
0x2f9: {  	(v2sf) =	vpush v6, $0x0;
	_ =	sdelay $0xb  }
0x2fa: {  	[tilespmem:s2+$0xE380] =	vst.msk vm0, v7;
	v6 =	vor.u32 s3, v2  }
0x2fb: {  	[tilespmem:s2+$0xEB80] =	vst.msk vm0, v6  }
0x2fc: {  	[tilespmem:s0+$0xE380] =	vst.msk vm1, v7;
	s1 =	spop (v2sf)  }
0x2fd: {  	[tilespmem:s0+$0xEB80] =	vst.msk vm1, v6;
	s0 =	simm.s32 $0x40;
	s1 =	simm.s32 $0x0;
	s31 =	spop (v2sf)  }
.LBB2_29:
0x2fe: {  	p0 =	sne.s32 s0, $0x3FC0;
	[tilespmem:s1+$0xC380] =	vst v1;
	s1 =	smov.u32 s0;
	s0 =	sadd.s32 $0x40, s0  }
.Ltmp14:
0x2ff: {  	(pc) =	sbr.rel @p0 .LBB2_29-.Ltmp14, $2  }
0x300: {  	_ =	sdelay $0x2  }
0x301: {  	s1 =	sshra.s32 s1, $0x2  }
0x302: {  	s0 =	simm.s32 $0x0  }
0x303: {  	v6 =	vadd.s32 s0, v5;
	_ =	sdelay $0x3  }
0x304: {  	[tilespmem:s1+$0xC380] =	vst v1  }
0x305: {  	v6 =	vld.idx.msk [tilespmem:v6+s18+$0x0], $0xffff;
	_ =	sdelay $0x4  }
0x306: {  	v6 =	vshll.u32 v6, $0x4  }
0x307: {  	v6 =	vor.u32 v2, v6  }
0x308: {  	s31 =	simm.s32 $0x1;
	v6 =	vand.u32 $0xFFF, v6  }
0x309: {  	s1 =	simm.s32 $0x2;
	v7 =	vadd.s32 s31, v5  }
.LBB2_31:
0x30a: {  	p0 =	sne.s32 s1, $0x7C;
	_ =	sdelay $0x2  }
0x30b: {  	[tilespmem:v6+s17+$0x0] =	vst.idx.add.s32.msk $0xffff, v3  }
0x30c: {  	v6 =	vld.idx.msk [tilespmem:v7+s18+$0x0], $0xffff;
	_ =	sdelay $0x4  }
.Ltmp15:
0x30d: {  	(pc) =	sbr.rel @p0 .LBB2_31-.Ltmp15, $4  }
0x30e: {  	v6 =	vshll.u32 v6, $0x4  }
0x30f: {  	v6 =	vor.u32 v2, v6  }
0x310: {  	v6 =	vand.u32 $0xFFF, v6  }
0x311: {  	v7 =	vadd.s32 s1, v5;
	s1 =	sadd.s32 $0x1, s1  }
0x312: {  	_ =	sdelay $0x3  }
0x313: {  	[tilespmem:v6+s17+$0x0] =	vst.idx.add.s32.msk $0xffff, v3  }
0x314: {  	v6 =	vld.idx.msk [tilespmem:v7+s18+$0x0], $0xffff;
	_ =	sdelay $0x4  }
0x315: {  	v6 =	vshll.u32 v6, $0x4  }
0x316: {  	v6 =	vor.u32 v2, v6  }
0x317: {  	v6 =	vand.u32 $0xFFF, v6;
	_ =	sdelay $0x4  }
0x318: {  	s1 =	simm.s32 $0x0;
	[tilespmem:v6+s17+$0x0] =	vst.idx.add.s32.msk $0xffff, v3  }
0x319: {  	s2 =	simm.s32 $0x10;
	v8 =	vld [tilespmem:s1+$0xC380]  }
0x31a: {  	v7 =	vld [tilespmem:s2+$0xC380];
	_ =	sdelay $0x3  }
0x31b: {  	(xrf0) =	vadd.scan.msk.s32 $0xffff, v8  }
0x31c: {  	(xrf0) =	vadd.scan.msk.s32 $0xffff, v7;
	_ =	sdelay $0x4  }
0x31d: {  	s3 =	simm.s32 $0x20;
	v11, _, _ =	vpop (xrf0)  }
0x31e: {  	v9 =	vld [tilespmem:s3+$0xC380];
	(v2sf) =	vpush v11, $0xF;
	v10, _, _ =	vpop (xrf0)  }
0x31f: {  	(v2sf) =	vpush v10, $0xF;
	_ =	sdelay $0x3  }
0x320: {  	s4 =	simm.s32 $0x30;
	(xrf0) =	vadd.scan.msk.s32 $0xffff, v9  }
0x321: {  	v6 =	vld [tilespmem:s4+$0xC380];
	_ =	sdelay $0x3  }
0x322: {  	s5 =	simm.s32 $0x100  }
.LBB2_33:
0x323: {  	s6 =	sshra.s32 s5, $0x2;
	p0 =	sne.s32 s5, $0x3FC0;
	s5 =	sadd.s32 $0x40, s5;
	(xrf0) =	vadd.scan.msk.s32 $0xffff, v6;
	v12, _, _ =	vpop (xrf0);
	v13 =	vsub.s32 s0, v8;
	v8 =	vmov v7;
	v7 =	vmov v9  }
.Ltmp16:
0x324: {  	v9 =	vmovc v6;
	(v2sf) =	vpush v12, $0xF;
	v13 =	vadd.s32 v11, v13;
	v11 =	vmovc v10;
	v10 =	vmov v12;
	v6 =	vld [tilespmem:s6+$0xC380];
	(pc) =	sbr.rel @p0 .LBB2_33-.Ltmp16, $4  }
0x325: {  	[tilespmem:s1+$0xD380] =	vst v13;
	s1 =	smov.u32 s2;
	s2 =	smov.u32 s3;
	s3 =	smov.u32 s4  }
0x326: {  	s4 =	smov.u32 s6  }
0x327: {  	s6 =	spop (v2sf)  }
0x328: {  	s0 =	sadd.s32 s0, s6  }
0x329: {  	v12, _, _ =	vpop (xrf0)  }
0x32a: {  	(v2sf) =	vpush v12, $0xF;
	_ =	sdelay $0xa  }
0x32b: {  	(xrf0) =	vadd.scan.msk.s32 $0xffff, v6;
	_ =	sdelay $0x1  }
0x32c: {  	s5 =	spop (v2sf)  }
0x32d: {  	v8 =	vsub.s32 s0, v8;
	s6 =	simm.s32 $0x0;
	s24 =	sadd.s32 s0, s5;
	s26 =	spop (v2sf)  }
0x32e: {  	v8 =	vadd.s32 v11, v8;
	v11 =	vadd.s32 s6, v5;
	v7 =	vsub.s32 s24, v7;
	s0 =	sadd.s32 s24, s26;
	s29 =	spop (v2sf)  }
0x32f: {  	[tilespmem:s1+$0xD380] =	vst v8;
	v7 =	vadd.s32 v10, v7;
	v8 =	vsub.s32 s0, v9;
	s0 =	sadd.s32 s0, s29  }
0x330: {  	[tilespmem:s2+$0xD380] =	vst v7;
	v9, _, _ =	vpop (xrf0);
	v7 =	vadd.s32 v12, v8;
	v6 =	vsub.s32 s0, v6  }
0x331: {  	[tilespmem:s3+$0xD380] =	vst v7;
	v6 =	vadd.s32 v9, v6  }
0x332: {  	[tilespmem:s4+$0xD380] =	vst v6  }
0x333: {  	v6 =	vld.idx.msk [tilespmem:v11+s18+$0x0], $0xffff;
	_ =	sdelay $0x4  }
0x334: {  	v7 =	vshll.u32 v6, $0x4  }
0x335: {  	v7 =	vor.u32 v2, v7  }
0x336: {  	v7 =	vand.u32 $0xFFF, v7  }
0x337: {  	(v2sf) =	vpush v9, $0xF;
	_ =	sdelay $0x3  }
0x338: {  	v8 =	vld.idx.msk [tilespmem:v7+s20+$0x0], $0xffff;
	_ =	sdelay $0x5  }
0x339: {  	v9 =	vld.idx.msk [tilespmem:v11+s19+$0x0], $0xffff  }
0x33a: {  	s30 =	simm.s32 $0x1  }
0x33b: {  	[tilespmem:v8+s21+$0x0] =	vst.idx.msk $0xffff, v6;
	v6 =	vadd.s32 s30, v5;
	_ =	sdelay $0x2  }
0x33c: {  	s0 =	simm.s32 $0x2;
	s31 =	spop (v2sf);
	[tilespmem:v8+s22+$0x0] =	vst.idx.msk $0xffff, v9;
	v8 =	vadd.s32 $0x1, v8  }
.LBB2_35:
0x33d: {  	p0 =	sne.s32 s0, $0x7C;
	[tilespmem:v7+s20+$0x0] =	vst.idx.msk $0xffff, v8;
	s1 =	smov.u32 s0;
	s0 =	sadd.s32 $0x1, s0  }
0x33e: {  	v8 =	vld.idx.msk [tilespmem:v6+s18+$0x0], $0xffff;
	_ =	sdelay $0x5  }
0x33f: {  	v7 =	vshll.u32 v8, $0x4  }
0x340: {  	v7 =	vor.u32 v2, v7  }
0x341: {  	v7 =	vand.u32 $0xFFF, v7;
	_ =	sdelay $0x4  }
0x342: {  	v9 =	vld.idx.msk [tilespmem:v7+s20+$0x0], $0xffff;
	_ =	sdelay $0x2  }
0x343: {  	v10 =	vld.idx.msk [tilespmem:v6+s19+$0x0], $0xffff;
	_ =	sdelay $0x1  }
.Ltmp17:
0x344: {  	(pc) =	sbr.rel @p0 .LBB2_35-.Ltmp17, $3  }
0x345: {  	v6 =	vadd.s32 s1, v5;
	_ =	sdelay $0x1  }
0x346: {  	[tilespmem:v9+s21+$0x0] =	vst.idx.msk $0xffff, v8  }
0x347: {  	v8 =	vadd.s32 $0x1, v9;
	[tilespmem:v9+s22+$0x0] =	vst.idx.msk $0xffff, v10  }
0x348: {  	_ =	sdelay $0x3  }
0x349: {  	[tilespmem:v7+s20+$0x0] =	vst.idx.msk $0xffff, v8  }
0x34a: {  	v7 =	vld.idx.msk [tilespmem:v6+s18+$0x0], $0xffff;
	_ =	sdelay $0x4  }
0x34b: {  	v63 =	vshll.u32 v7, $0x4  }
0x34c: {  	v8 =	vor.u32 v2, v63  }
0x34d: {  	v8 =	vand.u32 $0xFFF, v8;
	_ =	sdelay $0x4  }
0x34e: {  	v9 =	vld.idx.msk [tilespmem:v8+s20+$0x0], $0xffff;
	_ =	sdelay $0x3  }
0x34f: {  	v6 =	vld.idx.msk [tilespmem:v6+s19+$0x0], $0xffff;
	_ =	sdelay $0x3  }
0x350: {  	[tilespmem:v9+s21+$0x0] =	vst.idx.msk $0xffff, v7  }
0x351: {  	[tilespmem:v9+s22+$0x0] =	vst.idx.msk $0xffff, v6;
	v6 =	vadd.s32 $0x1, v9  }
0x352: {  	s0 =	simm.s32 $0x40;
	s1 =	simm.s32 $0x0;
	[tilespmem:v8+s20+$0x0] =	vst.idx.msk $0xffff, v6  }
.LBB2_37:
0x353: {  	p0 =	sne.s32 s0, $0x3FC0;
	[tilespmem:s1+$0xC380] =	vst v1;
	s1 =	smov.u32 s0;
	s0 =	sadd.s32 $0x40, s0  }
.Ltmp18:
0x354: {  	(pc) =	sbr.rel @p0 .LBB2_37-.Ltmp18, $2  }
0x355: {  	_ =	sdelay $0x2  }
0x356: {  	s1 =	sshra.s32 s1, $0x2  }
0x357: {  	s0 =	simm.s32 $0x0  }
0x358: {  	v6 =	vadd.s32 s0, v5;
	_ =	sdelay $0x3  }
0x359: {  	[tilespmem:s1+$0xC380] =	vst v1  }
0x35a: {  	v6 =	vld.idx.msk [tilespmem:v6+s21+$0x0], $0xffff;
	_ =	sdelay $0x4  }
0x35b: {  	v6 =	vshrl.u32 v6, $0x4  }
0x35c: {  	v6 =	vand.u32 $0xFF0, v6  }
0x35d: {  	s31 =	simm.s32 $0x1;
	v6 =	vor.u32 v2, v6  }
0x35e: {  	s1 =	simm.s32 $0x2;
	v7 =	vadd.s32 s31, v5  }
.LBB2_39:
0x35f: {  	p0 =	sne.s32 s1, $0x7C;
	_ =	sdelay $0x2  }
0x360: {  	[tilespmem:v6+s17+$0x0] =	vst.idx.add.s32.msk $0xffff, v3  }
0x361: {  	v6 =	vld.idx.msk [tilespmem:v7+s21+$0x0], $0xffff;
	_ =	sdelay $0x4  }
.Ltmp19:
0x362: {  	(pc) =	sbr.rel @p0 .LBB2_39-.Ltmp19, $4  }
0x363: {  	v6 =	vshrl.u32 v6, $0x4  }
0x364: {  	v6 =	vand.u32 $0xFF0, v6  }
0x365: {  	v6 =	vor.u32 v2, v6  }
0x366: {  	v7 =	vadd.s32 s1, v5;
	s1 =	sadd.s32 $0x1, s1  }
0x367: {  	_ =	sdelay $0x3  }
0x368: {  	[tilespmem:v6+s17+$0x0] =	vst.idx.add.s32.msk $0xffff, v3  }
0x369: {  	v6 =	vld.idx.msk [tilespmem:v7+s21+$0x0], $0xffff;
	_ =	sdelay $0x4  }
0x36a: {  	v6 =	vshrl.u32 v6, $0x4  }
0x36b: {  	v6 =	vand.u32 $0xFF0, v6  }
0x36c: {  	v6 =	vor.u32 v2, v6;
	_ =	sdelay $0x4  }
0x36d: {  	s1 =	simm.s32 $0x0;
	[tilespmem:v6+s17+$0x0] =	vst.idx.add.s32.msk $0xffff, v3  }
0x36e: {  	s2 =	simm.s32 $0x10;
	v8 =	vld [tilespmem:s1+$0xC380]  }
0x36f: {  	v7 =	vld [tilespmem:s2+$0xC380];
	_ =	sdelay $0x3  }
0x370: {  	(xrf0) =	vadd.scan.msk.s32 $0xffff, v8  }
0x371: {  	(xrf0) =	vadd.scan.msk.s32 $0xffff, v7;
	_ =	sdelay $0x4  }
0x372: {  	s3 =	simm.s32 $0x20;
	v11, _, _ =	vpop (xrf0)  }
0x373: {  	v9 =	vld [tilespmem:s3+$0xC380];
	(v2sf) =	vpush v11, $0xF;
	v10, _, _ =	vpop (xrf0)  }
0x374: {  	(v2sf) =	vpush v10, $0xF;
	_ =	sdelay $0x3  }
0x375: {  	s4 =	simm.s32 $0x30;
	(xrf0) =	vadd.scan.msk.s32 $0xffff, v9  }
0x376: {  	v6 =	vld [tilespmem:s4+$0xC380];
	_ =	sdelay $0x3  }
0x377: {  	s5 =	simm.s32 $0x100  }
.LBB2_41:
0x378: {  	s6 =	sshra.s32 s5, $0x2;
	p0 =	sne.s32 s5, $0x3FC0;
	s5 =	sadd.s32 $0x40, s5;
	(xrf0) =	vadd.scan.msk.s32 $0xffff, v6;
	v12, _, _ =	vpop (xrf0);
	v13 =	vsub.s32 s0, v8;
	v8 =	vmov v7;
	v7 =	vmov v9  }
.Ltmp20:
0x379: {  	v9 =	vmovc v6;
	(v2sf) =	vpush v12, $0xF;
	v13 =	vadd.s32 v11, v13;
	v11 =	vmovc v10;
	v10 =	vmov v12;
	v6 =	vld [tilespmem:s6+$0xC380];
	(pc) =	sbr.rel @p0 .LBB2_41-.Ltmp20, $4  }
0x37a: {  	[tilespmem:s1+$0xD380] =	vst v13;
	s1 =	smov.u32 s2;
	s2 =	smov.u32 s3;
	s3 =	smov.u32 s4  }
0x37b: {  	s4 =	smov.u32 s6  }
0x37c: {  	s6 =	spop (v2sf)  }
0x37d: {  	s0 =	sadd.s32 s0, s6  }
0x37e: {  	v12, _, _ =	vpop (xrf0)  }
0x37f: {  	(v2sf) =	vpush v12, $0xF;
	_ =	sdelay $0xa  }
0x380: {  	(xrf0) =	vadd.scan.msk.s32 $0xffff, v6;
	_ =	sdelay $0x1  }
0x381: {  	s5 =	spop (v2sf)  }
0x382: {  	v8 =	vsub.s32 s0, v8;
	s6 =	simm.s32 $0x0;
	s24 =	sadd.s32 s0, s5;
	s26 =	spop (v2sf)  }
0x383: {  	v8 =	vadd.s32 v11, v8;
	v11 =	vadd.s32 s6, v5;
	v7 =	vsub.s32 s24, v7;
	s0 =	sadd.s32 s24, s26;
	s29 =	spop (v2sf)  }
0x384: {  	[tilespmem:s1+$0xD380] =	vst v8;
	v7 =	vadd.s32 v10, v7;
	v8 =	vsub.s32 s0, v9;
	s0 =	sadd.s32 s0, s29  }
0x385: {  	[tilespmem:s2+$0xD380] =	vst v7;
	v9, _, _ =	vpop (xrf0);
	v7 =	vadd.s32 v12, v8;
	v6 =	vsub.s32 s0, v6  }
0x386: {  	[tilespmem:s3+$0xD380] =	vst v7;
	v6 =	vadd.s32 v9, v6  }
0x387: {  	[tilespmem:s4+$0xD380] =	vst v6  }
0x388: {  	v6 =	vld.idx.msk [tilespmem:v11+s21+$0x0], $0xffff;
	_ =	sdelay $0x4  }
0x389: {  	v7 =	vshrl.u32 v6, $0x4  }
0x38a: {  	v7 =	vand.u32 $0xFF0, v7  }
0x38b: {  	v7 =	vor.u32 v2, v7  }
0x38c: {  	(v2sf) =	vpush v9, $0xF;
	_ =	sdelay $0x3  }
0x38d: {  	v8 =	vld.idx.msk [tilespmem:v7+s20+$0x0], $0xffff;
	_ =	sdelay $0x5  }
0x38e: {  	v9 =	vld.idx.msk [tilespmem:v11+s22+$0x0], $0xffff  }
0x38f: {  	s30 =	simm.s32 $0x1  }
0x390: {  	[tilespmem:v8+s18+$0x0] =	vst.idx.msk $0xffff, v6;
	v6 =	vadd.s32 s30, v5;
	_ =	sdelay $0x2  }
0x391: {  	s0 =	simm.s32 $0x2;
	s31 =	spop (v2sf);
	[tilespmem:v8+s19+$0x0] =	vst.idx.msk $0xffff, v9;
	v8 =	vadd.s32 $0x1, v8  }
.LBB2_43:
0x392: {  	p0 =	sne.s32 s0, $0x7C;
	[tilespmem:v7+s20+$0x0] =	vst.idx.msk $0xffff, v8;
	s1 =	smov.u32 s0;
	s0 =	sadd.s32 $0x1, s0  }
0x393: {  	v8 =	vld.idx.msk [tilespmem:v6+s21+$0x0], $0xffff;
	_ =	sdelay $0x5  }
0x394: {  	v7 =	vshrl.u32 v8, $0x4  }
0x395: {  	v7 =	vand.u32 $0xFF0, v7  }
0x396: {  	v7 =	vor.u32 v2, v7;
	_ =	sdelay $0x4  }
0x397: {  	v9 =	vld.idx.msk [tilespmem:v7+s20+$0x0], $0xffff;
	_ =	sdelay $0x2  }
0x398: {  	v10 =	vld.idx.msk [tilespmem:v6+s22+$0x0], $0xffff;
	_ =	sdelay $0x1  }
.Ltmp21:
0x399: {  	(pc) =	sbr.rel @p0 .LBB2_43-.Ltmp21, $3  }
0x39a: {  	v6 =	vadd.s32 s1, v5;
	_ =	sdelay $0x1  }
0x39b: {  	[tilespmem:v9+s18+$0x0] =	vst.idx.msk $0xffff, v8  }
0x39c: {  	v8 =	vadd.s32 $0x1, v9;
	[tilespmem:v9+s19+$0x0] =	vst.idx.msk $0xffff, v10  }
0x39d: {  	_ =	sdelay $0x3  }
0x39e: {  	[tilespmem:v7+s20+$0x0] =	vst.idx.msk $0xffff, v8  }
0x39f: {  	v7 =	vld.idx.msk [tilespmem:v6+s21+$0x0], $0xffff;
	_ =	sdelay $0x4  }
0x3a0: {  	v63 =	vshrl.u32 v7, $0x4  }
0x3a1: {  	v8 =	vand.u32 $0xFF0, v63  }
0x3a2: {  	v8 =	vor.u32 v2, v8;
	_ =	sdelay $0x4  }
0x3a3: {  	v9 =	vld.idx.msk [tilespmem:v8+s20+$0x0], $0xffff;
	_ =	sdelay $0x3  }
0x3a4: {  	v6 =	vld.idx.msk [tilespmem:v6+s22+$0x0], $0xffff;
	_ =	sdelay $0x3  }
0x3a5: {  	[tilespmem:v9+s18+$0x0] =	vst.idx.msk $0xffff, v7  }
0x3a6: {  	[tilespmem:v9+s19+$0x0] =	vst.idx.msk $0xffff, v6;
	v6 =	vadd.s32 $0x1, v9  }
0x3a7: {  	s0 =	simm.s32 $0x40;
	s1 =	simm.s32 $0x0;
	[tilespmem:v8+s20+$0x0] =	vst.idx.msk $0xffff, v6  }
.LBB2_45:
0x3a8: {  	p0 =	sne.s32 s0, $0x3FC0;
	[tilespmem:s1+$0xC380] =	vst v1;
	s1 =	smov.u32 s0;
	s0 =	sadd.s32 $0x40, s0  }
.Ltmp22:
0x3a9: {  	(pc) =	sbr.rel @p0 .LBB2_45-.Ltmp22, $2  }
0x3aa: {  	_ =	sdelay $0x2  }
0x3ab: {  	s1 =	sshra.s32 s1, $0x2  }
0x3ac: {  	s0 =	simm.s32 $0x0  }
0x3ad: {  	v6 =	vadd.s32 s0, v5;
	_ =	sdelay $0x3  }
0x3ae: {  	[tilespmem:s1+$0xC380] =	vst v1  }
0x3af: {  	v6 =	vld.idx.msk [tilespmem:v6+s18+$0x0], $0xffff;
	_ =	sdelay $0x4  }
0x3b0: {  	v6 =	vshrl.u32 v6, $0xC  }
0x3b1: {  	v6 =	vand.u32 $0xFF0, v6  }
0x3b2: {  	s31 =	simm.s32 $0x1;
	v6 =	vor.u32 v2, v6  }
0x3b3: {  	s1 =	simm.s32 $0x2;
	v7 =	vadd.s32 s31, v5  }
.LBB2_47:
0x3b4: {  	p0 =	sne.s32 s1, $0x7C;
	_ =	sdelay $0x2  }
0x3b5: {  	[tilespmem:v6+s17+$0x0] =	vst.idx.add.s32.msk $0xffff, v3  }
0x3b6: {  	v6 =	vld.idx.msk [tilespmem:v7+s18+$0x0], $0xffff;
	_ =	sdelay $0x4  }
.Ltmp23:
0x3b7: {  	(pc) =	sbr.rel @p0 .LBB2_47-.Ltmp23, $4  }
0x3b8: {  	v6 =	vshrl.u32 v6, $0xC  }
0x3b9: {  	v6 =	vand.u32 $0xFF0, v6  }
0x3ba: {  	v6 =	vor.u32 v2, v6  }
0x3bb: {  	v7 =	vadd.s32 s1, v5;
	s1 =	sadd.s32 $0x1, s1  }
0x3bc: {  	_ =	sdelay $0x3  }
0x3bd: {  	[tilespmem:v6+s17+$0x0] =	vst.idx.add.s32.msk $0xffff, v3  }
0x3be: {  	v6 =	vld.idx.msk [tilespmem:v7+s18+$0x0], $0xffff;
	_ =	sdelay $0x4  }
0x3bf: {  	v6 =	vshrl.u32 v6, $0xC  }
0x3c0: {  	v6 =	vand.u32 $0xFF0, v6  }
0x3c1: {  	v6 =	vor.u32 v2, v6;
	_ =	sdelay $0x4  }
0x3c2: {  	s1 =	simm.s32 $0x0;
	[tilespmem:v6+s17+$0x0] =	vst.idx.add.s32.msk $0xffff, v3  }
0x3c3: {  	s2 =	simm.s32 $0x10;
	v8 =	vld [tilespmem:s1+$0xC380]  }
0x3c4: {  	v7 =	vld [tilespmem:s2+$0xC380];
	_ =	sdelay $0x3  }
0x3c5: {  	(xrf0) =	vadd.scan.msk.s32 $0xffff, v8  }
0x3c6: {  	(xrf0) =	vadd.scan.msk.s32 $0xffff, v7;
	_ =	sdelay $0x4  }
0x3c7: {  	s3 =	simm.s32 $0x20;
	v11, _, _ =	vpop (xrf0)  }
0x3c8: {  	v9 =	vld [tilespmem:s3+$0xC380];
	(v2sf) =	vpush v11, $0xF;
	v10, _, _ =	vpop (xrf0)  }
0x3c9: {  	(v2sf) =	vpush v10, $0xF;
	_ =	sdelay $0x3  }
0x3ca: {  	s4 =	simm.s32 $0x30;
	(xrf0) =	vadd.scan.msk.s32 $0xffff, v9  }
0x3cb: {  	v6 =	vld [tilespmem:s4+$0xC380];
	_ =	sdelay $0x3  }
0x3cc: {  	s5 =	simm.s32 $0x100  }
.LBB2_49:
0x3cd: {  	s6 =	sshra.s32 s5, $0x2;
	p0 =	sne.s32 s5, $0x3FC0;
	s5 =	sadd.s32 $0x40, s5;
	(xrf0) =	vadd.scan.msk.s32 $0xffff, v6;
	v12, _, _ =	vpop (xrf0);
	v13 =	vsub.s32 s0, v8;
	v8 =	vmov v7;
	v7 =	vmov v9  }
.Ltmp24:
0x3ce: {  	v9 =	vmovc v6;
	(v2sf) =	vpush v12, $0xF;
	v13 =	vadd.s32 v11, v13;
	v11 =	vmovc v10;
	v10 =	vmov v12;
	v6 =	vld [tilespmem:s6+$0xC380];
	(pc) =	sbr.rel @p0 .LBB2_49-.Ltmp24, $4  }
0x3cf: {  	[tilespmem:s1+$0xD380] =	vst v13;
	s1 =	smov.u32 s2;
	s2 =	smov.u32 s3;
	s3 =	smov.u32 s4  }
0x3d0: {  	s4 =	smov.u32 s6  }
0x3d1: {  	s6 =	spop (v2sf)  }
0x3d2: {  	s0 =	sadd.s32 s0, s6  }
0x3d3: {  	v12, _, _ =	vpop (xrf0)  }
0x3d4: {  	(v2sf) =	vpush v12, $0xF;
	_ =	sdelay $0xa  }
0x3d5: {  	(xrf0) =	vadd.scan.msk.s32 $0xffff, v6;
	_ =	sdelay $0x1  }
0x3d6: {  	s5 =	spop (v2sf)  }
0x3d7: {  	v8 =	vsub.s32 s0, v8;
	s6 =	simm.s32 $0x0;
	s24 =	sadd.s32 s0, s5;
	s26 =	spop (v2sf)  }
0x3d8: {  	v8 =	vadd.s32 v11, v8;
	v11 =	vadd.s32 s6, v5;
	v7 =	vsub.s32 s24, v7;
	s0 =	sadd.s32 s24, s26;
	s29 =	spop (v2sf)  }
0x3d9: {  	[tilespmem:s1+$0xD380] =	vst v8;
	v7 =	vadd.s32 v10, v7;
	v8 =	vsub.s32 s0, v9;
	s0 =	sadd.s32 s0, s29  }
0x3da: {  	[tilespmem:s2+$0xD380] =	vst v7;
	v9, _, _ =	vpop (xrf0);
	v7 =	vadd.s32 v12, v8;
	v6 =	vsub.s32 s0, v6  }
0x3db: {  	[tilespmem:s3+$0xD380] =	vst v7;
	v6 =	vadd.s32 v9, v6  }
0x3dc: {  	[tilespmem:s4+$0xD380] =	vst v6  }
0x3dd: {  	v6 =	vld.idx.msk [tilespmem:v11+s18+$0x0], $0xffff;
	_ =	sdelay $0x4  }
0x3de: {  	v7 =	vshrl.u32 v6, $0xC  }
0x3df: {  	v7 =	vand.u32 $0xFF0, v7  }
0x3e0: {  	v7 =	vor.u32 v2, v7  }
0x3e1: {  	(v2sf) =	vpush v9, $0xF;
	_ =	sdelay $0x3  }
0x3e2: {  	v8 =	vld.idx.msk [tilespmem:v7+s20+$0x0], $0xffff;
	_ =	sdelay $0x5  }
0x3e3: {  	v9 =	vld.idx.msk [tilespmem:v11+s19+$0x0], $0xffff  }
0x3e4: {  	s30 =	simm.s32 $0x1  }
0x3e5: {  	[tilespmem:v8+s21+$0x0] =	vst.idx.msk $0xffff, v6;
	v6 =	vadd.s32 s30, v5;
	_ =	sdelay $0x2  }
0x3e6: {  	s0 =	simm.s32 $0x2;
	s31 =	spop (v2sf);
	[tilespmem:v8+s22+$0x0] =	vst.idx.msk $0xffff, v9;
	v8 =	vadd.s32 $0x1, v8  }
.LBB2_51:
0x3e7: {  	p0 =	sne.s32 s0, $0x7C;
	[tilespmem:v7+s20+$0x0] =	vst.idx.msk $0xffff, v8;
	s1 =	smov.u32 s0;
	s0 =	sadd.s32 $0x1, s0  }
0x3e8: {  	v8 =	vld.idx.msk [tilespmem:v6+s18+$0x0], $0xffff;
	_ =	sdelay $0x5  }
0x3e9: {  	v7 =	vshrl.u32 v8, $0xC  }
0x3ea: {  	v7 =	vand.u32 $0xFF0, v7  }
0x3eb: {  	v7 =	vor.u32 v2, v7;
	_ =	sdelay $0x4  }
0x3ec: {  	v9 =	vld.idx.msk [tilespmem:v7+s20+$0x0], $0xffff;
	_ =	sdelay $0x2  }
0x3ed: {  	v10 =	vld.idx.msk [tilespmem:v6+s19+$0x0], $0xffff;
	_ =	sdelay $0x1  }
.Ltmp25:
0x3ee: {  	(pc) =	sbr.rel @p0 .LBB2_51-.Ltmp25, $3  }
0x3ef: {  	v6 =	vadd.s32 s1, v5;
	_ =	sdelay $0x1  }
0x3f0: {  	[tilespmem:v9+s21+$0x0] =	vst.idx.msk $0xffff, v8  }
0x3f1: {  	v8 =	vadd.s32 $0x1, v9;
	[tilespmem:v9+s22+$0x0] =	vst.idx.msk $0xffff, v10  }
0x3f2: {  	_ =	sdelay $0x3  }
0x3f3: {  	[tilespmem:v7+s20+$0x0] =	vst.idx.msk $0xffff, v8  }
0x3f4: {  	v7 =	vld.idx.msk [tilespmem:v6+s18+$0x0], $0xffff;
	_ =	sdelay $0x4  }
0x3f5: {  	v63 =	vshrl.u32 v7, $0xC  }
0x3f6: {  	v8 =	vand.u32 $0xFF0, v63  }
0x3f7: {  	v8 =	vor.u32 v2, v8;
	_ =	sdelay $0x4  }
0x3f8: {  	v9 =	vld.idx.msk [tilespmem:v8+s20+$0x0], $0xffff;
	_ =	sdelay $0x3  }
0x3f9: {  	v6 =	vld.idx.msk [tilespmem:v6+s19+$0x0], $0xffff;
	_ =	sdelay $0x3  }
0x3fa: {  	[tilespmem:v9+s21+$0x0] =	vst.idx.msk $0xffff, v7  }
0x3fb: {  	[tilespmem:v9+s22+$0x0] =	vst.idx.msk $0xffff, v6;
	v6 =	vadd.s32 $0x1, v9  }
0x3fc: {  	s0 =	simm.s32 $0x40;
	s1 =	simm.s32 $0x0;
	[tilespmem:v8+s20+$0x0] =	vst.idx.msk $0xffff, v6  }
.LBB2_53:
0x3fd: {  	p0 =	sne.s32 s0, $0x3FC0;
	[tilespmem:s1+$0xC380] =	vst v1;
	s1 =	smov.u32 s0;
	s0 =	sadd.s32 $0x40, s0  }
.Ltmp26:
0x3fe: {  	(pc) =	sbr.rel @p0 .LBB2_53-.Ltmp26, $2  }
0x3ff: {  	_ =	sdelay $0x2  }
0x400: {  	s1 =	sshra.s32 s1, $0x2  }
0x401: {  	s0 =	simm.s32 $0x0  }
0x402: {  	v6 =	vadd.s32 s0, v5;
	_ =	sdelay $0x3  }
0x403: {  	[tilespmem:s1+$0xC380] =	vst v1  }
0x404: {  	v6 =	vld.idx.msk [tilespmem:v6+s21+$0x0], $0xffff;
	_ =	sdelay $0x4  }
0x405: {  	v6 =	vshrl.u32 v6, $0x14  }
0x406: {  	v6 =	vand.u32 $0xFF0, v6  }
0x407: {  	s31 =	simm.s32 $0x1;
	v6 =	vor.u32 v2, v6  }
0x408: {  	s1 =	simm.s32 $0x2;
	v7 =	vadd.s32 s31, v5  }
.LBB2_55:
0x409: {  	p0 =	sne.s32 s1, $0x7C;
	_ =	sdelay $0x2  }
0x40a: {  	[tilespmem:v6+s17+$0x0] =	vst.idx.add.s32.msk $0xffff, v3  }
0x40b: {  	v6 =	vld.idx.msk [tilespmem:v7+s21+$0x0], $0xffff;
	_ =	sdelay $0x4  }
.Ltmp27:
0x40c: {  	(pc) =	sbr.rel @p0 .LBB2_55-.Ltmp27, $4  }
0x40d: {  	v6 =	vshrl.u32 v6, $0x14  }
0x40e: {  	v6 =	vand.u32 $0xFF0, v6  }
0x40f: {  	v6 =	vor.u32 v2, v6  }
0x410: {  	v7 =	vadd.s32 s1, v5;
	s1 =	sadd.s32 $0x1, s1  }
0x411: {  	_ =	sdelay $0x3  }
0x412: {  	[tilespmem:v6+s17+$0x0] =	vst.idx.add.s32.msk $0xffff, v3  }
0x413: {  	v6 =	vld.idx.msk [tilespmem:v7+s21+$0x0], $0xffff;
	_ =	sdelay $0x4  }
0x414: {  	v6 =	vshrl.u32 v6, $0x14  }
0x415: {  	v6 =	vand.u32 $0xFF0, v6  }
0x416: {  	v6 =	vor.u32 v2, v6;
	_ =	sdelay $0x4  }
0x417: {  	s1 =	simm.s32 $0x0;
	[tilespmem:v6+s17+$0x0] =	vst.idx.add.s32.msk $0xffff, v3  }
0x418: {  	s2 =	simm.s32 $0x10;
	v8 =	vld [tilespmem:s1+$0xC380]  }
0x419: {  	v7 =	vld [tilespmem:s2+$0xC380];
	_ =	sdelay $0x3  }
0x41a: {  	(xrf0) =	vadd.scan.msk.s32 $0xffff, v8  }
0x41b: {  	(xrf0) =	vadd.scan.msk.s32 $0xffff, v7;
	_ =	sdelay $0x4  }
0x41c: {  	s3 =	simm.s32 $0x20;
	v11, _, _ =	vpop (xrf0)  }
0x41d: {  	v9 =	vld [tilespmem:s3+$0xC380];
	(v2sf) =	vpush v11, $0xF;
	v10, _, _ =	vpop (xrf0)  }
0x41e: {  	(v2sf) =	vpush v10, $0xF;
	_ =	sdelay $0x3  }
0x41f: {  	s4 =	simm.s32 $0x30;
	(xrf0) =	vadd.scan.msk.s32 $0xffff, v9  }
0x420: {  	v6 =	vld [tilespmem:s4+$0xC380];
	_ =	sdelay $0x3  }
0x421: {  	s5 =	simm.s32 $0x100  }
.LBB2_57:
0x422: {  	s6 =	sshra.s32 s5, $0x2;
	p0 =	sne.s32 s5, $0x3FC0;
	s5 =	sadd.s32 $0x40, s5;
	(xrf0) =	vadd.scan.msk.s32 $0xffff, v6;
	v12, _, _ =	vpop (xrf0);
	v13 =	vsub.s32 s0, v8;
	v8 =	vmov v7;
	v7 =	vmov v9  }
.Ltmp28:
0x423: {  	v9 =	vmovc v6;
	(v2sf) =	vpush v12, $0xF;
	v13 =	vadd.s32 v11, v13;
	v11 =	vmovc v10;
	v10 =	vmov v12;
	v6 =	vld [tilespmem:s6+$0xC380];
	(pc) =	sbr.rel @p0 .LBB2_57-.Ltmp28, $4  }
0x424: {  	[tilespmem:s1+$0xD380] =	vst v13;
	s1 =	smov.u32 s2;
	s2 =	smov.u32 s3;
	s3 =	smov.u32 s4  }
0x425: {  	s4 =	smov.u32 s6  }
0x426: {  	s6 =	spop (v2sf)  }
0x427: {  	s0 =	sadd.s32 s0, s6  }
0x428: {  	v12, _, _ =	vpop (xrf0)  }
0x429: {  	(v2sf) =	vpush v12, $0xF;
	_ =	sdelay $0xa  }
0x42a: {  	(xrf0) =	vadd.scan.msk.s32 $0xffff, v6;
	_ =	sdelay $0x1  }
0x42b: {  	s5 =	spop (v2sf)  }
0x42c: {  	v8 =	vsub.s32 s0, v8;
	s6 =	simm.s32 $0x0;
	s24 =	sadd.s32 s0, s5;
	s26 =	spop (v2sf)  }
0x42d: {  	v8 =	vadd.s32 v11, v8;
	v11 =	vadd.s32 s6, v5;
	v7 =	vsub.s32 s24, v7;
	s0 =	sadd.s32 s24, s26;
	s29 =	spop (v2sf)  }
0x42e: {  	[tilespmem:s1+$0xD380] =	vst v8;
	v7 =	vadd.s32 v10, v7;
	v8 =	vsub.s32 s0, v9;
	s0 =	sadd.s32 s0, s29  }
0x42f: {  	[tilespmem:s2+$0xD380] =	vst v7;
	v9, _, _ =	vpop (xrf0);
	v7 =	vadd.s32 v12, v8;
	v6 =	vsub.s32 s0, v6  }
0x430: {  	[tilespmem:s3+$0xD380] =	vst v7;
	v6 =	vadd.s32 v9, v6  }
0x431: {  	[tilespmem:s4+$0xD380] =	vst v6  }
0x432: {  	v6 =	vld.idx.msk [tilespmem:v11+s21+$0x0], $0xffff;
	_ =	sdelay $0x4  }
0x433: {  	v7 =	vshrl.u32 v6, $0x14  }
0x434: {  	v7 =	vand.u32 $0xFF0, v7  }
0x435: {  	v7 =	vor.u32 v2, v7  }
0x436: {  	(v2sf) =	vpush v9, $0xF;
	_ =	sdelay $0x3  }
0x437: {  	v8 =	vld.idx.msk [tilespmem:v7+s20+$0x0], $0xffff;
	_ =	sdelay $0x5  }
0x438: {  	v9 =	vld.idx.msk [tilespmem:v11+s22+$0x0], $0xffff  }
0x439: {  	s30 =	simm.s32 $0x1  }
0x43a: {  	[tilespmem:v8+s18+$0x0] =	vst.idx.msk $0xffff, v6;
	v6 =	vadd.s32 s30, v5;
	_ =	sdelay $0x2  }
0x43b: {  	s0 =	simm.s32 $0x2;
	s31 =	spop (v2sf);
	[tilespmem:v8+s19+$0x0] =	vst.idx.msk $0xffff, v9;
	v8 =	vadd.s32 $0x1, v8  }
.LBB2_59:
0x43c: {  	p0 =	sne.s32 s0, $0x7C;
	[tilespmem:v7+s20+$0x0] =	vst.idx.msk $0xffff, v8;
	s1 =	smov.u32 s0;
	s0 =	sadd.s32 $0x1, s0  }
0x43d: {  	v8 =	vld.idx.msk [tilespmem:v6+s21+$0x0], $0xffff;
	_ =	sdelay $0x5  }
0x43e: {  	v7 =	vshrl.u32 v8, $0x14  }
0x43f: {  	v7 =	vand.u32 $0xFF0, v7  }
0x440: {  	v7 =	vor.u32 v2, v7;
	_ =	sdelay $0x4  }
0x441: {  	v9 =	vld.idx.msk [tilespmem:v7+s20+$0x0], $0xffff;
	_ =	sdelay $0x2  }
0x442: {  	v10 =	vld.idx.msk [tilespmem:v6+s22+$0x0], $0xffff;
	_ =	sdelay $0x1  }
.Ltmp29:
0x443: {  	(pc) =	sbr.rel @p0 .LBB2_59-.Ltmp29, $3  }
0x444: {  	v6 =	vadd.s32 s1, v5;
	_ =	sdelay $0x1  }
0x445: {  	[tilespmem:v9+s18+$0x0] =	vst.idx.msk $0xffff, v8  }
0x446: {  	v8 =	vadd.s32 $0x1, v9;
	[tilespmem:v9+s19+$0x0] =	vst.idx.msk $0xffff, v10  }
0x447: {  	_ =	sdelay $0x3  }
0x448: {  	[tilespmem:v7+s20+$0x0] =	vst.idx.msk $0xffff, v8  }
0x449: {  	v7 =	vld.idx.msk [tilespmem:v6+s21+$0x0], $0xffff;
	_ =	sdelay $0x4  }
0x44a: {  	v8 =	vshrl.u32 v7, $0x14  }
0x44b: {  	v8 =	vand.u32 $0xFF0, v8  }
0x44c: {  	v8 =	vor.u32 v2, v8;
	_ =	sdelay $0x4  }
0x44d: {  	v9 =	vld.idx.msk [tilespmem:v8+s20+$0x0], $0xffff;
	_ =	sdelay $0x3  }
0x44e: {  	v6 =	vld.idx.msk [tilespmem:v6+s22+$0x0], $0xffff;
	_ =	sdelay $0x3  }
0x44f: {  	[tilespmem:v9+s18+$0x0] =	vst.idx.msk $0xffff, v7  }
0x450: {  	[tilespmem:v9+s19+$0x0] =	vst.idx.msk $0xffff, v6;
	v6 =	vadd.s32 $0x1, v9  }
0x451: {  	s0 =	simm.s32 $0x0;
	[tilespmem:v8+s20+$0x0] =	vst.idx.msk $0xffff, v6  }
0x452: {  	s1 =	simm.s32 $0x40;
	s3 =	rddreg [dreg:$0x1];
	v6 =	vld [tilespmem:s0+$0xEB80]  }
0x453: {  	s4 =	simm.s32 $0x2;
	s5 =	simm.s32 $0xC8;
	s6 =	simm.s32 $0x1  }
.LBB2_61:
0x454: {  	p0 =	sne.s32 s1, $0x1F00  }
.Ltmp30:
0x455: {  	_ = 	snop;
	(pc) =	sbr.rel @p0 .LBB2_61-.Ltmp30, $4  }
0x456: {  	_ = 	snop  }
0x457: {  	s2 =	sshra.s32 s1, $0x2;
	s1 =	sadd.s32 $0x40, s1;
	v7 =	vadd.s32 v0, v6  }
0x458: {  	v6 =	vld [tilespmem:s2+$0xEB80];
	[tilespmem:s0+$0x10380] =	vst v7;
	v7 =	vshrl.u32 v7, $0x1  }
0x459: {  	[tilespmem:s0+$0x10B80] =	vst v7;
	s0 =	smov.u32 s2  }
0x45a: {  	_ =	sdelay $0x2  }
0x45b: {  	s1 =	simm.s32 $0x0;
	v6 =	vadd.s32 v0, v6  }
0x45c: {  	v7 =	vmov s1;
	[tilespmem:s0+$0x10380] =	vst v6;
	v6 =	vshrl.u32 v6, $0x1  }
0x45d: {  	s30 =	simm.s32 $0x10B80;
	[tilespmem:s0+$0x10B80] =	vst v6;
	v6 =	vshrl.u32 v7, $0x6  }
0x45e: {  	[tilespmem:s25], [sflag:$0x1] =	stream.indirect.gather [hbm4b:s3+s5], $0x80, s30, s5, $0xb8;
	[tilespmem:$0x1A980] =	vst v63  }
0x45f: {  	_ =	swait.ge [sflag:s6], $0x6400  }
0x460: {  	[sflag:s6] =	ssyncset.done $0x0  }
0x461: {  	[sflag:s6] =	ssyncadd.s32 $0xFFFF9C00  }
0x462: {  	v7 =	vld.idx.msk [tilespmem:v6+s28+$0x0], $0xffff;
	_ =	sdelay $0x4  }
0x463: {  	v8 =	vor.u32 s1, v2;
	v7 =	vshll.u32 v7, $0x6  }
0x464: {  	v8 =	vand.u32 $0x3F, v8;
	v7 =	vand.u32 $0x40, v7  }
0x465: {  	v6 =	vshll.u32 v6, $0x7;
	v7 =	vor.u32 v7, v8  }
0x466: {  	v6 =	vor.u32 v6, v7;
	_ =	sdelay $0x3  }
0x467: {  	s31 =	simm.s32 $0x10  }
0x468: {  	v7 =	vmov s31;
	v6 =	vld.idx.msk [tilespmem:v6+s25+$0x0], $0xffff  }
0x469: {  	v7 =	vshrl.u32 v7, $0x6;
	_ =	sdelay $0x2  }
0x46a: {  	s0 =	simm.s32 $0x17780  }
0x46b: {  	[tilespmem:s0+$0x0] =	vst v6  }
0x46c: {  	v6 =	vld.idx.msk [tilespmem:v7+s28+$0x0], $0xffff;
	_ =	sdelay $0x4  }
0x46d: {  	v8 =	vor.u32 s31, v2;
	v6 =	vshll.u32 v6, $0x6  }
0x46e: {  	v8 =	vand.u32 $0x3F, v8;
	v6 =	vand.u32 $0x40, v6  }
0x46f: {  	v7 =	vshll.u32 v7, $0x7;
	v6 =	vor.u32 v6, v8  }
0x470: {  	v6 =	vor.u32 v7, v6;
	_ =	sdelay $0x3  }
0x471: {  	s1 =	simm.s32 $0x20  }
0x472: {  	s2 =	simm.s32 $0x30;
	v7 =	vmov s1;
	v6 =	vld.idx.msk [tilespmem:v6+s25+$0x0], $0xffff  }
.LBB2_63:
0x473: {  	p0 =	sne.s32 s2, $0x31F0;
	v7 =	vshrl.u32 v7, $0x6;
	_ =	sdelay $0x2  }
0x474: {  	s0 =	sadd.s32 $0x10, s0  }
0x475: {  	[tilespmem:s0+$0x0] =	vst v6  }
0x476: {  	v6 =	vld.idx.msk [tilespmem:v7+s28+$0x0], $0xffff;
	_ =	sdelay $0x5  }
0x477: {  	v8 =	vor.u32 s1, v2;
	s1 =	smov.u32 s2;
	v6 =	vshll.u32 v6, $0x6  }
0x478: {  	v8 =	vand.u32 $0x3F, v8;
	v6 =	vand.u32 $0x40, v6  }
0x479: {  	v7 =	vshll.u32 v7, $0x7;
	v6 =	vor.u32 v6, v8  }
0x47a: {  	v6 =	vor.u32 v7, v6;
	_ =	sdelay $0x1  }
.Ltmp31:
0x47b: {  	(pc) =	sbr.rel @p0 .LBB2_63-.Ltmp31, $3  }
0x47c: {  	_ =	sdelay $0x1  }
0x47d: {  	v6 =	vld.idx.msk [tilespmem:v6+s25+$0x0], $0xffff  }
0x47e: {  	s2 =	sadd.s32 $0x10, s2;
	v7 =	vmov s1  }
0x47f: {  	v7 =	vshrl.u32 v7, $0x6;
	_ =	sdelay $0x2  }
0x480: {  	s0 =	sadd.s32 $0x10, s0  }
0x481: {  	[tilespmem:s0+$0x0] =	vst v6  }
0x482: {  	v6 =	vld.idx.msk [tilespmem:v7+s28+$0x0], $0xffff;
	_ =	sdelay $0x4  }
0x483: {  	v8 =	vor.u32 s1, v2;
	v6 =	vshll.u32 v6, $0x6  }
0x484: {  	v8 =	vand.u32 $0x3F, v8;
	v6 =	vand.u32 $0x40, v6  }
0x485: {  	v7 =	vshll.u32 v7, $0x7;
	v6 =	vor.u32 v6, v8  }
0x486: {  	v6 =	vor.u32 v7, v6;
	_ =	sdelay $0x4  }
0x487: {  	v6 =	vld.idx.msk [tilespmem:v6+s25+$0x0], $0xffff;
	_ =	sdelay $0x3  }
0x488: {  	s0 =	sadd.s32 $0x10, s0  }
0x489: {  	s29 =	simm.s32 $0x0;
	s2 =	rddreg [dreg:$0x4];
	[tilespmem:s0+$0x0] =	vst v6;
	s0 =	simm.s32 $0x17780  }
0x48a: {  	[hbm4b:s2+s29] =	stream.linear.scatter [tilespmem:s0], [sflag:$0x2], $0x3200, $0x38;
	[tilespmem:$0x1A980] =	vst v63  }
0x48b: {  	v6 =	vmov s29;
	_ =	swait.ge [sflag:s4], $0x3200  }
0x48c: {  	v6 =	vshrl.u32 v6, $0x6;
	[sflag:s4] =	ssyncset.done $0x0  }
0x48d: {  	s30 =	simm.s32 $0x10C48;
	v7 =	vadd.s32 $0xC8, v6;
	[sflag:s4] =	ssyncadd.s32 $0xFFFFCE00  }
0x48e: {  	[tilespmem:s25], [sflag:$0x1] =	stream.indirect.gather [hbm4b:s3+s5], $0x80, s30, s5, $0xb8;
	[tilespmem:$0x1A980] =	vst v63  }
0x48f: {  	_ =	swait.ge [sflag:s6], $0x6400  }
0x490: {  	[sflag:s6] =	ssyncset.done $0x0  }
0x491: {  	[sflag:s6] =	ssyncadd.s32 $0xFFFF9C00  }
0x492: {  	v7 =	vld.idx.msk [tilespmem:v7+s28+$0x0], $0xffff;
	_ =	sdelay $0x4  }
0x493: {  	v8 =	vor.u32 s29, v2;
	v7 =	vshll.u32 v7, $0x6  }
0x494: {  	v8 =	vand.u32 $0x3F, v8;
	v7 =	vand.u32 $0x40, v7  }
0x495: {  	v6 =	vshll.u32 v6, $0x7;
	v7 =	vor.u32 v7, v8  }
0x496: {  	v6 =	vor.u32 v6, v7;
	_ =	sdelay $0x2  }
0x497: {  	s31 =	simm.s32 $0x10  }
0x498: {  	v7 =	vmov s31  }
0x499: {  	v7 =	vshrl.u32 v7, $0x6;
	v6 =	vld.idx.msk [tilespmem:v6+s25+$0x0], $0xffff  }
0x49a: {  	v8 =	vadd.s32 $0xC8, v7;
	_ =	sdelay $0x3  }
0x49b: {  	[tilespmem:s0+$0x0] =	vst v6  }
0x49c: {  	v6 =	vld.idx.msk [tilespmem:v8+s28+$0x0], $0xffff;
	_ =	sdelay $0x4  }
0x49d: {  	v8 =	vor.u32 s31, v2;
	v6 =	vshll.u32 v6, $0x6  }
0x49e: {  	v8 =	vand.u32 $0x3F, v8;
	v6 =	vand.u32 $0x40, v6  }
0x49f: {  	v7 =	vshll.u32 v7, $0x7;
	v6 =	vor.u32 v6, v8  }
0x4a0: {  	v6 =	vor.u32 v7, v6;
	_ =	sdelay $0x3  }
0x4a1: {  	s1 =	simm.s32 $0x20  }
0x4a2: {  	s2 =	simm.s32 $0x30;
	v7 =	vmov s1;
	v6 =	vld.idx.msk [tilespmem:v6+s25+$0x0], $0xffff  }
.LBB2_65:
0x4a3: {  	p0 =	sne.s32 s2, $0x31F0;
	v7 =	vshrl.u32 v7, $0x6  }
0x4a4: {  	v8 =	vadd.s32 $0xC8, v7;
	_ =	sdelay $0x2  }
0x4a5: {  	s0 =	sadd.s32 $0x10, s0  }
0x4a6: {  	[tilespmem:s0+$0x0] =	vst v6  }
0x4a7: {  	v6 =	vld.idx.msk [tilespmem:v8+s28+$0x0], $0xffff;
	_ =	sdelay $0x5  }
0x4a8: {  	v8 =	vor.u32 s1, v2;
	s1 =	smov.u32 s2;
	v6 =	vshll.u32 v6, $0x6  }
0x4a9: {  	v8 =	vand.u32 $0x3F, v8;
	v6 =	vand.u32 $0x40, v6  }
0x4aa: {  	v7 =	vshll.u32 v7, $0x7;
	v6 =	vor.u32 v6, v8  }
0x4ab: {  	v6 =	vor.u32 v7, v6  }
.Ltmp32:
0x4ac: {  	(pc) =	sbr.rel @p0 .LBB2_65-.Ltmp32, $2  }
0x4ad: {  	_ =	sdelay $0x2  }
0x4ae: {  	s2 =	sadd.s32 $0x10, s2;
	v7 =	vmov s1;
	v6 =	vld.idx.msk [tilespmem:v6+s25+$0x0], $0xffff  }
0x4af: {  	v7 =	vshrl.u32 v7, $0x6  }
0x4b0: {  	v8 =	vadd.s32 $0xC8, v7;
	_ =	sdelay $0x2  }
0x4b1: {  	s0 =	sadd.s32 $0x10, s0  }
0x4b2: {  	[tilespmem:s0+$0x0] =	vst v6  }
0x4b3: {  	v6 =	vld.idx.msk [tilespmem:v8+s28+$0x0], $0xffff;
	_ =	sdelay $0x4  }
0x4b4: {  	v8 =	vor.u32 s1, v2;
	v6 =	vshll.u32 v6, $0x6  }
0x4b5: {  	v8 =	vand.u32 $0x3F, v8;
	v6 =	vand.u32 $0x40, v6  }
0x4b6: {  	v7 =	vshll.u32 v7, $0x7;
	v6 =	vor.u32 v6, v8  }
0x4b7: {  	v6 =	vor.u32 v7, v6;
	_ =	sdelay $0x4  }
0x4b8: {  	v6 =	vld.idx.msk [tilespmem:v6+s25+$0x0], $0xffff;
	_ =	sdelay $0x3  }
0x4b9: {  	s0 =	sadd.s32 $0x10, s0  }
0x4ba: {  	s29 =	simm.s32 $0x0;
	s2 =	rddreg [dreg:$0x5];
	[tilespmem:s0+$0x0] =	vst v6;
	s0 =	simm.s32 $0x17780  }
0x4bb: {  	[hbm4b:s2+s29] =	stream.linear.scatter [tilespmem:s0], [sflag:$0x2], $0x3200, $0x38;
	[tilespmem:$0x1A980] =	vst v63  }
0x4bc: {  	v6 =	vmov s29;
	_ =	swait.ge [sflag:s4], $0x3200  }
0x4bd: {  	v6 =	vshrl.u32 v6, $0x6;
	[sflag:s4] =	ssyncset.done $0x0  }
0x4be: {  	s30 =	simm.s32 $0x10D10;
	v7 =	vadd.s32 $0x190, v6;
	[sflag:s4] =	ssyncadd.s32 $0xFFFFCE00  }
0x4bf: {  	[tilespmem:s25], [sflag:$0x1] =	stream.indirect.gather [hbm4b:s3+s5], $0x80, s30, s5, $0xb8;
	[tilespmem:$0x1A980] =	vst v63  }
0x4c0: {  	_ =	swait.ge [sflag:s6], $0x6400  }
0x4c1: {  	[sflag:s6] =	ssyncset.done $0x0  }
0x4c2: {  	[sflag:s6] =	ssyncadd.s32 $0xFFFF9C00  }
0x4c3: {  	v7 =	vld.idx.msk [tilespmem:v7+s28+$0x0], $0xffff;
	_ =	sdelay $0x4  }
0x4c4: {  	v8 =	vor.u32 s29, v2;
	v7 =	vshll.u32 v7, $0x6  }
0x4c5: {  	v8 =	vand.u32 $0x3F, v8;
	v7 =	vand.u32 $0x40, v7  }
0x4c6: {  	v6 =	vshll.u32 v6, $0x7;
	v7 =	vor.u32 v7, v8  }
0x4c7: {  	v6 =	vor.u32 v6, v7;
	_ =	sdelay $0x2  }
0x4c8: {  	s31 =	simm.s32 $0x10  }
0x4c9: {  	v7 =	vmov s31  }
0x4ca: {  	v7 =	vshrl.u32 v7, $0x6;
	v6 =	vld.idx.msk [tilespmem:v6+s25+$0x0], $0xffff  }
0x4cb: {  	v8 =	vadd.s32 $0x190, v7;
	_ =	sdelay $0x3  }
0x4cc: {  	[tilespmem:s0+$0x0] =	vst v6  }
0x4cd: {  	v6 =	vld.idx.msk [tilespmem:v8+s28+$0x0], $0xffff;
	_ =	sdelay $0x4  }
0x4ce: {  	v8 =	vor.u32 s31, v2;
	v6 =	vshll.u32 v6, $0x6  }
0x4cf: {  	v8 =	vand.u32 $0x3F, v8;
	v6 =	vand.u32 $0x40, v6  }
0x4d0: {  	v7 =	vshll.u32 v7, $0x7;
	v6 =	vor.u32 v6, v8  }
0x4d1: {  	v6 =	vor.u32 v7, v6;
	_ =	sdelay $0x3  }
0x4d2: {  	s1 =	simm.s32 $0x20  }
0x4d3: {  	s2 =	simm.s32 $0x30;
	v7 =	vmov s1;
	v6 =	vld.idx.msk [tilespmem:v6+s25+$0x0], $0xffff  }
.LBB2_67:
0x4d4: {  	p0 =	sne.s32 s2, $0x31F0;
	v7 =	vshrl.u32 v7, $0x6  }
0x4d5: {  	v8 =	vadd.s32 $0x190, v7;
	_ =	sdelay $0x2  }
0x4d6: {  	s0 =	sadd.s32 $0x10, s0  }
0x4d7: {  	[tilespmem:s0+$0x0] =	vst v6  }
0x4d8: {  	v6 =	vld.idx.msk [tilespmem:v8+s28+$0x0], $0xffff;
	_ =	sdelay $0x5  }
0x4d9: {  	v8 =	vor.u32 s1, v2;
	s1 =	smov.u32 s2;
	v6 =	vshll.u32 v6, $0x6  }
0x4da: {  	v8 =	vand.u32 $0x3F, v8;
	v6 =	vand.u32 $0x40, v6  }
0x4db: {  	v7 =	vshll.u32 v7, $0x7;
	v6 =	vor.u32 v6, v8  }
0x4dc: {  	v6 =	vor.u32 v7, v6  }
.Ltmp33:
0x4dd: {  	(pc) =	sbr.rel @p0 .LBB2_67-.Ltmp33, $2  }
0x4de: {  	_ =	sdelay $0x2  }
0x4df: {  	s2 =	sadd.s32 $0x10, s2;
	v7 =	vmov s1;
	v6 =	vld.idx.msk [tilespmem:v6+s25+$0x0], $0xffff  }
0x4e0: {  	v7 =	vshrl.u32 v7, $0x6  }
0x4e1: {  	v8 =	vadd.s32 $0x190, v7;
	_ =	sdelay $0x2  }
0x4e2: {  	s0 =	sadd.s32 $0x10, s0  }
0x4e3: {  	[tilespmem:s0+$0x0] =	vst v6  }
0x4e4: {  	v6 =	vld.idx.msk [tilespmem:v8+s28+$0x0], $0xffff;
	_ =	sdelay $0x4  }
0x4e5: {  	v8 =	vor.u32 s1, v2;
	v6 =	vshll.u32 v6, $0x6  }
0x4e6: {  	v8 =	vand.u32 $0x3F, v8;
	v6 =	vand.u32 $0x40, v6  }
0x4e7: {  	v7 =	vshll.u32 v7, $0x7;
	v6 =	vor.u32 v6, v8  }
0x4e8: {  	v6 =	vor.u32 v7, v6;
	_ =	sdelay $0x4  }
0x4e9: {  	v6 =	vld.idx.msk [tilespmem:v6+s25+$0x0], $0xffff;
	_ =	sdelay $0x3  }
0x4ea: {  	s0 =	sadd.s32 $0x10, s0  }
0x4eb: {  	s29 =	simm.s32 $0x0;
	s2 =	rddreg [dreg:$0x6];
	[tilespmem:s0+$0x0] =	vst v6;
	s0 =	simm.s32 $0x17780  }
0x4ec: {  	[hbm4b:s2+s29] =	stream.linear.scatter [tilespmem:s0], [sflag:$0x2], $0x3200, $0x38;
	[tilespmem:$0x1A980] =	vst v63  }
0x4ed: {  	v6 =	vmov s29;
	_ =	swait.ge [sflag:s4], $0x3200  }
0x4ee: {  	v6 =	vshrl.u32 v6, $0x6;
	[sflag:s4] =	ssyncset.done $0x0  }
0x4ef: {  	s30 =	simm.s32 $0x10DD8;
	v7 =	vadd.s32 $0x258, v6;
	[sflag:s4] =	ssyncadd.s32 $0xFFFFCE00  }
0x4f0: {  	[tilespmem:s25], [sflag:$0x1] =	stream.indirect.gather [hbm4b:s3+s5], $0x80, s30, s5, $0xb8;
	[tilespmem:$0x1A980] =	vst v63  }
0x4f1: {  	_ =	swait.ge [sflag:s6], $0x6400  }
0x4f2: {  	[sflag:s6] =	ssyncset.done $0x0  }
0x4f3: {  	[sflag:s6] =	ssyncadd.s32 $0xFFFF9C00  }
0x4f4: {  	v7 =	vld.idx.msk [tilespmem:v7+s28+$0x0], $0xffff;
	_ =	sdelay $0x4  }
0x4f5: {  	v8 =	vor.u32 s29, v2;
	v7 =	vshll.u32 v7, $0x6  }
0x4f6: {  	v8 =	vand.u32 $0x3F, v8;
	v7 =	vand.u32 $0x40, v7  }
0x4f7: {  	v6 =	vshll.u32 v6, $0x7;
	v7 =	vor.u32 v7, v8  }
0x4f8: {  	v6 =	vor.u32 v6, v7;
	_ =	sdelay $0x2  }
0x4f9: {  	s31 =	simm.s32 $0x10  }
0x4fa: {  	v7 =	vmov s31  }
0x4fb: {  	v7 =	vshrl.u32 v7, $0x6;
	v6 =	vld.idx.msk [tilespmem:v6+s25+$0x0], $0xffff  }
0x4fc: {  	v8 =	vadd.s32 $0x258, v7;
	_ =	sdelay $0x3  }
0x4fd: {  	[tilespmem:s0+$0x0] =	vst v6  }
0x4fe: {  	v6 =	vld.idx.msk [tilespmem:v8+s28+$0x0], $0xffff;
	_ =	sdelay $0x4  }
0x4ff: {  	v8 =	vor.u32 s31, v2;
	v6 =	vshll.u32 v6, $0x6  }
0x500: {  	v8 =	vand.u32 $0x3F, v8;
	v6 =	vand.u32 $0x40, v6  }
0x501: {  	v7 =	vshll.u32 v7, $0x7;
	v6 =	vor.u32 v6, v8  }
0x502: {  	v6 =	vor.u32 v7, v6;
	_ =	sdelay $0x3  }
0x503: {  	s1 =	simm.s32 $0x20  }
0x504: {  	s2 =	simm.s32 $0x30;
	v7 =	vmov s1;
	v6 =	vld.idx.msk [tilespmem:v6+s25+$0x0], $0xffff  }
.LBB2_69:
0x505: {  	p0 =	sne.s32 s2, $0x31F0;
	v7 =	vshrl.u32 v7, $0x6  }
0x506: {  	v8 =	vadd.s32 $0x258, v7;
	_ =	sdelay $0x2  }
0x507: {  	s0 =	sadd.s32 $0x10, s0  }
0x508: {  	[tilespmem:s0+$0x0] =	vst v6  }
0x509: {  	v6 =	vld.idx.msk [tilespmem:v8+s28+$0x0], $0xffff;
	_ =	sdelay $0x5  }
0x50a: {  	v8 =	vor.u32 s1, v2;
	s1 =	smov.u32 s2;
	v6 =	vshll.u32 v6, $0x6  }
0x50b: {  	v8 =	vand.u32 $0x3F, v8;
	v6 =	vand.u32 $0x40, v6  }
0x50c: {  	v7 =	vshll.u32 v7, $0x7;
	v6 =	vor.u32 v6, v8  }
0x50d: {  	v6 =	vor.u32 v7, v6  }
.Ltmp34:
0x50e: {  	(pc) =	sbr.rel @p0 .LBB2_69-.Ltmp34, $2  }
0x50f: {  	_ =	sdelay $0x2  }
0x510: {  	s2 =	sadd.s32 $0x10, s2;
	v7 =	vmov s1;
	v6 =	vld.idx.msk [tilespmem:v6+s25+$0x0], $0xffff  }
0x511: {  	v7 =	vshrl.u32 v7, $0x6  }
0x512: {  	v8 =	vadd.s32 $0x258, v7;
	_ =	sdelay $0x2  }
0x513: {  	s0 =	sadd.s32 $0x10, s0  }
0x514: {  	[tilespmem:s0+$0x0] =	vst v6  }
0x515: {  	v6 =	vld.idx.msk [tilespmem:v8+s28+$0x0], $0xffff;
	_ =	sdelay $0x4  }
0x516: {  	v8 =	vor.u32 s1, v2;
	v6 =	vshll.u32 v6, $0x6  }
0x517: {  	v8 =	vand.u32 $0x3F, v8;
	v6 =	vand.u32 $0x40, v6  }
0x518: {  	v7 =	vshll.u32 v7, $0x7;
	v6 =	vor.u32 v6, v8  }
0x519: {  	v6 =	vor.u32 v7, v6;
	_ =	sdelay $0x4  }
0x51a: {  	v6 =	vld.idx.msk [tilespmem:v6+s25+$0x0], $0xffff;
	_ =	sdelay $0x3  }
0x51b: {  	s0 =	sadd.s32 $0x10, s0  }
0x51c: {  	s29 =	simm.s32 $0x0;
	s2 =	rddreg [dreg:$0x7];
	[tilespmem:s0+$0x0] =	vst v6;
	s0 =	simm.s32 $0x17780  }
0x51d: {  	[hbm4b:s2+s29] =	stream.linear.scatter [tilespmem:s0], [sflag:$0x2], $0x3200, $0x38;
	[tilespmem:$0x1A980] =	vst v63  }
0x51e: {  	v6 =	vmov s29;
	_ =	swait.ge [sflag:s4], $0x3200  }
0x51f: {  	v6 =	vshrl.u32 v6, $0x6;
	[sflag:s4] =	ssyncset.done $0x0  }
0x520: {  	s30 =	simm.s32 $0x10EA0;
	v7 =	vadd.s32 $0x320, v6;
	[sflag:s4] =	ssyncadd.s32 $0xFFFFCE00  }
0x521: {  	[tilespmem:s25], [sflag:$0x1] =	stream.indirect.gather [hbm4b:s3+s5], $0x80, s30, s5, $0xb8;
	[tilespmem:$0x1A980] =	vst v63  }
0x522: {  	_ =	swait.ge [sflag:s6], $0x6400  }
0x523: {  	[sflag:s6] =	ssyncset.done $0x0  }
0x524: {  	[sflag:s6] =	ssyncadd.s32 $0xFFFF9C00  }
0x525: {  	v7 =	vld.idx.msk [tilespmem:v7+s28+$0x0], $0xffff;
	_ =	sdelay $0x4  }
0x526: {  	v8 =	vor.u32 s29, v2;
	v7 =	vshll.u32 v7, $0x6  }
0x527: {  	v8 =	vand.u32 $0x3F, v8;
	v7 =	vand.u32 $0x40, v7  }
0x528: {  	v6 =	vshll.u32 v6, $0x7;
	v7 =	vor.u32 v7, v8  }
0x529: {  	v6 =	vor.u32 v6, v7;
	_ =	sdelay $0x2  }
0x52a: {  	s31 =	simm.s32 $0x10  }
0x52b: {  	v7 =	vmov s31  }
0x52c: {  	v7 =	vshrl.u32 v7, $0x6;
	v6 =	vld.idx.msk [tilespmem:v6+s25+$0x0], $0xffff  }
0x52d: {  	v8 =	vadd.s32 $0x320, v7;
	_ =	sdelay $0x3  }
0x52e: {  	[tilespmem:s0+$0x0] =	vst v6  }
0x52f: {  	v6 =	vld.idx.msk [tilespmem:v8+s28+$0x0], $0xffff;
	_ =	sdelay $0x4  }
0x530: {  	v8 =	vor.u32 s31, v2;
	v6 =	vshll.u32 v6, $0x6  }
0x531: {  	v8 =	vand.u32 $0x3F, v8;
	v6 =	vand.u32 $0x40, v6  }
0x532: {  	v7 =	vshll.u32 v7, $0x7;
	v6 =	vor.u32 v6, v8  }
0x533: {  	v6 =	vor.u32 v7, v6;
	_ =	sdelay $0x3  }
0x534: {  	s1 =	simm.s32 $0x20  }
0x535: {  	s2 =	simm.s32 $0x30;
	v7 =	vmov s1;
	v6 =	vld.idx.msk [tilespmem:v6+s25+$0x0], $0xffff  }
.LBB2_71:
0x536: {  	p0 =	sne.s32 s2, $0x31F0;
	v7 =	vshrl.u32 v7, $0x6  }
0x537: {  	v8 =	vadd.s32 $0x320, v7;
	_ =	sdelay $0x2  }
0x538: {  	s0 =	sadd.s32 $0x10, s0  }
0x539: {  	[tilespmem:s0+$0x0] =	vst v6  }
0x53a: {  	v6 =	vld.idx.msk [tilespmem:v8+s28+$0x0], $0xffff;
	_ =	sdelay $0x5  }
0x53b: {  	v8 =	vor.u32 s1, v2;
	s1 =	smov.u32 s2;
	v6 =	vshll.u32 v6, $0x6  }
0x53c: {  	v8 =	vand.u32 $0x3F, v8;
	v6 =	vand.u32 $0x40, v6  }
0x53d: {  	v7 =	vshll.u32 v7, $0x7;
	v6 =	vor.u32 v6, v8  }
0x53e: {  	v6 =	vor.u32 v7, v6  }
.Ltmp35:
0x53f: {  	(pc) =	sbr.rel @p0 .LBB2_71-.Ltmp35, $2  }
0x540: {  	_ =	sdelay $0x2  }
0x541: {  	s2 =	sadd.s32 $0x10, s2;
	v7 =	vmov s1;
	v6 =	vld.idx.msk [tilespmem:v6+s25+$0x0], $0xffff  }
0x542: {  	v7 =	vshrl.u32 v7, $0x6  }
0x543: {  	v8 =	vadd.s32 $0x320, v7;
	_ =	sdelay $0x2  }
0x544: {  	s0 =	sadd.s32 $0x10, s0  }
0x545: {  	[tilespmem:s0+$0x0] =	vst v6  }
0x546: {  	v6 =	vld.idx.msk [tilespmem:v8+s28+$0x0], $0xffff;
	_ =	sdelay $0x4  }
0x547: {  	v8 =	vor.u32 s1, v2;
	v6 =	vshll.u32 v6, $0x6  }
0x548: {  	v8 =	vand.u32 $0x3F, v8;
	v6 =	vand.u32 $0x40, v6  }
0x549: {  	v7 =	vshll.u32 v7, $0x7;
	v6 =	vor.u32 v6, v8  }
0x54a: {  	v6 =	vor.u32 v7, v6;
	_ =	sdelay $0x4  }
0x54b: {  	v6 =	vld.idx.msk [tilespmem:v6+s25+$0x0], $0xffff;
	_ =	sdelay $0x3  }
0x54c: {  	s0 =	sadd.s32 $0x10, s0  }
0x54d: {  	s29 =	simm.s32 $0x0;
	s2 =	rddreg [dreg:$0x8];
	[tilespmem:s0+$0x0] =	vst v6;
	s0 =	simm.s32 $0x17780  }
0x54e: {  	[hbm4b:s2+s29] =	stream.linear.scatter [tilespmem:s0], [sflag:$0x2], $0x3200, $0x38;
	[tilespmem:$0x1A980] =	vst v63  }
0x54f: {  	v6 =	vmov s29;
	_ =	swait.ge [sflag:s4], $0x3200  }
0x550: {  	v6 =	vshrl.u32 v6, $0x6;
	[sflag:s4] =	ssyncset.done $0x0  }
0x551: {  	s30 =	simm.s32 $0x10F68;
	v7 =	vadd.s32 $0x3E8, v6;
	[sflag:s4] =	ssyncadd.s32 $0xFFFFCE00  }
0x552: {  	[tilespmem:s25], [sflag:$0x1] =	stream.indirect.gather [hbm4b:s3+s5], $0x80, s30, s5, $0xb8;
	[tilespmem:$0x1A980] =	vst v63  }
0x553: {  	_ =	swait.ge [sflag:s6], $0x6400  }
0x554: {  	[sflag:s6] =	ssyncset.done $0x0  }
0x555: {  	[sflag:s6] =	ssyncadd.s32 $0xFFFF9C00  }
0x556: {  	v7 =	vld.idx.msk [tilespmem:v7+s28+$0x0], $0xffff;
	_ =	sdelay $0x4  }
0x557: {  	v8 =	vor.u32 s29, v2;
	v7 =	vshll.u32 v7, $0x6  }
0x558: {  	v8 =	vand.u32 $0x3F, v8;
	v7 =	vand.u32 $0x40, v7  }
0x559: {  	v6 =	vshll.u32 v6, $0x7;
	v7 =	vor.u32 v7, v8  }
0x55a: {  	v6 =	vor.u32 v6, v7;
	_ =	sdelay $0x2  }
0x55b: {  	s31 =	simm.s32 $0x10  }
0x55c: {  	v7 =	vmov s31  }
0x55d: {  	v7 =	vshrl.u32 v7, $0x6;
	v6 =	vld.idx.msk [tilespmem:v6+s25+$0x0], $0xffff  }
0x55e: {  	v8 =	vadd.s32 $0x3E8, v7;
	_ =	sdelay $0x3  }
0x55f: {  	[tilespmem:s0+$0x0] =	vst v6  }
0x560: {  	v6 =	vld.idx.msk [tilespmem:v8+s28+$0x0], $0xffff;
	_ =	sdelay $0x4  }
0x561: {  	v8 =	vor.u32 s31, v2;
	v6 =	vshll.u32 v6, $0x6  }
0x562: {  	v8 =	vand.u32 $0x3F, v8;
	v6 =	vand.u32 $0x40, v6  }
0x563: {  	v7 =	vshll.u32 v7, $0x7;
	v6 =	vor.u32 v6, v8  }
0x564: {  	v6 =	vor.u32 v7, v6;
	_ =	sdelay $0x3  }
0x565: {  	s1 =	simm.s32 $0x20  }
0x566: {  	s2 =	simm.s32 $0x30;
	v7 =	vmov s1;
	v6 =	vld.idx.msk [tilespmem:v6+s25+$0x0], $0xffff  }
.LBB2_73:
0x567: {  	p0 =	sne.s32 s2, $0x31F0;
	v7 =	vshrl.u32 v7, $0x6  }
0x568: {  	v8 =	vadd.s32 $0x3E8, v7;
	_ =	sdelay $0x2  }
0x569: {  	s0 =	sadd.s32 $0x10, s0  }
0x56a: {  	[tilespmem:s0+$0x0] =	vst v6  }
0x56b: {  	v6 =	vld.idx.msk [tilespmem:v8+s28+$0x0], $0xffff;
	_ =	sdelay $0x5  }
0x56c: {  	v8 =	vor.u32 s1, v2;
	s1 =	smov.u32 s2;
	v6 =	vshll.u32 v6, $0x6  }
0x56d: {  	v8 =	vand.u32 $0x3F, v8;
	v6 =	vand.u32 $0x40, v6  }
0x56e: {  	v7 =	vshll.u32 v7, $0x7;
	v6 =	vor.u32 v6, v8  }
0x56f: {  	v6 =	vor.u32 v7, v6  }
.Ltmp36:
0x570: {  	(pc) =	sbr.rel @p0 .LBB2_73-.Ltmp36, $2  }
0x571: {  	_ =	sdelay $0x2  }
0x572: {  	s2 =	sadd.s32 $0x10, s2;
	v7 =	vmov s1;
	v6 =	vld.idx.msk [tilespmem:v6+s25+$0x0], $0xffff  }
0x573: {  	v7 =	vshrl.u32 v7, $0x6  }
0x574: {  	v8 =	vadd.s32 $0x3E8, v7;
	_ =	sdelay $0x2  }
0x575: {  	s0 =	sadd.s32 $0x10, s0  }
0x576: {  	[tilespmem:s0+$0x0] =	vst v6  }
0x577: {  	v6 =	vld.idx.msk [tilespmem:v8+s28+$0x0], $0xffff;
	_ =	sdelay $0x4  }
0x578: {  	v8 =	vor.u32 s1, v2;
	v6 =	vshll.u32 v6, $0x6  }
0x579: {  	v8 =	vand.u32 $0x3F, v8;
	v6 =	vand.u32 $0x40, v6  }
0x57a: {  	v7 =	vshll.u32 v7, $0x7;
	v6 =	vor.u32 v6, v8  }
0x57b: {  	v6 =	vor.u32 v7, v6;
	_ =	sdelay $0x4  }
0x57c: {  	v6 =	vld.idx.msk [tilespmem:v6+s25+$0x0], $0xffff;
	_ =	sdelay $0x3  }
0x57d: {  	s0 =	sadd.s32 $0x10, s0  }
0x57e: {  	s29 =	simm.s32 $0x0;
	s2 =	rddreg [dreg:$0x9];
	[tilespmem:s0+$0x0] =	vst v6;
	s0 =	simm.s32 $0x17780  }
0x57f: {  	[hbm4b:s2+s29] =	stream.linear.scatter [tilespmem:s0], [sflag:$0x2], $0x3200, $0x38;
	[tilespmem:$0x1A980] =	vst v63  }
0x580: {  	v6 =	vmov s29;
	_ =	swait.ge [sflag:s4], $0x3200  }
0x581: {  	v6 =	vshrl.u32 v6, $0x6;
	[sflag:s4] =	ssyncset.done $0x0  }
0x582: {  	s30 =	simm.s32 $0x11030;
	v7 =	vadd.s32 $0x4B0, v6;
	[sflag:s4] =	ssyncadd.s32 $0xFFFFCE00  }
0x583: {  	[tilespmem:s25], [sflag:$0x1] =	stream.indirect.gather [hbm4b:s3+s5], $0x80, s30, s5, $0xb8;
	[tilespmem:$0x1A980] =	vst v63  }
0x584: {  	_ =	swait.ge [sflag:s6], $0x6400  }
0x585: {  	[sflag:s6] =	ssyncset.done $0x0  }
0x586: {  	[sflag:s6] =	ssyncadd.s32 $0xFFFF9C00  }
0x587: {  	v7 =	vld.idx.msk [tilespmem:v7+s28+$0x0], $0xffff;
	_ =	sdelay $0x4  }
0x588: {  	v8 =	vor.u32 s29, v2;
	v7 =	vshll.u32 v7, $0x6  }
0x589: {  	v8 =	vand.u32 $0x3F, v8;
	v7 =	vand.u32 $0x40, v7  }
0x58a: {  	v6 =	vshll.u32 v6, $0x7;
	v7 =	vor.u32 v7, v8  }
0x58b: {  	v6 =	vor.u32 v6, v7;
	_ =	sdelay $0x2  }
0x58c: {  	s31 =	simm.s32 $0x10  }
0x58d: {  	v7 =	vmov s31  }
0x58e: {  	v7 =	vshrl.u32 v7, $0x6;
	v6 =	vld.idx.msk [tilespmem:v6+s25+$0x0], $0xffff  }
0x58f: {  	v8 =	vadd.s32 $0x4B0, v7;
	_ =	sdelay $0x3  }
0x590: {  	[tilespmem:s0+$0x0] =	vst v6  }
0x591: {  	v6 =	vld.idx.msk [tilespmem:v8+s28+$0x0], $0xffff;
	_ =	sdelay $0x4  }
0x592: {  	v8 =	vor.u32 s31, v2;
	v6 =	vshll.u32 v6, $0x6  }
0x593: {  	v8 =	vand.u32 $0x3F, v8;
	v6 =	vand.u32 $0x40, v6  }
0x594: {  	v7 =	vshll.u32 v7, $0x7;
	v6 =	vor.u32 v6, v8  }
0x595: {  	v6 =	vor.u32 v7, v6;
	_ =	sdelay $0x3  }
0x596: {  	s1 =	simm.s32 $0x20  }
0x597: {  	s2 =	simm.s32 $0x30;
	v7 =	vmov s1;
	v6 =	vld.idx.msk [tilespmem:v6+s25+$0x0], $0xffff  }
.LBB2_75:
0x598: {  	p0 =	sne.s32 s2, $0x31F0;
	v7 =	vshrl.u32 v7, $0x6  }
0x599: {  	v8 =	vadd.s32 $0x4B0, v7;
	_ =	sdelay $0x2  }
0x59a: {  	s0 =	sadd.s32 $0x10, s0  }
0x59b: {  	[tilespmem:s0+$0x0] =	vst v6  }
0x59c: {  	v6 =	vld.idx.msk [tilespmem:v8+s28+$0x0], $0xffff;
	_ =	sdelay $0x5  }
0x59d: {  	v8 =	vor.u32 s1, v2;
	s1 =	smov.u32 s2;
	v6 =	vshll.u32 v6, $0x6  }
0x59e: {  	v8 =	vand.u32 $0x3F, v8;
	v6 =	vand.u32 $0x40, v6  }
0x59f: {  	v7 =	vshll.u32 v7, $0x7;
	v6 =	vor.u32 v6, v8  }
0x5a0: {  	v6 =	vor.u32 v7, v6  }
.Ltmp37:
0x5a1: {  	(pc) =	sbr.rel @p0 .LBB2_75-.Ltmp37, $2  }
0x5a2: {  	_ =	sdelay $0x2  }
0x5a3: {  	s2 =	sadd.s32 $0x10, s2;
	v7 =	vmov s1;
	v6 =	vld.idx.msk [tilespmem:v6+s25+$0x0], $0xffff  }
0x5a4: {  	v7 =	vshrl.u32 v7, $0x6  }
0x5a5: {  	v8 =	vadd.s32 $0x4B0, v7;
	_ =	sdelay $0x2  }
0x5a6: {  	s0 =	sadd.s32 $0x10, s0  }
0x5a7: {  	[tilespmem:s0+$0x0] =	vst v6  }
0x5a8: {  	v6 =	vld.idx.msk [tilespmem:v8+s28+$0x0], $0xffff;
	_ =	sdelay $0x4  }
0x5a9: {  	v8 =	vor.u32 s1, v2;
	v6 =	vshll.u32 v6, $0x6  }
0x5aa: {  	v8 =	vand.u32 $0x3F, v8;
	v6 =	vand.u32 $0x40, v6  }
0x5ab: {  	v7 =	vshll.u32 v7, $0x7;
	v6 =	vor.u32 v6, v8  }
0x5ac: {  	v6 =	vor.u32 v7, v6;
	_ =	sdelay $0x4  }
0x5ad: {  	v6 =	vld.idx.msk [tilespmem:v6+s25+$0x0], $0xffff;
	_ =	sdelay $0x3  }
0x5ae: {  	s0 =	sadd.s32 $0x10, s0  }
0x5af: {  	s29 =	simm.s32 $0x0;
	s2 =	rddreg [dreg:$0xa];
	[tilespmem:s0+$0x0] =	vst v6;
	s0 =	simm.s32 $0x17780  }
0x5b0: {  	[hbm4b:s2+s29] =	stream.linear.scatter [tilespmem:s0], [sflag:$0x2], $0x3200, $0x38;
	[tilespmem:$0x1A980] =	vst v63  }
0x5b1: {  	v6 =	vmov s29;
	_ =	swait.ge [sflag:s4], $0x3200  }
0x5b2: {  	v6 =	vshrl.u32 v6, $0x6;
	[sflag:s4] =	ssyncset.done $0x0  }
0x5b3: {  	s30 =	simm.s32 $0x110F8;
	v7 =	vadd.s32 $0x578, v6;
	[sflag:s4] =	ssyncadd.s32 $0xFFFFCE00  }
0x5b4: {  	[tilespmem:s25], [sflag:$0x1] =	stream.indirect.gather [hbm4b:s3+s5], $0x80, s30, s5, $0xb8;
	[tilespmem:$0x1A980] =	vst v63  }
0x5b5: {  	_ =	swait.ge [sflag:s6], $0x6400  }
0x5b6: {  	[sflag:s6] =	ssyncset.done $0x0  }
0x5b7: {  	[sflag:s6] =	ssyncadd.s32 $0xFFFF9C00  }
0x5b8: {  	v7 =	vld.idx.msk [tilespmem:v7+s28+$0x0], $0xffff;
	_ =	sdelay $0x4  }
0x5b9: {  	v8 =	vor.u32 s29, v2;
	v7 =	vshll.u32 v7, $0x6  }
0x5ba: {  	v8 =	vand.u32 $0x3F, v8;
	v7 =	vand.u32 $0x40, v7  }
0x5bb: {  	v6 =	vshll.u32 v6, $0x7;
	v7 =	vor.u32 v7, v8  }
0x5bc: {  	v6 =	vor.u32 v6, v7;
	_ =	sdelay $0x2  }
0x5bd: {  	s31 =	simm.s32 $0x10  }
0x5be: {  	v7 =	vmov s31  }
0x5bf: {  	v7 =	vshrl.u32 v7, $0x6;
	v6 =	vld.idx.msk [tilespmem:v6+s25+$0x0], $0xffff  }
0x5c0: {  	v8 =	vadd.s32 $0x578, v7;
	_ =	sdelay $0x3  }
0x5c1: {  	[tilespmem:s0+$0x0] =	vst v6  }
0x5c2: {  	v6 =	vld.idx.msk [tilespmem:v8+s28+$0x0], $0xffff;
	_ =	sdelay $0x4  }
0x5c3: {  	v8 =	vor.u32 s31, v2;
	v6 =	vshll.u32 v6, $0x6  }
0x5c4: {  	v8 =	vand.u32 $0x3F, v8;
	v6 =	vand.u32 $0x40, v6  }
0x5c5: {  	v7 =	vshll.u32 v7, $0x7;
	v6 =	vor.u32 v6, v8  }
0x5c6: {  	v6 =	vor.u32 v7, v6;
	_ =	sdelay $0x3  }
0x5c7: {  	s1 =	simm.s32 $0x20  }
0x5c8: {  	s2 =	simm.s32 $0x30;
	v7 =	vmov s1;
	v6 =	vld.idx.msk [tilespmem:v6+s25+$0x0], $0xffff  }
.LBB2_77:
0x5c9: {  	p0 =	sne.s32 s2, $0x31F0;
	v7 =	vshrl.u32 v7, $0x6  }
0x5ca: {  	v8 =	vadd.s32 $0x578, v7;
	_ =	sdelay $0x2  }
0x5cb: {  	s0 =	sadd.s32 $0x10, s0  }
0x5cc: {  	[tilespmem:s0+$0x0] =	vst v6  }
0x5cd: {  	v6 =	vld.idx.msk [tilespmem:v8+s28+$0x0], $0xffff;
	_ =	sdelay $0x5  }
0x5ce: {  	v8 =	vor.u32 s1, v2;
	s1 =	smov.u32 s2;
	v6 =	vshll.u32 v6, $0x6  }
0x5cf: {  	v8 =	vand.u32 $0x3F, v8;
	v6 =	vand.u32 $0x40, v6  }
0x5d0: {  	v7 =	vshll.u32 v7, $0x7;
	v6 =	vor.u32 v6, v8  }
0x5d1: {  	v6 =	vor.u32 v7, v6  }
.Ltmp38:
0x5d2: {  	(pc) =	sbr.rel @p0 .LBB2_77-.Ltmp38, $2  }
0x5d3: {  	_ =	sdelay $0x2  }
0x5d4: {  	s2 =	sadd.s32 $0x10, s2;
	v7 =	vmov s1;
	v6 =	vld.idx.msk [tilespmem:v6+s25+$0x0], $0xffff  }
0x5d5: {  	v7 =	vshrl.u32 v7, $0x6  }
0x5d6: {  	v8 =	vadd.s32 $0x578, v7;
	_ =	sdelay $0x2  }
0x5d7: {  	s0 =	sadd.s32 $0x10, s0  }
0x5d8: {  	[tilespmem:s0+$0x0] =	vst v6  }
0x5d9: {  	v6 =	vld.idx.msk [tilespmem:v8+s28+$0x0], $0xffff;
	_ =	sdelay $0x4  }
0x5da: {  	v8 =	vor.u32 s1, v2;
	v6 =	vshll.u32 v6, $0x6  }
0x5db: {  	v8 =	vand.u32 $0x3F, v8;
	v6 =	vand.u32 $0x40, v6  }
0x5dc: {  	v7 =	vshll.u32 v7, $0x7;
	v6 =	vor.u32 v6, v8  }
0x5dd: {  	v6 =	vor.u32 v7, v6;
	_ =	sdelay $0x4  }
0x5de: {  	v6 =	vld.idx.msk [tilespmem:v6+s25+$0x0], $0xffff;
	_ =	sdelay $0x3  }
0x5df: {  	s0 =	sadd.s32 $0x10, s0  }
0x5e0: {  	s29 =	simm.s32 $0x0;
	s2 =	rddreg [dreg:$0xb];
	[tilespmem:s0+$0x0] =	vst v6;
	s0 =	simm.s32 $0x17780  }
0x5e1: {  	[hbm4b:s2+s29] =	stream.linear.scatter [tilespmem:s0], [sflag:$0x2], $0x3200, $0x38;
	[tilespmem:$0x1A980] =	vst v63  }
0x5e2: {  	v6 =	vmov s29;
	_ =	swait.ge [sflag:s4], $0x3200  }
0x5e3: {  	v6 =	vshrl.u32 v6, $0x6;
	[sflag:s4] =	ssyncset.done $0x0  }
0x5e4: {  	s30 =	simm.s32 $0x111C0;
	v7 =	vadd.s32 $0x640, v6;
	[sflag:s4] =	ssyncadd.s32 $0xFFFFCE00  }
0x5e5: {  	[tilespmem:s25], [sflag:$0x1] =	stream.indirect.gather [hbm4b:s3+s5], $0x80, s30, s5, $0xb8;
	[tilespmem:$0x1A980] =	vst v63  }
0x5e6: {  	_ =	swait.ge [sflag:s6], $0x6400  }
0x5e7: {  	[sflag:s6] =	ssyncset.done $0x0  }
0x5e8: {  	[sflag:s6] =	ssyncadd.s32 $0xFFFF9C00  }
0x5e9: {  	v7 =	vld.idx.msk [tilespmem:v7+s28+$0x0], $0xffff;
	_ =	sdelay $0x4  }
0x5ea: {  	v8 =	vor.u32 s29, v2;
	v7 =	vshll.u32 v7, $0x6  }
0x5eb: {  	v8 =	vand.u32 $0x3F, v8;
	v7 =	vand.u32 $0x40, v7  }
0x5ec: {  	v6 =	vshll.u32 v6, $0x7;
	v7 =	vor.u32 v7, v8  }
0x5ed: {  	v6 =	vor.u32 v6, v7;
	_ =	sdelay $0x2  }
0x5ee: {  	s31 =	simm.s32 $0x10  }
0x5ef: {  	v7 =	vmov s31  }
0x5f0: {  	v7 =	vshrl.u32 v7, $0x6;
	v6 =	vld.idx.msk [tilespmem:v6+s25+$0x0], $0xffff  }
0x5f1: {  	v8 =	vadd.s32 $0x640, v7;
	_ =	sdelay $0x3  }
0x5f2: {  	[tilespmem:s0+$0x0] =	vst v6  }
0x5f3: {  	v6 =	vld.idx.msk [tilespmem:v8+s28+$0x0], $0xffff;
	_ =	sdelay $0x4  }
0x5f4: {  	v8 =	vor.u32 s31, v2;
	v6 =	vshll.u32 v6, $0x6  }
0x5f5: {  	v8 =	vand.u32 $0x3F, v8;
	v6 =	vand.u32 $0x40, v6  }
0x5f6: {  	v7 =	vshll.u32 v7, $0x7;
	v6 =	vor.u32 v6, v8  }
0x5f7: {  	v6 =	vor.u32 v7, v6;
	_ =	sdelay $0x3  }
0x5f8: {  	s1 =	simm.s32 $0x20  }
0x5f9: {  	s2 =	simm.s32 $0x30;
	v7 =	vmov s1;
	v6 =	vld.idx.msk [tilespmem:v6+s25+$0x0], $0xffff  }
.LBB2_79:
0x5fa: {  	p0 =	sne.s32 s2, $0x31F0;
	v7 =	vshrl.u32 v7, $0x6  }
0x5fb: {  	v8 =	vadd.s32 $0x640, v7;
	_ =	sdelay $0x2  }
0x5fc: {  	s0 =	sadd.s32 $0x10, s0  }
0x5fd: {  	[tilespmem:s0+$0x0] =	vst v6  }
0x5fe: {  	v6 =	vld.idx.msk [tilespmem:v8+s28+$0x0], $0xffff;
	_ =	sdelay $0x5  }
0x5ff: {  	v8 =	vor.u32 s1, v2;
	s1 =	smov.u32 s2;
	v6 =	vshll.u32 v6, $0x6  }
0x600: {  	v8 =	vand.u32 $0x3F, v8;
	v6 =	vand.u32 $0x40, v6  }
0x601: {  	v7 =	vshll.u32 v7, $0x7;
	v6 =	vor.u32 v6, v8  }
0x602: {  	v6 =	vor.u32 v7, v6  }
.Ltmp39:
0x603: {  	(pc) =	sbr.rel @p0 .LBB2_79-.Ltmp39, $2  }
0x604: {  	_ =	sdelay $0x2  }
0x605: {  	s2 =	sadd.s32 $0x10, s2;
	v7 =	vmov s1;
	v6 =	vld.idx.msk [tilespmem:v6+s25+$0x0], $0xffff  }
0x606: {  	v7 =	vshrl.u32 v7, $0x6  }
0x607: {  	v8 =	vadd.s32 $0x640, v7;
	_ =	sdelay $0x2  }
0x608: {  	s0 =	sadd.s32 $0x10, s0  }
0x609: {  	[tilespmem:s0+$0x0] =	vst v6  }
0x60a: {  	v6 =	vld.idx.msk [tilespmem:v8+s28+$0x0], $0xffff;
	_ =	sdelay $0x4  }
0x60b: {  	v8 =	vor.u32 s1, v2;
	v6 =	vshll.u32 v6, $0x6  }
0x60c: {  	v8 =	vand.u32 $0x3F, v8;
	v6 =	vand.u32 $0x40, v6  }
0x60d: {  	v7 =	vshll.u32 v7, $0x7;
	v6 =	vor.u32 v6, v8  }
0x60e: {  	v6 =	vor.u32 v7, v6;
	_ =	sdelay $0x4  }
0x60f: {  	v6 =	vld.idx.msk [tilespmem:v6+s25+$0x0], $0xffff;
	_ =	sdelay $0x3  }
0x610: {  	s0 =	sadd.s32 $0x10, s0  }
0x611: {  	s29 =	simm.s32 $0x0;
	s2 =	rddreg [dreg:$0xc];
	[tilespmem:s0+$0x0] =	vst v6;
	s0 =	simm.s32 $0x17780  }
0x612: {  	[hbm4b:s2+s29] =	stream.linear.scatter [tilespmem:s0], [sflag:$0x2], $0x3200, $0x38;
	[tilespmem:$0x1A980] =	vst v63  }
0x613: {  	v6 =	vmov s29;
	_ =	swait.ge [sflag:s4], $0x3200  }
0x614: {  	v6 =	vshrl.u32 v6, $0x6;
	[sflag:s4] =	ssyncset.done $0x0  }
0x615: {  	s30 =	simm.s32 $0x11288;
	v7 =	vadd.s32 $0x708, v6;
	[sflag:s4] =	ssyncadd.s32 $0xFFFFCE00  }
0x616: {  	[tilespmem:s25], [sflag:$0x1] =	stream.indirect.gather [hbm4b:s3+s5], $0x80, s30, s5, $0xb8;
	[tilespmem:$0x1A980] =	vst v63  }
0x617: {  	_ =	swait.ge [sflag:s6], $0x6400  }
0x618: {  	[sflag:s6] =	ssyncset.done $0x0  }
0x619: {  	[sflag:s6] =	ssyncadd.s32 $0xFFFF9C00  }
0x61a: {  	v7 =	vld.idx.msk [tilespmem:v7+s28+$0x0], $0xffff;
	_ =	sdelay $0x4  }
0x61b: {  	v8 =	vor.u32 s29, v2;
	v7 =	vshll.u32 v7, $0x6  }
0x61c: {  	v8 =	vand.u32 $0x3F, v8;
	v7 =	vand.u32 $0x40, v7  }
0x61d: {  	v6 =	vshll.u32 v6, $0x7;
	v7 =	vor.u32 v7, v8  }
0x61e: {  	v6 =	vor.u32 v6, v7;
	_ =	sdelay $0x2  }
0x61f: {  	s31 =	simm.s32 $0x10  }
0x620: {  	v7 =	vmov s31  }
0x621: {  	v7 =	vshrl.u32 v7, $0x6;
	v6 =	vld.idx.msk [tilespmem:v6+s25+$0x0], $0xffff  }
0x622: {  	v8 =	vadd.s32 $0x708, v7;
	_ =	sdelay $0x3  }
0x623: {  	[tilespmem:s0+$0x0] =	vst v6  }
0x624: {  	v6 =	vld.idx.msk [tilespmem:v8+s28+$0x0], $0xffff;
	_ =	sdelay $0x4  }
0x625: {  	v8 =	vor.u32 s31, v2;
	v6 =	vshll.u32 v6, $0x6  }
0x626: {  	v8 =	vand.u32 $0x3F, v8;
	v6 =	vand.u32 $0x40, v6  }
0x627: {  	v7 =	vshll.u32 v7, $0x7;
	v6 =	vor.u32 v6, v8  }
0x628: {  	v6 =	vor.u32 v7, v6;
	_ =	sdelay $0x3  }
0x629: {  	s1 =	simm.s32 $0x20  }
0x62a: {  	s2 =	simm.s32 $0x30;
	v7 =	vmov s1;
	v6 =	vld.idx.msk [tilespmem:v6+s25+$0x0], $0xffff  }
.LBB2_81:
0x62b: {  	p0 =	sne.s32 s2, $0x31F0;
	v7 =	vshrl.u32 v7, $0x6  }
0x62c: {  	v8 =	vadd.s32 $0x708, v7;
	_ =	sdelay $0x2  }
0x62d: {  	s0 =	sadd.s32 $0x10, s0  }
0x62e: {  	[tilespmem:s0+$0x0] =	vst v6  }
0x62f: {  	v6 =	vld.idx.msk [tilespmem:v8+s28+$0x0], $0xffff;
	_ =	sdelay $0x5  }
0x630: {  	v8 =	vor.u32 s1, v2;
	s1 =	smov.u32 s2;
	v6 =	vshll.u32 v6, $0x6  }
0x631: {  	v8 =	vand.u32 $0x3F, v8;
	v6 =	vand.u32 $0x40, v6  }
0x632: {  	v7 =	vshll.u32 v7, $0x7;
	v6 =	vor.u32 v6, v8  }
0x633: {  	v6 =	vor.u32 v7, v6  }
.Ltmp40:
0x634: {  	(pc) =	sbr.rel @p0 .LBB2_81-.Ltmp40, $2  }
0x635: {  	_ =	sdelay $0x2  }
0x636: {  	s2 =	sadd.s32 $0x10, s2;
	v7 =	vmov s1;
	v6 =	vld.idx.msk [tilespmem:v6+s25+$0x0], $0xffff  }
0x637: {  	v7 =	vshrl.u32 v7, $0x6  }
0x638: {  	v8 =	vadd.s32 $0x708, v7;
	_ =	sdelay $0x2  }
0x639: {  	s0 =	sadd.s32 $0x10, s0  }
0x63a: {  	[tilespmem:s0+$0x0] =	vst v6  }
0x63b: {  	v6 =	vld.idx.msk [tilespmem:v8+s28+$0x0], $0xffff;
	_ =	sdelay $0x4  }
0x63c: {  	v63 =	vor.u32 s1, v2;
	v6 =	vshll.u32 v6, $0x6  }
0x63d: {  	v8 =	vand.u32 $0x3F, v63;
	v6 =	vand.u32 $0x40, v6  }
0x63e: {  	v7 =	vshll.u32 v7, $0x7;
	v6 =	vor.u32 v6, v8  }
0x63f: {  	v6 =	vor.u32 v7, v6;
	_ =	sdelay $0x4  }
0x640: {  	v6 =	vld.idx.msk [tilespmem:v6+s25+$0x0], $0xffff;
	_ =	sdelay $0x3  }
0x641: {  	s0 =	sadd.s32 $0x10, s0  }
0x642: {  	s26 =	simm.s32 $0x0;
	s29 =	rddreg [dreg:$0xd];
	s2 =	simm.s32 $0x17780;
	[tilespmem:s0+$0x0] =	vst v6  }
0x643: {  	[hbm4b:s29+s26] =	stream.linear.scatter [tilespmem:s2], [sflag:$0x2], $0x3200, $0x38;
	[tilespmem:$0x1A980] =	vst v63  }
0x644: {  	_ =	swait.ge [sflag:s4], $0x3200  }
0x645: {  	s30 =	rddreg [dreg:$0x10]  }
0x646: {  	s31 =	rddreg [dreg:$0xf];
	s1 =	sadd.s32 $0x1, s30  }
0x647: {  	p0 =	sne.s32 s1, s31  }
.Ltmp41:
0x648: {  	_ = 	snop;
	(pc) =	sbr.rel @p0 .LBB2_2-.Ltmp41, $3  }
0x649: {  	_ =	sdelay $0x1  }
0x64a: {  	[sflag:s4] =	ssyncset.done $0x0  }
0x64b: {  	[sflag:s4] =	ssyncadd.s32 $0xFFFFCE00  }
.LBB2_83:
0x64c: {  	_ =	sfence.sel $0x180000  }
0x64d: {  	[bflag:$0x0] =	sbarrier.arrive $0xFFFF  }
0x64e: {  	_ =	strace $0x90000047  }
0x64f: {  	s0 =	stileid.u32;
	[bflag:$0x2] =	sbarrier.arrive $0xFFFF  }
0x650: {  	p0 =	sne.s32 s0, $0x0;
	s0 =	rddreg [dreg:$0x3]  }
0x651: {  	s0 =	sadd.s32 @!p0 $0x100000, s0  }
0x652: {  	[sflag:s0] =	ssyncadd.tile.s32 @!p0 $0x1;
	_ =	shalt  }
.Lfunc_end2:
_tile_overlayer_lowered:
.L_overlay_start_2:
0x653: {  	(tag) =	ssettag $0x2  }
0x654: {  	s0 =	rddreg [dreg:$0x0];
	s2 =	stileid.u32  }
0x655: {  	s1 =	rddreg [dreg:$0x1];
	p0 =	sne.s32 s2, $0x0  }
0x656: {  	s3 =	rddreg [dreg:$0x2];
	[bflag:$0x3] =	sbarrier.arrive $0xFFFF;
	s2 =	simm.s32 @!p0 $0x1C02  }
0x657: {  	[timem:s3], [sflag:s2] =	dma.local @!p0 [hbm:s0], s1  }
0x658: {  	s0 =	simm.s32 @!p0 $0x2  }
0x659: {  	_ =	swait.ge @!p0 [sflag:s0], s1  }
0x65a: {  	s1 =	ssub.s32 @!p0 $0x0, s1;
	[sflag:s0] =	ssyncset.done @!p0 $0x0  }
0x65b: {  	[sflag:s0] =	ssyncadd.s32 @!p0 s1  }
0x65c: {  	[bflag:$0x3] =	sbarrier.arrive $0xFFFF  }
0x65d: {  	_ =	shalt  }

</sc_bundles>
